<compile_context>
chip_gen: v7x
topology: tpu7x:2x2x1
jax: 0.10.2.dev20260603
libtpu: 0.0.44.dev20260713+nightly
codegen_flags: <defaults>
</compile_context>

<pallas_src>
import jax
import jax.numpy as jnp
from jax import lax
from jax.experimental import pallas as pl
from jax.experimental.pallas import tpu as pltpu
from jax.experimental.pallas import tpu_sc as plsc

U = 512
B = 128
D = 8
C = 2
K = 8192
W = D * U
OUT = B * U
ST = (D - 1) * U
NK = (OUT + ST) // U
L = 16
NG = U // L

_NWPC = 15
_NW = C * _NWPC
_CPW = NK // _NWPC
_HALO = 16
_ZR = _HALO


def _sc_body(upd_hbm, st_hbm, out0_hbm, out1_hbm, buf, sbuf, obuf, sem):
    wid = lax.axis_index("s") * 2 + lax.axis_index("c")

    @pl.when(wid < _NW)
    def _():
        c = wid // _NWPC
        k0 = (wid % _NWPC) * _CPW
        bs = jnp.clip(k0 - (D - 1), 0, B - _HALO)

        fetch = pltpu.make_async_copy(
            upd_hbm.at[pl.ds(bs, _HALO), c, pl.ds(W, W)],
            buf.at[pl.ds(0, _HALO)],
            sem,
        )
        fetch.start()

        @pl.when(k0 == 0)
        def _():
            pltpu.make_async_copy(st_hbm.at[c], sbuf, sem).start()

        z = jnp.zeros((L,), jnp.float32)
        for i in range(W // L):
            buf[_ZR, pl.ds(i * L, L)] = z

        fetch.wait()

        @pl.when(k0 == 0)
        def _():
            pltpu.make_async_copy(st_hbm.at[0], sbuf, sem).wait()

        def chunk_body(j, carry):
            k = k0 + j
            rows = []
            for d in range(D):
                ok = (k - d >= 0) & (k - d <= B - 1)
                rows.append(jnp.where(ok, k - d - bs, _ZR))
            for i in range(NG):
                col = i * L
                s01 = (buf[rows[0], pl.ds(0 * U + col, L)]
                       + buf[rows[1], pl.ds(1 * U + col, L)])
                s23 = (buf[rows[2], pl.ds(2 * U + col, L)]
                       + buf[rows[3], pl.ds(3 * U + col, L)])
                s45 = (buf[rows[4], pl.ds(4 * U + col, L)]
                       + buf[rows[5], pl.ds(5 * U + col, L)])
                s67 = (buf[rows[6], pl.ds(6 * U + col, L)]
                       + buf[rows[7], pl.ds(7 * U + col, L)])
                s = (s01 + s23) + (s45 + s67)
                obuf[pl.ds(j * U + col, L)] = s * jnp.float32(1.0 / D)

            @pl.when(k < D - 1)
            def _():
                for i in range(NG):
                    g = pl.ds(j * U + i * L, L)
                    obuf[g] = obuf[g] + sbuf[pl.ds(k * U + i * L, L)]

            return carry

        lax.fori_loop(0, _CPW, chunk_body, 0)

        @pl.when(k0 + _CPW <= B)
        def _():
            pltpu.sync_copy(obuf, out0_hbm.at[c, pl.ds(k0 * U, _CPW * U)])

        @pl.when(k0 + _CPW > B)
        def _():
            head = (B - (_NWPC - 1) * _CPW) * U
            pltpu.sync_copy(obuf.at[pl.ds(0, head)],
                            out0_hbm.at[c, pl.ds((B * U - head), head)])
            pltpu.sync_copy(obuf.at[pl.ds(head, ST)], out1_hbm.at[c])


@jax.jit
def kernel(update, state):
    mesh = plsc.VectorSubcoreMesh(core_axis_name="c", subcore_axis_name="s")
    return pl.kernel(
        _sc_body,
        out_type=(
            jax.ShapeDtypeStruct((C, OUT), jnp.float32),
            jax.ShapeDtypeStruct((C, ST), jnp.float32),
        ),
        mesh=mesh,
        scratch_types=[
            pltpu.VMEM((_HALO + 1, W), jnp.float32),
            pltpu.VMEM((ST,), jnp.float32),
            pltpu.VMEM((_CPW * U,), jnp.float32),
            pltpu.SemaphoreType.DMA,
        ],
    )(update, state)

# --- scband reference (transcript-rebuilt; emitter-appended) ---
"""Pipeline reference for scband-online-averager-25099788878100 (READ-ONLY COPY).

The authoritative reference and input builder live on the scoring server;
editing this copy changes nothing except your own understanding.
"""

import jax, jax.numpy as jnp
import numpy as np

UPDATE_SIZE = 512
BATCH_SIZE = 128
NUM_UPDATES = 8
NUM_CHANNELS = 2
KERNEL_SIZE = 8192
BATCH_UPDATE_SIZE = BATCH_SIZE * UPDATE_SIZE
STATE_SIZE = (NUM_UPDATES - 1) * UPDATE_SIZE
BLANK_SIZE = BATCH_UPDATE_SIZE + STATE_SIZE
WEIGHT_SIZE = NUM_UPDATES * UPDATE_SIZE


def unfold_windows(x, window_size, stride):
    # Matches ml4gw.utils.slicing.unfold_windows: windows stacked on leading dim
    num = (x.shape[-1] - window_size) // stride + 1
    widx = stride * jnp.arange(num)[:, None] + jnp.arange(window_size)[None, :]
    return jnp.moveaxis(x[..., widx], -2, 0)


def _build_buffers():
    idx = jnp.arange(WEIGHT_SIZE)
    idx = jnp.stack([idx + i * UPDATE_SIZE for i in range(BATCH_SIZE)])
    idx = jnp.tile(idx[:, None, :], (1, NUM_CHANNELS, 1))  # (B, C, WEIGHT_SIZE)
    b = jnp.arange(BATCH_SIZE)[:, None, None]
    c = jnp.arange(NUM_CHANNELS)[None, :, None]
    blank = jnp.zeros((BATCH_SIZE, NUM_CHANNELS, BLANK_SIZE), dtype=jnp.float32)
    ones = blank.at[b, c, idx].set(1.0)
    weights = ones.sum(axis=0)  # (C, BLANK_SIZE) overlap counts
    weights = unfold_windows(weights, WEIGHT_SIZE, UPDATE_SIZE)  # (B, C, WEIGHT_SIZE)
    return idx, weights


def setup_inputs(seed: int = 0):
    key = jax.random.key(seed)
    k1, k2 = jax.random.split(key)
    update = jax.random.normal(k1, (BATCH_SIZE, NUM_CHANNELS, KERNEL_SIZE), dtype=jnp.float32)
    state = jax.random.normal(k2, (NUM_CHANNELS, STATE_SIZE), dtype=jnp.float32)
    return {"update": update, "state": state}


def reference(update, state):
    idx, weights = _build_buffers()
    start = -NUM_UPDATES * UPDATE_SIZE  # offset is None
    x = update[:, :, start:] / NUM_UPDATES  # (B, C, WEIGHT_SIZE)
    state_p = jnp.pad(state, ((0, 0), (0, BATCH_UPDATE_SIZE)))  # (C, BLANK_SIZE)
    windowed = unfold_windows(state_p, x.shape[-1], UPDATE_SIZE)  # (B, C, WEIGHT_SIZE)
    windowed = windowed / weights
    windowed = windowed + x
    b = jnp.arange(BATCH_SIZE)[:, None, None]
    c = jnp.arange(NUM_CHANNELS)[None, :, None]
    padded = jnp.zeros((BATCH_SIZE, NUM_CHANNELS, BLANK_SIZE), dtype=update.dtype)
    padded = padded.at[b, c, idx].set(windowed)  # scatter-overwrite along time
    new_state_full = padded.sum(axis=0)  # (C, BLANK_SIZE)
    output = new_state_full[:, :BATCH_UPDATE_SIZE]
    new_state = new_state_full[:, BATCH_UPDATE_SIZE:BATCH_UPDATE_SIZE + STATE_SIZE]
    return (output, new_state)

if __name__ == "__main__":
    import jax
    _d = setup_inputs()
    print(jax.jit(kernel)(*tuple(_d.values())))

</pallas_src>

<mosaic_0001>
#map = affine_map<(d0, d1) -> (0, 0, 0)>
#map1 = affine_map<(d0, d1) -> (0, 0)>
module attributes {stable_mosaic.version = 14 : i64} {
  func.func @_sc_body(%arg0: i32, %arg1: i32, %arg2: memref<128x2x8192xf32, #tpu.memory_space<hbm>>, %arg3: memref<2x3584xf32, #tpu.memory_space<hbm>>, %arg4: memref<2x65536xf32, #tpu.memory_space<hbm>>, %arg5: memref<2x3584xf32, #tpu.memory_space<hbm>>, %arg6: memref<17x4096xf32, #tpu.memory_space<vmem>>, %arg7: memref<3584xf32, #tpu.memory_space<vmem>>, %arg8: memref<4608xf32, #tpu.memory_space<vmem>>, %arg9: memref<!tpu.dma_semaphore, #tpu.memory_space<semaphore_mem>>) attributes {dimension_semantics = [#tpu.dimension_semantics<core_parallel>, #tpu.dimension_semantics<subcore_parallel>], iteration_bounds = array<i64: 2, 16>, scalar_prefetch = 0 : i64, scratch_operands = 4 : i64, tpu.core_type = #tpu.core_type<sc_vector_subcore>, window_params = [{transform_indices = #map}, {transform_indices = #map1}, {transform_indices = #map1}, {transform_indices = #map1}]} {
    %mul3A = arith.constant 2 : i32
    %mul3A_0 = arith.muli %arg1, %mul3A : i32
    %add3A = arith.addi %mul3A_0, %arg0 : i32
    %lt3A = arith.constant 30 : i32
    %lt3A_1 = arith.cmpi slt, %add3A, %lt3A : i32
    %convert_element_type3A = arith.extui %lt3A_1 : i1 to i32
    %cond3A = arith.constant 0 : i32
    %cond3A_2 = arith.cmpi ne, %convert_element_type3A, %cond3A : i32
    scf.if %cond3A_2 {
      %jit3A = arith.constant 15 : i32
      %div3A = arith.divsi %add3A, %jit3A : i32
      %sign3A = arith.constant 0 : i32
      %sign3A_3 = arith.cmpi sgt, %add3A, %sign3A : i32
      %sign3A_4 = arith.extui %sign3A_3 : i1 to i32
      %sign3A_5 = arith.constant 0 : i32
      %sign3A_6 = arith.cmpi slt, %add3A, %sign3A_5 : i32
      %sign3A_7 = arith.extui %sign3A_6 : i1 to i32
      %sign3A_8 = arith.subi %sign3A_4, %sign3A_7 : i32
      %sign3A_9 = arith.constant 0 : i32
      %sign3A_10 = arith.cmpi sgt, %jit3A, %sign3A_9 : i32
      %sign3A_11 = arith.extui %sign3A_10 : i1 to i32
      %sign3A_12 = arith.constant 0 : i32
      %sign3A_13 = arith.cmpi slt, %jit3A, %sign3A_12 : i32
      %sign3A_14 = arith.extui %sign3A_13 : i1 to i32
      %sign3A_15 = arith.subi %sign3A_11, %sign3A_14 : i32
      %ne3A = arith.cmpi ne, %sign3A_8, %sign3A_15 : i32
      %rem3A = arith.remsi %add3A, %jit3A : i32
      %ne3A_16 = arith.constant 0 : i32
      %ne3A_17 = arith.cmpi ne, %rem3A, %ne3A_16 : i32
      %and3A = arith.andi %ne3A, %ne3A_17 : i1
      %sub3A = arith.constant 1 : i32
      %sub3A_18 = arith.subi %div3A, %sub3A : i32
      %select_n3A = arith.select %and3A, %sub3A_18, %div3A : i32
      %jit3A_19 = arith.constant 15 : i32
      %eq3A = arith.constant 0 : i32
      %eq3A_20 = arith.cmpi eq, %jit3A_19, %eq3A : i32
      %jit3A_21 = arith.constant 1 : i32
      %select_n3A_22 = arith.select %eq3A_20, %jit3A_21, %jit3A_19 : i32
      %rem3A_23 = arith.remsi %add3A, %select_n3A_22 : i32
      %ne3A_24 = arith.constant 0 : i32
      %ne3A_25 = arith.cmpi ne, %rem3A_23, %ne3A_24 : i32
      %lt3A_26 = arith.constant 0 : i32
      %lt3A_27 = arith.cmpi slt, %rem3A_23, %lt3A_26 : i32
      %lt3A_28 = arith.constant 0 : i32
      %lt3A_29 = arith.cmpi slt, %select_n3A_22, %lt3A_28 : i32
      %ne3A_30 = arith.xori %lt3A_27, %lt3A_29 : i1
      %and3A_31 = arith.andi %ne3A_30, %ne3A_25 : i1
      %add3A_32 = arith.addi %rem3A_23, %select_n3A_22 : i32
      %select_n3A_33 = arith.select %and3A_31, %add3A_32, %rem3A_23 : i32
      %mul3A_34 = arith.constant 9 : i32
      %mul3A_35 = arith.muli %select_n3A_33, %mul3A_34 : i32
      %sub3A_36 = arith.constant 7 : i32
      %sub3A_37 = arith.subi %mul3A_35, %sub3A_36 : i32
      %jit3A_38 = arith.constant 0 : i32
      %jit3A_39 = arith.constant 112 : i32
      %max3A = arith.maxsi %jit3A_38, %sub3A_37 : i32
      %min3A = arith.minsi %jit3A_39, %max3A : i32
      %dma_start3A = arith.constant 0 : i32
      %dma_start3A_40 = arith.constant 0 : i32
      %dma_start3A_41 = tpu.memref_slice %arg6[%dma_start3A, %dma_start3A_40] : memref<17x4096xf32, #tpu.memory_space<vmem>> -> memref<16x4096xf32, #tpu.memory_space<vmem>>
      %dma_start3A_42 = arith.constant 4096 : i32
      %dma_start3A_43 = tpu.memref_slice %arg2[%min3A, %select_n3A, %dma_start3A_42] : memref<128x2x8192xf32, #tpu.memory_space<hbm>> -> memref<16x1x4096xf32, #tpu.memory_space<hbm>>
      %dma_start3A_44 = tpu.memref_squeeze %dma_start3A_43 : memref<16x1x4096xf32, #tpu.memory_space<hbm>> -> memref<16x4096xf32, #tpu.memory_space<hbm>>
      %dma_start3A_45 = arith.constant 0 : i32
      %dma_start3A_46 = arith.constant 0 : i32
      %dma_start3A_47 = tpu.memref_slice %arg6[%dma_start3A_45, %dma_start3A_46] : memref<17x4096xf32, #tpu.memory_space<vmem>> -> memref<16x4096xf32, #tpu.memory_space<vmem>>
      %dma_start3A_48 = arith.constant 4096 : i32
      %dma_start3A_49 = tpu.memref_slice %arg2[%min3A, %select_n3A, %dma_start3A_48] : memref<128x2x8192xf32, #tpu.memory_space<hbm>> -> memref<16x1x4096xf32, #tpu.memory_space<hbm>>
      %dma_start3A_50 = tpu.memref_squeeze %dma_start3A_49 : memref<16x1x4096xf32, #tpu.memory_space<hbm>> -> memref<16x4096xf32, #tpu.memory_space<hbm>>
      tpu.enqueue_dma source(%dma_start3A_50 : memref<16x4096xf32, #tpu.memory_space<hbm>>) target(%dma_start3A_47 : memref<16x4096xf32, #tpu.memory_space<vmem>>) target_semaphore(%arg9 : memref<!tpu.dma_semaphore, #tpu.memory_space<semaphore_mem>>)
      %eq3A_51 = arith.constant 0 : i32
      %eq3A_52 = arith.cmpi eq, %mul3A_35, %eq3A_51 : i32
      %convert_element_type3A_53 = arith.extui %eq3A_52 : i1 to i32
      %cond3A_54 = arith.constant 0 : i32
      %cond3A_55 = arith.cmpi ne, %convert_element_type3A_53, %cond3A_54 : i32
      scf.if %cond3A_55 {
        %dma_start3A_1625 = arith.constant 0 : i32
        %dma_start3A_1626 = tpu.memref_slice %arg3[%select_n3A, %dma_start3A_1625] : memref<2x3584xf32, #tpu.memory_space<hbm>> -> memref<1x3584xf32, #tpu.memory_space<hbm>>
        %dma_start3A_1627 = tpu.memref_squeeze %dma_start3A_1626 : memref<1x3584xf32, #tpu.memory_space<hbm>> -> memref<3584xf32, #tpu.memory_space<hbm>>
        %dma_start3A_1628 = arith.constant 0 : i32
        %dma_start3A_1629 = tpu.memref_slice %arg3[%select_n3A, %dma_start3A_1628] : memref<2x3584xf32, #tpu.memory_space<hbm>> -> memref<1x3584xf32, #tpu.memory_space<hbm>>
        %dma_start3A_1630 = tpu.memref_squeeze %dma_start3A_1629 : memref<1x3584xf32, #tpu.memory_space<hbm>> -> memref<3584xf32, #tpu.memory_space<hbm>>
        tpu.enqueue_dma source(%dma_start3A_1630 : memref<3584xf32, #tpu.memory_space<hbm>>) target(%arg7 : memref<3584xf32, #tpu.memory_space<vmem>>) target_semaphore(%arg9 : memref<!tpu.dma_semaphore, #tpu.memory_space<semaphore_mem>>)
      } else {
      }
      %broadcast_in_dim3A = arith.constant 0.000000e+00 : f32
      %broadcast_in_dim3A_56 = vector.broadcast %broadcast_in_dim3A : f32 to vector<16xf32>
      %swap3A = arith.constant 16 : i32
      %swap3A_57 = arith.index_cast %swap3A : i32 to index
      %swap3A_58 = arith.constant 0 : index
      %swap3A_59 = tpu.vector_load %arg6[%swap3A_57, %swap3A_58] {strides = array<i32>} : memref<17x4096xf32, #tpu.memory_space<vmem>>, vector<1x16xf32>,
      %swap3A_60 = vector.shape_cast %swap3A_59 : vector<1x16xf32> to vector<16xf32>
      %swap3A_61 = vector.shape_cast %broadcast_in_dim3A_56 : vector<16xf32> to vector<1x16xf32>
      tpu.vector_store %arg6[%swap3A_57, %swap3A_58], %swap3A_61 {strides = array<i32>} : memref<17x4096xf32, #tpu.memory_space<vmem>>, vector<1x16xf32>,
      %swap3A_62 = arith.constant 16 : i32
      %swap3A_63 = arith.index_cast %swap3A_62 : i32 to index
      %swap3A_64 = arith.constant 16 : index
      %swap3A_65 = tpu.vector_load %arg6[%swap3A_63, %swap3A_64] {strides = array<i32>} : memref<17x4096xf32, #tpu.memory_space<vmem>>, vector<1x16xf32>,
      %swap3A_66 = vector.shape_cast %swap3A_65 : vector<1x16xf32> to vector<16xf32>
      %swap3A_67 = vector.shape_cast %broadcast_in_dim3A_56 : vector<16xf32> to vector<1x16xf32>
      tpu.vector_store %arg6[%swap3A_63, %swap3A_64], %swap3A_67 {strides = array<i32>} : memref<17x4096xf32, #tpu.memory_space<vmem>>, vector<1x16xf32>,
      %swap3A_68 = arith.constant 16 : i32
      %swap3A_69 = arith.index_cast %swap3A_68 : i32 to index
      %swap3A_70 = arith.constant 32 : index
      %swap3A_71 = tpu.vector_load %arg6[%swap3A_69, %swap3A_70] {strides = array<i32>} : memref<17x4096xf32, #tpu.memory_space<vmem>>, vector<1x16xf32>,
      %swap3A_72 = vector.shape_cast %swap3A_71 : vector<1x16xf32> to vector<16xf32>
      %swap3A_73 = vector.shape_cast %broadcast_in_dim3A_56 : vector<16xf32> to vector<1x16xf32>
      tpu.vector_store %arg6[%swap3A_69, %swap3A_70], %swap3A_73 {strides = array<i32>} : memref<17x4096xf32, #tpu.memory_space<vmem>>, vector<1x16xf32>,
      %swap3A_74 = arith.constant 16 : i32
      %swap3A_75 = arith.index_cast %swap3A_74 : i32 to index
      %swap3A_76 = arith.constant 48 : index
      %swap3A_77 = tpu.vector_load %arg6[%swap3A_75, %swap3A_76] {strides = array<i32>} : memref<17x4096xf32, #tpu.memory_space<vmem>>, vector<1x16xf32>,
      %swap3A_78 = vector.shape_cast %swap3A_77 : vector<1x16xf32> to vector<16xf32>
      %swap3A_79 = vector.shape_cast %broadcast_in_dim3A_56 : vector<16xf32> to vector<1x16xf32>
      tpu.vector_store %arg6[%swap3A_75, %swap3A_76], %swap3A_79 {strides = array<i32>} : memref<17x4096xf32, #tpu.memory_space<vmem>>, vector<1x16xf32>,
      %swap3A_80 = arith.constant 16 : i32
      %swap3A_81 = arith.index_cast %swap3A_80 : i32 to index
      %swap3A_82 = arith.constant 64 : index
      %swap3A_83 = tpu.vector_load %arg6[%swap3A_81, %swap3A_82] {strides = array<i32>} : memref<17x4096xf32, #tpu.memory_space<vmem>>, vector<1x16xf32>,
      %swap3A_84 = vector.shape_cast %swap3A_83 : vector<1x16xf32> to vector<16xf32>
      %swap3A_85 = vector.shape_cast %broadcast_in_dim3A_56 : vector<16xf32> to vector<1x16xf32>
      tpu.vector_store %arg6[%swap3A_81, %swap3A_82], %swap3A_85 {strides = array<i32>} : memref<17x4096xf32, #tpu.memory_space<vmem>>, vector<1x16xf32>,
      %swap3A_86 = arith.constant 16 : i32
      %swap3A_87 = arith.index_cast %swap3A_86 : i32 to index
      %swap3A_88 = arith.constant 80 : index
      %swap3A_89 = tpu.vector_load %arg6[%swap3A_87, %swap3A_88] {strides = array<i32>} : memref<17x4096xf32, #tpu.memory_space<vmem>>, vector<1x16xf32>,
      %swap3A_90 = vector.shape_cast %swap3A_89 : vector<1x16xf32> to vector<16xf32>
      %swap3A_91 = vector.shape_cast %broadcast_in_dim3A_56 : vector<16xf32> to vector<1x16xf32>
      tpu.vector_store %arg6[%swap3A_87, %swap3A_88], %swap3A_91 {strides = array<i32>} : memref<17x4096xf32, #tpu.memory_space<vmem>>, vector<1x16xf32>,
      %swap3A_92 = arith.constant 16 : i32
      %swap3A_93 = arith.index_cast %swap3A_92 : i32 to index
      %swap3A_94 = arith.constant 96 : index
      %swap3A_95 = tpu.vector_load %arg6[%swap3A_93, %swap3A_94] {strides = array<i32>} : memref<17x4096xf32, #tpu.memory_space<vmem>>, vector<1x16xf32>,
      %swap3A_96 = vector.shape_cast %swap3A_95 : vector<1x16xf32> to vector<16xf32>
      %swap3A_97 = vector.shape_cast %broadcast_in_dim3A_56 : vector<16xf32> to vector<1x16xf32>
      tpu.vector_store %arg6[%swap3A_93, %swap3A_94], %swap3A_97 {strides = array<i32>} : memref<17x4096xf32, #tpu.memory_space<vmem>>, vector<1x16xf32>,
      %swap3A_98 = arith.constant 16 : i32
      %swap3A_99 = arith.index_cast %swap3A_98 : i32 to index
      %swap3A_100 = arith.constant 112 : index
      %swap3A_101 = tpu.vector_load %arg6[%swap3A_99, %swap3A_100] {strides = array<i32>} : memref<17x4096xf32, #tpu.memory_space<vmem>>, vector<1x16xf32>,
      %swap3A_102 = vector.shape_cast %swap3A_101 : vector<1x16xf32> to vector<16xf32>
      %swap3A_103 = vector.shape_cast %broadcast_in_dim3A_56 : vector<16xf32> to vector<1x16xf32>
      tpu.vector_store %arg6[%swap3A_99, %swap3A_100], %swap3A_103 {strides = array<i32>} : memref<17x4096xf32, #tpu.memory_space<vmem>>, vector<1x16xf32>,
      %swap3A_104 = arith.constant 16 : i32
      %swap3A_105 = arith.index_cast %swap3A_104 : i32 to index
      %swap3A_106 = arith.constant 128 : index
      %swap3A_107 = tpu.vector_load %arg6[%swap3A_105, %swap3A_106] {strides = array<i32>} : memref<17x4096xf32, #tpu.memory_space<vmem>>, vector<1x16xf32>,
      %swap3A_108 = vector.shape_cast %swap3A_107 : vector<1x16xf32> to vector<16xf32>
      %swap3A_109 = vector.shape_cast %broadcast_in_dim3A_56 : vector<16xf32> to vector<1x16xf32>
      tpu.vector_store %arg6[%swap3A_105, %swap3A_106], %swap3A_109 {strides = array<i32>} : memref<17x4096xf32, #tpu.memory_space<vmem>>, vector<1x16xf32>,
      %swap3A_110 = arith.constant 16 : i32
      %swap3A_111 = arith.index_cast %swap3A_110 : i32 to index
      %swap3A_112 = arith.constant 144 : index
      %swap3A_113 = tpu.vector_load %arg6[%swap3A_111, %swap3A_112] {strides = array<i32>} : memref<17x4096xf32, #tpu.memory_space<vmem>>, vector<1x16xf32>,
      %swap3A_114 = vector.shape_cast %swap3A_113 : vector<1x16xf32> to vector<16xf32>
      %swap3A_115 = vector.shape_cast %broadcast_in_dim3A_56 : vector<16xf32> to vector<1x16xf32>
      tpu.vector_store %arg6[%swap3A_111, %swap3A_112], %swap3A_115 {strides = array<i32>} : memref<17x4096xf32, #tpu.memory_space<vmem>>, vector<1x16xf32>,
      %swap3A_116 = arith.constant 16 : i32
      %swap3A_117 = arith.index_cast %swap3A_116 : i32 to index
      %swap3A_118 = arith.constant 160 : index
      %swap3A_119 = tpu.vector_load %arg6[%swap3A_117, %swap3A_118] {strides = array<i32>} : memref<17x4096xf32, #tpu.memory_space<vmem>>, vector<1x16xf32>,
      %swap3A_120 = vector.shape_cast %swap3A_119 : vector<1x16xf32> to vector<16xf32>
      %swap3A_121 = vector.shape_cast %broadcast_in_dim3A_56 : vector<16xf32> to vector<1x16xf32>
      tpu.vector_store %arg6[%swap3A_117, %swap3A_118], %swap3A_121 {strides = array<i32>} : memref<17x4096xf32, #tpu.memory_space<vmem>>, vector<1x16xf32>,
      %swap3A_122 = arith.constant 16 : i32
      %swap3A_123 = arith.index_cast %swap3A_122 : i32 to index
      %swap3A_124 = arith.constant 176 : index
      %swap3A_125 = tpu.vector_load %arg6[%swap3A_123, %swap3A_124] {strides = array<i32>} : memref<17x4096xf32, #tpu.memory_space<vmem>>, vector<1x16xf32>,
      %swap3A_126 = vector.shape_cast %swap3A_125 : vector<1x16xf32> to vector<16xf32>
      %swap3A_127 = vector.shape_cast %broadcast_in_dim3A_56 : vector<16xf32> to vector<1x16xf32>
      tpu.vector_store %arg6[%swap3A_123, %swap3A_124], %swap3A_127 {strides = array<i32>} : memref<17x4096xf32, #tpu.memory_space<vmem>>, vector<1x16xf32>,
      %swap3A_128 = arith.constant 16 : i32
      %swap3A_129 = arith.index_cast %swap3A_128 : i32 to index
      %swap3A_130 = arith.constant 192 : index
      %swap3A_131 = tpu.vector_load %arg6[%swap3A_129, %swap3A_130] {strides = array<i32>} : memref<17x4096xf32, #tpu.memory_space<vmem>>, vector<1x16xf32>,
      %swap3A_132 = vector.shape_cast %swap3A_131 : vector<1x16xf32> to vector<16xf32>
      %swap3A_133 = vector.shape_cast %broadcast_in_dim3A_56 : vector<16xf32> to vector<1x16xf32>
      tpu.vector_store %arg6[%swap3A_129, %swap3A_130], %swap3A_133 {strides = array<i32>} : memref<17x4096xf32, #tpu.memory_space<vmem>>, vector<1x16xf32>,
      %swap3A_134 = arith.constant 16 : i32
      %swap3A_135 = arith.index_cast %swap3A_134 : i32 to index
      %swap3A_136 = arith.constant 208 : index
      %swap3A_137 = tpu.vector_load %arg6[%swap3A_135, %swap3A_136] {strides = array<i32>} : memref<17x4096xf32, #tpu.memory_space<vmem>>, vector<1x16xf32>,
      %swap3A_138 = vector.shape_cast %swap3A_137 : vector<1x16xf32> to vector<16xf32>
      %swap3A_139 = vector.shape_cast %broadcast_in_dim3A_56 : vector<16xf32> to vector<1x16xf32>
      tpu.vector_store %arg6[%swap3A_135, %swap3A_136], %swap3A_139 {strides = array<i32>} : memref<17x4096xf32, #tpu.memory_space<vmem>>, vector<1x16xf32>,
      %swap3A_140 = arith.constant 16 : i32
      %swap3A_141 = arith.index_cast %swap3A_140 : i32 to index
      %swap3A_142 = arith.constant 224 : index
      %swap3A_143 = tpu.vector_load %arg6[%swap3A_141, %swap3A_142] {strides = array<i32>} : memref<17x4096xf32, #tpu.memory_space<vmem>>, vector<1x16xf32>,
      %swap3A_144 = vector.shape_cast %swap3A_143 : vector<1x16xf32> to vector<16xf32>
      %swap3A_145 = vector.shape_cast %broadcast_in_dim3A_56 : vector<16xf32> to vector<1x16xf32>
      tpu.vector_store %arg6[%swap3A_141, %swap3A_142], %swap3A_145 {strides = array<i32>} : memref<17x4096xf32, #tpu.memory_space<vmem>>, vector<1x16xf32>,
      %swap3A_146 = arith.constant 16 : i32
      %swap3A_147 = arith.index_cast %swap3A_146 : i32 to index
      %swap3A_148 = arith.constant 240 : index
      %swap3A_149 = tpu.vector_load %arg6[%swap3A_147, %swap3A_148] {strides = array<i32>} : memref<17x4096xf32, #tpu.memory_space<vmem>>, vector<1x16xf32>,
      %swap3A_150 = vector.shape_cast %swap3A_149 : vector<1x16xf32> to vector<16xf32>
      %swap3A_151 = vector.shape_cast %broadcast_in_dim3A_56 : vector<16xf32> to vector<1x16xf32>
      tpu.vector_store %arg6[%swap3A_147, %swap3A_148], %swap3A_151 {strides = array<i32>} : memref<17x4096xf32, #tpu.memory_space<vmem>>, vector<1x16xf32>,
      %swap3A_152 = arith.constant 16 : i32
      %swap3A_153 = arith.index_cast %swap3A_152 : i32 to index
      %swap3A_154 = arith.constant 256 : index
      %swap3A_155 = tpu.vector_load %arg6[%swap3A_153, %swap3A_154] {strides = array<i32>} : memref<17x4096xf32, #tpu.memory_space<vmem>>, vector<1x16xf32>,
      %swap3A_156 = vector.shape_cast %swap3A_155 : vector<1x16xf32> to vector<16xf32>
      %swap3A_157 = vector.shape_cast %broadcast_in_dim3A_56 : vector<16xf32> to vector<1x16xf32>
      tpu.vector_store %arg6[%swap3A_153, %swap3A_154], %swap3A_157 {strides = array<i32>} : memref<17x4096xf32, #tpu.memory_space<vmem>>, vector<1x16xf32>,
      %swap3A_158 = arith.constant 16 : i32
      %swap3A_159 = arith.index_cast %swap3A_158 : i32 to index
      %swap3A_160 = arith.constant 272 : index
      %swap3A_161 = tpu.vector_load %arg6[%swap3A_159, %swap3A_160] {strides = array<i32>} : memref<17x4096xf32, #tpu.memory_space<vmem>>, vector<1x16xf32>,
      %swap3A_162 = vector.shape_cast %swap3A_161 : vector<1x16xf32> to vector<16xf32>
      %swap3A_163 = vector.shape_cast %broadcast_in_dim3A_56 : vector<16xf32> to vector<1x16xf32>
      tpu.vector_store %arg6[%swap3A_159, %swap3A_160], %swap3A_163 {strides = array<i32>} : memref<17x4096xf32, #tpu.memory_space<vmem>>, vector<1x16xf32>,
      %swap3A_164 = arith.constant 16 : i32
      %swap3A_165 = arith.index_cast %swap3A_164 : i32 to index
      %swap3A_166 = arith.constant 288 : index
      %swap3A_167 = tpu.vector_load %arg6[%swap3A_165, %swap3A_166] {strides = array<i32>} : memref<17x4096xf32, #tpu.memory_space<vmem>>, vector<1x16xf32>,
      %swap3A_168 = vector.shape_cast %swap3A_167 : vector<1x16xf32> to vector<16xf32>
      %swap3A_169 = vector.shape_cast %broadcast_in_dim3A_56 : vector<16xf32> to vector<1x16xf32>
      tpu.vector_store %arg6[%swap3A_165, %swap3A_166], %swap3A_169 {strides = array<i32>} : memref<17x4096xf32, #tpu.memory_space<vmem>>, vector<1x16xf32>,
      %swap3A_170 = arith.constant 16 : i32
      %swap3A_171 = arith.index_cast %swap3A_170 : i32 to index
      %swap3A_172 = arith.constant 304 : index
      %swap3A_173 = tpu.vector_load %arg6[%swap3A_171, %swap3A_172] {strides = array<i32>} : memref<17x4096xf32, #tpu.memory_space<vmem>>, vector<1x16xf32>,
      %swap3A_174 = vector.shape_cast %swap3A_173 : vector<1x16xf32> to vector<16xf32>
      %swap3A_175 = vector.shape_cast %broadcast_in_dim3A_56 : vector<16xf32> to vector<1x16xf32>
      tpu.vector_store %arg6[%swap3A_171, %swap3A_172], %swap3A_175 {strides = array<i32>} : memref<17x4096xf32, #tpu.memory_space<vmem>>, vector<1x16xf32>,
      %swap3A_176 = arith.constant 16 : i32
      %swap3A_177 = arith.index_cast %swap3A_176 : i32 to index
      %swap3A_178 = arith.constant 320 : index
      %swap3A_179 = tpu.vector_load %arg6[%swap3A_177, %swap3A_178] {strides = array<i32>} : memref<17x4096xf32, #tpu.memory_space<vmem>>, vector<1x16xf32>,
      %swap3A_180 = vector.shape_cast %swap3A_179 : vector<1x16xf32> to vector<16xf32>
      %swap3A_181 = vector.shape_cast %broadcast_in_dim3A_56 : vector<16xf32> to vector<1x16xf32>
      tpu.vector_store %arg6[%swap3A_177, %swap3A_178], %swap3A_181 {strides = array<i32>} : memref<17x4096xf32, #tpu.memory_space<vmem>>, vector<1x16xf32>,
      %swap3A_182 = arith.constant 16 : i32
      %swap3A_183 = arith.index_cast %swap3A_182 : i32 to index
      %swap3A_184 = arith.constant 336 : index
      %swap3A_185 = tpu.vector_load %arg6[%swap3A_183, %swap3A_184] {strides = array<i32>} : memref<17x4096xf32, #tpu.memory_space<vmem>>, vector<1x16xf32>,
      %swap3A_186 = vector.shape_cast %swap3A_185 : vector<1x16xf32> to vector<16xf32>
      %swap3A_187 = vector.shape_cast %broadcast_in_dim3A_56 : vector<16xf32> to vector<1x16xf32>
      tpu.vector_store %arg6[%swap3A_183, %swap3A_184], %swap3A_187 {strides = array<i32>} : memref<17x4096xf32, #tpu.memory_space<vmem>>, vector<1x16xf32>,
      %swap3A_188 = arith.constant 16 : i32
      %swap3A_189 = arith.index_cast %swap3A_188 : i32 to index
      %swap3A_190 = arith.constant 352 : index
      %swap3A_191 = tpu.vector_load %arg6[%swap3A_189, %swap3A_190] {strides = array<i32>} : memref<17x4096xf32, #tpu.memory_space<vmem>>, vector<1x16xf32>,
      %swap3A_192 = vector.shape_cast %swap3A_191 : vector<1x16xf32> to vector<16xf32>
      %swap3A_193 = vector.shape_cast %broadcast_in_dim3A_56 : vector<16xf32> to vector<1x16xf32>
      tpu.vector_store %arg6[%swap3A_189, %swap3A_190], %swap3A_193 {strides = array<i32>} : memref<17x4096xf32, #tpu.memory_space<vmem>>, vector<1x16xf32>,
      %swap3A_194 = arith.constant 16 : i32
      %swap3A_195 = arith.index_cast %swap3A_194 : i32 to index
      %swap3A_196 = arith.constant 368 : index
      %swap3A_197 = tpu.vector_load %arg6[%swap3A_195, %swap3A_196] {strides = array<i32>} : memref<17x4096xf32, #tpu.memory_space<vmem>>, vector<1x16xf32>,
      %swap3A_198 = vector.shape_cast %swap3A_197 : vector<1x16xf32> to vector<16xf32>
      %swap3A_199 = vector.shape_cast %broadcast_in_dim3A_56 : vector<16xf32> to vector<1x16xf32>
      tpu.vector_store %arg6[%swap3A_195, %swap3A_196], %swap3A_199 {strides = array<i32>} : memref<17x4096xf32, #tpu.memory_space<vmem>>, vector<1x16xf32>,
      %swap3A_200 = arith.constant 16 : i32
      %swap3A_201 = arith.index_cast %swap3A_200 : i32 to index
      %swap3A_202 = arith.constant 384 : index
      %swap3A_203 = tpu.vector_load %arg6[%swap3A_201, %swap3A_202] {strides = array<i32>} : memref<17x4096xf32, #tpu.memory_space<vmem>>, vector<1x16xf32>,
      %swap3A_204 = vector.shape_cast %swap3A_203 : vector<1x16xf32> to vector<16xf32>
      %swap3A_205 = vector.shape_cast %broadcast_in_dim3A_56 : vector<16xf32> to vector<1x16xf32>
      tpu.vector_store %arg6[%swap3A_201, %swap3A_202], %swap3A_205 {strides = array<i32>} : memref<17x4096xf32, #tpu.memory_space<vmem>>, vector<1x16xf32>,
      %swap3A_206 = arith.constant 16 : i32
      %swap3A_207 = arith.index_cast %swap3A_206 : i32 to index
      %swap3A_208 = arith.constant 400 : index
      %swap3A_209 = tpu.vector_load %arg6[%swap3A_207, %swap3A_208] {strides = array<i32>} : memref<17x4096xf32, #tpu.memory_space<vmem>>, vector<1x16xf32>,
      %swap3A_210 = vector.shape_cast %swap3A_209 : vector<1x16xf32> to vector<16xf32>
      %swap3A_211 = vector.shape_cast %broadcast_in_dim3A_56 : vector<16xf32> to vector<1x16xf32>
      tpu.vector_store %arg6[%swap3A_207, %swap3A_208], %swap3A_211 {strides = array<i32>} : memref<17x4096xf32, #tpu.memory_space<vmem>>, vector<1x16xf32>,
      %swap3A_212 = arith.constant 16 : i32
      %swap3A_213 = arith.index_cast %swap3A_212 : i32 to index
      %swap3A_214 = arith.constant 416 : index
      %swap3A_215 = tpu.vector_load %arg6[%swap3A_213, %swap3A_214] {strides = array<i32>} : memref<17x4096xf32, #tpu.memory_space<vmem>>, vector<1x16xf32>,
      %swap3A_216 = vector.shape_cast %swap3A_215 : vector<1x16xf32> to vector<16xf32>
      %swap3A_217 = vector.shape_cast %broadcast_in_dim3A_56 : vector<16xf32> to vector<1x16xf32>
      tpu.vector_store %arg6[%swap3A_213, %swap3A_214], %swap3A_217 {strides = array<i32>} : memref<17x4096xf32, #tpu.memory_space<vmem>>, vector<1x16xf32>,
      %swap3A_218 = arith.constant 16 : i32
      %swap3A_219 = arith.index_cast %swap3A_218 : i32 to index
      %swap3A_220 = arith.constant 432 : index
      %swap3A_221 = tpu.vector_load %arg6[%swap3A_219, %swap3A_220] {strides = array<i32>} : memref<17x4096xf32, #tpu.memory_space<vmem>>, vector<1x16xf32>,
      %swap3A_222 = vector.shape_cast %swap3A_221 : vector<1x16xf32> to vector<16xf32>
      %swap3A_223 = vector.shape_cast %broadcast_in_dim3A_56 : vector<16xf32> to vector<1x16xf32>
      tpu.vector_store %arg6[%swap3A_219, %swap3A_220], %swap3A_223 {strides = array<i32>} : memref<17x4096xf32, #tpu.memory_space<vmem>>, vector<1x16xf32>,
      %swap3A_224 = arith.constant 16 : i32
      %swap3A_225 = arith.index_cast %swap3A_224 : i32 to index
      %swap3A_226 = arith.constant 448 : index
      %swap3A_227 = tpu.vector_load %arg6[%swap3A_225, %swap3A_226] {strides = array<i32>} : memref<17x4096xf32, #tpu.memory_space<vmem>>, vector<1x16xf32>,
      %swap3A_228 = vector.shape_cast %swap3A_227 : vector<1x16xf32> to vector<16xf32>
      %swap3A_229 = vector.shape_cast %broadcast_in_dim3A_56 : vector<16xf32> to vector<1x16xf32>
      tpu.vector_store %arg6[%swap3A_225, %swap3A_226], %swap3A_229 {strides = array<i32>} : memref<17x4096xf32, #tpu.memory_space<vmem>>, vector<1x16xf32>,
      %swap3A_230 = arith.constant 16 : i32
      %swap3A_231 = arith.index_cast %swap3A_230 : i32 to index
      %swap3A_232 = arith.constant 464 : index
      %swap3A_233 = tpu.vector_load %arg6[%swap3A_231, %swap3A_232] {strides = array<i32>} : memref<17x4096xf32, #tpu.memory_space<vmem>>, vector<1x16xf32>,
      %swap3A_234 = vector.shape_cast %swap3A_233 : vector<1x16xf32> to vector<16xf32>
      %swap3A_235 = vector.shape_cast %broadcast_in_dim3A_56 : vector<16xf32> to vector<1x16xf32>
      tpu.vector_store %arg6[%swap3A_231, %swap3A_232], %swap3A_235 {strides = array<i32>} : memref<17x4096xf32, #tpu.memory_space<vmem>>, vector<1x16xf32>,
      %swap3A_236 = arith.constant 16 : i32
      %swap3A_237 = arith.index_cast %swap3A_236 : i32 to index
      %swap3A_238 = arith.constant 480 : index
      %swap3A_239 = tpu.vector_load %arg6[%swap3A_237, %swap3A_238] {strides = array<i32>} : memref<17x4096xf32, #tpu.memory_space<vmem>>, vector<1x16xf32>,
      %swap3A_240 = vector.shape_cast %swap3A_239 : vector<1x16xf32> to vector<16xf32>
      %swap3A_241 = vector.shape_cast %broadcast_in_dim3A_56 : vector<16xf32> to vector<1x16xf32>
      tpu.vector_store %arg6[%swap3A_237, %swap3A_238], %swap3A_241 {strides = array<i32>} : memref<17x4096xf32, #tpu.memory_space<vmem>>, vector<1x16xf32>,
      %swap3A_242 = arith.constant 16 : i32
      %swap3A_243 = arith.index_cast %swap3A_242 : i32 to index
      %swap3A_244 = arith.constant 496 : index
      %swap3A_245 = tpu.vector_load %arg6[%swap3A_243, %swap3A_244] {strides = array<i32>} : memref<17x4096xf32, #tpu.memory_space<vmem>>, vector<1x16xf32>,
      %swap3A_246 = vector.shape_cast %swap3A_245 : vector<1x16xf32> to vector<16xf32>
      %swap3A_247 = vector.shape_cast %broadcast_in_dim3A_56 : vector<16xf32> to vector<1x16xf32>
      tpu.vector_store %arg6[%swap3A_243, %swap3A_244], %swap3A_247 {strides = array<i32>} : memref<17x4096xf32, #tpu.memory_space<vmem>>, vector<1x16xf32>,
      %swap3A_248 = arith.constant 16 : i32
      %swap3A_249 = arith.index_cast %swap3A_248 : i32 to index
      %swap3A_250 = arith.constant 512 : index
      %swap3A_251 = tpu.vector_load %arg6[%swap3A_249, %swap3A_250] {strides = array<i32>} : memref<17x4096xf32, #tpu.memory_space<vmem>>, vector<1x16xf32>,
      %swap3A_252 = vector.shape_cast %swap3A_251 : vector<1x16xf32> to vector<16xf32>
      %swap3A_253 = vector.shape_cast %broadcast_in_dim3A_56 : vector<16xf32> to vector<1x16xf32>
      tpu.vector_store %arg6[%swap3A_249, %swap3A_250], %swap3A_253 {strides = array<i32>} : memref<17x4096xf32, #tpu.memory_space<vmem>>, vector<1x16xf32>,
      %swap3A_254 = arith.constant 16 : i32
      %swap3A_255 = arith.index_cast %swap3A_254 : i32 to index
      %swap3A_256 = arith.constant 528 : index
      %swap3A_257 = tpu.vector_load %arg6[%swap3A_255, %swap3A_256] {strides = array<i32>} : memref<17x4096xf32, #tpu.memory_space<vmem>>, vector<1x16xf32>,
      %swap3A_258 = vector.shape_cast %swap3A_257 : vector<1x16xf32> to vector<16xf32>
      %swap3A_259 = vector.shape_cast %broadcast_in_dim3A_56 : vector<16xf32> to vector<1x16xf32>
      tpu.vector_store %arg6[%swap3A_255, %swap3A_256], %swap3A_259 {strides = array<i32>} : memref<17x4096xf32, #tpu.memory_space<vmem>>, vector<1x16xf32>,
      %swap3A_260 = arith.constant 16 : i32
      %swap3A_261 = arith.index_cast %swap3A_260 : i32 to index
      %swap3A_262 = arith.constant 544 : index
      %swap3A_263 = tpu.vector_load %arg6[%swap3A_261, %swap3A_262] {strides = array<i32>} : memref<17x4096xf32, #tpu.memory_space<vmem>>, vector<1x16xf32>,
      %swap3A_264 = vector.shape_cast %swap3A_263 : vector<1x16xf32> to vector<16xf32>
      %swap3A_265 = vector.shape_cast %broadcast_in_dim3A_56 : vector<16xf32> to vector<1x16xf32>
      tpu.vector_store %arg6[%swap3A_261, %swap3A_262], %swap3A_265 {strides = array<i32>} : memref<17x4096xf32, #tpu.memory_space<vmem>>, vector<1x16xf32>,
      %swap3A_266 = arith.constant 16 : i32
      %swap3A_267 = arith.index_cast %swap3A_266 : i32 to index
      %swap3A_268 = arith.constant 560 : index
      %swap3A_269 = tpu.vector_load %arg6[%swap3A_267, %swap3A_268] {strides = array<i32>} : memref<17x4096xf32, #tpu.memory_space<vmem>>, vector<1x16xf32>,
      %swap3A_270 = vector.shape_cast %swap3A_269 : vector<1x16xf32> to vector<16xf32>
      %swap3A_271 = vector.shape_cast %broadcast_in_dim3A_56 : vector<16xf32> to vector<1x16xf32>
      tpu.vector_store %arg6[%swap3A_267, %swap3A_268], %swap3A_271 {strides = array<i32>} : memref<17x4096xf32, #tpu.memory_space<vmem>>, vector<1x16xf32>,
      %swap3A_272 = arith.constant 16 : i32
      %swap3A_273 = arith.index_cast %swap3A_272 : i32 to index
      %swap3A_274 = arith.constant 576 : index
      %swap3A_275 = tpu.vector_load %arg6[%swap3A_273, %swap3A_274] {strides = array<i32>} : memref<17x4096xf32, #tpu.memory_space<vmem>>, vector<1x16xf32>,
      %swap3A_276 = vector.shape_cast %swap3A_275 : vector<1x16xf32> to vector<16xf32>
      %swap3A_277 = vector.shape_cast %broadcast_in_dim3A_56 : vector<16xf32> to vector<1x16xf32>
      tpu.vector_store %arg6[%swap3A_273, %swap3A_274], %swap3A_277 {strides = array<i32>} : memref<17x4096xf32, #tpu.memory_space<vmem>>, vector<1x16xf32>,
      %swap3A_278 = arith.constant 16 : i32
      %swap3A_279 = arith.index_cast %swap3A_278 : i32 to index
      %swap3A_280 = arith.constant 592 : index
      %swap3A_281 = tpu.vector_load %arg6[%swap3A_279, %swap3A_280] {strides = array<i32>} : memref<17x4096xf32, #tpu.memory_space<vmem>>, vector<1x16xf32>,
      %swap3A_282 = vector.shape_cast %swap3A_281 : vector<1x16xf32> to vector<16xf32>
      %swap3A_283 = vector.shape_cast %broadcast_in_dim3A_56 : vector<16xf32> to vector<1x16xf32>
      tpu.vector_store %arg6[%swap3A_279, %swap3A_280], %swap3A_283 {strides = array<i32>} : memref<17x4096xf32, #tpu.memory_space<vmem>>, vector<1x16xf32>,
      %swap3A_284 = arith.constant 16 : i32
      %swap3A_285 = arith.index_cast %swap3A_284 : i32 to index
      %swap3A_286 = arith.constant 608 : index
      %swap3A_287 = tpu.vector_load %arg6[%swap3A_285, %swap3A_286] {strides = array<i32>} : memref<17x4096xf32, #tpu.memory_space<vmem>>, vector<1x16xf32>,
      %swap3A_288 = vector.shape_cast %swap3A_287 : vector<1x16xf32> to vector<16xf32>
      %swap3A_289 = vector.shape_cast %broadcast_in_dim3A_56 : vector<16xf32> to vector<1x16xf32>
      tpu.vector_store %arg6[%swap3A_285, %swap3A_286], %swap3A_289 {strides = array<i32>} : memref<17x4096xf32, #tpu.memory_space<vmem>>, vector<1x16xf32>,
      %swap3A_290 = arith.constant 16 : i32
      %swap3A_291 = arith.index_cast %swap3A_290 : i32 to index
      %swap3A_292 = arith.constant 624 : index
      %swap3A_293 = tpu.vector_load %arg6[%swap3A_291, %swap3A_292] {strides = array<i32>} : memref<17x4096xf32, #tpu.memory_space<vmem>>, vector<1x16xf32>,
      %swap3A_294 = vector.shape_cast %swap3A_293 : vector<1x16xf32> to vector<16xf32>
      %swap3A_295 = vector.shape_cast %broadcast_in_dim3A_56 : vector<16xf32> to vector<1x16xf32>
      tpu.vector_store %arg6[%swap3A_291, %swap3A_292], %swap3A_295 {strides = array<i32>} : memref<17x4096xf32, #tpu.memory_space<vmem>>, vector<1x16xf32>,
      %swap3A_296 = arith.constant 16 : i32
      %swap3A_297 = arith.index_cast %swap3A_296 : i32 to index
      %swap3A_298 = arith.constant 640 : index
      %swap3A_299 = tpu.vector_load %arg6[%swap3A_297, %swap3A_298] {strides = array<i32>} : memref<17x4096xf32, #tpu.memory_space<vmem>>, vector<1x16xf32>,
      %swap3A_300 = vector.shape_cast %swap3A_299 : vector<1x16xf32> to vector<16xf32>
      %swap3A_301 = vector.shape_cast %broadcast_in_dim3A_56 : vector<16xf32> to vector<1x16xf32>
      tpu.vector_store %arg6[%swap3A_297, %swap3A_298], %swap3A_301 {strides = array<i32>} : memref<17x4096xf32, #tpu.memory_space<vmem>>, vector<1x16xf32>,
      %swap3A_302 = arith.constant 16 : i32
      %swap3A_303 = arith.index_cast %swap3A_302 : i32 to index
      %swap3A_304 = arith.constant 656 : index
      %swap3A_305 = tpu.vector_load %arg6[%swap3A_303, %swap3A_304] {strides = array<i32>} : memref<17x4096xf32, #tpu.memory_space<vmem>>, vector<1x16xf32>,
      %swap3A_306 = vector.shape_cast %swap3A_305 : vector<1x16xf32> to vector<16xf32>
      %swap3A_307 = vector.shape_cast %broadcast_in_dim3A_56 : vector<16xf32> to vector<1x16xf32>
      tpu.vector_store %arg6[%swap3A_303, %swap3A_304], %swap3A_307 {strides = array<i32>} : memref<17x4096xf32, #tpu.memory_space<vmem>>, vector<1x16xf32>,
      %swap3A_308 = arith.constant 16 : i32
      %swap3A_309 = arith.index_cast %swap3A_308 : i32 to index
      %swap3A_310 = arith.constant 672 : index
      %swap3A_311 = tpu.vector_load %arg6[%swap3A_309, %swap3A_310] {strides = array<i32>} : memref<17x4096xf32, #tpu.memory_space<vmem>>, vector<1x16xf32>,
      %swap3A_312 = vector.shape_cast %swap3A_311 : vector<1x16xf32> to vector<16xf32>
      %swap3A_313 = vector.shape_cast %broadcast_in_dim3A_56 : vector<16xf32> to vector<1x16xf32>
      tpu.vector_store %arg6[%swap3A_309, %swap3A_310], %swap3A_313 {strides = array<i32>} : memref<17x4096xf32, #tpu.memory_space<vmem>>, vector<1x16xf32>,
      %swap3A_314 = arith.constant 16 : i32
      %swap3A_315 = arith.index_cast %swap3A_314 : i32 to index
      %swap3A_316 = arith.constant 688 : index
      %swap3A_317 = tpu.vector_load %arg6[%swap3A_315, %swap3A_316] {strides = array<i32>} : memref<17x4096xf32, #tpu.memory_space<vmem>>, vector<1x16xf32>,
      %swap3A_318 = vector.shape_cast %swap3A_317 : vector<1x16xf32> to vector<16xf32>
      %swap3A_319 = vector.shape_cast %broadcast_in_dim3A_56 : vector<16xf32> to vector<1x16xf32>
      tpu.vector_store %arg6[%swap3A_315, %swap3A_316], %swap3A_319 {strides = array<i32>} : memref<17x4096xf32, #tpu.memory_space<vmem>>, vector<1x16xf32>,
      %swap3A_320 = arith.constant 16 : i32
      %swap3A_321 = arith.index_cast %swap3A_320 : i32 to index
      %swap3A_322 = arith.constant 704 : index
      %swap3A_323 = tpu.vector_load %arg6[%swap3A_321, %swap3A_322] {strides = array<i32>} : memref<17x4096xf32, #tpu.memory_space<vmem>>, vector<1x16xf32>,
      %swap3A_324 = vector.shape_cast %swap3A_323 : vector<1x16xf32> to vector<16xf32>
      %swap3A_325 = vector.shape_cast %broadcast_in_dim3A_56 : vector<16xf32> to vector<1x16xf32>
      tpu.vector_store %arg6[%swap3A_321, %swap3A_322], %swap3A_325 {strides = array<i32>} : memref<17x4096xf32, #tpu.memory_space<vmem>>, vector<1x16xf32>,
      %swap3A_326 = arith.constant 16 : i32
      %swap3A_327 = arith.index_cast %swap3A_326 : i32 to index
      %swap3A_328 = arith.constant 720 : index
      %swap3A_329 = tpu.vector_load %arg6[%swap3A_327, %swap3A_328] {strides = array<i32>} : memref<17x4096xf32, #tpu.memory_space<vmem>>, vector<1x16xf32>,
      %swap3A_330 = vector.shape_cast %swap3A_329 : vector<1x16xf32> to vector<16xf32>
      %swap3A_331 = vector.shape_cast %broadcast_in_dim3A_56 : vector<16xf32> to vector<1x16xf32>
      tpu.vector_store %arg6[%swap3A_327, %swap3A_328], %swap3A_331 {strides = array<i32>} : memref<17x4096xf32, #tpu.memory_space<vmem>>, vector<1x16xf32>,
      %swap3A_332 = arith.constant 16 : i32
      %swap3A_333 = arith.index_cast %swap3A_332 : i32 to index
      %swap3A_334 = arith.constant 736 : index
      %swap3A_335 = tpu.vector_load %arg6[%swap3A_333, %swap3A_334] {strides = array<i32>} : memref<17x4096xf32, #tpu.memory_space<vmem>>, vector<1x16xf32>,
      %swap3A_336 = vector.shape_cast %swap3A_335 : vector<1x16xf32> to vector<16xf32>
      %swap3A_337 = vector.shape_cast %broadcast_in_dim3A_56 : vector<16xf32> to vector<1x16xf32>
      tpu.vector_store %arg6[%swap3A_333, %swap3A_334], %swap3A_337 {strides = array<i32>} : memref<17x4096xf32, #tpu.memory_space<vmem>>, vector<1x16xf32>,
      %swap3A_338 = arith.constant 16 : i32
      %swap3A_339 = arith.index_cast %swap3A_338 : i32 to index
      %swap3A_340 = arith.constant 752 : index
      %swap3A_341 = tpu.vector_load %arg6[%swap3A_339, %swap3A_340] {strides = array<i32>} : memref<17x4096xf32, #tpu.memory_space<vmem>>, vector<1x16xf32>,
      %swap3A_342 = vector.shape_cast %swap3A_341 : vector<1x16xf32> to vector<16xf32>
      %swap3A_343 = vector.shape_cast %broadcast_in_dim3A_56 : vector<16xf32> to vector<1x16xf32>
      tpu.vector_store %arg6[%swap3A_339, %swap3A_340], %swap3A_343 {strides = array<i32>} : memref<17x4096xf32, #tpu.memory_space<vmem>>, vector<1x16xf32>,
      %swap3A_344 = arith.constant 16 : i32
      %swap3A_345 = arith.index_cast %swap3A_344 : i32 to index
      %swap3A_346 = arith.constant 768 : index
      %swap3A_347 = tpu.vector_load %arg6[%swap3A_345, %swap3A_346] {strides = array<i32>} : memref<17x4096xf32, #tpu.memory_space<vmem>>, vector<1x16xf32>,
      %swap3A_348 = vector.shape_cast %swap3A_347 : vector<1x16xf32> to vector<16xf32>
      %swap3A_349 = vector.shape_cast %broadcast_in_dim3A_56 : vector<16xf32> to vector<1x16xf32>
      tpu.vector_store %arg6[%swap3A_345, %swap3A_346], %swap3A_349 {strides = array<i32>} : memref<17x4096xf32, #tpu.memory_space<vmem>>, vector<1x16xf32>,
      %swap3A_350 = arith.constant 16 : i32
      %swap3A_351 = arith.index_cast %swap3A_350 : i32 to index
      %swap3A_352 = arith.constant 784 : index
      %swap3A_353 = tpu.vector_load %arg6[%swap3A_351, %swap3A_352] {strides = array<i32>} : memref<17x4096xf32, #tpu.memory_space<vmem>>, vector<1x16xf32>,
      %swap3A_354 = vector.shape_cast %swap3A_353 : vector<1x16xf32> to vector<16xf32>
      %swap3A_355 = vector.shape_cast %broadcast_in_dim3A_56 : vector<16xf32> to vector<1x16xf32>
      tpu.vector_store %arg6[%swap3A_351, %swap3A_352], %swap3A_355 {strides = array<i32>} : memref<17x4096xf32, #tpu.memory_space<vmem>>, vector<1x16xf32>,
      %swap3A_356 = arith.constant 16 : i32
      %swap3A_357 = arith.index_cast %swap3A_356 : i32 to index
      %swap3A_358 = arith.constant 800 : index
      %swap3A_359 = tpu.vector_load %arg6[%swap3A_357, %swap3A_358] {strides = array<i32>} : memref<17x4096xf32, #tpu.memory_space<vmem>>, vector<1x16xf32>,
      %swap3A_360 = vector.shape_cast %swap3A_359 : vector<1x16xf32> to vector<16xf32>
      %swap3A_361 = vector.shape_cast %broadcast_in_dim3A_56 : vector<16xf32> to vector<1x16xf32>
      tpu.vector_store %arg6[%swap3A_357, %swap3A_358], %swap3A_361 {strides = array<i32>} : memref<17x4096xf32, #tpu.memory_space<vmem>>, vector<1x16xf32>,
      %swap3A_362 = arith.constant 16 : i32
      %swap3A_363 = arith.index_cast %swap3A_362 : i32 to index
      %swap3A_364 = arith.constant 816 : index
      %swap3A_365 = tpu.vector_load %arg6[%swap3A_363, %swap3A_364] {strides = array<i32>} : memref<17x4096xf32, #tpu.memory_space<vmem>>, vector<1x16xf32>,
      %swap3A_366 = vector.shape_cast %swap3A_365 : vector<1x16xf32> to vector<16xf32>
      %swap3A_367 = vector.shape_cast %broadcast_in_dim3A_56 : vector<16xf32> to vector<1x16xf32>
      tpu.vector_store %arg6[%swap3A_363, %swap3A_364], %swap3A_367 {strides = array<i32>} : memref<17x4096xf32, #tpu.memory_space<vmem>>, vector<1x16xf32>,
      %swap3A_368 = arith.constant 16 : i32
      %swap3A_369 = arith.index_cast %swap3A_368 : i32 to index
      %swap3A_370 = arith.constant 832 : index
      %swap3A_371 = tpu.vector_load %arg6[%swap3A_369, %swap3A_370] {strides = array<i32>} : memref<17x4096xf32, #tpu.memory_space<vmem>>, vector<1x16xf32>,
      %swap3A_372 = vector.shape_cast %swap3A_371 : vector<1x16xf32> to vector<16xf32>
      %swap3A_373 = vector.shape_cast %broadcast_in_dim3A_56 : vector<16xf32> to vector<1x16xf32>
      tpu.vector_store %arg6[%swap3A_369, %swap3A_370], %swap3A_373 {strides = array<i32>} : memref<17x4096xf32, #tpu.memory_space<vmem>>, vector<1x16xf32>,
      %swap3A_374 = arith.constant 16 : i32
      %swap3A_375 = arith.index_cast %swap3A_374 : i32 to index
      %swap3A_376 = arith.constant 848 : index
      %swap3A_377 = tpu.vector_load %arg6[%swap3A_375, %swap3A_376] {strides = array<i32>} : memref<17x4096xf32, #tpu.memory_space<vmem>>, vector<1x16xf32>,
      %swap3A_378 = vector.shape_cast %swap3A_377 : vector<1x16xf32> to vector<16xf32>
      %swap3A_379 = vector.shape_cast %broadcast_in_dim3A_56 : vector<16xf32> to vector<1x16xf32>
      tpu.vector_store %arg6[%swap3A_375, %swap3A_376], %swap3A_379 {strides = array<i32>} : memref<17x4096xf32, #tpu.memory_space<vmem>>, vector<1x16xf32>,
      %swap3A_380 = arith.constant 16 : i32
      %swap3A_381 = arith.index_cast %swap3A_380 : i32 to index
      %swap3A_382 = arith.constant 864 : index
      %swap3A_383 = tpu.vector_load %arg6[%swap3A_381, %swap3A_382] {strides = array<i32>} : memref<17x4096xf32, #tpu.memory_space<vmem>>, vector<1x16xf32>,
      %swap3A_384 = vector.shape_cast %swap3A_383 : vector<1x16xf32> to vector<16xf32>
      %swap3A_385 = vector.shape_cast %broadcast_in_dim3A_56 : vector<16xf32> to vector<1x16xf32>
      tpu.vector_store %arg6[%swap3A_381, %swap3A_382], %swap3A_385 {strides = array<i32>} : memref<17x4096xf32, #tpu.memory_space<vmem>>, vector<1x16xf32>,
      %swap3A_386 = arith.constant 16 : i32
      %swap3A_387 = arith.index_cast %swap3A_386 : i32 to index
      %swap3A_388 = arith.constant 880 : index
      %swap3A_389 = tpu.vector_load %arg6[%swap3A_387, %swap3A_388] {strides = array<i32>} : memref<17x4096xf32, #tpu.memory_space<vmem>>, vector<1x16xf32>,
      %swap3A_390 = vector.shape_cast %swap3A_389 : vector<1x16xf32> to vector<16xf32>
      %swap3A_391 = vector.shape_cast %broadcast_in_dim3A_56 : vector<16xf32> to vector<1x16xf32>
      tpu.vector_store %arg6[%swap3A_387, %swap3A_388], %swap3A_391 {strides = array<i32>} : memref<17x4096xf32, #tpu.memory_space<vmem>>, vector<1x16xf32>,
      %swap3A_392 = arith.constant 16 : i32
      %swap3A_393 = arith.index_cast %swap3A_392 : i32 to index
      %swap3A_394 = arith.constant 896 : index
      %swap3A_395 = tpu.vector_load %arg6[%swap3A_393, %swap3A_394] {strides = array<i32>} : memref<17x4096xf32, #tpu.memory_space<vmem>>, vector<1x16xf32>,
      %swap3A_396 = vector.shape_cast %swap3A_395 : vector<1x16xf32> to vector<16xf32>
      %swap3A_397 = vector.shape_cast %broadcast_in_dim3A_56 : vector<16xf32> to vector<1x16xf32>
      tpu.vector_store %arg6[%swap3A_393, %swap3A_394], %swap3A_397 {strides = array<i32>} : memref<17x4096xf32, #tpu.memory_space<vmem>>, vector<1x16xf32>,
      %swap3A_398 = arith.constant 16 : i32
      %swap3A_399 = arith.index_cast %swap3A_398 : i32 to index
      %swap3A_400 = arith.constant 912 : index
      %swap3A_401 = tpu.vector_load %arg6[%swap3A_399, %swap3A_400] {strides = array<i32>} : memref<17x4096xf32, #tpu.memory_space<vmem>>, vector<1x16xf32>,
      %swap3A_402 = vector.shape_cast %swap3A_401 : vector<1x16xf32> to vector<16xf32>
      %swap3A_403 = vector.shape_cast %broadcast_in_dim3A_56 : vector<16xf32> to vector<1x16xf32>
      tpu.vector_store %arg6[%swap3A_399, %swap3A_400], %swap3A_403 {strides = array<i32>} : memref<17x4096xf32, #tpu.memory_space<vmem>>, vector<1x16xf32>,
      %swap3A_404 = arith.constant 16 : i32
      %swap3A_405 = arith.index_cast %swap3A_404 : i32 to index
      %swap3A_406 = arith.constant 928 : index
      %swap3A_407 = tpu.vector_load %arg6[%swap3A_405, %swap3A_406] {strides = array<i32>} : memref<17x4096xf32, #tpu.memory_space<vmem>>, vector<1x16xf32>,
      %swap3A_408 = vector.shape_cast %swap3A_407 : vector<1x16xf32> to vector<16xf32>
      %swap3A_409 = vector.shape_cast %broadcast_in_dim3A_56 : vector<16xf32> to vector<1x16xf32>
      tpu.vector_store %arg6[%swap3A_405, %swap3A_406], %swap3A_409 {strides = array<i32>} : memref<17x4096xf32, #tpu.memory_space<vmem>>, vector<1x16xf32>,
      %swap3A_410 = arith.constant 16 : i32
      %swap3A_411 = arith.index_cast %swap3A_410 : i32 to index
      %swap3A_412 = arith.constant 944 : index
      %swap3A_413 = tpu.vector_load %arg6[%swap3A_411, %swap3A_412] {strides = array<i32>} : memref<17x4096xf32, #tpu.memory_space<vmem>>, vector<1x16xf32>,
      %swap3A_414 = vector.shape_cast %swap3A_413 : vector<1x16xf32> to vector<16xf32>
      %swap3A_415 = vector.shape_cast %broadcast_in_dim3A_56 : vector<16xf32> to vector<1x16xf32>
      tpu.vector_store %arg6[%swap3A_411, %swap3A_412], %swap3A_415 {strides = array<i32>} : memref<17x4096xf32, #tpu.memory_space<vmem>>, vector<1x16xf32>,
      %swap3A_416 = arith.constant 16 : i32
      %swap3A_417 = arith.index_cast %swap3A_416 : i32 to index
      %swap3A_418 = arith.constant 960 : index
      %swap3A_419 = tpu.vector_load %arg6[%swap3A_417, %swap3A_418] {strides = array<i32>} : memref<17x4096xf32, #tpu.memory_space<vmem>>, vector<1x16xf32>,
      %swap3A_420 = vector.shape_cast %swap3A_419 : vector<1x16xf32> to vector<16xf32>
      %swap3A_421 = vector.shape_cast %broadcast_in_dim3A_56 : vector<16xf32> to vector<1x16xf32>
      tpu.vector_store %arg6[%swap3A_417, %swap3A_418], %swap3A_421 {strides = array<i32>} : memref<17x4096xf32, #tpu.memory_space<vmem>>, vector<1x16xf32>,
      %swap3A_422 = arith.constant 16 : i32
      %swap3A_423 = arith.index_cast %swap3A_422 : i32 to index
      %swap3A_424 = arith.constant 976 : index
      %swap3A_425 = tpu.vector_load %arg6[%swap3A_423, %swap3A_424] {strides = array<i32>} : memref<17x4096xf32, #tpu.memory_space<vmem>>, vector<1x16xf32>,
      %swap3A_426 = vector.shape_cast %swap3A_425 : vector<1x16xf32> to vector<16xf32>
      %swap3A_427 = vector.shape_cast %broadcast_in_dim3A_56 : vector<16xf32> to vector<1x16xf32>
      tpu.vector_store %arg6[%swap3A_423, %swap3A_424], %swap3A_427 {strides = array<i32>} : memref<17x4096xf32, #tpu.memory_space<vmem>>, vector<1x16xf32>,
      %swap3A_428 = arith.constant 16 : i32
      %swap3A_429 = arith.index_cast %swap3A_428 : i32 to index
      %swap3A_430 = arith.constant 992 : index
      %swap3A_431 = tpu.vector_load %arg6[%swap3A_429, %swap3A_430] {strides = array<i32>} : memref<17x4096xf32, #tpu.memory_space<vmem>>, vector<1x16xf32>,
      %swap3A_432 = vector.shape_cast %swap3A_431 : vector<1x16xf32> to vector<16xf32>
      %swap3A_433 = vector.shape_cast %broadcast_in_dim3A_56 : vector<16xf32> to vector<1x16xf32>
      tpu.vector_store %arg6[%swap3A_429, %swap3A_430], %swap3A_433 {strides = array<i32>} : memref<17x4096xf32, #tpu.memory_space<vmem>>, vector<1x16xf32>,
      %swap3A_434 = arith.constant 16 : i32
      %swap3A_435 = arith.index_cast %swap3A_434 : i32 to index
      %swap3A_436 = arith.constant 1008 : index
      %swap3A_437 = tpu.vector_load %arg6[%swap3A_435, %swap3A_436] {strides = array<i32>} : memref<17x4096xf32, #tpu.memory_space<vmem>>, vector<1x16xf32>,
      %swap3A_438 = vector.shape_cast %swap3A_437 : vector<1x16xf32> to vector<16xf32>
      %swap3A_439 = vector.shape_cast %broadcast_in_dim3A_56 : vector<16xf32> to vector<1x16xf32>
      tpu.vector_store %arg6[%swap3A_435, %swap3A_436], %swap3A_439 {strides = array<i32>} : memref<17x4096xf32, #tpu.memory_space<vmem>>, vector<1x16xf32>,
      %swap3A_440 = arith.constant 16 : i32
      %swap3A_441 = arith.index_cast %swap3A_440 : i32 to index
      %swap3A_442 = arith.constant 1024 : index
      %swap3A_443 = tpu.vector_load %arg6[%swap3A_441, %swap3A_442] {strides = array<i32>} : memref<17x4096xf32, #tpu.memory_space<vmem>>, vector<1x16xf32>,
      %swap3A_444 = vector.shape_cast %swap3A_443 : vector<1x16xf32> to vector<16xf32>
      %swap3A_445 = vector.shape_cast %broadcast_in_dim3A_56 : vector<16xf32> to vector<1x16xf32>
      tpu.vector_store %arg6[%swap3A_441, %swap3A_442], %swap3A_445 {strides = array<i32>} : memref<17x4096xf32, #tpu.memory_space<vmem>>, vector<1x16xf32>,
      %swap3A_446 = arith.constant 16 : i32
      %swap3A_447 = arith.index_cast %swap3A_446 : i32 to index
      %swap3A_448 = arith.constant 1040 : index
      %swap3A_449 = tpu.vector_load %arg6[%swap3A_447, %swap3A_448] {strides = array<i32>} : memref<17x4096xf32, #tpu.memory_space<vmem>>, vector<1x16xf32>,
      %swap3A_450 = vector.shape_cast %swap3A_449 : vector<1x16xf32> to vector<16xf32>
      %swap3A_451 = vector.shape_cast %broadcast_in_dim3A_56 : vector<16xf32> to vector<1x16xf32>
      tpu.vector_store %arg6[%swap3A_447, %swap3A_448], %swap3A_451 {strides = array<i32>} : memref<17x4096xf32, #tpu.memory_space<vmem>>, vector<1x16xf32>,
      %swap3A_452 = arith.constant 16 : i32
      %swap3A_453 = arith.index_cast %swap3A_452 : i32 to index
      %swap3A_454 = arith.constant 1056 : index
      %swap3A_455 = tpu.vector_load %arg6[%swap3A_453, %swap3A_454] {strides = array<i32>} : memref<17x4096xf32, #tpu.memory_space<vmem>>, vector<1x16xf32>,
      %swap3A_456 = vector.shape_cast %swap3A_455 : vector<1x16xf32> to vector<16xf32>
      %swap3A_457 = vector.shape_cast %broadcast_in_dim3A_56 : vector<16xf32> to vector<1x16xf32>
      tpu.vector_store %arg6[%swap3A_453, %swap3A_454], %swap3A_457 {strides = array<i32>} : memref<17x4096xf32, #tpu.memory_space<vmem>>, vector<1x16xf32>,
      %swap3A_458 = arith.constant 16 : i32
      %swap3A_459 = arith.index_cast %swap3A_458 : i32 to index
      %swap3A_460 = arith.constant 1072 : index
      %swap3A_461 = tpu.vector_load %arg6[%swap3A_459, %swap3A_460] {strides = array<i32>} : memref<17x4096xf32, #tpu.memory_space<vmem>>, vector<1x16xf32>,
      %swap3A_462 = vector.shape_cast %swap3A_461 : vector<1x16xf32> to vector<16xf32>
      %swap3A_463 = vector.shape_cast %broadcast_in_dim3A_56 : vector<16xf32> to vector<1x16xf32>
      tpu.vector_store %arg6[%swap3A_459, %swap3A_460], %swap3A_463 {strides = array<i32>} : memref<17x4096xf32, #tpu.memory_space<vmem>>, vector<1x16xf32>,
      %swap3A_464 = arith.constant 16 : i32
      %swap3A_465 = arith.index_cast %swap3A_464 : i32 to index
      %swap3A_466 = arith.constant 1088 : index
      %swap3A_467 = tpu.vector_load %arg6[%swap3A_465, %swap3A_466] {strides = array<i32>} : memref<17x4096xf32, #tpu.memory_space<vmem>>, vector<1x16xf32>,
      %swap3A_468 = vector.shape_cast %swap3A_467 : vector<1x16xf32> to vector<16xf32>
      %swap3A_469 = vector.shape_cast %broadcast_in_dim3A_56 : vector<16xf32> to vector<1x16xf32>
      tpu.vector_store %arg6[%swap3A_465, %swap3A_466], %swap3A_469 {strides = array<i32>} : memref<17x4096xf32, #tpu.memory_space<vmem>>, vector<1x16xf32>,
      %swap3A_470 = arith.constant 16 : i32
      %swap3A_471 = arith.index_cast %swap3A_470 : i32 to index
      %swap3A_472 = arith.constant 1104 : index
      %swap3A_473 = tpu.vector_load %arg6[%swap3A_471, %swap3A_472] {strides = array<i32>} : memref<17x4096xf32, #tpu.memory_space<vmem>>, vector<1x16xf32>,
      %swap3A_474 = vector.shape_cast %swap3A_473 : vector<1x16xf32> to vector<16xf32>
      %swap3A_475 = vector.shape_cast %broadcast_in_dim3A_56 : vector<16xf32> to vector<1x16xf32>
      tpu.vector_store %arg6[%swap3A_471, %swap3A_472], %swap3A_475 {strides = array<i32>} : memref<17x4096xf32, #tpu.memory_space<vmem>>, vector<1x16xf32>,
      %swap3A_476 = arith.constant 16 : i32
      %swap3A_477 = arith.index_cast %swap3A_476 : i32 to index
      %swap3A_478 = arith.constant 1120 : index
      %swap3A_479 = tpu.vector_load %arg6[%swap3A_477, %swap3A_478] {strides = array<i32>} : memref<17x4096xf32, #tpu.memory_space<vmem>>, vector<1x16xf32>,
      %swap3A_480 = vector.shape_cast %swap3A_479 : vector<1x16xf32> to vector<16xf32>
      %swap3A_481 = vector.shape_cast %broadcast_in_dim3A_56 : vector<16xf32> to vector<1x16xf32>
      tpu.vector_store %arg6[%swap3A_477, %swap3A_478], %swap3A_481 {strides = array<i32>} : memref<17x4096xf32, #tpu.memory_space<vmem>>, vector<1x16xf32>,
      %swap3A_482 = arith.constant 16 : i32
      %swap3A_483 = arith.index_cast %swap3A_482 : i32 to index
      %swap3A_484 = arith.constant 1136 : index
      %swap3A_485 = tpu.vector_load %arg6[%swap3A_483, %swap3A_484] {strides = array<i32>} : memref<17x4096xf32, #tpu.memory_space<vmem>>, vector<1x16xf32>,
      %swap3A_486 = vector.shape_cast %swap3A_485 : vector<1x16xf32> to vector<16xf32>
      %swap3A_487 = vector.shape_cast %broadcast_in_dim3A_56 : vector<16xf32> to vector<1x16xf32>
      tpu.vector_store %arg6[%swap3A_483, %swap3A_484], %swap3A_487 {strides = array<i32>} : memref<17x4096xf32, #tpu.memory_space<vmem>>, vector<1x16xf32>,
      %swap3A_488 = arith.constant 16 : i32
      %swap3A_489 = arith.index_cast %swap3A_488 : i32 to index
      %swap3A_490 = arith.constant 1152 : index
      %swap3A_491 = tpu.vector_load %arg6[%swap3A_489, %swap3A_490] {strides = array<i32>} : memref<17x4096xf32, #tpu.memory_space<vmem>>, vector<1x16xf32>,
      %swap3A_492 = vector.shape_cast %swap3A_491 : vector<1x16xf32> to vector<16xf32>
      %swap3A_493 = vector.shape_cast %broadcast_in_dim3A_56 : vector<16xf32> to vector<1x16xf32>
      tpu.vector_store %arg6[%swap3A_489, %swap3A_490], %swap3A_493 {strides = array<i32>} : memref<17x4096xf32, #tpu.memory_space<vmem>>, vector<1x16xf32>,
      %swap3A_494 = arith.constant 16 : i32
      %swap3A_495 = arith.index_cast %swap3A_494 : i32 to index
      %swap3A_496 = arith.constant 1168 : index
      %swap3A_497 = tpu.vector_load %arg6[%swap3A_495, %swap3A_496] {strides = array<i32>} : memref<17x4096xf32, #tpu.memory_space<vmem>>, vector<1x16xf32>,
      %swap3A_498 = vector.shape_cast %swap3A_497 : vector<1x16xf32> to vector<16xf32>
      %swap3A_499 = vector.shape_cast %broadcast_in_dim3A_56 : vector<16xf32> to vector<1x16xf32>
      tpu.vector_store %arg6[%swap3A_495, %swap3A_496], %swap3A_499 {strides = array<i32>} : memref<17x4096xf32, #tpu.memory_space<vmem>>, vector<1x16xf32>,
      %swap3A_500 = arith.constant 16 : i32
      %swap3A_501 = arith.index_cast %swap3A_500 : i32 to index
      %swap3A_502 = arith.constant 1184 : index
      %swap3A_503 = tpu.vector_load %arg6[%swap3A_501, %swap3A_502] {strides = array<i32>} : memref<17x4096xf32, #tpu.memory_space<vmem>>, vector<1x16xf32>,
      %swap3A_504 = vector.shape_cast %swap3A_503 : vector<1x16xf32> to vector<16xf32>
      %swap3A_505 = vector.shape_cast %broadcast_in_dim3A_56 : vector<16xf32> to vector<1x16xf32>
      tpu.vector_store %arg6[%swap3A_501, %swap3A_502], %swap3A_505 {strides = array<i32>} : memref<17x4096xf32, #tpu.memory_space<vmem>>, vector<1x16xf32>,
      %swap3A_506 = arith.constant 16 : i32
      %swap3A_507 = arith.index_cast %swap3A_506 : i32 to index
      %swap3A_508 = arith.constant 1200 : index
      %swap3A_509 = tpu.vector_load %arg6[%swap3A_507, %swap3A_508] {strides = array<i32>} : memref<17x4096xf32, #tpu.memory_space<vmem>>, vector<1x16xf32>,
      %swap3A_510 = vector.shape_cast %swap3A_509 : vector<1x16xf32> to vector<16xf32>
      %swap3A_511 = vector.shape_cast %broadcast_in_dim3A_56 : vector<16xf32> to vector<1x16xf32>
      tpu.vector_store %arg6[%swap3A_507, %swap3A_508], %swap3A_511 {strides = array<i32>} : memref<17x4096xf32, #tpu.memory_space<vmem>>, vector<1x16xf32>,
      %swap3A_512 = arith.constant 16 : i32
      %swap3A_513 = arith.index_cast %swap3A_512 : i32 to index
      %swap3A_514 = arith.constant 1216 : index
      %swap3A_515 = tpu.vector_load %arg6[%swap3A_513, %swap3A_514] {strides = array<i32>} : memref<17x4096xf32, #tpu.memory_space<vmem>>, vector<1x16xf32>,
      %swap3A_516 = vector.shape_cast %swap3A_515 : vector<1x16xf32> to vector<16xf32>
      %swap3A_517 = vector.shape_cast %broadcast_in_dim3A_56 : vector<16xf32> to vector<1x16xf32>
      tpu.vector_store %arg6[%swap3A_513, %swap3A_514], %swap3A_517 {strides = array<i32>} : memref<17x4096xf32, #tpu.memory_space<vmem>>, vector<1x16xf32>,
      %swap3A_518 = arith.constant 16 : i32
      %swap3A_519 = arith.index_cast %swap3A_518 : i32 to index
      %swap3A_520 = arith.constant 1232 : index
      %swap3A_521 = tpu.vector_load %arg6[%swap3A_519, %swap3A_520] {strides = array<i32>} : memref<17x4096xf32, #tpu.memory_space<vmem>>, vector<1x16xf32>,
      %swap3A_522 = vector.shape_cast %swap3A_521 : vector<1x16xf32> to vector<16xf32>
      %swap3A_523 = vector.shape_cast %broadcast_in_dim3A_56 : vector<16xf32> to vector<1x16xf32>
      tpu.vector_store %arg6[%swap3A_519, %swap3A_520], %swap3A_523 {strides = array<i32>} : memref<17x4096xf32, #tpu.memory_space<vmem>>, vector<1x16xf32>,
      %swap3A_524 = arith.constant 16 : i32
      %swap3A_525 = arith.index_cast %swap3A_524 : i32 to index
      %swap3A_526 = arith.constant 1248 : index
      %swap3A_527 = tpu.vector_load %arg6[%swap3A_525, %swap3A_526] {strides = array<i32>} : memref<17x4096xf32, #tpu.memory_space<vmem>>, vector<1x16xf32>,
      %swap3A_528 = vector.shape_cast %swap3A_527 : vector<1x16xf32> to vector<16xf32>
      %swap3A_529 = vector.shape_cast %broadcast_in_dim3A_56 : vector<16xf32> to vector<1x16xf32>
      tpu.vector_store %arg6[%swap3A_525, %swap3A_526], %swap3A_529 {strides = array<i32>} : memref<17x4096xf32, #tpu.memory_space<vmem>>, vector<1x16xf32>,
      %swap3A_530 = arith.constant 16 : i32
      %swap3A_531 = arith.index_cast %swap3A_530 : i32 to index
      %swap3A_532 = arith.constant 1264 : index
      %swap3A_533 = tpu.vector_load %arg6[%swap3A_531, %swap3A_532] {strides = array<i32>} : memref<17x4096xf32, #tpu.memory_space<vmem>>, vector<1x16xf32>,
      %swap3A_534 = vector.shape_cast %swap3A_533 : vector<1x16xf32> to vector<16xf32>
      %swap3A_535 = vector.shape_cast %broadcast_in_dim3A_56 : vector<16xf32> to vector<1x16xf32>
      tpu.vector_store %arg6[%swap3A_531, %swap3A_532], %swap3A_535 {strides = array<i32>} : memref<17x4096xf32, #tpu.memory_space<vmem>>, vector<1x16xf32>,
      %swap3A_536 = arith.constant 16 : i32
      %swap3A_537 = arith.index_cast %swap3A_536 : i32 to index
      %swap3A_538 = arith.constant 1280 : index
      %swap3A_539 = tpu.vector_load %arg6[%swap3A_537, %swap3A_538] {strides = array<i32>} : memref<17x4096xf32, #tpu.memory_space<vmem>>, vector<1x16xf32>,
      %swap3A_540 = vector.shape_cast %swap3A_539 : vector<1x16xf32> to vector<16xf32>
      %swap3A_541 = vector.shape_cast %broadcast_in_dim3A_56 : vector<16xf32> to vector<1x16xf32>
      tpu.vector_store %arg6[%swap3A_537, %swap3A_538], %swap3A_541 {strides = array<i32>} : memref<17x4096xf32, #tpu.memory_space<vmem>>, vector<1x16xf32>,
      %swap3A_542 = arith.constant 16 : i32
      %swap3A_543 = arith.index_cast %swap3A_542 : i32 to index
      %swap3A_544 = arith.constant 1296 : index
      %swap3A_545 = tpu.vector_load %arg6[%swap3A_543, %swap3A_544] {strides = array<i32>} : memref<17x4096xf32, #tpu.memory_space<vmem>>, vector<1x16xf32>,
      %swap3A_546 = vector.shape_cast %swap3A_545 : vector<1x16xf32> to vector<16xf32>
      %swap3A_547 = vector.shape_cast %broadcast_in_dim3A_56 : vector<16xf32> to vector<1x16xf32>
      tpu.vector_store %arg6[%swap3A_543, %swap3A_544], %swap3A_547 {strides = array<i32>} : memref<17x4096xf32, #tpu.memory_space<vmem>>, vector<1x16xf32>,
      %swap3A_548 = arith.constant 16 : i32
      %swap3A_549 = arith.index_cast %swap3A_548 : i32 to index
      %swap3A_550 = arith.constant 1312 : index
      %swap3A_551 = tpu.vector_load %arg6[%swap3A_549, %swap3A_550] {strides = array<i32>} : memref<17x4096xf32, #tpu.memory_space<vmem>>, vector<1x16xf32>,
      %swap3A_552 = vector.shape_cast %swap3A_551 : vector<1x16xf32> to vector<16xf32>
      %swap3A_553 = vector.shape_cast %broadcast_in_dim3A_56 : vector<16xf32> to vector<1x16xf32>
      tpu.vector_store %arg6[%swap3A_549, %swap3A_550], %swap3A_553 {strides = array<i32>} : memref<17x4096xf32, #tpu.memory_space<vmem>>, vector<1x16xf32>,
      %swap3A_554 = arith.constant 16 : i32
      %swap3A_555 = arith.index_cast %swap3A_554 : i32 to index
      %swap3A_556 = arith.constant 1328 : index
      %swap3A_557 = tpu.vector_load %arg6[%swap3A_555, %swap3A_556] {strides = array<i32>} : memref<17x4096xf32, #tpu.memory_space<vmem>>, vector<1x16xf32>,
      %swap3A_558 = vector.shape_cast %swap3A_557 : vector<1x16xf32> to vector<16xf32>
      %swap3A_559 = vector.shape_cast %broadcast_in_dim3A_56 : vector<16xf32> to vector<1x16xf32>
      tpu.vector_store %arg6[%swap3A_555, %swap3A_556], %swap3A_559 {strides = array<i32>} : memref<17x4096xf32, #tpu.memory_space<vmem>>, vector<1x16xf32>,
      %swap3A_560 = arith.constant 16 : i32
      %swap3A_561 = arith.index_cast %swap3A_560 : i32 to index
      %swap3A_562 = arith.constant 1344 : index
      %swap3A_563 = tpu.vector_load %arg6[%swap3A_561, %swap3A_562] {strides = array<i32>} : memref<17x4096xf32, #tpu.memory_space<vmem>>, vector<1x16xf32>,
      %swap3A_564 = vector.shape_cast %swap3A_563 : vector<1x16xf32> to vector<16xf32>
      %swap3A_565 = vector.shape_cast %broadcast_in_dim3A_56 : vector<16xf32> to vector<1x16xf32>
      tpu.vector_store %arg6[%swap3A_561, %swap3A_562], %swap3A_565 {strides = array<i32>} : memref<17x4096xf32, #tpu.memory_space<vmem>>, vector<1x16xf32>,
      %swap3A_566 = arith.constant 16 : i32
      %swap3A_567 = arith.index_cast %swap3A_566 : i32 to index
      %swap3A_568 = arith.constant 1360 : index
      %swap3A_569 = tpu.vector_load %arg6[%swap3A_567, %swap3A_568] {strides = array<i32>} : memref<17x4096xf32, #tpu.memory_space<vmem>>, vector<1x16xf32>,
      %swap3A_570 = vector.shape_cast %swap3A_569 : vector<1x16xf32> to vector<16xf32>
      %swap3A_571 = vector.shape_cast %broadcast_in_dim3A_56 : vector<16xf32> to vector<1x16xf32>
      tpu.vector_store %arg6[%swap3A_567, %swap3A_568], %swap3A_571 {strides = array<i32>} : memref<17x4096xf32, #tpu.memory_space<vmem>>, vector<1x16xf32>,
      %swap3A_572 = arith.constant 16 : i32
      %swap3A_573 = arith.index_cast %swap3A_572 : i32 to index
      %swap3A_574 = arith.constant 1376 : index
      %swap3A_575 = tpu.vector_load %arg6[%swap3A_573, %swap3A_574] {strides = array<i32>} : memref<17x4096xf32, #tpu.memory_space<vmem>>, vector<1x16xf32>,
      %swap3A_576 = vector.shape_cast %swap3A_575 : vector<1x16xf32> to vector<16xf32>
      %swap3A_577 = vector.shape_cast %broadcast_in_dim3A_56 : vector<16xf32> to vector<1x16xf32>
      tpu.vector_store %arg6[%swap3A_573, %swap3A_574], %swap3A_577 {strides = array<i32>} : memref<17x4096xf32, #tpu.memory_space<vmem>>, vector<1x16xf32>,
      %swap3A_578 = arith.constant 16 : i32
      %swap3A_579 = arith.index_cast %swap3A_578 : i32 to index
      %swap3A_580 = arith.constant 1392 : index
      %swap3A_581 = tpu.vector_load %arg6[%swap3A_579, %swap3A_580] {strides = array<i32>} : memref<17x4096xf32, #tpu.memory_space<vmem>>, vector<1x16xf32>,
      %swap3A_582 = vector.shape_cast %swap3A_581 : vector<1x16xf32> to vector<16xf32>
      %swap3A_583 = vector.shape_cast %broadcast_in_dim3A_56 : vector<16xf32> to vector<1x16xf32>
      tpu.vector_store %arg6[%swap3A_579, %swap3A_580], %swap3A_583 {strides = array<i32>} : memref<17x4096xf32, #tpu.memory_space<vmem>>, vector<1x16xf32>,
      %swap3A_584 = arith.constant 16 : i32
      %swap3A_585 = arith.index_cast %swap3A_584 : i32 to index
      %swap3A_586 = arith.constant 1408 : index
      %swap3A_587 = tpu.vector_load %arg6[%swap3A_585, %swap3A_586] {strides = array<i32>} : memref<17x4096xf32, #tpu.memory_space<vmem>>, vector<1x16xf32>,
      %swap3A_588 = vector.shape_cast %swap3A_587 : vector<1x16xf32> to vector<16xf32>
      %swap3A_589 = vector.shape_cast %broadcast_in_dim3A_56 : vector<16xf32> to vector<1x16xf32>
      tpu.vector_store %arg6[%swap3A_585, %swap3A_586], %swap3A_589 {strides = array<i32>} : memref<17x4096xf32, #tpu.memory_space<vmem>>, vector<1x16xf32>,
      %swap3A_590 = arith.constant 16 : i32
      %swap3A_591 = arith.index_cast %swap3A_590 : i32 to index
      %swap3A_592 = arith.constant 1424 : index
      %swap3A_593 = tpu.vector_load %arg6[%swap3A_591, %swap3A_592] {strides = array<i32>} : memref<17x4096xf32, #tpu.memory_space<vmem>>, vector<1x16xf32>,
      %swap3A_594 = vector.shape_cast %swap3A_593 : vector<1x16xf32> to vector<16xf32>
      %swap3A_595 = vector.shape_cast %broadcast_in_dim3A_56 : vector<16xf32> to vector<1x16xf32>
      tpu.vector_store %arg6[%swap3A_591, %swap3A_592], %swap3A_595 {strides = array<i32>} : memref<17x4096xf32, #tpu.memory_space<vmem>>, vector<1x16xf32>,
      %swap3A_596 = arith.constant 16 : i32
      %swap3A_597 = arith.index_cast %swap3A_596 : i32 to index
      %swap3A_598 = arith.constant 1440 : index
      %swap3A_599 = tpu.vector_load %arg6[%swap3A_597, %swap3A_598] {strides = array<i32>} : memref<17x4096xf32, #tpu.memory_space<vmem>>, vector<1x16xf32>,
      %swap3A_600 = vector.shape_cast %swap3A_599 : vector<1x16xf32> to vector<16xf32>
      %swap3A_601 = vector.shape_cast %broadcast_in_dim3A_56 : vector<16xf32> to vector<1x16xf32>
      tpu.vector_store %arg6[%swap3A_597, %swap3A_598], %swap3A_601 {strides = array<i32>} : memref<17x4096xf32, #tpu.memory_space<vmem>>, vector<1x16xf32>,
      %swap3A_602 = arith.constant 16 : i32
      %swap3A_603 = arith.index_cast %swap3A_602 : i32 to index
      %swap3A_604 = arith.constant 1456 : index
      %swap3A_605 = tpu.vector_load %arg6[%swap3A_603, %swap3A_604] {strides = array<i32>} : memref<17x4096xf32, #tpu.memory_space<vmem>>, vector<1x16xf32>,
      %swap3A_606 = vector.shape_cast %swap3A_605 : vector<1x16xf32> to vector<16xf32>
      %swap3A_607 = vector.shape_cast %broadcast_in_dim3A_56 : vector<16xf32> to vector<1x16xf32>
      tpu.vector_store %arg6[%swap3A_603, %swap3A_604], %swap3A_607 {strides = array<i32>} : memref<17x4096xf32, #tpu.memory_space<vmem>>, vector<1x16xf32>,
      %swap3A_608 = arith.constant 16 : i32
      %swap3A_609 = arith.index_cast %swap3A_608 : i32 to index
      %swap3A_610 = arith.constant 1472 : index
      %swap3A_611 = tpu.vector_load %arg6[%swap3A_609, %swap3A_610] {strides = array<i32>} : memref<17x4096xf32, #tpu.memory_space<vmem>>, vector<1x16xf32>,
      %swap3A_612 = vector.shape_cast %swap3A_611 : vector<1x16xf32> to vector<16xf32>
      %swap3A_613 = vector.shape_cast %broadcast_in_dim3A_56 : vector<16xf32> to vector<1x16xf32>
      tpu.vector_store %arg6[%swap3A_609, %swap3A_610], %swap3A_613 {strides = array<i32>} : memref<17x4096xf32, #tpu.memory_space<vmem>>, vector<1x16xf32>,
      %swap3A_614 = arith.constant 16 : i32
      %swap3A_615 = arith.index_cast %swap3A_614 : i32 to index
      %swap3A_616 = arith.constant 1488 : index
      %swap3A_617 = tpu.vector_load %arg6[%swap3A_615, %swap3A_616] {strides = array<i32>} : memref<17x4096xf32, #tpu.memory_space<vmem>>, vector<1x16xf32>,
      %swap3A_618 = vector.shape_cast %swap3A_617 : vector<1x16xf32> to vector<16xf32>
      %swap3A_619 = vector.shape_cast %broadcast_in_dim3A_56 : vector<16xf32> to vector<1x16xf32>
      tpu.vector_store %arg6[%swap3A_615, %swap3A_616], %swap3A_619 {strides = array<i32>} : memref<17x4096xf32, #tpu.memory_space<vmem>>, vector<1x16xf32>,
      %swap3A_620 = arith.constant 16 : i32
      %swap3A_621 = arith.index_cast %swap3A_620 : i32 to index
      %swap3A_622 = arith.constant 1504 : index
      %swap3A_623 = tpu.vector_load %arg6[%swap3A_621, %swap3A_622] {strides = array<i32>} : memref<17x4096xf32, #tpu.memory_space<vmem>>, vector<1x16xf32>,
      %swap3A_624 = vector.shape_cast %swap3A_623 : vector<1x16xf32> to vector<16xf32>
      %swap3A_625 = vector.shape_cast %broadcast_in_dim3A_56 : vector<16xf32> to vector<1x16xf32>
      tpu.vector_store %arg6[%swap3A_621, %swap3A_622], %swap3A_625 {strides = array<i32>} : memref<17x4096xf32, #tpu.memory_space<vmem>>, vector<1x16xf32>,
      %swap3A_626 = arith.constant 16 : i32
      %swap3A_627 = arith.index_cast %swap3A_626 : i32 to index
      %swap3A_628 = arith.constant 1520 : index
      %swap3A_629 = tpu.vector_load %arg6[%swap3A_627, %swap3A_628] {strides = array<i32>} : memref<17x4096xf32, #tpu.memory_space<vmem>>, vector<1x16xf32>,
      %swap3A_630 = vector.shape_cast %swap3A_629 : vector<1x16xf32> to vector<16xf32>
      %swap3A_631 = vector.shape_cast %broadcast_in_dim3A_56 : vector<16xf32> to vector<1x16xf32>
      tpu.vector_store %arg6[%swap3A_627, %swap3A_628], %swap3A_631 {strides = array<i32>} : memref<17x4096xf32, #tpu.memory_space<vmem>>, vector<1x16xf32>,
      %swap3A_632 = arith.constant 16 : i32
      %swap3A_633 = arith.index_cast %swap3A_632 : i32 to index
      %swap3A_634 = arith.constant 1536 : index
      %swap3A_635 = tpu.vector_load %arg6[%swap3A_633, %swap3A_634] {strides = array<i32>} : memref<17x4096xf32, #tpu.memory_space<vmem>>, vector<1x16xf32>,
      %swap3A_636 = vector.shape_cast %swap3A_635 : vector<1x16xf32> to vector<16xf32>
      %swap3A_637 = vector.shape_cast %broadcast_in_dim3A_56 : vector<16xf32> to vector<1x16xf32>
      tpu.vector_store %arg6[%swap3A_633, %swap3A_634], %swap3A_637 {strides = array<i32>} : memref<17x4096xf32, #tpu.memory_space<vmem>>, vector<1x16xf32>,
      %swap3A_638 = arith.constant 16 : i32
      %swap3A_639 = arith.index_cast %swap3A_638 : i32 to index
      %swap3A_640 = arith.constant 1552 : index
      %swap3A_641 = tpu.vector_load %arg6[%swap3A_639, %swap3A_640] {strides = array<i32>} : memref<17x4096xf32, #tpu.memory_space<vmem>>, vector<1x16xf32>,
      %swap3A_642 = vector.shape_cast %swap3A_641 : vector<1x16xf32> to vector<16xf32>
      %swap3A_643 = vector.shape_cast %broadcast_in_dim3A_56 : vector<16xf32> to vector<1x16xf32>
      tpu.vector_store %arg6[%swap3A_639, %swap3A_640], %swap3A_643 {strides = array<i32>} : memref<17x4096xf32, #tpu.memory_space<vmem>>, vector<1x16xf32>,
      %swap3A_644 = arith.constant 16 : i32
      %swap3A_645 = arith.index_cast %swap3A_644 : i32 to index
      %swap3A_646 = arith.constant 1568 : index
      %swap3A_647 = tpu.vector_load %arg6[%swap3A_645, %swap3A_646] {strides = array<i32>} : memref<17x4096xf32, #tpu.memory_space<vmem>>, vector<1x16xf32>,
      %swap3A_648 = vector.shape_cast %swap3A_647 : vector<1x16xf32> to vector<16xf32>
      %swap3A_649 = vector.shape_cast %broadcast_in_dim3A_56 : vector<16xf32> to vector<1x16xf32>
      tpu.vector_store %arg6[%swap3A_645, %swap3A_646], %swap3A_649 {strides = array<i32>} : memref<17x4096xf32, #tpu.memory_space<vmem>>, vector<1x16xf32>,
      %swap3A_650 = arith.constant 16 : i32
      %swap3A_651 = arith.index_cast %swap3A_650 : i32 to index
      %swap3A_652 = arith.constant 1584 : index
      %swap3A_653 = tpu.vector_load %arg6[%swap3A_651, %swap3A_652] {strides = array<i32>} : memref<17x4096xf32, #tpu.memory_space<vmem>>, vector<1x16xf32>,
      %swap3A_654 = vector.shape_cast %swap3A_653 : vector<1x16xf32> to vector<16xf32>
      %swap3A_655 = vector.shape_cast %broadcast_in_dim3A_56 : vector<16xf32> to vector<1x16xf32>
      tpu.vector_store %arg6[%swap3A_651, %swap3A_652], %swap3A_655 {strides = array<i32>} : memref<17x4096xf32, #tpu.memory_space<vmem>>, vector<1x16xf32>,
      %swap3A_656 = arith.constant 16 : i32
      %swap3A_657 = arith.index_cast %swap3A_656 : i32 to index
      %swap3A_658 = arith.constant 1600 : index
      %swap3A_659 = tpu.vector_load %arg6[%swap3A_657, %swap3A_658] {strides = array<i32>} : memref<17x4096xf32, #tpu.memory_space<vmem>>, vector<1x16xf32>,
      %swap3A_660 = vector.shape_cast %swap3A_659 : vector<1x16xf32> to vector<16xf32>
      %swap3A_661 = vector.shape_cast %broadcast_in_dim3A_56 : vector<16xf32> to vector<1x16xf32>
      tpu.vector_store %arg6[%swap3A_657, %swap3A_658], %swap3A_661 {strides = array<i32>} : memref<17x4096xf32, #tpu.memory_space<vmem>>, vector<1x16xf32>,
      %swap3A_662 = arith.constant 16 : i32
      %swap3A_663 = arith.index_cast %swap3A_662 : i32 to index
      %swap3A_664 = arith.constant 1616 : index
      %swap3A_665 = tpu.vector_load %arg6[%swap3A_663, %swap3A_664] {strides = array<i32>} : memref<17x4096xf32, #tpu.memory_space<vmem>>, vector<1x16xf32>,
      %swap3A_666 = vector.shape_cast %swap3A_665 : vector<1x16xf32> to vector<16xf32>
      %swap3A_667 = vector.shape_cast %broadcast_in_dim3A_56 : vector<16xf32> to vector<1x16xf32>
      tpu.vector_store %arg6[%swap3A_663, %swap3A_664], %swap3A_667 {strides = array<i32>} : memref<17x4096xf32, #tpu.memory_space<vmem>>, vector<1x16xf32>,
      %swap3A_668 = arith.constant 16 : i32
      %swap3A_669 = arith.index_cast %swap3A_668 : i32 to index
      %swap3A_670 = arith.constant 1632 : index
      %swap3A_671 = tpu.vector_load %arg6[%swap3A_669, %swap3A_670] {strides = array<i32>} : memref<17x4096xf32, #tpu.memory_space<vmem>>, vector<1x16xf32>,
      %swap3A_672 = vector.shape_cast %swap3A_671 : vector<1x16xf32> to vector<16xf32>
      %swap3A_673 = vector.shape_cast %broadcast_in_dim3A_56 : vector<16xf32> to vector<1x16xf32>
      tpu.vector_store %arg6[%swap3A_669, %swap3A_670], %swap3A_673 {strides = array<i32>} : memref<17x4096xf32, #tpu.memory_space<vmem>>, vector<1x16xf32>,
      %swap3A_674 = arith.constant 16 : i32
      %swap3A_675 = arith.index_cast %swap3A_674 : i32 to index
      %swap3A_676 = arith.constant 1648 : index
      %swap3A_677 = tpu.vector_load %arg6[%swap3A_675, %swap3A_676] {strides = array<i32>} : memref<17x4096xf32, #tpu.memory_space<vmem>>, vector<1x16xf32>,
      %swap3A_678 = vector.shape_cast %swap3A_677 : vector<1x16xf32> to vector<16xf32>
      %swap3A_679 = vector.shape_cast %broadcast_in_dim3A_56 : vector<16xf32> to vector<1x16xf32>
      tpu.vector_store %arg6[%swap3A_675, %swap3A_676], %swap3A_679 {strides = array<i32>} : memref<17x4096xf32, #tpu.memory_space<vmem>>, vector<1x16xf32>,
      %swap3A_680 = arith.constant 16 : i32
      %swap3A_681 = arith.index_cast %swap3A_680 : i32 to index
      %swap3A_682 = arith.constant 1664 : index
      %swap3A_683 = tpu.vector_load %arg6[%swap3A_681, %swap3A_682] {strides = array<i32>} : memref<17x4096xf32, #tpu.memory_space<vmem>>, vector<1x16xf32>,
      %swap3A_684 = vector.shape_cast %swap3A_683 : vector<1x16xf32> to vector<16xf32>
      %swap3A_685 = vector.shape_cast %broadcast_in_dim3A_56 : vector<16xf32> to vector<1x16xf32>
      tpu.vector_store %arg6[%swap3A_681, %swap3A_682], %swap3A_685 {strides = array<i32>} : memref<17x4096xf32, #tpu.memory_space<vmem>>, vector<1x16xf32>,
      %swap3A_686 = arith.constant 16 : i32
      %swap3A_687 = arith.index_cast %swap3A_686 : i32 to index
      %swap3A_688 = arith.constant 1680 : index
      %swap3A_689 = tpu.vector_load %arg6[%swap3A_687, %swap3A_688] {strides = array<i32>} : memref<17x4096xf32, #tpu.memory_space<vmem>>, vector<1x16xf32>,
      %swap3A_690 = vector.shape_cast %swap3A_689 : vector<1x16xf32> to vector<16xf32>
      %swap3A_691 = vector.shape_cast %broadcast_in_dim3A_56 : vector<16xf32> to vector<1x16xf32>
      tpu.vector_store %arg6[%swap3A_687, %swap3A_688], %swap3A_691 {strides = array<i32>} : memref<17x4096xf32, #tpu.memory_space<vmem>>, vector<1x16xf32>,
      %swap3A_692 = arith.constant 16 : i32
      %swap3A_693 = arith.index_cast %swap3A_692 : i32 to index
      %swap3A_694 = arith.constant 1696 : index
      %swap3A_695 = tpu.vector_load %arg6[%swap3A_693, %swap3A_694] {strides = array<i32>} : memref<17x4096xf32, #tpu.memory_space<vmem>>, vector<1x16xf32>,
      %swap3A_696 = vector.shape_cast %swap3A_695 : vector<1x16xf32> to vector<16xf32>
      %swap3A_697 = vector.shape_cast %broadcast_in_dim3A_56 : vector<16xf32> to vector<1x16xf32>
      tpu.vector_store %arg6[%swap3A_693, %swap3A_694], %swap3A_697 {strides = array<i32>} : memref<17x4096xf32, #tpu.memory_space<vmem>>, vector<1x16xf32>,
      %swap3A_698 = arith.constant 16 : i32
      %swap3A_699 = arith.index_cast %swap3A_698 : i32 to index
      %swap3A_700 = arith.constant 1712 : index
      %swap3A_701 = tpu.vector_load %arg6[%swap3A_699, %swap3A_700] {strides = array<i32>} : memref<17x4096xf32, #tpu.memory_space<vmem>>, vector<1x16xf32>,
      %swap3A_702 = vector.shape_cast %swap3A_701 : vector<1x16xf32> to vector<16xf32>
      %swap3A_703 = vector.shape_cast %broadcast_in_dim3A_56 : vector<16xf32> to vector<1x16xf32>
      tpu.vector_store %arg6[%swap3A_699, %swap3A_700], %swap3A_703 {strides = array<i32>} : memref<17x4096xf32, #tpu.memory_space<vmem>>, vector<1x16xf32>,
      %swap3A_704 = arith.constant 16 : i32
      %swap3A_705 = arith.index_cast %swap3A_704 : i32 to index
      %swap3A_706 = arith.constant 1728 : index
      %swap3A_707 = tpu.vector_load %arg6[%swap3A_705, %swap3A_706] {strides = array<i32>} : memref<17x4096xf32, #tpu.memory_space<vmem>>, vector<1x16xf32>,
      %swap3A_708 = vector.shape_cast %swap3A_707 : vector<1x16xf32> to vector<16xf32>
      %swap3A_709 = vector.shape_cast %broadcast_in_dim3A_56 : vector<16xf32> to vector<1x16xf32>
      tpu.vector_store %arg6[%swap3A_705, %swap3A_706], %swap3A_709 {strides = array<i32>} : memref<17x4096xf32, #tpu.memory_space<vmem>>, vector<1x16xf32>,
      %swap3A_710 = arith.constant 16 : i32
      %swap3A_711 = arith.index_cast %swap3A_710 : i32 to index
      %swap3A_712 = arith.constant 1744 : index
      %swap3A_713 = tpu.vector_load %arg6[%swap3A_711, %swap3A_712] {strides = array<i32>} : memref<17x4096xf32, #tpu.memory_space<vmem>>, vector<1x16xf32>,
      %swap3A_714 = vector.shape_cast %swap3A_713 : vector<1x16xf32> to vector<16xf32>
      %swap3A_715 = vector.shape_cast %broadcast_in_dim3A_56 : vector<16xf32> to vector<1x16xf32>
      tpu.vector_store %arg6[%swap3A_711, %swap3A_712], %swap3A_715 {strides = array<i32>} : memref<17x4096xf32, #tpu.memory_space<vmem>>, vector<1x16xf32>,
      %swap3A_716 = arith.constant 16 : i32
      %swap3A_717 = arith.index_cast %swap3A_716 : i32 to index
      %swap3A_718 = arith.constant 1760 : index
      %swap3A_719 = tpu.vector_load %arg6[%swap3A_717, %swap3A_718] {strides = array<i32>} : memref<17x4096xf32, #tpu.memory_space<vmem>>, vector<1x16xf32>,
      %swap3A_720 = vector.shape_cast %swap3A_719 : vector<1x16xf32> to vector<16xf32>
      %swap3A_721 = vector.shape_cast %broadcast_in_dim3A_56 : vector<16xf32> to vector<1x16xf32>
      tpu.vector_store %arg6[%swap3A_717, %swap3A_718], %swap3A_721 {strides = array<i32>} : memref<17x4096xf32, #tpu.memory_space<vmem>>, vector<1x16xf32>,
      %swap3A_722 = arith.constant 16 : i32
      %swap3A_723 = arith.index_cast %swap3A_722 : i32 to index
      %swap3A_724 = arith.constant 1776 : index
      %swap3A_725 = tpu.vector_load %arg6[%swap3A_723, %swap3A_724] {strides = array<i32>} : memref<17x4096xf32, #tpu.memory_space<vmem>>, vector<1x16xf32>,
      %swap3A_726 = vector.shape_cast %swap3A_725 : vector<1x16xf32> to vector<16xf32>
      %swap3A_727 = vector.shape_cast %broadcast_in_dim3A_56 : vector<16xf32> to vector<1x16xf32>
      tpu.vector_store %arg6[%swap3A_723, %swap3A_724], %swap3A_727 {strides = array<i32>} : memref<17x4096xf32, #tpu.memory_space<vmem>>, vector<1x16xf32>,
      %swap3A_728 = arith.constant 16 : i32
      %swap3A_729 = arith.index_cast %swap3A_728 : i32 to index
      %swap3A_730 = arith.constant 1792 : index
      %swap3A_731 = tpu.vector_load %arg6[%swap3A_729, %swap3A_730] {strides = array<i32>} : memref<17x4096xf32, #tpu.memory_space<vmem>>, vector<1x16xf32>,
      %swap3A_732 = vector.shape_cast %swap3A_731 : vector<1x16xf32> to vector<16xf32>
      %swap3A_733 = vector.shape_cast %broadcast_in_dim3A_56 : vector<16xf32> to vector<1x16xf32>
      tpu.vector_store %arg6[%swap3A_729, %swap3A_730], %swap3A_733 {strides = array<i32>} : memref<17x4096xf32, #tpu.memory_space<vmem>>, vector<1x16xf32>,
      %swap3A_734 = arith.constant 16 : i32
      %swap3A_735 = arith.index_cast %swap3A_734 : i32 to index
      %swap3A_736 = arith.constant 1808 : index
      %swap3A_737 = tpu.vector_load %arg6[%swap3A_735, %swap3A_736] {strides = array<i32>} : memref<17x4096xf32, #tpu.memory_space<vmem>>, vector<1x16xf32>,
      %swap3A_738 = vector.shape_cast %swap3A_737 : vector<1x16xf32> to vector<16xf32>
      %swap3A_739 = vector.shape_cast %broadcast_in_dim3A_56 : vector<16xf32> to vector<1x16xf32>
      tpu.vector_store %arg6[%swap3A_735, %swap3A_736], %swap3A_739 {strides = array<i32>} : memref<17x4096xf32, #tpu.memory_space<vmem>>, vector<1x16xf32>,
      %swap3A_740 = arith.constant 16 : i32
      %swap3A_741 = arith.index_cast %swap3A_740 : i32 to index
      %swap3A_742 = arith.constant 1824 : index
      %swap3A_743 = tpu.vector_load %arg6[%swap3A_741, %swap3A_742] {strides = array<i32>} : memref<17x4096xf32, #tpu.memory_space<vmem>>, vector<1x16xf32>,
      %swap3A_744 = vector.shape_cast %swap3A_743 : vector<1x16xf32> to vector<16xf32>
      %swap3A_745 = vector.shape_cast %broadcast_in_dim3A_56 : vector<16xf32> to vector<1x16xf32>
      tpu.vector_store %arg6[%swap3A_741, %swap3A_742], %swap3A_745 {strides = array<i32>} : memref<17x4096xf32, #tpu.memory_space<vmem>>, vector<1x16xf32>,
      %swap3A_746 = arith.constant 16 : i32
      %swap3A_747 = arith.index_cast %swap3A_746 : i32 to index
      %swap3A_748 = arith.constant 1840 : index
      %swap3A_749 = tpu.vector_load %arg6[%swap3A_747, %swap3A_748] {strides = array<i32>} : memref<17x4096xf32, #tpu.memory_space<vmem>>, vector<1x16xf32>,
      %swap3A_750 = vector.shape_cast %swap3A_749 : vector<1x16xf32> to vector<16xf32>
      %swap3A_751 = vector.shape_cast %broadcast_in_dim3A_56 : vector<16xf32> to vector<1x16xf32>
      tpu.vector_store %arg6[%swap3A_747, %swap3A_748], %swap3A_751 {strides = array<i32>} : memref<17x4096xf32, #tpu.memory_space<vmem>>, vector<1x16xf32>,
      %swap3A_752 = arith.constant 16 : i32
      %swap3A_753 = arith.index_cast %swap3A_752 : i32 to index
      %swap3A_754 = arith.constant 1856 : index
      %swap3A_755 = tpu.vector_load %arg6[%swap3A_753, %swap3A_754] {strides = array<i32>} : memref<17x4096xf32, #tpu.memory_space<vmem>>, vector<1x16xf32>,
      %swap3A_756 = vector.shape_cast %swap3A_755 : vector<1x16xf32> to vector<16xf32>
      %swap3A_757 = vector.shape_cast %broadcast_in_dim3A_56 : vector<16xf32> to vector<1x16xf32>
      tpu.vector_store %arg6[%swap3A_753, %swap3A_754], %swap3A_757 {strides = array<i32>} : memref<17x4096xf32, #tpu.memory_space<vmem>>, vector<1x16xf32>,
      %swap3A_758 = arith.constant 16 : i32
      %swap3A_759 = arith.index_cast %swap3A_758 : i32 to index
      %swap3A_760 = arith.constant 1872 : index
      %swap3A_761 = tpu.vector_load %arg6[%swap3A_759, %swap3A_760] {strides = array<i32>} : memref<17x4096xf32, #tpu.memory_space<vmem>>, vector<1x16xf32>,
      %swap3A_762 = vector.shape_cast %swap3A_761 : vector<1x16xf32> to vector<16xf32>
      %swap3A_763 = vector.shape_cast %broadcast_in_dim3A_56 : vector<16xf32> to vector<1x16xf32>
      tpu.vector_store %arg6[%swap3A_759, %swap3A_760], %swap3A_763 {strides = array<i32>} : memref<17x4096xf32, #tpu.memory_space<vmem>>, vector<1x16xf32>,
      %swap3A_764 = arith.constant 16 : i32
      %swap3A_765 = arith.index_cast %swap3A_764 : i32 to index
      %swap3A_766 = arith.constant 1888 : index
      %swap3A_767 = tpu.vector_load %arg6[%swap3A_765, %swap3A_766] {strides = array<i32>} : memref<17x4096xf32, #tpu.memory_space<vmem>>, vector<1x16xf32>,
      %swap3A_768 = vector.shape_cast %swap3A_767 : vector<1x16xf32> to vector<16xf32>
      %swap3A_769 = vector.shape_cast %broadcast_in_dim3A_56 : vector<16xf32> to vector<1x16xf32>
      tpu.vector_store %arg6[%swap3A_765, %swap3A_766], %swap3A_769 {strides = array<i32>} : memref<17x4096xf32, #tpu.memory_space<vmem>>, vector<1x16xf32>,
      %swap3A_770 = arith.constant 16 : i32
      %swap3A_771 = arith.index_cast %swap3A_770 : i32 to index
      %swap3A_772 = arith.constant 1904 : index
      %swap3A_773 = tpu.vector_load %arg6[%swap3A_771, %swap3A_772] {strides = array<i32>} : memref<17x4096xf32, #tpu.memory_space<vmem>>, vector<1x16xf32>,
      %swap3A_774 = vector.shape_cast %swap3A_773 : vector<1x16xf32> to vector<16xf32>
      %swap3A_775 = vector.shape_cast %broadcast_in_dim3A_56 : vector<16xf32> to vector<1x16xf32>
      tpu.vector_store %arg6[%swap3A_771, %swap3A_772], %swap3A_775 {strides = array<i32>} : memref<17x4096xf32, #tpu.memory_space<vmem>>, vector<1x16xf32>,
      %swap3A_776 = arith.constant 16 : i32
      %swap3A_777 = arith.index_cast %swap3A_776 : i32 to index
      %swap3A_778 = arith.constant 1920 : index
      %swap3A_779 = tpu.vector_load %arg6[%swap3A_777, %swap3A_778] {strides = array<i32>} : memref<17x4096xf32, #tpu.memory_space<vmem>>, vector<1x16xf32>,
      %swap3A_780 = vector.shape_cast %swap3A_779 : vector<1x16xf32> to vector<16xf32>
      %swap3A_781 = vector.shape_cast %broadcast_in_dim3A_56 : vector<16xf32> to vector<1x16xf32>
      tpu.vector_store %arg6[%swap3A_777, %swap3A_778], %swap3A_781 {strides = array<i32>} : memref<17x4096xf32, #tpu.memory_space<vmem>>, vector<1x16xf32>,
      %swap3A_782 = arith.constant 16 : i32
      %swap3A_783 = arith.index_cast %swap3A_782 : i32 to index
      %swap3A_784 = arith.constant 1936 : index
      %swap3A_785 = tpu.vector_load %arg6[%swap3A_783, %swap3A_784] {strides = array<i32>} : memref<17x4096xf32, #tpu.memory_space<vmem>>, vector<1x16xf32>,
      %swap3A_786 = vector.shape_cast %swap3A_785 : vector<1x16xf32> to vector<16xf32>
      %swap3A_787 = vector.shape_cast %broadcast_in_dim3A_56 : vector<16xf32> to vector<1x16xf32>
      tpu.vector_store %arg6[%swap3A_783, %swap3A_784], %swap3A_787 {strides = array<i32>} : memref<17x4096xf32, #tpu.memory_space<vmem>>, vector<1x16xf32>,
      %swap3A_788 = arith.constant 16 : i32
      %swap3A_789 = arith.index_cast %swap3A_788 : i32 to index
      %swap3A_790 = arith.constant 1952 : index
      %swap3A_791 = tpu.vector_load %arg6[%swap3A_789, %swap3A_790] {strides = array<i32>} : memref<17x4096xf32, #tpu.memory_space<vmem>>, vector<1x16xf32>,
      %swap3A_792 = vector.shape_cast %swap3A_791 : vector<1x16xf32> to vector<16xf32>
      %swap3A_793 = vector.shape_cast %broadcast_in_dim3A_56 : vector<16xf32> to vector<1x16xf32>
      tpu.vector_store %arg6[%swap3A_789, %swap3A_790], %swap3A_793 {strides = array<i32>} : memref<17x4096xf32, #tpu.memory_space<vmem>>, vector<1x16xf32>,
      %swap3A_794 = arith.constant 16 : i32
      %swap3A_795 = arith.index_cast %swap3A_794 : i32 to index
      %swap3A_796 = arith.constant 1968 : index
      %swap3A_797 = tpu.vector_load %arg6[%swap3A_795, %swap3A_796] {strides = array<i32>} : memref<17x4096xf32, #tpu.memory_space<vmem>>, vector<1x16xf32>,
      %swap3A_798 = vector.shape_cast %swap3A_797 : vector<1x16xf32> to vector<16xf32>
      %swap3A_799 = vector.shape_cast %broadcast_in_dim3A_56 : vector<16xf32> to vector<1x16xf32>
      tpu.vector_store %arg6[%swap3A_795, %swap3A_796], %swap3A_799 {strides = array<i32>} : memref<17x4096xf32, #tpu.memory_space<vmem>>, vector<1x16xf32>,
      %swap3A_800 = arith.constant 16 : i32
      %swap3A_801 = arith.index_cast %swap3A_800 : i32 to index
      %swap3A_802 = arith.constant 1984 : index
      %swap3A_803 = tpu.vector_load %arg6[%swap3A_801, %swap3A_802] {strides = array<i32>} : memref<17x4096xf32, #tpu.memory_space<vmem>>, vector<1x16xf32>,
      %swap3A_804 = vector.shape_cast %swap3A_803 : vector<1x16xf32> to vector<16xf32>
      %swap3A_805 = vector.shape_cast %broadcast_in_dim3A_56 : vector<16xf32> to vector<1x16xf32>
      tpu.vector_store %arg6[%swap3A_801, %swap3A_802], %swap3A_805 {strides = array<i32>} : memref<17x4096xf32, #tpu.memory_space<vmem>>, vector<1x16xf32>,
      %swap3A_806 = arith.constant 16 : i32
      %swap3A_807 = arith.index_cast %swap3A_806 : i32 to index
      %swap3A_808 = arith.constant 2000 : index
      %swap3A_809 = tpu.vector_load %arg6[%swap3A_807, %swap3A_808] {strides = array<i32>} : memref<17x4096xf32, #tpu.memory_space<vmem>>, vector<1x16xf32>,
      %swap3A_810 = vector.shape_cast %swap3A_809 : vector<1x16xf32> to vector<16xf32>
      %swap3A_811 = vector.shape_cast %broadcast_in_dim3A_56 : vector<16xf32> to vector<1x16xf32>
      tpu.vector_store %arg6[%swap3A_807, %swap3A_808], %swap3A_811 {strides = array<i32>} : memref<17x4096xf32, #tpu.memory_space<vmem>>, vector<1x16xf32>,
      %swap3A_812 = arith.constant 16 : i32
      %swap3A_813 = arith.index_cast %swap3A_812 : i32 to index
      %swap3A_814 = arith.constant 2016 : index
      %swap3A_815 = tpu.vector_load %arg6[%swap3A_813, %swap3A_814] {strides = array<i32>} : memref<17x4096xf32, #tpu.memory_space<vmem>>, vector<1x16xf32>,
      %swap3A_816 = vector.shape_cast %swap3A_815 : vector<1x16xf32> to vector<16xf32>
      %swap3A_817 = vector.shape_cast %broadcast_in_dim3A_56 : vector<16xf32> to vector<1x16xf32>
      tpu.vector_store %arg6[%swap3A_813, %swap3A_814], %swap3A_817 {strides = array<i32>} : memref<17x4096xf32, #tpu.memory_space<vmem>>, vector<1x16xf32>,
      %swap3A_818 = arith.constant 16 : i32
      %swap3A_819 = arith.index_cast %swap3A_818 : i32 to index
      %swap3A_820 = arith.constant 2032 : index
      %swap3A_821 = tpu.vector_load %arg6[%swap3A_819, %swap3A_820] {strides = array<i32>} : memref<17x4096xf32, #tpu.memory_space<vmem>>, vector<1x16xf32>,
      %swap3A_822 = vector.shape_cast %swap3A_821 : vector<1x16xf32> to vector<16xf32>
      %swap3A_823 = vector.shape_cast %broadcast_in_dim3A_56 : vector<16xf32> to vector<1x16xf32>
      tpu.vector_store %arg6[%swap3A_819, %swap3A_820], %swap3A_823 {strides = array<i32>} : memref<17x4096xf32, #tpu.memory_space<vmem>>, vector<1x16xf32>,
      %swap3A_824 = arith.constant 16 : i32
      %swap3A_825 = arith.index_cast %swap3A_824 : i32 to index
      %swap3A_826 = arith.constant 2048 : index
      %swap3A_827 = tpu.vector_load %arg6[%swap3A_825, %swap3A_826] {strides = array<i32>} : memref<17x4096xf32, #tpu.memory_space<vmem>>, vector<1x16xf32>,
      %swap3A_828 = vector.shape_cast %swap3A_827 : vector<1x16xf32> to vector<16xf32>
      %swap3A_829 = vector.shape_cast %broadcast_in_dim3A_56 : vector<16xf32> to vector<1x16xf32>
      tpu.vector_store %arg6[%swap3A_825, %swap3A_826], %swap3A_829 {strides = array<i32>} : memref<17x4096xf32, #tpu.memory_space<vmem>>, vector<1x16xf32>,
      %swap3A_830 = arith.constant 16 : i32
      %swap3A_831 = arith.index_cast %swap3A_830 : i32 to index
      %swap3A_832 = arith.constant 2064 : index
      %swap3A_833 = tpu.vector_load %arg6[%swap3A_831, %swap3A_832] {strides = array<i32>} : memref<17x4096xf32, #tpu.memory_space<vmem>>, vector<1x16xf32>,
      %swap3A_834 = vector.shape_cast %swap3A_833 : vector<1x16xf32> to vector<16xf32>
      %swap3A_835 = vector.shape_cast %broadcast_in_dim3A_56 : vector<16xf32> to vector<1x16xf32>
      tpu.vector_store %arg6[%swap3A_831, %swap3A_832], %swap3A_835 {strides = array<i32>} : memref<17x4096xf32, #tpu.memory_space<vmem>>, vector<1x16xf32>,
      %swap3A_836 = arith.constant 16 : i32
      %swap3A_837 = arith.index_cast %swap3A_836 : i32 to index
      %swap3A_838 = arith.constant 2080 : index
      %swap3A_839 = tpu.vector_load %arg6[%swap3A_837, %swap3A_838] {strides = array<i32>} : memref<17x4096xf32, #tpu.memory_space<vmem>>, vector<1x16xf32>,
      %swap3A_840 = vector.shape_cast %swap3A_839 : vector<1x16xf32> to vector<16xf32>
      %swap3A_841 = vector.shape_cast %broadcast_in_dim3A_56 : vector<16xf32> to vector<1x16xf32>
      tpu.vector_store %arg6[%swap3A_837, %swap3A_838], %swap3A_841 {strides = array<i32>} : memref<17x4096xf32, #tpu.memory_space<vmem>>, vector<1x16xf32>,
      %swap3A_842 = arith.constant 16 : i32
      %swap3A_843 = arith.index_cast %swap3A_842 : i32 to index
      %swap3A_844 = arith.constant 2096 : index
      %swap3A_845 = tpu.vector_load %arg6[%swap3A_843, %swap3A_844] {strides = array<i32>} : memref<17x4096xf32, #tpu.memory_space<vmem>>, vector<1x16xf32>,
      %swap3A_846 = vector.shape_cast %swap3A_845 : vector<1x16xf32> to vector<16xf32>
      %swap3A_847 = vector.shape_cast %broadcast_in_dim3A_56 : vector<16xf32> to vector<1x16xf32>
      tpu.vector_store %arg6[%swap3A_843, %swap3A_844], %swap3A_847 {strides = array<i32>} : memref<17x4096xf32, #tpu.memory_space<vmem>>, vector<1x16xf32>,
      %swap3A_848 = arith.constant 16 : i32
      %swap3A_849 = arith.index_cast %swap3A_848 : i32 to index
      %swap3A_850 = arith.constant 2112 : index
      %swap3A_851 = tpu.vector_load %arg6[%swap3A_849, %swap3A_850] {strides = array<i32>} : memref<17x4096xf32, #tpu.memory_space<vmem>>, vector<1x16xf32>,
      %swap3A_852 = vector.shape_cast %swap3A_851 : vector<1x16xf32> to vector<16xf32>
      %swap3A_853 = vector.shape_cast %broadcast_in_dim3A_56 : vector<16xf32> to vector<1x16xf32>
      tpu.vector_store %arg6[%swap3A_849, %swap3A_850], %swap3A_853 {strides = array<i32>} : memref<17x4096xf32, #tpu.memory_space<vmem>>, vector<1x16xf32>,
      %swap3A_854 = arith.constant 16 : i32
      %swap3A_855 = arith.index_cast %swap3A_854 : i32 to index
      %swap3A_856 = arith.constant 2128 : index
      %swap3A_857 = tpu.vector_load %arg6[%swap3A_855, %swap3A_856] {strides = array<i32>} : memref<17x4096xf32, #tpu.memory_space<vmem>>, vector<1x16xf32>,
      %swap3A_858 = vector.shape_cast %swap3A_857 : vector<1x16xf32> to vector<16xf32>
      %swap3A_859 = vector.shape_cast %broadcast_in_dim3A_56 : vector<16xf32> to vector<1x16xf32>
      tpu.vector_store %arg6[%swap3A_855, %swap3A_856], %swap3A_859 {strides = array<i32>} : memref<17x4096xf32, #tpu.memory_space<vmem>>, vector<1x16xf32>,
      %swap3A_860 = arith.constant 16 : i32
      %swap3A_861 = arith.index_cast %swap3A_860 : i32 to index
      %swap3A_862 = arith.constant 2144 : index
      %swap3A_863 = tpu.vector_load %arg6[%swap3A_861, %swap3A_862] {strides = array<i32>} : memref<17x4096xf32, #tpu.memory_space<vmem>>, vector<1x16xf32>,
      %swap3A_864 = vector.shape_cast %swap3A_863 : vector<1x16xf32> to vector<16xf32>
      %swap3A_865 = vector.shape_cast %broadcast_in_dim3A_56 : vector<16xf32> to vector<1x16xf32>
      tpu.vector_store %arg6[%swap3A_861, %swap3A_862], %swap3A_865 {strides = array<i32>} : memref<17x4096xf32, #tpu.memory_space<vmem>>, vector<1x16xf32>,
      %swap3A_866 = arith.constant 16 : i32
      %swap3A_867 = arith.index_cast %swap3A_866 : i32 to index
      %swap3A_868 = arith.constant 2160 : index
      %swap3A_869 = tpu.vector_load %arg6[%swap3A_867, %swap3A_868] {strides = array<i32>} : memref<17x4096xf32, #tpu.memory_space<vmem>>, vector<1x16xf32>,
      %swap3A_870 = vector.shape_cast %swap3A_869 : vector<1x16xf32> to vector<16xf32>
      %swap3A_871 = vector.shape_cast %broadcast_in_dim3A_56 : vector<16xf32> to vector<1x16xf32>
      tpu.vector_store %arg6[%swap3A_867, %swap3A_868], %swap3A_871 {strides = array<i32>} : memref<17x4096xf32, #tpu.memory_space<vmem>>, vector<1x16xf32>,
      %swap3A_872 = arith.constant 16 : i32
      %swap3A_873 = arith.index_cast %swap3A_872 : i32 to index
      %swap3A_874 = arith.constant 2176 : index
      %swap3A_875 = tpu.vector_load %arg6[%swap3A_873, %swap3A_874] {strides = array<i32>} : memref<17x4096xf32, #tpu.memory_space<vmem>>, vector<1x16xf32>,
      %swap3A_876 = vector.shape_cast %swap3A_875 : vector<1x16xf32> to vector<16xf32>
      %swap3A_877 = vector.shape_cast %broadcast_in_dim3A_56 : vector<16xf32> to vector<1x16xf32>
      tpu.vector_store %arg6[%swap3A_873, %swap3A_874], %swap3A_877 {strides = array<i32>} : memref<17x4096xf32, #tpu.memory_space<vmem>>, vector<1x16xf32>,
      %swap3A_878 = arith.constant 16 : i32
      %swap3A_879 = arith.index_cast %swap3A_878 : i32 to index
      %swap3A_880 = arith.constant 2192 : index
      %swap3A_881 = tpu.vector_load %arg6[%swap3A_879, %swap3A_880] {strides = array<i32>} : memref<17x4096xf32, #tpu.memory_space<vmem>>, vector<1x16xf32>,
      %swap3A_882 = vector.shape_cast %swap3A_881 : vector<1x16xf32> to vector<16xf32>
      %swap3A_883 = vector.shape_cast %broadcast_in_dim3A_56 : vector<16xf32> to vector<1x16xf32>
      tpu.vector_store %arg6[%swap3A_879, %swap3A_880], %swap3A_883 {strides = array<i32>} : memref<17x4096xf32, #tpu.memory_space<vmem>>, vector<1x16xf32>,
      %swap3A_884 = arith.constant 16 : i32
      %swap3A_885 = arith.index_cast %swap3A_884 : i32 to index
      %swap3A_886 = arith.constant 2208 : index
      %swap3A_887 = tpu.vector_load %arg6[%swap3A_885, %swap3A_886] {strides = array<i32>} : memref<17x4096xf32, #tpu.memory_space<vmem>>, vector<1x16xf32>,
      %swap3A_888 = vector.shape_cast %swap3A_887 : vector<1x16xf32> to vector<16xf32>
      %swap3A_889 = vector.shape_cast %broadcast_in_dim3A_56 : vector<16xf32> to vector<1x16xf32>
      tpu.vector_store %arg6[%swap3A_885, %swap3A_886], %swap3A_889 {strides = array<i32>} : memref<17x4096xf32, #tpu.memory_space<vmem>>, vector<1x16xf32>,
      %swap3A_890 = arith.constant 16 : i32
      %swap3A_891 = arith.index_cast %swap3A_890 : i32 to index
      %swap3A_892 = arith.constant 2224 : index
      %swap3A_893 = tpu.vector_load %arg6[%swap3A_891, %swap3A_892] {strides = array<i32>} : memref<17x4096xf32, #tpu.memory_space<vmem>>, vector<1x16xf32>,
      %swap3A_894 = vector.shape_cast %swap3A_893 : vector<1x16xf32> to vector<16xf32>
      %swap3A_895 = vector.shape_cast %broadcast_in_dim3A_56 : vector<16xf32> to vector<1x16xf32>
      tpu.vector_store %arg6[%swap3A_891, %swap3A_892], %swap3A_895 {strides = array<i32>} : memref<17x4096xf32, #tpu.memory_space<vmem>>, vector<1x16xf32>,
      %swap3A_896 = arith.constant 16 : i32
      %swap3A_897 = arith.index_cast %swap3A_896 : i32 to index
      %swap3A_898 = arith.constant 2240 : index
      %swap3A_899 = tpu.vector_load %arg6[%swap3A_897, %swap3A_898] {strides = array<i32>} : memref<17x4096xf32, #tpu.memory_space<vmem>>, vector<1x16xf32>,
      %swap3A_900 = vector.shape_cast %swap3A_899 : vector<1x16xf32> to vector<16xf32>
      %swap3A_901 = vector.shape_cast %broadcast_in_dim3A_56 : vector<16xf32> to vector<1x16xf32>
      tpu.vector_store %arg6[%swap3A_897, %swap3A_898], %swap3A_901 {strides = array<i32>} : memref<17x4096xf32, #tpu.memory_space<vmem>>, vector<1x16xf32>,
      %swap3A_902 = arith.constant 16 : i32
      %swap3A_903 = arith.index_cast %swap3A_902 : i32 to index
      %swap3A_904 = arith.constant 2256 : index
      %swap3A_905 = tpu.vector_load %arg6[%swap3A_903, %swap3A_904] {strides = array<i32>} : memref<17x4096xf32, #tpu.memory_space<vmem>>, vector<1x16xf32>,
      %swap3A_906 = vector.shape_cast %swap3A_905 : vector<1x16xf32> to vector<16xf32>
      %swap3A_907 = vector.shape_cast %broadcast_in_dim3A_56 : vector<16xf32> to vector<1x16xf32>
      tpu.vector_store %arg6[%swap3A_903, %swap3A_904], %swap3A_907 {strides = array<i32>} : memref<17x4096xf32, #tpu.memory_space<vmem>>, vector<1x16xf32>,
      %swap3A_908 = arith.constant 16 : i32
      %swap3A_909 = arith.index_cast %swap3A_908 : i32 to index
      %swap3A_910 = arith.constant 2272 : index
      %swap3A_911 = tpu.vector_load %arg6[%swap3A_909, %swap3A_910] {strides = array<i32>} : memref<17x4096xf32, #tpu.memory_space<vmem>>, vector<1x16xf32>,
      %swap3A_912 = vector.shape_cast %swap3A_911 : vector<1x16xf32> to vector<16xf32>
      %swap3A_913 = vector.shape_cast %broadcast_in_dim3A_56 : vector<16xf32> to vector<1x16xf32>
      tpu.vector_store %arg6[%swap3A_909, %swap3A_910], %swap3A_913 {strides = array<i32>} : memref<17x4096xf32, #tpu.memory_space<vmem>>, vector<1x16xf32>,
      %swap3A_914 = arith.constant 16 : i32
      %swap3A_915 = arith.index_cast %swap3A_914 : i32 to index
      %swap3A_916 = arith.constant 2288 : index
      %swap3A_917 = tpu.vector_load %arg6[%swap3A_915, %swap3A_916] {strides = array<i32>} : memref<17x4096xf32, #tpu.memory_space<vmem>>, vector<1x16xf32>,
      %swap3A_918 = vector.shape_cast %swap3A_917 : vector<1x16xf32> to vector<16xf32>
      %swap3A_919 = vector.shape_cast %broadcast_in_dim3A_56 : vector<16xf32> to vector<1x16xf32>
      tpu.vector_store %arg6[%swap3A_915, %swap3A_916], %swap3A_919 {strides = array<i32>} : memref<17x4096xf32, #tpu.memory_space<vmem>>, vector<1x16xf32>,
      %swap3A_920 = arith.constant 16 : i32
      %swap3A_921 = arith.index_cast %swap3A_920 : i32 to index
      %swap3A_922 = arith.constant 2304 : index
      %swap3A_923 = tpu.vector_load %arg6[%swap3A_921, %swap3A_922] {strides = array<i32>} : memref<17x4096xf32, #tpu.memory_space<vmem>>, vector<1x16xf32>,
      %swap3A_924 = vector.shape_cast %swap3A_923 : vector<1x16xf32> to vector<16xf32>
      %swap3A_925 = vector.shape_cast %broadcast_in_dim3A_56 : vector<16xf32> to vector<1x16xf32>
      tpu.vector_store %arg6[%swap3A_921, %swap3A_922], %swap3A_925 {strides = array<i32>} : memref<17x4096xf32, #tpu.memory_space<vmem>>, vector<1x16xf32>,
      %swap3A_926 = arith.constant 16 : i32
      %swap3A_927 = arith.index_cast %swap3A_926 : i32 to index
      %swap3A_928 = arith.constant 2320 : index
      %swap3A_929 = tpu.vector_load %arg6[%swap3A_927, %swap3A_928] {strides = array<i32>} : memref<17x4096xf32, #tpu.memory_space<vmem>>, vector<1x16xf32>,
      %swap3A_930 = vector.shape_cast %swap3A_929 : vector<1x16xf32> to vector<16xf32>
      %swap3A_931 = vector.shape_cast %broadcast_in_dim3A_56 : vector<16xf32> to vector<1x16xf32>
      tpu.vector_store %arg6[%swap3A_927, %swap3A_928], %swap3A_931 {strides = array<i32>} : memref<17x4096xf32, #tpu.memory_space<vmem>>, vector<1x16xf32>,
      %swap3A_932 = arith.constant 16 : i32
      %swap3A_933 = arith.index_cast %swap3A_932 : i32 to index
      %swap3A_934 = arith.constant 2336 : index
      %swap3A_935 = tpu.vector_load %arg6[%swap3A_933, %swap3A_934] {strides = array<i32>} : memref<17x4096xf32, #tpu.memory_space<vmem>>, vector<1x16xf32>,
      %swap3A_936 = vector.shape_cast %swap3A_935 : vector<1x16xf32> to vector<16xf32>
      %swap3A_937 = vector.shape_cast %broadcast_in_dim3A_56 : vector<16xf32> to vector<1x16xf32>
      tpu.vector_store %arg6[%swap3A_933, %swap3A_934], %swap3A_937 {strides = array<i32>} : memref<17x4096xf32, #tpu.memory_space<vmem>>, vector<1x16xf32>,
      %swap3A_938 = arith.constant 16 : i32
      %swap3A_939 = arith.index_cast %swap3A_938 : i32 to index
      %swap3A_940 = arith.constant 2352 : index
      %swap3A_941 = tpu.vector_load %arg6[%swap3A_939, %swap3A_940] {strides = array<i32>} : memref<17x4096xf32, #tpu.memory_space<vmem>>, vector<1x16xf32>,
      %swap3A_942 = vector.shape_cast %swap3A_941 : vector<1x16xf32> to vector<16xf32>
      %swap3A_943 = vector.shape_cast %broadcast_in_dim3A_56 : vector<16xf32> to vector<1x16xf32>
      tpu.vector_store %arg6[%swap3A_939, %swap3A_940], %swap3A_943 {strides = array<i32>} : memref<17x4096xf32, #tpu.memory_space<vmem>>, vector<1x16xf32>,
      %swap3A_944 = arith.constant 16 : i32
      %swap3A_945 = arith.index_cast %swap3A_944 : i32 to index
      %swap3A_946 = arith.constant 2368 : index
      %swap3A_947 = tpu.vector_load %arg6[%swap3A_945, %swap3A_946] {strides = array<i32>} : memref<17x4096xf32, #tpu.memory_space<vmem>>, vector<1x16xf32>,
      %swap3A_948 = vector.shape_cast %swap3A_947 : vector<1x16xf32> to vector<16xf32>
      %swap3A_949 = vector.shape_cast %broadcast_in_dim3A_56 : vector<16xf32> to vector<1x16xf32>
      tpu.vector_store %arg6[%swap3A_945, %swap3A_946], %swap3A_949 {strides = array<i32>} : memref<17x4096xf32, #tpu.memory_space<vmem>>, vector<1x16xf32>,
      %swap3A_950 = arith.constant 16 : i32
      %swap3A_951 = arith.index_cast %swap3A_950 : i32 to index
      %swap3A_952 = arith.constant 2384 : index
      %swap3A_953 = tpu.vector_load %arg6[%swap3A_951, %swap3A_952] {strides = array<i32>} : memref<17x4096xf32, #tpu.memory_space<vmem>>, vector<1x16xf32>,
      %swap3A_954 = vector.shape_cast %swap3A_953 : vector<1x16xf32> to vector<16xf32>
      %swap3A_955 = vector.shape_cast %broadcast_in_dim3A_56 : vector<16xf32> to vector<1x16xf32>
      tpu.vector_store %arg6[%swap3A_951, %swap3A_952], %swap3A_955 {strides = array<i32>} : memref<17x4096xf32, #tpu.memory_space<vmem>>, vector<1x16xf32>,
      %swap3A_956 = arith.constant 16 : i32
      %swap3A_957 = arith.index_cast %swap3A_956 : i32 to index
      %swap3A_958 = arith.constant 2400 : index
      %swap3A_959 = tpu.vector_load %arg6[%swap3A_957, %swap3A_958] {strides = array<i32>} : memref<17x4096xf32, #tpu.memory_space<vmem>>, vector<1x16xf32>,
      %swap3A_960 = vector.shape_cast %swap3A_959 : vector<1x16xf32> to vector<16xf32>
      %swap3A_961 = vector.shape_cast %broadcast_in_dim3A_56 : vector<16xf32> to vector<1x16xf32>
      tpu.vector_store %arg6[%swap3A_957, %swap3A_958], %swap3A_961 {strides = array<i32>} : memref<17x4096xf32, #tpu.memory_space<vmem>>, vector<1x16xf32>,
      %swap3A_962 = arith.constant 16 : i32
      %swap3A_963 = arith.index_cast %swap3A_962 : i32 to index
      %swap3A_964 = arith.constant 2416 : index
      %swap3A_965 = tpu.vector_load %arg6[%swap3A_963, %swap3A_964] {strides = array<i32>} : memref<17x4096xf32, #tpu.memory_space<vmem>>, vector<1x16xf32>,
      %swap3A_966 = vector.shape_cast %swap3A_965 : vector<1x16xf32> to vector<16xf32>
      %swap3A_967 = vector.shape_cast %broadcast_in_dim3A_56 : vector<16xf32> to vector<1x16xf32>
      tpu.vector_store %arg6[%swap3A_963, %swap3A_964], %swap3A_967 {strides = array<i32>} : memref<17x4096xf32, #tpu.memory_space<vmem>>, vector<1x16xf32>,
      %swap3A_968 = arith.constant 16 : i32
      %swap3A_969 = arith.index_cast %swap3A_968 : i32 to index
      %swap3A_970 = arith.constant 2432 : index
      %swap3A_971 = tpu.vector_load %arg6[%swap3A_969, %swap3A_970] {strides = array<i32>} : memref<17x4096xf32, #tpu.memory_space<vmem>>, vector<1x16xf32>,
      %swap3A_972 = vector.shape_cast %swap3A_971 : vector<1x16xf32> to vector<16xf32>
      %swap3A_973 = vector.shape_cast %broadcast_in_dim3A_56 : vector<16xf32> to vector<1x16xf32>
      tpu.vector_store %arg6[%swap3A_969, %swap3A_970], %swap3A_973 {strides = array<i32>} : memref<17x4096xf32, #tpu.memory_space<vmem>>, vector<1x16xf32>,
      %swap3A_974 = arith.constant 16 : i32
      %swap3A_975 = arith.index_cast %swap3A_974 : i32 to index
      %swap3A_976 = arith.constant 2448 : index
      %swap3A_977 = tpu.vector_load %arg6[%swap3A_975, %swap3A_976] {strides = array<i32>} : memref<17x4096xf32, #tpu.memory_space<vmem>>, vector<1x16xf32>,
      %swap3A_978 = vector.shape_cast %swap3A_977 : vector<1x16xf32> to vector<16xf32>
      %swap3A_979 = vector.shape_cast %broadcast_in_dim3A_56 : vector<16xf32> to vector<1x16xf32>
      tpu.vector_store %arg6[%swap3A_975, %swap3A_976], %swap3A_979 {strides = array<i32>} : memref<17x4096xf32, #tpu.memory_space<vmem>>, vector<1x16xf32>,
      %swap3A_980 = arith.constant 16 : i32
      %swap3A_981 = arith.index_cast %swap3A_980 : i32 to index
      %swap3A_982 = arith.constant 2464 : index
      %swap3A_983 = tpu.vector_load %arg6[%swap3A_981, %swap3A_982] {strides = array<i32>} : memref<17x4096xf32, #tpu.memory_space<vmem>>, vector<1x16xf32>,
      %swap3A_984 = vector.shape_cast %swap3A_983 : vector<1x16xf32> to vector<16xf32>
      %swap3A_985 = vector.shape_cast %broadcast_in_dim3A_56 : vector<16xf32> to vector<1x16xf32>
      tpu.vector_store %arg6[%swap3A_981, %swap3A_982], %swap3A_985 {strides = array<i32>} : memref<17x4096xf32, #tpu.memory_space<vmem>>, vector<1x16xf32>,
      %swap3A_986 = arith.constant 16 : i32
      %swap3A_987 = arith.index_cast %swap3A_986 : i32 to index
      %swap3A_988 = arith.constant 2480 : index
      %swap3A_989 = tpu.vector_load %arg6[%swap3A_987, %swap3A_988] {strides = array<i32>} : memref<17x4096xf32, #tpu.memory_space<vmem>>, vector<1x16xf32>,
      %swap3A_990 = vector.shape_cast %swap3A_989 : vector<1x16xf32> to vector<16xf32>
      %swap3A_991 = vector.shape_cast %broadcast_in_dim3A_56 : vector<16xf32> to vector<1x16xf32>
      tpu.vector_store %arg6[%swap3A_987, %swap3A_988], %swap3A_991 {strides = array<i32>} : memref<17x4096xf32, #tpu.memory_space<vmem>>, vector<1x16xf32>,
      %swap3A_992 = arith.constant 16 : i32
      %swap3A_993 = arith.index_cast %swap3A_992 : i32 to index
      %swap3A_994 = arith.constant 2496 : index
      %swap3A_995 = tpu.vector_load %arg6[%swap3A_993, %swap3A_994] {strides = array<i32>} : memref<17x4096xf32, #tpu.memory_space<vmem>>, vector<1x16xf32>,
      %swap3A_996 = vector.shape_cast %swap3A_995 : vector<1x16xf32> to vector<16xf32>
      %swap3A_997 = vector.shape_cast %broadcast_in_dim3A_56 : vector<16xf32> to vector<1x16xf32>
      tpu.vector_store %arg6[%swap3A_993, %swap3A_994], %swap3A_997 {strides = array<i32>} : memref<17x4096xf32, #tpu.memory_space<vmem>>, vector<1x16xf32>,
      %swap3A_998 = arith.constant 16 : i32
      %swap3A_999 = arith.index_cast %swap3A_998 : i32 to index
      %swap3A_1000 = arith.constant 2512 : index
      %swap3A_1001 = tpu.vector_load %arg6[%swap3A_999, %swap3A_1000] {strides = array<i32>} : memref<17x4096xf32, #tpu.memory_space<vmem>>, vector<1x16xf32>,
      %swap3A_1002 = vector.shape_cast %swap3A_1001 : vector<1x16xf32> to vector<16xf32>
      %swap3A_1003 = vector.shape_cast %broadcast_in_dim3A_56 : vector<16xf32> to vector<1x16xf32>
      tpu.vector_store %arg6[%swap3A_999, %swap3A_1000], %swap3A_1003 {strides = array<i32>} : memref<17x4096xf32, #tpu.memory_space<vmem>>, vector<1x16xf32>,
      %swap3A_1004 = arith.constant 16 : i32
      %swap3A_1005 = arith.index_cast %swap3A_1004 : i32 to index
      %swap3A_1006 = arith.constant 2528 : index
      %swap3A_1007 = tpu.vector_load %arg6[%swap3A_1005, %swap3A_1006] {strides = array<i32>} : memref<17x4096xf32, #tpu.memory_space<vmem>>, vector<1x16xf32>,
      %swap3A_1008 = vector.shape_cast %swap3A_1007 : vector<1x16xf32> to vector<16xf32>
      %swap3A_1009 = vector.shape_cast %broadcast_in_dim3A_56 : vector<16xf32> to vector<1x16xf32>
      tpu.vector_store %arg6[%swap3A_1005, %swap3A_1006], %swap3A_1009 {strides = array<i32>} : memref<17x4096xf32, #tpu.memory_space<vmem>>, vector<1x16xf32>,
      %swap3A_1010 = arith.constant 16 : i32
      %swap3A_1011 = arith.index_cast %swap3A_1010 : i32 to index
      %swap3A_1012 = arith.constant 2544 : index
      %swap3A_1013 = tpu.vector_load %arg6[%swap3A_1011, %swap3A_1012] {strides = array<i32>} : memref<17x4096xf32, #tpu.memory_space<vmem>>, vector<1x16xf32>,
      %swap3A_1014 = vector.shape_cast %swap3A_1013 : vector<1x16xf32> to vector<16xf32>
      %swap3A_1015 = vector.shape_cast %broadcast_in_dim3A_56 : vector<16xf32> to vector<1x16xf32>
      tpu.vector_store %arg6[%swap3A_1011, %swap3A_1012], %swap3A_1015 {strides = array<i32>} : memref<17x4096xf32, #tpu.memory_space<vmem>>, vector<1x16xf32>,
      %swap3A_1016 = arith.constant 16 : i32
      %swap3A_1017 = arith.index_cast %swap3A_1016 : i32 to index
      %swap3A_1018 = arith.constant 2560 : index
      %swap3A_1019 = tpu.vector_load %arg6[%swap3A_1017, %swap3A_1018] {strides = array<i32>} : memref<17x4096xf32, #tpu.memory_space<vmem>>, vector<1x16xf32>,
      %swap3A_1020 = vector.shape_cast %swap3A_1019 : vector<1x16xf32> to vector<16xf32>
      %swap3A_1021 = vector.shape_cast %broadcast_in_dim3A_56 : vector<16xf32> to vector<1x16xf32>
      tpu.vector_store %arg6[%swap3A_1017, %swap3A_1018], %swap3A_1021 {strides = array<i32>} : memref<17x4096xf32, #tpu.memory_space<vmem>>, vector<1x16xf32>,
      %swap3A_1022 = arith.constant 16 : i32
      %swap3A_1023 = arith.index_cast %swap3A_1022 : i32 to index
      %swap3A_1024 = arith.constant 2576 : index
      %swap3A_1025 = tpu.vector_load %arg6[%swap3A_1023, %swap3A_1024] {strides = array<i32>} : memref<17x4096xf32, #tpu.memory_space<vmem>>, vector<1x16xf32>,
      %swap3A_1026 = vector.shape_cast %swap3A_1025 : vector<1x16xf32> to vector<16xf32>
      %swap3A_1027 = vector.shape_cast %broadcast_in_dim3A_56 : vector<16xf32> to vector<1x16xf32>
      tpu.vector_store %arg6[%swap3A_1023, %swap3A_1024], %swap3A_1027 {strides = array<i32>} : memref<17x4096xf32, #tpu.memory_space<vmem>>, vector<1x16xf32>,
      %swap3A_1028 = arith.constant 16 : i32
      %swap3A_1029 = arith.index_cast %swap3A_1028 : i32 to index
      %swap3A_1030 = arith.constant 2592 : index
      %swap3A_1031 = tpu.vector_load %arg6[%swap3A_1029, %swap3A_1030] {strides = array<i32>} : memref<17x4096xf32, #tpu.memory_space<vmem>>, vector<1x16xf32>,
      %swap3A_1032 = vector.shape_cast %swap3A_1031 : vector<1x16xf32> to vector<16xf32>
      %swap3A_1033 = vector.shape_cast %broadcast_in_dim3A_56 : vector<16xf32> to vector<1x16xf32>
      tpu.vector_store %arg6[%swap3A_1029, %swap3A_1030], %swap3A_1033 {strides = array<i32>} : memref<17x4096xf32, #tpu.memory_space<vmem>>, vector<1x16xf32>,
      %swap3A_1034 = arith.constant 16 : i32
      %swap3A_1035 = arith.index_cast %swap3A_1034 : i32 to index
      %swap3A_1036 = arith.constant 2608 : index
      %swap3A_1037 = tpu.vector_load %arg6[%swap3A_1035, %swap3A_1036] {strides = array<i32>} : memref<17x4096xf32, #tpu.memory_space<vmem>>, vector<1x16xf32>,
      %swap3A_1038 = vector.shape_cast %swap3A_1037 : vector<1x16xf32> to vector<16xf32>
      %swap3A_1039 = vector.shape_cast %broadcast_in_dim3A_56 : vector<16xf32> to vector<1x16xf32>
      tpu.vector_store %arg6[%swap3A_1035, %swap3A_1036], %swap3A_1039 {strides = array<i32>} : memref<17x4096xf32, #tpu.memory_space<vmem>>, vector<1x16xf32>,
      %swap3A_1040 = arith.constant 16 : i32
      %swap3A_1041 = arith.index_cast %swap3A_1040 : i32 to index
      %swap3A_1042 = arith.constant 2624 : index
      %swap3A_1043 = tpu.vector_load %arg6[%swap3A_1041, %swap3A_1042] {strides = array<i32>} : memref<17x4096xf32, #tpu.memory_space<vmem>>, vector<1x16xf32>,
      %swap3A_1044 = vector.shape_cast %swap3A_1043 : vector<1x16xf32> to vector<16xf32>
      %swap3A_1045 = vector.shape_cast %broadcast_in_dim3A_56 : vector<16xf32> to vector<1x16xf32>
      tpu.vector_store %arg6[%swap3A_1041, %swap3A_1042], %swap3A_1045 {strides = array<i32>} : memref<17x4096xf32, #tpu.memory_space<vmem>>, vector<1x16xf32>,
      %swap3A_1046 = arith.constant 16 : i32
      %swap3A_1047 = arith.index_cast %swap3A_1046 : i32 to index
      %swap3A_1048 = arith.constant 2640 : index
      %swap3A_1049 = tpu.vector_load %arg6[%swap3A_1047, %swap3A_1048] {strides = array<i32>} : memref<17x4096xf32, #tpu.memory_space<vmem>>, vector<1x16xf32>,
      %swap3A_1050 = vector.shape_cast %swap3A_1049 : vector<1x16xf32> to vector<16xf32>
      %swap3A_1051 = vector.shape_cast %broadcast_in_dim3A_56 : vector<16xf32> to vector<1x16xf32>
      tpu.vector_store %arg6[%swap3A_1047, %swap3A_1048], %swap3A_1051 {strides = array<i32>} : memref<17x4096xf32, #tpu.memory_space<vmem>>, vector<1x16xf32>,
      %swap3A_1052 = arith.constant 16 : i32
      %swap3A_1053 = arith.index_cast %swap3A_1052 : i32 to index
      %swap3A_1054 = arith.constant 2656 : index
      %swap3A_1055 = tpu.vector_load %arg6[%swap3A_1053, %swap3A_1054] {strides = array<i32>} : memref<17x4096xf32, #tpu.memory_space<vmem>>, vector<1x16xf32>,
      %swap3A_1056 = vector.shape_cast %swap3A_1055 : vector<1x16xf32> to vector<16xf32>
      %swap3A_1057 = vector.shape_cast %broadcast_in_dim3A_56 : vector<16xf32> to vector<1x16xf32>
      tpu.vector_store %arg6[%swap3A_1053, %swap3A_1054], %swap3A_1057 {strides = array<i32>} : memref<17x4096xf32, #tpu.memory_space<vmem>>, vector<1x16xf32>,
      %swap3A_1058 = arith.constant 16 : i32
      %swap3A_1059 = arith.index_cast %swap3A_1058 : i32 to index
      %swap3A_1060 = arith.constant 2672 : index
      %swap3A_1061 = tpu.vector_load %arg6[%swap3A_1059, %swap3A_1060] {strides = array<i32>} : memref<17x4096xf32, #tpu.memory_space<vmem>>, vector<1x16xf32>,
      %swap3A_1062 = vector.shape_cast %swap3A_1061 : vector<1x16xf32> to vector<16xf32>
      %swap3A_1063 = vector.shape_cast %broadcast_in_dim3A_56 : vector<16xf32> to vector<1x16xf32>
      tpu.vector_store %arg6[%swap3A_1059, %swap3A_1060], %swap3A_1063 {strides = array<i32>} : memref<17x4096xf32, #tpu.memory_space<vmem>>, vector<1x16xf32>,
      %swap3A_1064 = arith.constant 16 : i32
      %swap3A_1065 = arith.index_cast %swap3A_1064 : i32 to index
      %swap3A_1066 = arith.constant 2688 : index
      %swap3A_1067 = tpu.vector_load %arg6[%swap3A_1065, %swap3A_1066] {strides = array<i32>} : memref<17x4096xf32, #tpu.memory_space<vmem>>, vector<1x16xf32>,
      %swap3A_1068 = vector.shape_cast %swap3A_1067 : vector<1x16xf32> to vector<16xf32>
      %swap3A_1069 = vector.shape_cast %broadcast_in_dim3A_56 : vector<16xf32> to vector<1x16xf32>
      tpu.vector_store %arg6[%swap3A_1065, %swap3A_1066], %swap3A_1069 {strides = array<i32>} : memref<17x4096xf32, #tpu.memory_space<vmem>>, vector<1x16xf32>,
      %swap3A_1070 = arith.constant 16 : i32
      %swap3A_1071 = arith.index_cast %swap3A_1070 : i32 to index
      %swap3A_1072 = arith.constant 2704 : index
      %swap3A_1073 = tpu.vector_load %arg6[%swap3A_1071, %swap3A_1072] {strides = array<i32>} : memref<17x4096xf32, #tpu.memory_space<vmem>>, vector<1x16xf32>,
      %swap3A_1074 = vector.shape_cast %swap3A_1073 : vector<1x16xf32> to vector<16xf32>
      %swap3A_1075 = vector.shape_cast %broadcast_in_dim3A_56 : vector<16xf32> to vector<1x16xf32>
      tpu.vector_store %arg6[%swap3A_1071, %swap3A_1072], %swap3A_1075 {strides = array<i32>} : memref<17x4096xf32, #tpu.memory_space<vmem>>, vector<1x16xf32>,
      %swap3A_1076 = arith.constant 16 : i32
      %swap3A_1077 = arith.index_cast %swap3A_1076 : i32 to index
      %swap3A_1078 = arith.constant 2720 : index
      %swap3A_1079 = tpu.vector_load %arg6[%swap3A_1077, %swap3A_1078] {strides = array<i32>} : memref<17x4096xf32, #tpu.memory_space<vmem>>, vector<1x16xf32>,
      %swap3A_1080 = vector.shape_cast %swap3A_1079 : vector<1x16xf32> to vector<16xf32>
      %swap3A_1081 = vector.shape_cast %broadcast_in_dim3A_56 : vector<16xf32> to vector<1x16xf32>
      tpu.vector_store %arg6[%swap3A_1077, %swap3A_1078], %swap3A_1081 {strides = array<i32>} : memref<17x4096xf32, #tpu.memory_space<vmem>>, vector<1x16xf32>,
      %swap3A_1082 = arith.constant 16 : i32
      %swap3A_1083 = arith.index_cast %swap3A_1082 : i32 to index
      %swap3A_1084 = arith.constant 2736 : index
      %swap3A_1085 = tpu.vector_load %arg6[%swap3A_1083, %swap3A_1084] {strides = array<i32>} : memref<17x4096xf32, #tpu.memory_space<vmem>>, vector<1x16xf32>,
      %swap3A_1086 = vector.shape_cast %swap3A_1085 : vector<1x16xf32> to vector<16xf32>
      %swap3A_1087 = vector.shape_cast %broadcast_in_dim3A_56 : vector<16xf32> to vector<1x16xf32>
      tpu.vector_store %arg6[%swap3A_1083, %swap3A_1084], %swap3A_1087 {strides = array<i32>} : memref<17x4096xf32, #tpu.memory_space<vmem>>, vector<1x16xf32>,
      %swap3A_1088 = arith.constant 16 : i32
      %swap3A_1089 = arith.index_cast %swap3A_1088 : i32 to index
      %swap3A_1090 = arith.constant 2752 : index
      %swap3A_1091 = tpu.vector_load %arg6[%swap3A_1089, %swap3A_1090] {strides = array<i32>} : memref<17x4096xf32, #tpu.memory_space<vmem>>, vector<1x16xf32>,
      %swap3A_1092 = vector.shape_cast %swap3A_1091 : vector<1x16xf32> to vector<16xf32>
      %swap3A_1093 = vector.shape_cast %broadcast_in_dim3A_56 : vector<16xf32> to vector<1x16xf32>
      tpu.vector_store %arg6[%swap3A_1089, %swap3A_1090], %swap3A_1093 {strides = array<i32>} : memref<17x4096xf32, #tpu.memory_space<vmem>>, vector<1x16xf32>,
      %swap3A_1094 = arith.constant 16 : i32
      %swap3A_1095 = arith.index_cast %swap3A_1094 : i32 to index
      %swap3A_1096 = arith.constant 2768 : index
      %swap3A_1097 = tpu.vector_load %arg6[%swap3A_1095, %swap3A_1096] {strides = array<i32>} : memref<17x4096xf32, #tpu.memory_space<vmem>>, vector<1x16xf32>,
      %swap3A_1098 = vector.shape_cast %swap3A_1097 : vector<1x16xf32> to vector<16xf32>
      %swap3A_1099 = vector.shape_cast %broadcast_in_dim3A_56 : vector<16xf32> to vector<1x16xf32>
      tpu.vector_store %arg6[%swap3A_1095, %swap3A_1096], %swap3A_1099 {strides = array<i32>} : memref<17x4096xf32, #tpu.memory_space<vmem>>, vector<1x16xf32>,
      %swap3A_1100 = arith.constant 16 : i32
      %swap3A_1101 = arith.index_cast %swap3A_1100 : i32 to index
      %swap3A_1102 = arith.constant 2784 : index
      %swap3A_1103 = tpu.vector_load %arg6[%swap3A_1101, %swap3A_1102] {strides = array<i32>} : memref<17x4096xf32, #tpu.memory_space<vmem>>, vector<1x16xf32>,
      %swap3A_1104 = vector.shape_cast %swap3A_1103 : vector<1x16xf32> to vector<16xf32>
      %swap3A_1105 = vector.shape_cast %broadcast_in_dim3A_56 : vector<16xf32> to vector<1x16xf32>
      tpu.vector_store %arg6[%swap3A_1101, %swap3A_1102], %swap3A_1105 {strides = array<i32>} : memref<17x4096xf32, #tpu.memory_space<vmem>>, vector<1x16xf32>,
      %swap3A_1106 = arith.constant 16 : i32
      %swap3A_1107 = arith.index_cast %swap3A_1106 : i32 to index
      %swap3A_1108 = arith.constant 2800 : index
      %swap3A_1109 = tpu.vector_load %arg6[%swap3A_1107, %swap3A_1108] {strides = array<i32>} : memref<17x4096xf32, #tpu.memory_space<vmem>>, vector<1x16xf32>,
      %swap3A_1110 = vector.shape_cast %swap3A_1109 : vector<1x16xf32> to vector<16xf32>
      %swap3A_1111 = vector.shape_cast %broadcast_in_dim3A_56 : vector<16xf32> to vector<1x16xf32>
      tpu.vector_store %arg6[%swap3A_1107, %swap3A_1108], %swap3A_1111 {strides = array<i32>} : memref<17x4096xf32, #tpu.memory_space<vmem>>, vector<1x16xf32>,
      %swap3A_1112 = arith.constant 16 : i32
      %swap3A_1113 = arith.index_cast %swap3A_1112 : i32 to index
      %swap3A_1114 = arith.constant 2816 : index
      %swap3A_1115 = tpu.vector_load %arg6[%swap3A_1113, %swap3A_1114] {strides = array<i32>} : memref<17x4096xf32, #tpu.memory_space<vmem>>, vector<1x16xf32>,
      %swap3A_1116 = vector.shape_cast %swap3A_1115 : vector<1x16xf32> to vector<16xf32>
      %swap3A_1117 = vector.shape_cast %broadcast_in_dim3A_56 : vector<16xf32> to vector<1x16xf32>
      tpu.vector_store %arg6[%swap3A_1113, %swap3A_1114], %swap3A_1117 {strides = array<i32>} : memref<17x4096xf32, #tpu.memory_space<vmem>>, vector<1x16xf32>,
      %swap3A_1118 = arith.constant 16 : i32
      %swap3A_1119 = arith.index_cast %swap3A_1118 : i32 to index
      %swap3A_1120 = arith.constant 2832 : index
      %swap3A_1121 = tpu.vector_load %arg6[%swap3A_1119, %swap3A_1120] {strides = array<i32>} : memref<17x4096xf32, #tpu.memory_space<vmem>>, vector<1x16xf32>,
      %swap3A_1122 = vector.shape_cast %swap3A_1121 : vector<1x16xf32> to vector<16xf32>
      %swap3A_1123 = vector.shape_cast %broadcast_in_dim3A_56 : vector<16xf32> to vector<1x16xf32>
      tpu.vector_store %arg6[%swap3A_1119, %swap3A_1120], %swap3A_1123 {strides = array<i32>} : memref<17x4096xf32, #tpu.memory_space<vmem>>, vector<1x16xf32>,
      %swap3A_1124 = arith.constant 16 : i32
      %swap3A_1125 = arith.index_cast %swap3A_1124 : i32 to index
      %swap3A_1126 = arith.constant 2848 : index
      %swap3A_1127 = tpu.vector_load %arg6[%swap3A_1125, %swap3A_1126] {strides = array<i32>} : memref<17x4096xf32, #tpu.memory_space<vmem>>, vector<1x16xf32>,
      %swap3A_1128 = vector.shape_cast %swap3A_1127 : vector<1x16xf32> to vector<16xf32>
      %swap3A_1129 = vector.shape_cast %broadcast_in_dim3A_56 : vector<16xf32> to vector<1x16xf32>
      tpu.vector_store %arg6[%swap3A_1125, %swap3A_1126], %swap3A_1129 {strides = array<i32>} : memref<17x4096xf32, #tpu.memory_space<vmem>>, vector<1x16xf32>,
      %swap3A_1130 = arith.constant 16 : i32
      %swap3A_1131 = arith.index_cast %swap3A_1130 : i32 to index
      %swap3A_1132 = arith.constant 2864 : index
      %swap3A_1133 = tpu.vector_load %arg6[%swap3A_1131, %swap3A_1132] {strides = array<i32>} : memref<17x4096xf32, #tpu.memory_space<vmem>>, vector<1x16xf32>,
      %swap3A_1134 = vector.shape_cast %swap3A_1133 : vector<1x16xf32> to vector<16xf32>
      %swap3A_1135 = vector.shape_cast %broadcast_in_dim3A_56 : vector<16xf32> to vector<1x16xf32>
      tpu.vector_store %arg6[%swap3A_1131, %swap3A_1132], %swap3A_1135 {strides = array<i32>} : memref<17x4096xf32, #tpu.memory_space<vmem>>, vector<1x16xf32>,
      %swap3A_1136 = arith.constant 16 : i32
      %swap3A_1137 = arith.index_cast %swap3A_1136 : i32 to index
      %swap3A_1138 = arith.constant 2880 : index
      %swap3A_1139 = tpu.vector_load %arg6[%swap3A_1137, %swap3A_1138] {strides = array<i32>} : memref<17x4096xf32, #tpu.memory_space<vmem>>, vector<1x16xf32>,
      %swap3A_1140 = vector.shape_cast %swap3A_1139 : vector<1x16xf32> to vector<16xf32>
      %swap3A_1141 = vector.shape_cast %broadcast_in_dim3A_56 : vector<16xf32> to vector<1x16xf32>
      tpu.vector_store %arg6[%swap3A_1137, %swap3A_1138], %swap3A_1141 {strides = array<i32>} : memref<17x4096xf32, #tpu.memory_space<vmem>>, vector<1x16xf32>,
      %swap3A_1142 = arith.constant 16 : i32
      %swap3A_1143 = arith.index_cast %swap3A_1142 : i32 to index
      %swap3A_1144 = arith.constant 2896 : index
      %swap3A_1145 = tpu.vector_load %arg6[%swap3A_1143, %swap3A_1144] {strides = array<i32>} : memref<17x4096xf32, #tpu.memory_space<vmem>>, vector<1x16xf32>,
      %swap3A_1146 = vector.shape_cast %swap3A_1145 : vector<1x16xf32> to vector<16xf32>
      %swap3A_1147 = vector.shape_cast %broadcast_in_dim3A_56 : vector<16xf32> to vector<1x16xf32>
      tpu.vector_store %arg6[%swap3A_1143, %swap3A_1144], %swap3A_1147 {strides = array<i32>} : memref<17x4096xf32, #tpu.memory_space<vmem>>, vector<1x16xf32>,
      %swap3A_1148 = arith.constant 16 : i32
      %swap3A_1149 = arith.index_cast %swap3A_1148 : i32 to index
      %swap3A_1150 = arith.constant 2912 : index
      %swap3A_1151 = tpu.vector_load %arg6[%swap3A_1149, %swap3A_1150] {strides = array<i32>} : memref<17x4096xf32, #tpu.memory_space<vmem>>, vector<1x16xf32>,
      %swap3A_1152 = vector.shape_cast %swap3A_1151 : vector<1x16xf32> to vector<16xf32>
      %swap3A_1153 = vector.shape_cast %broadcast_in_dim3A_56 : vector<16xf32> to vector<1x16xf32>
      tpu.vector_store %arg6[%swap3A_1149, %swap3A_1150], %swap3A_1153 {strides = array<i32>} : memref<17x4096xf32, #tpu.memory_space<vmem>>, vector<1x16xf32>,
      %swap3A_1154 = arith.constant 16 : i32
      %swap3A_1155 = arith.index_cast %swap3A_1154 : i32 to index
      %swap3A_1156 = arith.constant 2928 : index
      %swap3A_1157 = tpu.vector_load %arg6[%swap3A_1155, %swap3A_1156] {strides = array<i32>} : memref<17x4096xf32, #tpu.memory_space<vmem>>, vector<1x16xf32>,
      %swap3A_1158 = vector.shape_cast %swap3A_1157 : vector<1x16xf32> to vector<16xf32>
      %swap3A_1159 = vector.shape_cast %broadcast_in_dim3A_56 : vector<16xf32> to vector<1x16xf32>
      tpu.vector_store %arg6[%swap3A_1155, %swap3A_1156], %swap3A_1159 {strides = array<i32>} : memref<17x4096xf32, #tpu.memory_space<vmem>>, vector<1x16xf32>,
      %swap3A_1160 = arith.constant 16 : i32
      %swap3A_1161 = arith.index_cast %swap3A_1160 : i32 to index
      %swap3A_1162 = arith.constant 2944 : index
      %swap3A_1163 = tpu.vector_load %arg6[%swap3A_1161, %swap3A_1162] {strides = array<i32>} : memref<17x4096xf32, #tpu.memory_space<vmem>>, vector<1x16xf32>,
      %swap3A_1164 = vector.shape_cast %swap3A_1163 : vector<1x16xf32> to vector<16xf32>
      %swap3A_1165 = vector.shape_cast %broadcast_in_dim3A_56 : vector<16xf32> to vector<1x16xf32>
      tpu.vector_store %arg6[%swap3A_1161, %swap3A_1162], %swap3A_1165 {strides = array<i32>} : memref<17x4096xf32, #tpu.memory_space<vmem>>, vector<1x16xf32>,
      %swap3A_1166 = arith.constant 16 : i32
      %swap3A_1167 = arith.index_cast %swap3A_1166 : i32 to index
      %swap3A_1168 = arith.constant 2960 : index
      %swap3A_1169 = tpu.vector_load %arg6[%swap3A_1167, %swap3A_1168] {strides = array<i32>} : memref<17x4096xf32, #tpu.memory_space<vmem>>, vector<1x16xf32>,
      %swap3A_1170 = vector.shape_cast %swap3A_1169 : vector<1x16xf32> to vector<16xf32>
      %swap3A_1171 = vector.shape_cast %broadcast_in_dim3A_56 : vector<16xf32> to vector<1x16xf32>
      tpu.vector_store %arg6[%swap3A_1167, %swap3A_1168], %swap3A_1171 {strides = array<i32>} : memref<17x4096xf32, #tpu.memory_space<vmem>>, vector<1x16xf32>,
      %swap3A_1172 = arith.constant 16 : i32
      %swap3A_1173 = arith.index_cast %swap3A_1172 : i32 to index
      %swap3A_1174 = arith.constant 2976 : index
      %swap3A_1175 = tpu.vector_load %arg6[%swap3A_1173, %swap3A_1174] {strides = array<i32>} : memref<17x4096xf32, #tpu.memory_space<vmem>>, vector<1x16xf32>,
      %swap3A_1176 = vector.shape_cast %swap3A_1175 : vector<1x16xf32> to vector<16xf32>
      %swap3A_1177 = vector.shape_cast %broadcast_in_dim3A_56 : vector<16xf32> to vector<1x16xf32>
      tpu.vector_store %arg6[%swap3A_1173, %swap3A_1174], %swap3A_1177 {strides = array<i32>} : memref<17x4096xf32, #tpu.memory_space<vmem>>, vector<1x16xf32>,
      %swap3A_1178 = arith.constant 16 : i32
      %swap3A_1179 = arith.index_cast %swap3A_1178 : i32 to index
      %swap3A_1180 = arith.constant 2992 : index
      %swap3A_1181 = tpu.vector_load %arg6[%swap3A_1179, %swap3A_1180] {strides = array<i32>} : memref<17x4096xf32, #tpu.memory_space<vmem>>, vector<1x16xf32>,
      %swap3A_1182 = vector.shape_cast %swap3A_1181 : vector<1x16xf32> to vector<16xf32>
      %swap3A_1183 = vector.shape_cast %broadcast_in_dim3A_56 : vector<16xf32> to vector<1x16xf32>
      tpu.vector_store %arg6[%swap3A_1179, %swap3A_1180], %swap3A_1183 {strides = array<i32>} : memref<17x4096xf32, #tpu.memory_space<vmem>>, vector<1x16xf32>,
      %swap3A_1184 = arith.constant 16 : i32
      %swap3A_1185 = arith.index_cast %swap3A_1184 : i32 to index
      %swap3A_1186 = arith.constant 3008 : index
      %swap3A_1187 = tpu.vector_load %arg6[%swap3A_1185, %swap3A_1186] {strides = array<i32>} : memref<17x4096xf32, #tpu.memory_space<vmem>>, vector<1x16xf32>,
      %swap3A_1188 = vector.shape_cast %swap3A_1187 : vector<1x16xf32> to vector<16xf32>
      %swap3A_1189 = vector.shape_cast %broadcast_in_dim3A_56 : vector<16xf32> to vector<1x16xf32>
      tpu.vector_store %arg6[%swap3A_1185, %swap3A_1186], %swap3A_1189 {strides = array<i32>} : memref<17x4096xf32, #tpu.memory_space<vmem>>, vector<1x16xf32>,
      %swap3A_1190 = arith.constant 16 : i32
      %swap3A_1191 = arith.index_cast %swap3A_1190 : i32 to index
      %swap3A_1192 = arith.constant 3024 : index
      %swap3A_1193 = tpu.vector_load %arg6[%swap3A_1191, %swap3A_1192] {strides = array<i32>} : memref<17x4096xf32, #tpu.memory_space<vmem>>, vector<1x16xf32>,
      %swap3A_1194 = vector.shape_cast %swap3A_1193 : vector<1x16xf32> to vector<16xf32>
      %swap3A_1195 = vector.shape_cast %broadcast_in_dim3A_56 : vector<16xf32> to vector<1x16xf32>
      tpu.vector_store %arg6[%swap3A_1191, %swap3A_1192], %swap3A_1195 {strides = array<i32>} : memref<17x4096xf32, #tpu.memory_space<vmem>>, vector<1x16xf32>,
      %swap3A_1196 = arith.constant 16 : i32
      %swap3A_1197 = arith.index_cast %swap3A_1196 : i32 to index
      %swap3A_1198 = arith.constant 3040 : index
      %swap3A_1199 = tpu.vector_load %arg6[%swap3A_1197, %swap3A_1198] {strides = array<i32>} : memref<17x4096xf32, #tpu.memory_space<vmem>>, vector<1x16xf32>,
      %swap3A_1200 = vector.shape_cast %swap3A_1199 : vector<1x16xf32> to vector<16xf32>
      %swap3A_1201 = vector.shape_cast %broadcast_in_dim3A_56 : vector<16xf32> to vector<1x16xf32>
      tpu.vector_store %arg6[%swap3A_1197, %swap3A_1198], %swap3A_1201 {strides = array<i32>} : memref<17x4096xf32, #tpu.memory_space<vmem>>, vector<1x16xf32>,
      %swap3A_1202 = arith.constant 16 : i32
      %swap3A_1203 = arith.index_cast %swap3A_1202 : i32 to index
      %swap3A_1204 = arith.constant 3056 : index
      %swap3A_1205 = tpu.vector_load %arg6[%swap3A_1203, %swap3A_1204] {strides = array<i32>} : memref<17x4096xf32, #tpu.memory_space<vmem>>, vector<1x16xf32>,
      %swap3A_1206 = vector.shape_cast %swap3A_1205 : vector<1x16xf32> to vector<16xf32>
      %swap3A_1207 = vector.shape_cast %broadcast_in_dim3A_56 : vector<16xf32> to vector<1x16xf32>
      tpu.vector_store %arg6[%swap3A_1203, %swap3A_1204], %swap3A_1207 {strides = array<i32>} : memref<17x4096xf32, #tpu.memory_space<vmem>>, vector<1x16xf32>,
      %swap3A_1208 = arith.constant 16 : i32
      %swap3A_1209 = arith.index_cast %swap3A_1208 : i32 to index
      %swap3A_1210 = arith.constant 3072 : index
      %swap3A_1211 = tpu.vector_load %arg6[%swap3A_1209, %swap3A_1210] {strides = array<i32>} : memref<17x4096xf32, #tpu.memory_space<vmem>>, vector<1x16xf32>,
      %swap3A_1212 = vector.shape_cast %swap3A_1211 : vector<1x16xf32> to vector<16xf32>
      %swap3A_1213 = vector.shape_cast %broadcast_in_dim3A_56 : vector<16xf32> to vector<1x16xf32>
      tpu.vector_store %arg6[%swap3A_1209, %swap3A_1210], %swap3A_1213 {strides = array<i32>} : memref<17x4096xf32, #tpu.memory_space<vmem>>, vector<1x16xf32>,
      %swap3A_1214 = arith.constant 16 : i32
      %swap3A_1215 = arith.index_cast %swap3A_1214 : i32 to index
      %swap3A_1216 = arith.constant 3088 : index
      %swap3A_1217 = tpu.vector_load %arg6[%swap3A_1215, %swap3A_1216] {strides = array<i32>} : memref<17x4096xf32, #tpu.memory_space<vmem>>, vector<1x16xf32>,
      %swap3A_1218 = vector.shape_cast %swap3A_1217 : vector<1x16xf32> to vector<16xf32>
      %swap3A_1219 = vector.shape_cast %broadcast_in_dim3A_56 : vector<16xf32> to vector<1x16xf32>
      tpu.vector_store %arg6[%swap3A_1215, %swap3A_1216], %swap3A_1219 {strides = array<i32>} : memref<17x4096xf32, #tpu.memory_space<vmem>>, vector<1x16xf32>,
      %swap3A_1220 = arith.constant 16 : i32
      %swap3A_1221 = arith.index_cast %swap3A_1220 : i32 to index
      %swap3A_1222 = arith.constant 3104 : index
      %swap3A_1223 = tpu.vector_load %arg6[%swap3A_1221, %swap3A_1222] {strides = array<i32>} : memref<17x4096xf32, #tpu.memory_space<vmem>>, vector<1x16xf32>,
      %swap3A_1224 = vector.shape_cast %swap3A_1223 : vector<1x16xf32> to vector<16xf32>
      %swap3A_1225 = vector.shape_cast %broadcast_in_dim3A_56 : vector<16xf32> to vector<1x16xf32>
      tpu.vector_store %arg6[%swap3A_1221, %swap3A_1222], %swap3A_1225 {strides = array<i32>} : memref<17x4096xf32, #tpu.memory_space<vmem>>, vector<1x16xf32>,
      %swap3A_1226 = arith.constant 16 : i32
      %swap3A_1227 = arith.index_cast %swap3A_1226 : i32 to index
      %swap3A_1228 = arith.constant 3120 : index
      %swap3A_1229 = tpu.vector_load %arg6[%swap3A_1227, %swap3A_1228] {strides = array<i32>} : memref<17x4096xf32, #tpu.memory_space<vmem>>, vector<1x16xf32>,
      %swap3A_1230 = vector.shape_cast %swap3A_1229 : vector<1x16xf32> to vector<16xf32>
      %swap3A_1231 = vector.shape_cast %broadcast_in_dim3A_56 : vector<16xf32> to vector<1x16xf32>
      tpu.vector_store %arg6[%swap3A_1227, %swap3A_1228], %swap3A_1231 {strides = array<i32>} : memref<17x4096xf32, #tpu.memory_space<vmem>>, vector<1x16xf32>,
      %swap3A_1232 = arith.constant 16 : i32
      %swap3A_1233 = arith.index_cast %swap3A_1232 : i32 to index
      %swap3A_1234 = arith.constant 3136 : index
      %swap3A_1235 = tpu.vector_load %arg6[%swap3A_1233, %swap3A_1234] {strides = array<i32>} : memref<17x4096xf32, #tpu.memory_space<vmem>>, vector<1x16xf32>,
      %swap3A_1236 = vector.shape_cast %swap3A_1235 : vector<1x16xf32> to vector<16xf32>
      %swap3A_1237 = vector.shape_cast %broadcast_in_dim3A_56 : vector<16xf32> to vector<1x16xf32>
      tpu.vector_store %arg6[%swap3A_1233, %swap3A_1234], %swap3A_1237 {strides = array<i32>} : memref<17x4096xf32, #tpu.memory_space<vmem>>, vector<1x16xf32>,
      %swap3A_1238 = arith.constant 16 : i32
      %swap3A_1239 = arith.index_cast %swap3A_1238 : i32 to index
      %swap3A_1240 = arith.constant 3152 : index
      %swap3A_1241 = tpu.vector_load %arg6[%swap3A_1239, %swap3A_1240] {strides = array<i32>} : memref<17x4096xf32, #tpu.memory_space<vmem>>, vector<1x16xf32>,
      %swap3A_1242 = vector.shape_cast %swap3A_1241 : vector<1x16xf32> to vector<16xf32>
      %swap3A_1243 = vector.shape_cast %broadcast_in_dim3A_56 : vector<16xf32> to vector<1x16xf32>
      tpu.vector_store %arg6[%swap3A_1239, %swap3A_1240], %swap3A_1243 {strides = array<i32>} : memref<17x4096xf32, #tpu.memory_space<vmem>>, vector<1x16xf32>,
      %swap3A_1244 = arith.constant 16 : i32
      %swap3A_1245 = arith.index_cast %swap3A_1244 : i32 to index
      %swap3A_1246 = arith.constant 3168 : index
      %swap3A_1247 = tpu.vector_load %arg6[%swap3A_1245, %swap3A_1246] {strides = array<i32>} : memref<17x4096xf32, #tpu.memory_space<vmem>>, vector<1x16xf32>,
      %swap3A_1248 = vector.shape_cast %swap3A_1247 : vector<1x16xf32> to vector<16xf32>
      %swap3A_1249 = vector.shape_cast %broadcast_in_dim3A_56 : vector<16xf32> to vector<1x16xf32>
      tpu.vector_store %arg6[%swap3A_1245, %swap3A_1246], %swap3A_1249 {strides = array<i32>} : memref<17x4096xf32, #tpu.memory_space<vmem>>, vector<1x16xf32>,
      %swap3A_1250 = arith.constant 16 : i32
      %swap3A_1251 = arith.index_cast %swap3A_1250 : i32 to index
      %swap3A_1252 = arith.constant 3184 : index
      %swap3A_1253 = tpu.vector_load %arg6[%swap3A_1251, %swap3A_1252] {strides = array<i32>} : memref<17x4096xf32, #tpu.memory_space<vmem>>, vector<1x16xf32>,
      %swap3A_1254 = vector.shape_cast %swap3A_1253 : vector<1x16xf32> to vector<16xf32>
      %swap3A_1255 = vector.shape_cast %broadcast_in_dim3A_56 : vector<16xf32> to vector<1x16xf32>
      tpu.vector_store %arg6[%swap3A_1251, %swap3A_1252], %swap3A_1255 {strides = array<i32>} : memref<17x4096xf32, #tpu.memory_space<vmem>>, vector<1x16xf32>,
      %swap3A_1256 = arith.constant 16 : i32
      %swap3A_1257 = arith.index_cast %swap3A_1256 : i32 to index
      %swap3A_1258 = arith.constant 3200 : index
      %swap3A_1259 = tpu.vector_load %arg6[%swap3A_1257, %swap3A_1258] {strides = array<i32>} : memref<17x4096xf32, #tpu.memory_space<vmem>>, vector<1x16xf32>,
      %swap3A_1260 = vector.shape_cast %swap3A_1259 : vector<1x16xf32> to vector<16xf32>
      %swap3A_1261 = vector.shape_cast %broadcast_in_dim3A_56 : vector<16xf32> to vector<1x16xf32>
      tpu.vector_store %arg6[%swap3A_1257, %swap3A_1258], %swap3A_1261 {strides = array<i32>} : memref<17x4096xf32, #tpu.memory_space<vmem>>, vector<1x16xf32>,
      %swap3A_1262 = arith.constant 16 : i32
      %swap3A_1263 = arith.index_cast %swap3A_1262 : i32 to index
      %swap3A_1264 = arith.constant 3216 : index
      %swap3A_1265 = tpu.vector_load %arg6[%swap3A_1263, %swap3A_1264] {strides = array<i32>} : memref<17x4096xf32, #tpu.memory_space<vmem>>, vector<1x16xf32>,
      %swap3A_1266 = vector.shape_cast %swap3A_1265 : vector<1x16xf32> to vector<16xf32>
      %swap3A_1267 = vector.shape_cast %broadcast_in_dim3A_56 : vector<16xf32> to vector<1x16xf32>
      tpu.vector_store %arg6[%swap3A_1263, %swap3A_1264], %swap3A_1267 {strides = array<i32>} : memref<17x4096xf32, #tpu.memory_space<vmem>>, vector<1x16xf32>,
      %swap3A_1268 = arith.constant 16 : i32
      %swap3A_1269 = arith.index_cast %swap3A_1268 : i32 to index
      %swap3A_1270 = arith.constant 3232 : index
      %swap3A_1271 = tpu.vector_load %arg6[%swap3A_1269, %swap3A_1270] {strides = array<i32>} : memref<17x4096xf32, #tpu.memory_space<vmem>>, vector<1x16xf32>,
      %swap3A_1272 = vector.shape_cast %swap3A_1271 : vector<1x16xf32> to vector<16xf32>
      %swap3A_1273 = vector.shape_cast %broadcast_in_dim3A_56 : vector<16xf32> to vector<1x16xf32>
      tpu.vector_store %arg6[%swap3A_1269, %swap3A_1270], %swap3A_1273 {strides = array<i32>} : memref<17x4096xf32, #tpu.memory_space<vmem>>, vector<1x16xf32>,
      %swap3A_1274 = arith.constant 16 : i32
      %swap3A_1275 = arith.index_cast %swap3A_1274 : i32 to index
      %swap3A_1276 = arith.constant 3248 : index
      %swap3A_1277 = tpu.vector_load %arg6[%swap3A_1275, %swap3A_1276] {strides = array<i32>} : memref<17x4096xf32, #tpu.memory_space<vmem>>, vector<1x16xf32>,
      %swap3A_1278 = vector.shape_cast %swap3A_1277 : vector<1x16xf32> to vector<16xf32>
      %swap3A_1279 = vector.shape_cast %broadcast_in_dim3A_56 : vector<16xf32> to vector<1x16xf32>
      tpu.vector_store %arg6[%swap3A_1275, %swap3A_1276], %swap3A_1279 {strides = array<i32>} : memref<17x4096xf32, #tpu.memory_space<vmem>>, vector<1x16xf32>,
      %swap3A_1280 = arith.constant 16 : i32
      %swap3A_1281 = arith.index_cast %swap3A_1280 : i32 to index
      %swap3A_1282 = arith.constant 3264 : index
      %swap3A_1283 = tpu.vector_load %arg6[%swap3A_1281, %swap3A_1282] {strides = array<i32>} : memref<17x4096xf32, #tpu.memory_space<vmem>>, vector<1x16xf32>,
      %swap3A_1284 = vector.shape_cast %swap3A_1283 : vector<1x16xf32> to vector<16xf32>
      %swap3A_1285 = vector.shape_cast %broadcast_in_dim3A_56 : vector<16xf32> to vector<1x16xf32>
      tpu.vector_store %arg6[%swap3A_1281, %swap3A_1282], %swap3A_1285 {strides = array<i32>} : memref<17x4096xf32, #tpu.memory_space<vmem>>, vector<1x16xf32>,
      %swap3A_1286 = arith.constant 16 : i32
      %swap3A_1287 = arith.index_cast %swap3A_1286 : i32 to index
      %swap3A_1288 = arith.constant 3280 : index
      %swap3A_1289 = tpu.vector_load %arg6[%swap3A_1287, %swap3A_1288] {strides = array<i32>} : memref<17x4096xf32, #tpu.memory_space<vmem>>, vector<1x16xf32>,
      %swap3A_1290 = vector.shape_cast %swap3A_1289 : vector<1x16xf32> to vector<16xf32>
      %swap3A_1291 = vector.shape_cast %broadcast_in_dim3A_56 : vector<16xf32> to vector<1x16xf32>
      tpu.vector_store %arg6[%swap3A_1287, %swap3A_1288], %swap3A_1291 {strides = array<i32>} : memref<17x4096xf32, #tpu.memory_space<vmem>>, vector<1x16xf32>,
      %swap3A_1292 = arith.constant 16 : i32
      %swap3A_1293 = arith.index_cast %swap3A_1292 : i32 to index
      %swap3A_1294 = arith.constant 3296 : index
      %swap3A_1295 = tpu.vector_load %arg6[%swap3A_1293, %swap3A_1294] {strides = array<i32>} : memref<17x4096xf32, #tpu.memory_space<vmem>>, vector<1x16xf32>,
      %swap3A_1296 = vector.shape_cast %swap3A_1295 : vector<1x16xf32> to vector<16xf32>
      %swap3A_1297 = vector.shape_cast %broadcast_in_dim3A_56 : vector<16xf32> to vector<1x16xf32>
      tpu.vector_store %arg6[%swap3A_1293, %swap3A_1294], %swap3A_1297 {strides = array<i32>} : memref<17x4096xf32, #tpu.memory_space<vmem>>, vector<1x16xf32>,
      %swap3A_1298 = arith.constant 16 : i32
      %swap3A_1299 = arith.index_cast %swap3A_1298 : i32 to index
      %swap3A_1300 = arith.constant 3312 : index
      %swap3A_1301 = tpu.vector_load %arg6[%swap3A_1299, %swap3A_1300] {strides = array<i32>} : memref<17x4096xf32, #tpu.memory_space<vmem>>, vector<1x16xf32>,
      %swap3A_1302 = vector.shape_cast %swap3A_1301 : vector<1x16xf32> to vector<16xf32>
      %swap3A_1303 = vector.shape_cast %broadcast_in_dim3A_56 : vector<16xf32> to vector<1x16xf32>
      tpu.vector_store %arg6[%swap3A_1299, %swap3A_1300], %swap3A_1303 {strides = array<i32>} : memref<17x4096xf32, #tpu.memory_space<vmem>>, vector<1x16xf32>,
      %swap3A_1304 = arith.constant 16 : i32
      %swap3A_1305 = arith.index_cast %swap3A_1304 : i32 to index
      %swap3A_1306 = arith.constant 3328 : index
      %swap3A_1307 = tpu.vector_load %arg6[%swap3A_1305, %swap3A_1306] {strides = array<i32>} : memref<17x4096xf32, #tpu.memory_space<vmem>>, vector<1x16xf32>,
      %swap3A_1308 = vector.shape_cast %swap3A_1307 : vector<1x16xf32> to vector<16xf32>
      %swap3A_1309 = vector.shape_cast %broadcast_in_dim3A_56 : vector<16xf32> to vector<1x16xf32>
      tpu.vector_store %arg6[%swap3A_1305, %swap3A_1306], %swap3A_1309 {strides = array<i32>} : memref<17x4096xf32, #tpu.memory_space<vmem>>, vector<1x16xf32>,
      %swap3A_1310 = arith.constant 16 : i32
      %swap3A_1311 = arith.index_cast %swap3A_1310 : i32 to index
      %swap3A_1312 = arith.constant 3344 : index
      %swap3A_1313 = tpu.vector_load %arg6[%swap3A_1311, %swap3A_1312] {strides = array<i32>} : memref<17x4096xf32, #tpu.memory_space<vmem>>, vector<1x16xf32>,
      %swap3A_1314 = vector.shape_cast %swap3A_1313 : vector<1x16xf32> to vector<16xf32>
      %swap3A_1315 = vector.shape_cast %broadcast_in_dim3A_56 : vector<16xf32> to vector<1x16xf32>
      tpu.vector_store %arg6[%swap3A_1311, %swap3A_1312], %swap3A_1315 {strides = array<i32>} : memref<17x4096xf32, #tpu.memory_space<vmem>>, vector<1x16xf32>,
      %swap3A_1316 = arith.constant 16 : i32
      %swap3A_1317 = arith.index_cast %swap3A_1316 : i32 to index
      %swap3A_1318 = arith.constant 3360 : index
      %swap3A_1319 = tpu.vector_load %arg6[%swap3A_1317, %swap3A_1318] {strides = array<i32>} : memref<17x4096xf32, #tpu.memory_space<vmem>>, vector<1x16xf32>,
      %swap3A_1320 = vector.shape_cast %swap3A_1319 : vector<1x16xf32> to vector<16xf32>
      %swap3A_1321 = vector.shape_cast %broadcast_in_dim3A_56 : vector<16xf32> to vector<1x16xf32>
      tpu.vector_store %arg6[%swap3A_1317, %swap3A_1318], %swap3A_1321 {strides = array<i32>} : memref<17x4096xf32, #tpu.memory_space<vmem>>, vector<1x16xf32>,
      %swap3A_1322 = arith.constant 16 : i32
      %swap3A_1323 = arith.index_cast %swap3A_1322 : i32 to index
      %swap3A_1324 = arith.constant 3376 : index
      %swap3A_1325 = tpu.vector_load %arg6[%swap3A_1323, %swap3A_1324] {strides = array<i32>} : memref<17x4096xf32, #tpu.memory_space<vmem>>, vector<1x16xf32>,
      %swap3A_1326 = vector.shape_cast %swap3A_1325 : vector<1x16xf32> to vector<16xf32>
      %swap3A_1327 = vector.shape_cast %broadcast_in_dim3A_56 : vector<16xf32> to vector<1x16xf32>
      tpu.vector_store %arg6[%swap3A_1323, %swap3A_1324], %swap3A_1327 {strides = array<i32>} : memref<17x4096xf32, #tpu.memory_space<vmem>>, vector<1x16xf32>,
      %swap3A_1328 = arith.constant 16 : i32
      %swap3A_1329 = arith.index_cast %swap3A_1328 : i32 to index
      %swap3A_1330 = arith.constant 3392 : index
      %swap3A_1331 = tpu.vector_load %arg6[%swap3A_1329, %swap3A_1330] {strides = array<i32>} : memref<17x4096xf32, #tpu.memory_space<vmem>>, vector<1x16xf32>,
      %swap3A_1332 = vector.shape_cast %swap3A_1331 : vector<1x16xf32> to vector<16xf32>
      %swap3A_1333 = vector.shape_cast %broadcast_in_dim3A_56 : vector<16xf32> to vector<1x16xf32>
      tpu.vector_store %arg6[%swap3A_1329, %swap3A_1330], %swap3A_1333 {strides = array<i32>} : memref<17x4096xf32, #tpu.memory_space<vmem>>, vector<1x16xf32>,
      %swap3A_1334 = arith.constant 16 : i32
      %swap3A_1335 = arith.index_cast %swap3A_1334 : i32 to index
      %swap3A_1336 = arith.constant 3408 : index
      %swap3A_1337 = tpu.vector_load %arg6[%swap3A_1335, %swap3A_1336] {strides = array<i32>} : memref<17x4096xf32, #tpu.memory_space<vmem>>, vector<1x16xf32>,
      %swap3A_1338 = vector.shape_cast %swap3A_1337 : vector<1x16xf32> to vector<16xf32>
      %swap3A_1339 = vector.shape_cast %broadcast_in_dim3A_56 : vector<16xf32> to vector<1x16xf32>
      tpu.vector_store %arg6[%swap3A_1335, %swap3A_1336], %swap3A_1339 {strides = array<i32>} : memref<17x4096xf32, #tpu.memory_space<vmem>>, vector<1x16xf32>,
      %swap3A_1340 = arith.constant 16 : i32
      %swap3A_1341 = arith.index_cast %swap3A_1340 : i32 to index
      %swap3A_1342 = arith.constant 3424 : index
      %swap3A_1343 = tpu.vector_load %arg6[%swap3A_1341, %swap3A_1342] {strides = array<i32>} : memref<17x4096xf32, #tpu.memory_space<vmem>>, vector<1x16xf32>,
      %swap3A_1344 = vector.shape_cast %swap3A_1343 : vector<1x16xf32> to vector<16xf32>
      %swap3A_1345 = vector.shape_cast %broadcast_in_dim3A_56 : vector<16xf32> to vector<1x16xf32>
      tpu.vector_store %arg6[%swap3A_1341, %swap3A_1342], %swap3A_1345 {strides = array<i32>} : memref<17x4096xf32, #tpu.memory_space<vmem>>, vector<1x16xf32>,
      %swap3A_1346 = arith.constant 16 : i32
      %swap3A_1347 = arith.index_cast %swap3A_1346 : i32 to index
      %swap3A_1348 = arith.constant 3440 : index
      %swap3A_1349 = tpu.vector_load %arg6[%swap3A_1347, %swap3A_1348] {strides = array<i32>} : memref<17x4096xf32, #tpu.memory_space<vmem>>, vector<1x16xf32>,
      %swap3A_1350 = vector.shape_cast %swap3A_1349 : vector<1x16xf32> to vector<16xf32>
      %swap3A_1351 = vector.shape_cast %broadcast_in_dim3A_56 : vector<16xf32> to vector<1x16xf32>
      tpu.vector_store %arg6[%swap3A_1347, %swap3A_1348], %swap3A_1351 {strides = array<i32>} : memref<17x4096xf32, #tpu.memory_space<vmem>>, vector<1x16xf32>,
      %swap3A_1352 = arith.constant 16 : i32
      %swap3A_1353 = arith.index_cast %swap3A_1352 : i32 to index
      %swap3A_1354 = arith.constant 3456 : index
      %swap3A_1355 = tpu.vector_load %arg6[%swap3A_1353, %swap3A_1354] {strides = array<i32>} : memref<17x4096xf32, #tpu.memory_space<vmem>>, vector<1x16xf32>,
      %swap3A_1356 = vector.shape_cast %swap3A_1355 : vector<1x16xf32> to vector<16xf32>
      %swap3A_1357 = vector.shape_cast %broadcast_in_dim3A_56 : vector<16xf32> to vector<1x16xf32>
      tpu.vector_store %arg6[%swap3A_1353, %swap3A_1354], %swap3A_1357 {strides = array<i32>} : memref<17x4096xf32, #tpu.memory_space<vmem>>, vector<1x16xf32>,
      %swap3A_1358 = arith.constant 16 : i32
      %swap3A_1359 = arith.index_cast %swap3A_1358 : i32 to index
      %swap3A_1360 = arith.constant 3472 : index
      %swap3A_1361 = tpu.vector_load %arg6[%swap3A_1359, %swap3A_1360] {strides = array<i32>} : memref<17x4096xf32, #tpu.memory_space<vmem>>, vector<1x16xf32>,
      %swap3A_1362 = vector.shape_cast %swap3A_1361 : vector<1x16xf32> to vector<16xf32>
      %swap3A_1363 = vector.shape_cast %broadcast_in_dim3A_56 : vector<16xf32> to vector<1x16xf32>
      tpu.vector_store %arg6[%swap3A_1359, %swap3A_1360], %swap3A_1363 {strides = array<i32>} : memref<17x4096xf32, #tpu.memory_space<vmem>>, vector<1x16xf32>,
      %swap3A_1364 = arith.constant 16 : i32
      %swap3A_1365 = arith.index_cast %swap3A_1364 : i32 to index
      %swap3A_1366 = arith.constant 3488 : index
      %swap3A_1367 = tpu.vector_load %arg6[%swap3A_1365, %swap3A_1366] {strides = array<i32>} : memref<17x4096xf32, #tpu.memory_space<vmem>>, vector<1x16xf32>,
      %swap3A_1368 = vector.shape_cast %swap3A_1367 : vector<1x16xf32> to vector<16xf32>
      %swap3A_1369 = vector.shape_cast %broadcast_in_dim3A_56 : vector<16xf32> to vector<1x16xf32>
      tpu.vector_store %arg6[%swap3A_1365, %swap3A_1366], %swap3A_1369 {strides = array<i32>} : memref<17x4096xf32, #tpu.memory_space<vmem>>, vector<1x16xf32>,
      %swap3A_1370 = arith.constant 16 : i32
      %swap3A_1371 = arith.index_cast %swap3A_1370 : i32 to index
      %swap3A_1372 = arith.constant 3504 : index
      %swap3A_1373 = tpu.vector_load %arg6[%swap3A_1371, %swap3A_1372] {strides = array<i32>} : memref<17x4096xf32, #tpu.memory_space<vmem>>, vector<1x16xf32>,
      %swap3A_1374 = vector.shape_cast %swap3A_1373 : vector<1x16xf32> to vector<16xf32>
      %swap3A_1375 = vector.shape_cast %broadcast_in_dim3A_56 : vector<16xf32> to vector<1x16xf32>
      tpu.vector_store %arg6[%swap3A_1371, %swap3A_1372], %swap3A_1375 {strides = array<i32>} : memref<17x4096xf32, #tpu.memory_space<vmem>>, vector<1x16xf32>,
      %swap3A_1376 = arith.constant 16 : i32
      %swap3A_1377 = arith.index_cast %swap3A_1376 : i32 to index
      %swap3A_1378 = arith.constant 3520 : index
      %swap3A_1379 = tpu.vector_load %arg6[%swap3A_1377, %swap3A_1378] {strides = array<i32>} : memref<17x4096xf32, #tpu.memory_space<vmem>>, vector<1x16xf32>,
      %swap3A_1380 = vector.shape_cast %swap3A_1379 : vector<1x16xf32> to vector<16xf32>
      %swap3A_1381 = vector.shape_cast %broadcast_in_dim3A_56 : vector<16xf32> to vector<1x16xf32>
      tpu.vector_store %arg6[%swap3A_1377, %swap3A_1378], %swap3A_1381 {strides = array<i32>} : memref<17x4096xf32, #tpu.memory_space<vmem>>, vector<1x16xf32>,
      %swap3A_1382 = arith.constant 16 : i32
      %swap3A_1383 = arith.index_cast %swap3A_1382 : i32 to index
      %swap3A_1384 = arith.constant 3536 : index
      %swap3A_1385 = tpu.vector_load %arg6[%swap3A_1383, %swap3A_1384] {strides = array<i32>} : memref<17x4096xf32, #tpu.memory_space<vmem>>, vector<1x16xf32>,
      %swap3A_1386 = vector.shape_cast %swap3A_1385 : vector<1x16xf32> to vector<16xf32>
      %swap3A_1387 = vector.shape_cast %broadcast_in_dim3A_56 : vector<16xf32> to vector<1x16xf32>
      tpu.vector_store %arg6[%swap3A_1383, %swap3A_1384], %swap3A_1387 {strides = array<i32>} : memref<17x4096xf32, #tpu.memory_space<vmem>>, vector<1x16xf32>,
      %swap3A_1388 = arith.constant 16 : i32
      %swap3A_1389 = arith.index_cast %swap3A_1388 : i32 to index
      %swap3A_1390 = arith.constant 3552 : index
      %swap3A_1391 = tpu.vector_load %arg6[%swap3A_1389, %swap3A_1390] {strides = array<i32>} : memref<17x4096xf32, #tpu.memory_space<vmem>>, vector<1x16xf32>,
      %swap3A_1392 = vector.shape_cast %swap3A_1391 : vector<1x16xf32> to vector<16xf32>
      %swap3A_1393 = vector.shape_cast %broadcast_in_dim3A_56 : vector<16xf32> to vector<1x16xf32>
      tpu.vector_store %arg6[%swap3A_1389, %swap3A_1390], %swap3A_1393 {strides = array<i32>} : memref<17x4096xf32, #tpu.memory_space<vmem>>, vector<1x16xf32>,
      %swap3A_1394 = arith.constant 16 : i32
      %swap3A_1395 = arith.index_cast %swap3A_1394 : i32 to index
      %swap3A_1396 = arith.constant 3568 : index
      %swap3A_1397 = tpu.vector_load %arg6[%swap3A_1395, %swap3A_1396] {strides = array<i32>} : memref<17x4096xf32, #tpu.memory_space<vmem>>, vector<1x16xf32>,
      %swap3A_1398 = vector.shape_cast %swap3A_1397 : vector<1x16xf32> to vector<16xf32>
      %swap3A_1399 = vector.shape_cast %broadcast_in_dim3A_56 : vector<16xf32> to vector<1x16xf32>
      tpu.vector_store %arg6[%swap3A_1395, %swap3A_1396], %swap3A_1399 {strides = array<i32>} : memref<17x4096xf32, #tpu.memory_space<vmem>>, vector<1x16xf32>,
      %swap3A_1400 = arith.constant 16 : i32
      %swap3A_1401 = arith.index_cast %swap3A_1400 : i32 to index
      %swap3A_1402 = arith.constant 3584 : index
      %swap3A_1403 = tpu.vector_load %arg6[%swap3A_1401, %swap3A_1402] {strides = array<i32>} : memref<17x4096xf32, #tpu.memory_space<vmem>>, vector<1x16xf32>,
      %swap3A_1404 = vector.shape_cast %swap3A_1403 : vector<1x16xf32> to vector<16xf32>
      %swap3A_1405 = vector.shape_cast %broadcast_in_dim3A_56 : vector<16xf32> to vector<1x16xf32>
      tpu.vector_store %arg6[%swap3A_1401, %swap3A_1402], %swap3A_1405 {strides = array<i32>} : memref<17x4096xf32, #tpu.memory_space<vmem>>, vector<1x16xf32>,
      %swap3A_1406 = arith.constant 16 : i32
      %swap3A_1407 = arith.index_cast %swap3A_1406 : i32 to index
      %swap3A_1408 = arith.constant 3600 : index
      %swap3A_1409 = tpu.vector_load %arg6[%swap3A_1407, %swap3A_1408] {strides = array<i32>} : memref<17x4096xf32, #tpu.memory_space<vmem>>, vector<1x16xf32>,
      %swap3A_1410 = vector.shape_cast %swap3A_1409 : vector<1x16xf32> to vector<16xf32>
      %swap3A_1411 = vector.shape_cast %broadcast_in_dim3A_56 : vector<16xf32> to vector<1x16xf32>
      tpu.vector_store %arg6[%swap3A_1407, %swap3A_1408], %swap3A_1411 {strides = array<i32>} : memref<17x4096xf32, #tpu.memory_space<vmem>>, vector<1x16xf32>,
      %swap3A_1412 = arith.constant 16 : i32
      %swap3A_1413 = arith.index_cast %swap3A_1412 : i32 to index
      %swap3A_1414 = arith.constant 3616 : index
      %swap3A_1415 = tpu.vector_load %arg6[%swap3A_1413, %swap3A_1414] {strides = array<i32>} : memref<17x4096xf32, #tpu.memory_space<vmem>>, vector<1x16xf32>,
      %swap3A_1416 = vector.shape_cast %swap3A_1415 : vector<1x16xf32> to vector<16xf32>
      %swap3A_1417 = vector.shape_cast %broadcast_in_dim3A_56 : vector<16xf32> to vector<1x16xf32>
      tpu.vector_store %arg6[%swap3A_1413, %swap3A_1414], %swap3A_1417 {strides = array<i32>} : memref<17x4096xf32, #tpu.memory_space<vmem>>, vector<1x16xf32>,
      %swap3A_1418 = arith.constant 16 : i32
      %swap3A_1419 = arith.index_cast %swap3A_1418 : i32 to index
      %swap3A_1420 = arith.constant 3632 : index
      %swap3A_1421 = tpu.vector_load %arg6[%swap3A_1419, %swap3A_1420] {strides = array<i32>} : memref<17x4096xf32, #tpu.memory_space<vmem>>, vector<1x16xf32>,
      %swap3A_1422 = vector.shape_cast %swap3A_1421 : vector<1x16xf32> to vector<16xf32>
      %swap3A_1423 = vector.shape_cast %broadcast_in_dim3A_56 : vector<16xf32> to vector<1x16xf32>
      tpu.vector_store %arg6[%swap3A_1419, %swap3A_1420], %swap3A_1423 {strides = array<i32>} : memref<17x4096xf32, #tpu.memory_space<vmem>>, vector<1x16xf32>,
      %swap3A_1424 = arith.constant 16 : i32
      %swap3A_1425 = arith.index_cast %swap3A_1424 : i32 to index
      %swap3A_1426 = arith.constant 3648 : index
      %swap3A_1427 = tpu.vector_load %arg6[%swap3A_1425, %swap3A_1426] {strides = array<i32>} : memref<17x4096xf32, #tpu.memory_space<vmem>>, vector<1x16xf32>,
      %swap3A_1428 = vector.shape_cast %swap3A_1427 : vector<1x16xf32> to vector<16xf32>
      %swap3A_1429 = vector.shape_cast %broadcast_in_dim3A_56 : vector<16xf32> to vector<1x16xf32>
      tpu.vector_store %arg6[%swap3A_1425, %swap3A_1426], %swap3A_1429 {strides = array<i32>} : memref<17x4096xf32, #tpu.memory_space<vmem>>, vector<1x16xf32>,
      %swap3A_1430 = arith.constant 16 : i32
      %swap3A_1431 = arith.index_cast %swap3A_1430 : i32 to index
      %swap3A_1432 = arith.constant 3664 : index
      %swap3A_1433 = tpu.vector_load %arg6[%swap3A_1431, %swap3A_1432] {strides = array<i32>} : memref<17x4096xf32, #tpu.memory_space<vmem>>, vector<1x16xf32>,
      %swap3A_1434 = vector.shape_cast %swap3A_1433 : vector<1x16xf32> to vector<16xf32>
      %swap3A_1435 = vector.shape_cast %broadcast_in_dim3A_56 : vector<16xf32> to vector<1x16xf32>
      tpu.vector_store %arg6[%swap3A_1431, %swap3A_1432], %swap3A_1435 {strides = array<i32>} : memref<17x4096xf32, #tpu.memory_space<vmem>>, vector<1x16xf32>,
      %swap3A_1436 = arith.constant 16 : i32
      %swap3A_1437 = arith.index_cast %swap3A_1436 : i32 to index
      %swap3A_1438 = arith.constant 3680 : index
      %swap3A_1439 = tpu.vector_load %arg6[%swap3A_1437, %swap3A_1438] {strides = array<i32>} : memref<17x4096xf32, #tpu.memory_space<vmem>>, vector<1x16xf32>,
      %swap3A_1440 = vector.shape_cast %swap3A_1439 : vector<1x16xf32> to vector<16xf32>
      %swap3A_1441 = vector.shape_cast %broadcast_in_dim3A_56 : vector<16xf32> to vector<1x16xf32>
      tpu.vector_store %arg6[%swap3A_1437, %swap3A_1438], %swap3A_1441 {strides = array<i32>} : memref<17x4096xf32, #tpu.memory_space<vmem>>, vector<1x16xf32>,
      %swap3A_1442 = arith.constant 16 : i32
      %swap3A_1443 = arith.index_cast %swap3A_1442 : i32 to index
      %swap3A_1444 = arith.constant 3696 : index
      %swap3A_1445 = tpu.vector_load %arg6[%swap3A_1443, %swap3A_1444] {strides = array<i32>} : memref<17x4096xf32, #tpu.memory_space<vmem>>, vector<1x16xf32>,
      %swap3A_1446 = vector.shape_cast %swap3A_1445 : vector<1x16xf32> to vector<16xf32>
      %swap3A_1447 = vector.shape_cast %broadcast_in_dim3A_56 : vector<16xf32> to vector<1x16xf32>
      tpu.vector_store %arg6[%swap3A_1443, %swap3A_1444], %swap3A_1447 {strides = array<i32>} : memref<17x4096xf32, #tpu.memory_space<vmem>>, vector<1x16xf32>,
      %swap3A_1448 = arith.constant 16 : i32
      %swap3A_1449 = arith.index_cast %swap3A_1448 : i32 to index
      %swap3A_1450 = arith.constant 3712 : index
      %swap3A_1451 = tpu.vector_load %arg6[%swap3A_1449, %swap3A_1450] {strides = array<i32>} : memref<17x4096xf32, #tpu.memory_space<vmem>>, vector<1x16xf32>,
      %swap3A_1452 = vector.shape_cast %swap3A_1451 : vector<1x16xf32> to vector<16xf32>
      %swap3A_1453 = vector.shape_cast %broadcast_in_dim3A_56 : vector<16xf32> to vector<1x16xf32>
      tpu.vector_store %arg6[%swap3A_1449, %swap3A_1450], %swap3A_1453 {strides = array<i32>} : memref<17x4096xf32, #tpu.memory_space<vmem>>, vector<1x16xf32>,
      %swap3A_1454 = arith.constant 16 : i32
      %swap3A_1455 = arith.index_cast %swap3A_1454 : i32 to index
      %swap3A_1456 = arith.constant 3728 : index
      %swap3A_1457 = tpu.vector_load %arg6[%swap3A_1455, %swap3A_1456] {strides = array<i32>} : memref<17x4096xf32, #tpu.memory_space<vmem>>, vector<1x16xf32>,
      %swap3A_1458 = vector.shape_cast %swap3A_1457 : vector<1x16xf32> to vector<16xf32>
      %swap3A_1459 = vector.shape_cast %broadcast_in_dim3A_56 : vector<16xf32> to vector<1x16xf32>
      tpu.vector_store %arg6[%swap3A_1455, %swap3A_1456], %swap3A_1459 {strides = array<i32>} : memref<17x4096xf32, #tpu.memory_space<vmem>>, vector<1x16xf32>,
      %swap3A_1460 = arith.constant 16 : i32
      %swap3A_1461 = arith.index_cast %swap3A_1460 : i32 to index
      %swap3A_1462 = arith.constant 3744 : index
      %swap3A_1463 = tpu.vector_load %arg6[%swap3A_1461, %swap3A_1462] {strides = array<i32>} : memref<17x4096xf32, #tpu.memory_space<vmem>>, vector<1x16xf32>,
      %swap3A_1464 = vector.shape_cast %swap3A_1463 : vector<1x16xf32> to vector<16xf32>
      %swap3A_1465 = vector.shape_cast %broadcast_in_dim3A_56 : vector<16xf32> to vector<1x16xf32>
      tpu.vector_store %arg6[%swap3A_1461, %swap3A_1462], %swap3A_1465 {strides = array<i32>} : memref<17x4096xf32, #tpu.memory_space<vmem>>, vector<1x16xf32>,
      %swap3A_1466 = arith.constant 16 : i32
      %swap3A_1467 = arith.index_cast %swap3A_1466 : i32 to index
      %swap3A_1468 = arith.constant 3760 : index
      %swap3A_1469 = tpu.vector_load %arg6[%swap3A_1467, %swap3A_1468] {strides = array<i32>} : memref<17x4096xf32, #tpu.memory_space<vmem>>, vector<1x16xf32>,
      %swap3A_1470 = vector.shape_cast %swap3A_1469 : vector<1x16xf32> to vector<16xf32>
      %swap3A_1471 = vector.shape_cast %broadcast_in_dim3A_56 : vector<16xf32> to vector<1x16xf32>
      tpu.vector_store %arg6[%swap3A_1467, %swap3A_1468], %swap3A_1471 {strides = array<i32>} : memref<17x4096xf32, #tpu.memory_space<vmem>>, vector<1x16xf32>,
      %swap3A_1472 = arith.constant 16 : i32
      %swap3A_1473 = arith.index_cast %swap3A_1472 : i32 to index
      %swap3A_1474 = arith.constant 3776 : index
      %swap3A_1475 = tpu.vector_load %arg6[%swap3A_1473, %swap3A_1474] {strides = array<i32>} : memref<17x4096xf32, #tpu.memory_space<vmem>>, vector<1x16xf32>,
      %swap3A_1476 = vector.shape_cast %swap3A_1475 : vector<1x16xf32> to vector<16xf32>
      %swap3A_1477 = vector.shape_cast %broadcast_in_dim3A_56 : vector<16xf32> to vector<1x16xf32>
      tpu.vector_store %arg6[%swap3A_1473, %swap3A_1474], %swap3A_1477 {strides = array<i32>} : memref<17x4096xf32, #tpu.memory_space<vmem>>, vector<1x16xf32>,
      %swap3A_1478 = arith.constant 16 : i32
      %swap3A_1479 = arith.index_cast %swap3A_1478 : i32 to index
      %swap3A_1480 = arith.constant 3792 : index
      %swap3A_1481 = tpu.vector_load %arg6[%swap3A_1479, %swap3A_1480] {strides = array<i32>} : memref<17x4096xf32, #tpu.memory_space<vmem>>, vector<1x16xf32>,
      %swap3A_1482 = vector.shape_cast %swap3A_1481 : vector<1x16xf32> to vector<16xf32>
      %swap3A_1483 = vector.shape_cast %broadcast_in_dim3A_56 : vector<16xf32> to vector<1x16xf32>
      tpu.vector_store %arg6[%swap3A_1479, %swap3A_1480], %swap3A_1483 {strides = array<i32>} : memref<17x4096xf32, #tpu.memory_space<vmem>>, vector<1x16xf32>,
      %swap3A_1484 = arith.constant 16 : i32
      %swap3A_1485 = arith.index_cast %swap3A_1484 : i32 to index
      %swap3A_1486 = arith.constant 3808 : index
      %swap3A_1487 = tpu.vector_load %arg6[%swap3A_1485, %swap3A_1486] {strides = array<i32>} : memref<17x4096xf32, #tpu.memory_space<vmem>>, vector<1x16xf32>,
      %swap3A_1488 = vector.shape_cast %swap3A_1487 : vector<1x16xf32> to vector<16xf32>
      %swap3A_1489 = vector.shape_cast %broadcast_in_dim3A_56 : vector<16xf32> to vector<1x16xf32>
      tpu.vector_store %arg6[%swap3A_1485, %swap3A_1486], %swap3A_1489 {strides = array<i32>} : memref<17x4096xf32, #tpu.memory_space<vmem>>, vector<1x16xf32>,
      %swap3A_1490 = arith.constant 16 : i32
      %swap3A_1491 = arith.index_cast %swap3A_1490 : i32 to index
      %swap3A_1492 = arith.constant 3824 : index
      %swap3A_1493 = tpu.vector_load %arg6[%swap3A_1491, %swap3A_1492] {strides = array<i32>} : memref<17x4096xf32, #tpu.memory_space<vmem>>, vector<1x16xf32>,
      %swap3A_1494 = vector.shape_cast %swap3A_1493 : vector<1x16xf32> to vector<16xf32>
      %swap3A_1495 = vector.shape_cast %broadcast_in_dim3A_56 : vector<16xf32> to vector<1x16xf32>
      tpu.vector_store %arg6[%swap3A_1491, %swap3A_1492], %swap3A_1495 {strides = array<i32>} : memref<17x4096xf32, #tpu.memory_space<vmem>>, vector<1x16xf32>,
      %swap3A_1496 = arith.constant 16 : i32
      %swap3A_1497 = arith.index_cast %swap3A_1496 : i32 to index
      %swap3A_1498 = arith.constant 3840 : index
      %swap3A_1499 = tpu.vector_load %arg6[%swap3A_1497, %swap3A_1498] {strides = array<i32>} : memref<17x4096xf32, #tpu.memory_space<vmem>>, vector<1x16xf32>,
      %swap3A_1500 = vector.shape_cast %swap3A_1499 : vector<1x16xf32> to vector<16xf32>
      %swap3A_1501 = vector.shape_cast %broadcast_in_dim3A_56 : vector<16xf32> to vector<1x16xf32>
      tpu.vector_store %arg6[%swap3A_1497, %swap3A_1498], %swap3A_1501 {strides = array<i32>} : memref<17x4096xf32, #tpu.memory_space<vmem>>, vector<1x16xf32>,
      %swap3A_1502 = arith.constant 16 : i32
      %swap3A_1503 = arith.index_cast %swap3A_1502 : i32 to index
      %swap3A_1504 = arith.constant 3856 : index
      %swap3A_1505 = tpu.vector_load %arg6[%swap3A_1503, %swap3A_1504] {strides = array<i32>} : memref<17x4096xf32, #tpu.memory_space<vmem>>, vector<1x16xf32>,
      %swap3A_1506 = vector.shape_cast %swap3A_1505 : vector<1x16xf32> to vector<16xf32>
      %swap3A_1507 = vector.shape_cast %broadcast_in_dim3A_56 : vector<16xf32> to vector<1x16xf32>
      tpu.vector_store %arg6[%swap3A_1503, %swap3A_1504], %swap3A_1507 {strides = array<i32>} : memref<17x4096xf32, #tpu.memory_space<vmem>>, vector<1x16xf32>,
      %swap3A_1508 = arith.constant 16 : i32
      %swap3A_1509 = arith.index_cast %swap3A_1508 : i32 to index
      %swap3A_1510 = arith.constant 3872 : index
      %swap3A_1511 = tpu.vector_load %arg6[%swap3A_1509, %swap3A_1510] {strides = array<i32>} : memref<17x4096xf32, #tpu.memory_space<vmem>>, vector<1x16xf32>,
      %swap3A_1512 = vector.shape_cast %swap3A_1511 : vector<1x16xf32> to vector<16xf32>
      %swap3A_1513 = vector.shape_cast %broadcast_in_dim3A_56 : vector<16xf32> to vector<1x16xf32>
      tpu.vector_store %arg6[%swap3A_1509, %swap3A_1510], %swap3A_1513 {strides = array<i32>} : memref<17x4096xf32, #tpu.memory_space<vmem>>, vector<1x16xf32>,
      %swap3A_1514 = arith.constant 16 : i32
      %swap3A_1515 = arith.index_cast %swap3A_1514 : i32 to index
      %swap3A_1516 = arith.constant 3888 : index
      %swap3A_1517 = tpu.vector_load %arg6[%swap3A_1515, %swap3A_1516] {strides = array<i32>} : memref<17x4096xf32, #tpu.memory_space<vmem>>, vector<1x16xf32>,
      %swap3A_1518 = vector.shape_cast %swap3A_1517 : vector<1x16xf32> to vector<16xf32>
      %swap3A_1519 = vector.shape_cast %broadcast_in_dim3A_56 : vector<16xf32> to vector<1x16xf32>
      tpu.vector_store %arg6[%swap3A_1515, %swap3A_1516], %swap3A_1519 {strides = array<i32>} : memref<17x4096xf32, #tpu.memory_space<vmem>>, vector<1x16xf32>,
      %swap3A_1520 = arith.constant 16 : i32
      %swap3A_1521 = arith.index_cast %swap3A_1520 : i32 to index
      %swap3A_1522 = arith.constant 3904 : index
      %swap3A_1523 = tpu.vector_load %arg6[%swap3A_1521, %swap3A_1522] {strides = array<i32>} : memref<17x4096xf32, #tpu.memory_space<vmem>>, vector<1x16xf32>,
      %swap3A_1524 = vector.shape_cast %swap3A_1523 : vector<1x16xf32> to vector<16xf32>
      %swap3A_1525 = vector.shape_cast %broadcast_in_dim3A_56 : vector<16xf32> to vector<1x16xf32>
      tpu.vector_store %arg6[%swap3A_1521, %swap3A_1522], %swap3A_1525 {strides = array<i32>} : memref<17x4096xf32, #tpu.memory_space<vmem>>, vector<1x16xf32>,
      %swap3A_1526 = arith.constant 16 : i32
      %swap3A_1527 = arith.index_cast %swap3A_1526 : i32 to index
      %swap3A_1528 = arith.constant 3920 : index
      %swap3A_1529 = tpu.vector_load %arg6[%swap3A_1527, %swap3A_1528] {strides = array<i32>} : memref<17x4096xf32, #tpu.memory_space<vmem>>, vector<1x16xf32>,
      %swap3A_1530 = vector.shape_cast %swap3A_1529 : vector<1x16xf32> to vector<16xf32>
      %swap3A_1531 = vector.shape_cast %broadcast_in_dim3A_56 : vector<16xf32> to vector<1x16xf32>
      tpu.vector_store %arg6[%swap3A_1527, %swap3A_1528], %swap3A_1531 {strides = array<i32>} : memref<17x4096xf32, #tpu.memory_space<vmem>>, vector<1x16xf32>,
      %swap3A_1532 = arith.constant 16 : i32
      %swap3A_1533 = arith.index_cast %swap3A_1532 : i32 to index
      %swap3A_1534 = arith.constant 3936 : index
      %swap3A_1535 = tpu.vector_load %arg6[%swap3A_1533, %swap3A_1534] {strides = array<i32>} : memref<17x4096xf32, #tpu.memory_space<vmem>>, vector<1x16xf32>,
      %swap3A_1536 = vector.shape_cast %swap3A_1535 : vector<1x16xf32> to vector<16xf32>
      %swap3A_1537 = vector.shape_cast %broadcast_in_dim3A_56 : vector<16xf32> to vector<1x16xf32>
      tpu.vector_store %arg6[%swap3A_1533, %swap3A_1534], %swap3A_1537 {strides = array<i32>} : memref<17x4096xf32, #tpu.memory_space<vmem>>, vector<1x16xf32>,
      %swap3A_1538 = arith.constant 16 : i32
      %swap3A_1539 = arith.index_cast %swap3A_1538 : i32 to index
      %swap3A_1540 = arith.constant 3952 : index
      %swap3A_1541 = tpu.vector_load %arg6[%swap3A_1539, %swap3A_1540] {strides = array<i32>} : memref<17x4096xf32, #tpu.memory_space<vmem>>, vector<1x16xf32>,
      %swap3A_1542 = vector.shape_cast %swap3A_1541 : vector<1x16xf32> to vector<16xf32>
      %swap3A_1543 = vector.shape_cast %broadcast_in_dim3A_56 : vector<16xf32> to vector<1x16xf32>
      tpu.vector_store %arg6[%swap3A_1539, %swap3A_1540], %swap3A_1543 {strides = array<i32>} : memref<17x4096xf32, #tpu.memory_space<vmem>>, vector<1x16xf32>,
      %swap3A_1544 = arith.constant 16 : i32
      %swap3A_1545 = arith.index_cast %swap3A_1544 : i32 to index
      %swap3A_1546 = arith.constant 3968 : index
      %swap3A_1547 = tpu.vector_load %arg6[%swap3A_1545, %swap3A_1546] {strides = array<i32>} : memref<17x4096xf32, #tpu.memory_space<vmem>>, vector<1x16xf32>,
      %swap3A_1548 = vector.shape_cast %swap3A_1547 : vector<1x16xf32> to vector<16xf32>
      %swap3A_1549 = vector.shape_cast %broadcast_in_dim3A_56 : vector<16xf32> to vector<1x16xf32>
      tpu.vector_store %arg6[%swap3A_1545, %swap3A_1546], %swap3A_1549 {strides = array<i32>} : memref<17x4096xf32, #tpu.memory_space<vmem>>, vector<1x16xf32>,
      %swap3A_1550 = arith.constant 16 : i32
      %swap3A_1551 = arith.index_cast %swap3A_1550 : i32 to index
      %swap3A_1552 = arith.constant 3984 : index
      %swap3A_1553 = tpu.vector_load %arg6[%swap3A_1551, %swap3A_1552] {strides = array<i32>} : memref<17x4096xf32, #tpu.memory_space<vmem>>, vector<1x16xf32>,
      %swap3A_1554 = vector.shape_cast %swap3A_1553 : vector<1x16xf32> to vector<16xf32>
      %swap3A_1555 = vector.shape_cast %broadcast_in_dim3A_56 : vector<16xf32> to vector<1x16xf32>
      tpu.vector_store %arg6[%swap3A_1551, %swap3A_1552], %swap3A_1555 {strides = array<i32>} : memref<17x4096xf32, #tpu.memory_space<vmem>>, vector<1x16xf32>,
      %swap3A_1556 = arith.constant 16 : i32
      %swap3A_1557 = arith.index_cast %swap3A_1556 : i32 to index
      %swap3A_1558 = arith.constant 4000 : index
      %swap3A_1559 = tpu.vector_load %arg6[%swap3A_1557, %swap3A_1558] {strides = array<i32>} : memref<17x4096xf32, #tpu.memory_space<vmem>>, vector<1x16xf32>,
      %swap3A_1560 = vector.shape_cast %swap3A_1559 : vector<1x16xf32> to vector<16xf32>
      %swap3A_1561 = vector.shape_cast %broadcast_in_dim3A_56 : vector<16xf32> to vector<1x16xf32>
      tpu.vector_store %arg6[%swap3A_1557, %swap3A_1558], %swap3A_1561 {strides = array<i32>} : memref<17x4096xf32, #tpu.memory_space<vmem>>, vector<1x16xf32>,
      %swap3A_1562 = arith.constant 16 : i32
      %swap3A_1563 = arith.index_cast %swap3A_1562 : i32 to index
      %swap3A_1564 = arith.constant 4016 : index
      %swap3A_1565 = tpu.vector_load %arg6[%swap3A_1563, %swap3A_1564] {strides = array<i32>} : memref<17x4096xf32, #tpu.memory_space<vmem>>, vector<1x16xf32>,
      %swap3A_1566 = vector.shape_cast %swap3A_1565 : vector<1x16xf32> to vector<16xf32>
      %swap3A_1567 = vector.shape_cast %broadcast_in_dim3A_56 : vector<16xf32> to vector<1x16xf32>
      tpu.vector_store %arg6[%swap3A_1563, %swap3A_1564], %swap3A_1567 {strides = array<i32>} : memref<17x4096xf32, #tpu.memory_space<vmem>>, vector<1x16xf32>,
      %swap3A_1568 = arith.constant 16 : i32
      %swap3A_1569 = arith.index_cast %swap3A_1568 : i32 to index
      %swap3A_1570 = arith.constant 4032 : index
      %swap3A_1571 = tpu.vector_load %arg6[%swap3A_1569, %swap3A_1570] {strides = array<i32>} : memref<17x4096xf32, #tpu.memory_space<vmem>>, vector<1x16xf32>,
      %swap3A_1572 = vector.shape_cast %swap3A_1571 : vector<1x16xf32> to vector<16xf32>
      %swap3A_1573 = vector.shape_cast %broadcast_in_dim3A_56 : vector<16xf32> to vector<1x16xf32>
      tpu.vector_store %arg6[%swap3A_1569, %swap3A_1570], %swap3A_1573 {strides = array<i32>} : memref<17x4096xf32, #tpu.memory_space<vmem>>, vector<1x16xf32>,
      %swap3A_1574 = arith.constant 16 : i32
      %swap3A_1575 = arith.index_cast %swap3A_1574 : i32 to index
      %swap3A_1576 = arith.constant 4048 : index
      %swap3A_1577 = tpu.vector_load %arg6[%swap3A_1575, %swap3A_1576] {strides = array<i32>} : memref<17x4096xf32, #tpu.memory_space<vmem>>, vector<1x16xf32>,
      %swap3A_1578 = vector.shape_cast %swap3A_1577 : vector<1x16xf32> to vector<16xf32>
      %swap3A_1579 = vector.shape_cast %broadcast_in_dim3A_56 : vector<16xf32> to vector<1x16xf32>
      tpu.vector_store %arg6[%swap3A_1575, %swap3A_1576], %swap3A_1579 {strides = array<i32>} : memref<17x4096xf32, #tpu.memory_space<vmem>>, vector<1x16xf32>,
      %swap3A_1580 = arith.constant 16 : i32
      %swap3A_1581 = arith.index_cast %swap3A_1580 : i32 to index
      %swap3A_1582 = arith.constant 4064 : index
      %swap3A_1583 = tpu.vector_load %arg6[%swap3A_1581, %swap3A_1582] {strides = array<i32>} : memref<17x4096xf32, #tpu.memory_space<vmem>>, vector<1x16xf32>,
      %swap3A_1584 = vector.shape_cast %swap3A_1583 : vector<1x16xf32> to vector<16xf32>
      %swap3A_1585 = vector.shape_cast %broadcast_in_dim3A_56 : vector<16xf32> to vector<1x16xf32>
      tpu.vector_store %arg6[%swap3A_1581, %swap3A_1582], %swap3A_1585 {strides = array<i32>} : memref<17x4096xf32, #tpu.memory_space<vmem>>, vector<1x16xf32>,
      %swap3A_1586 = arith.constant 16 : i32
      %swap3A_1587 = arith.index_cast %swap3A_1586 : i32 to index
      %swap3A_1588 = arith.constant 4080 : index
      %swap3A_1589 = tpu.vector_load %arg6[%swap3A_1587, %swap3A_1588] {strides = array<i32>} : memref<17x4096xf32, #tpu.memory_space<vmem>>, vector<1x16xf32>,
      %swap3A_1590 = vector.shape_cast %swap3A_1589 : vector<1x16xf32> to vector<16xf32>
      %swap3A_1591 = vector.shape_cast %broadcast_in_dim3A_56 : vector<16xf32> to vector<1x16xf32>
      tpu.vector_store %arg6[%swap3A_1587, %swap3A_1588], %swap3A_1591 {strides = array<i32>} : memref<17x4096xf32, #tpu.memory_space<vmem>>, vector<1x16xf32>,
      %dma_wait3A = arith.constant 0 : i32
      %dma_wait3A_1592 = arith.constant 0 : i32
      %dma_wait3A_1593 = tpu.memref_slice %arg6[%dma_wait3A, %dma_wait3A_1592] : memref<17x4096xf32, #tpu.memory_space<vmem>> -> memref<16x4096xf32, #tpu.memory_space<vmem>>
      %dma_wait3A_1594 = arith.constant 4096 : i32
      %dma_wait3A_1595 = tpu.memref_slice %arg2[%min3A, %select_n3A, %dma_wait3A_1594] : memref<128x2x8192xf32, #tpu.memory_space<hbm>> -> memref<16x1x4096xf32, #tpu.memory_space<hbm>>
      %dma_wait3A_1596 = tpu.memref_squeeze %dma_wait3A_1595 : memref<16x1x4096xf32, #tpu.memory_space<hbm>> -> memref<16x4096xf32, #tpu.memory_space<hbm>>
      %dma_wait3A_1597 = arith.constant 0 : i32
      %dma_wait3A_1598 = arith.constant 0 : i32
      %dma_wait3A_1599 = tpu.memref_slice %arg6[%dma_wait3A_1597, %dma_wait3A_1598] : memref<17x4096xf32, #tpu.memory_space<vmem>> -> memref<16x4096xf32, #tpu.memory_space<vmem>>
      %dma_wait3A_1600 = arith.constant 4096 : i32
      %dma_wait3A_1601 = tpu.memref_slice %arg2[%min3A, %select_n3A, %dma_wait3A_1600] : memref<128x2x8192xf32, #tpu.memory_space<hbm>> -> memref<16x1x4096xf32, #tpu.memory_space<hbm>>
      %dma_wait3A_1602 = tpu.memref_squeeze %dma_wait3A_1601 : memref<16x1x4096xf32, #tpu.memory_space<hbm>> -> memref<16x4096xf32, #tpu.memory_space<hbm>>
      tpu.wait_dma2 semaphore(%arg9 : memref<!tpu.dma_semaphore, #tpu.memory_space<semaphore_mem>>) src(%dma_wait3A_1602 : memref<16x4096xf32, #tpu.memory_space<hbm>>) dst(%dma_wait3A_1599 : memref<16x4096xf32, #tpu.memory_space<vmem>>)
      %eq3A_1603 = arith.constant 0 : i32
      %eq3A_1604 = arith.cmpi eq, %mul3A_35, %eq3A_1603 : i32
      %convert_element_type3A_1605 = arith.extui %eq3A_1604 : i1 to i32
      %cond3A_1606 = arith.constant 0 : i32
      %cond3A_1607 = arith.cmpi ne, %convert_element_type3A_1605, %cond3A_1606 : i32
      scf.if %cond3A_1607 {
        %dma_wait3A_1625 = arith.constant 0 : i32
        %dma_wait3A_1626 = arith.constant 0 : i32
        %dma_wait3A_1627 = tpu.memref_slice %arg3[%dma_wait3A_1625, %dma_wait3A_1626] : memref<2x3584xf32, #tpu.memory_space<hbm>> -> memref<1x3584xf32, #tpu.memory_space<hbm>>
        %dma_wait3A_1628 = tpu.memref_squeeze %dma_wait3A_1627 : memref<1x3584xf32, #tpu.memory_space<hbm>> -> memref<3584xf32, #tpu.memory_space<hbm>>
        %dma_wait3A_1629 = arith.constant 0 : i32
        %dma_wait3A_1630 = tpu.memref_slice %arg3[%dma_wait3A_1625, %dma_wait3A_1629] : memref<2x3584xf32, #tpu.memory_space<hbm>> -> memref<1x3584xf32, #tpu.memory_space<hbm>>
        %dma_wait3A_1631 = tpu.memref_squeeze %dma_wait3A_1630 : memref<1x3584xf32, #tpu.memory_space<hbm>> -> memref<3584xf32, #tpu.memory_space<hbm>>
        tpu.wait_dma2 semaphore(%arg9 : memref<!tpu.dma_semaphore, #tpu.memory_space<semaphore_mem>>) src(%dma_wait3A_1631 : memref<3584xf32, #tpu.memory_space<hbm>>) dst(%arg7 : memref<3584xf32, #tpu.memory_space<vmem>>)
      } else {
      }
      %scan3A = arith.constant 0 : i32
      %scan3A_1608 = arith.constant 0 : i32
      %scan3A_1609 = arith.constant 9 : i32
      %scan3A_1610 = arith.addi %scan3A_1608, %scan3A_1609 : i32
      %scan3A_1611 = arith.constant 1 : i32
      scf.for %scan3A_1625 = %scan3A_1608 to %scan3A_1610 step %scan3A_1611  : i32 {
        %add3A_1626 = arith.addi %mul3A_35, %scan3A_1625 : i32
        %sub3A_1627 = arith.constant 0 : i32
        %sub3A_1628 = arith.subi %add3A_1626, %sub3A_1627 : i32
        %ge3A = arith.constant 0 : i32
        %ge3A_1629 = arith.cmpi sge, %sub3A_1628, %ge3A : i32
        %sub3A_1630 = arith.constant 0 : i32
        %sub3A_1631 = arith.subi %add3A_1626, %sub3A_1630 : i32
        %le3A_1632 = arith.constant 127 : i32
        %le3A_1633 = arith.cmpi sle, %sub3A_1631, %le3A_1632 : i32
        %and3A_1634 = arith.andi %ge3A_1629, %le3A_1633 : i1
        %sub3A_1635 = arith.constant 0 : i32
        %sub3A_1636 = arith.subi %add3A_1626, %sub3A_1635 : i32
        %sub3A_1637 = arith.subi %sub3A_1636, %min3A : i32
        %jit3A_1638 = arith.constant 16 : i32
        %select_n3A_1639 = arith.select %and3A_1634, %sub3A_1637, %jit3A_1638 : i32
        %sub3A_1640 = arith.constant 1 : i32
        %sub3A_1641 = arith.subi %add3A_1626, %sub3A_1640 : i32
        %ge3A_1642 = arith.constant 0 : i32
        %ge3A_1643 = arith.cmpi sge, %sub3A_1641, %ge3A_1642 : i32
        %sub3A_1644 = arith.constant 1 : i32
        %sub3A_1645 = arith.subi %add3A_1626, %sub3A_1644 : i32
        %le3A_1646 = arith.constant 127 : i32
        %le3A_1647 = arith.cmpi sle, %sub3A_1645, %le3A_1646 : i32
        %and3A_1648 = arith.andi %ge3A_1643, %le3A_1647 : i1
        %sub3A_1649 = arith.constant 1 : i32
        %sub3A_1650 = arith.subi %add3A_1626, %sub3A_1649 : i32
        %sub3A_1651 = arith.subi %sub3A_1650, %min3A : i32
        %jit3A_1652 = arith.constant 16 : i32
        %select_n3A_1653 = arith.select %and3A_1648, %sub3A_1651, %jit3A_1652 : i32
        %sub3A_1654 = arith.constant 2 : i32
        %sub3A_1655 = arith.subi %add3A_1626, %sub3A_1654 : i32
        %ge3A_1656 = arith.constant 0 : i32
        %ge3A_1657 = arith.cmpi sge, %sub3A_1655, %ge3A_1656 : i32
        %sub3A_1658 = arith.constant 2 : i32
        %sub3A_1659 = arith.subi %add3A_1626, %sub3A_1658 : i32
        %le3A_1660 = arith.constant 127 : i32
        %le3A_1661 = arith.cmpi sle, %sub3A_1659, %le3A_1660 : i32
        %and3A_1662 = arith.andi %ge3A_1657, %le3A_1661 : i1
        %sub3A_1663 = arith.constant 2 : i32
        %sub3A_1664 = arith.subi %add3A_1626, %sub3A_1663 : i32
        %sub3A_1665 = arith.subi %sub3A_1664, %min3A : i32
        %jit3A_1666 = arith.constant 16 : i32
        %select_n3A_1667 = arith.select %and3A_1662, %sub3A_1665, %jit3A_1666 : i32
        %sub3A_1668 = arith.constant 3 : i32
        %sub3A_1669 = arith.subi %add3A_1626, %sub3A_1668 : i32
        %ge3A_1670 = arith.constant 0 : i32
        %ge3A_1671 = arith.cmpi sge, %sub3A_1669, %ge3A_1670 : i32
        %sub3A_1672 = arith.constant 3 : i32
        %sub3A_1673 = arith.subi %add3A_1626, %sub3A_1672 : i32
        %le3A_1674 = arith.constant 127 : i32
        %le3A_1675 = arith.cmpi sle, %sub3A_1673, %le3A_1674 : i32
        %and3A_1676 = arith.andi %ge3A_1671, %le3A_1675 : i1
        %sub3A_1677 = arith.constant 3 : i32
        %sub3A_1678 = arith.subi %add3A_1626, %sub3A_1677 : i32
        %sub3A_1679 = arith.subi %sub3A_1678, %min3A : i32
        %jit3A_1680 = arith.constant 16 : i32
        %select_n3A_1681 = arith.select %and3A_1676, %sub3A_1679, %jit3A_1680 : i32
        %sub3A_1682 = arith.constant 4 : i32
        %sub3A_1683 = arith.subi %add3A_1626, %sub3A_1682 : i32
        %ge3A_1684 = arith.constant 0 : i32
        %ge3A_1685 = arith.cmpi sge, %sub3A_1683, %ge3A_1684 : i32
        %sub3A_1686 = arith.constant 4 : i32
        %sub3A_1687 = arith.subi %add3A_1626, %sub3A_1686 : i32
        %le3A_1688 = arith.constant 127 : i32
        %le3A_1689 = arith.cmpi sle, %sub3A_1687, %le3A_1688 : i32
        %and3A_1690 = arith.andi %ge3A_1685, %le3A_1689 : i1
        %sub3A_1691 = arith.constant 4 : i32
        %sub3A_1692 = arith.subi %add3A_1626, %sub3A_1691 : i32
        %sub3A_1693 = arith.subi %sub3A_1692, %min3A : i32
        %jit3A_1694 = arith.constant 16 : i32
        %select_n3A_1695 = arith.select %and3A_1690, %sub3A_1693, %jit3A_1694 : i32
        %sub3A_1696 = arith.constant 5 : i32
        %sub3A_1697 = arith.subi %add3A_1626, %sub3A_1696 : i32
        %ge3A_1698 = arith.constant 0 : i32
        %ge3A_1699 = arith.cmpi sge, %sub3A_1697, %ge3A_1698 : i32
        %sub3A_1700 = arith.constant 5 : i32
        %sub3A_1701 = arith.subi %add3A_1626, %sub3A_1700 : i32
        %le3A_1702 = arith.constant 127 : i32
        %le3A_1703 = arith.cmpi sle, %sub3A_1701, %le3A_1702 : i32
        %and3A_1704 = arith.andi %ge3A_1699, %le3A_1703 : i1
        %sub3A_1705 = arith.constant 5 : i32
        %sub3A_1706 = arith.subi %add3A_1626, %sub3A_1705 : i32
        %sub3A_1707 = arith.subi %sub3A_1706, %min3A : i32
        %jit3A_1708 = arith.constant 16 : i32
        %select_n3A_1709 = arith.select %and3A_1704, %sub3A_1707, %jit3A_1708 : i32
        %sub3A_1710 = arith.constant 6 : i32
        %sub3A_1711 = arith.subi %add3A_1626, %sub3A_1710 : i32
        %ge3A_1712 = arith.constant 0 : i32
        %ge3A_1713 = arith.cmpi sge, %sub3A_1711, %ge3A_1712 : i32
        %sub3A_1714 = arith.constant 6 : i32
        %sub3A_1715 = arith.subi %add3A_1626, %sub3A_1714 : i32
        %le3A_1716 = arith.constant 127 : i32
        %le3A_1717 = arith.cmpi sle, %sub3A_1715, %le3A_1716 : i32
        %and3A_1718 = arith.andi %ge3A_1713, %le3A_1717 : i1
        %sub3A_1719 = arith.constant 6 : i32
        %sub3A_1720 = arith.subi %add3A_1626, %sub3A_1719 : i32
        %sub3A_1721 = arith.subi %sub3A_1720, %min3A : i32
        %jit3A_1722 = arith.constant 16 : i32
        %select_n3A_1723 = arith.select %and3A_1718, %sub3A_1721, %jit3A_1722 : i32
        %sub3A_1724 = arith.constant 7 : i32
        %sub3A_1725 = arith.subi %add3A_1626, %sub3A_1724 : i32
        %ge3A_1726 = arith.constant 0 : i32
        %ge3A_1727 = arith.cmpi sge, %sub3A_1725, %ge3A_1726 : i32
        %sub3A_1728 = arith.constant 7 : i32
        %sub3A_1729 = arith.subi %add3A_1626, %sub3A_1728 : i32
        %le3A_1730 = arith.constant 127 : i32
        %le3A_1731 = arith.cmpi sle, %sub3A_1729, %le3A_1730 : i32
        %and3A_1732 = arith.andi %ge3A_1727, %le3A_1731 : i1
        %sub3A_1733 = arith.constant 7 : i32
        %sub3A_1734 = arith.subi %add3A_1626, %sub3A_1733 : i32
        %sub3A_1735 = arith.subi %sub3A_1734, %min3A : i32
        %jit3A_1736 = arith.constant 16 : i32
        %select_n3A_1737 = arith.select %and3A_1732, %sub3A_1735, %jit3A_1736 : i32
        %get3A = arith.index_cast %select_n3A_1639 : i32 to index
        %get3A_1738 = arith.constant 0 : index
        %get3A_1739 = tpu.vector_load %arg6[%get3A, %get3A_1738] {strides = array<i32>} : memref<17x4096xf32, #tpu.memory_space<vmem>>, vector<1x16xf32>,
        %get3A_1740 = vector.shape_cast %get3A_1739 : vector<1x16xf32> to vector<16xf32>
        %get3A_1741 = arith.index_cast %select_n3A_1653 : i32 to index
        %get3A_1742 = arith.constant 512 : index
        %get3A_1743 = tpu.vector_load %arg6[%get3A_1741, %get3A_1742] {strides = array<i32>} : memref<17x4096xf32, #tpu.memory_space<vmem>>, vector<1x16xf32>,
        %get3A_1744 = vector.shape_cast %get3A_1743 : vector<1x16xf32> to vector<16xf32>
        %add3A_1745 = arith.addf %get3A_1740, %get3A_1744 : vector<16xf32>
        %get3A_1746 = arith.index_cast %select_n3A_1667 : i32 to index
        %get3A_1747 = arith.constant 1024 : index
        %get3A_1748 = tpu.vector_load %arg6[%get3A_1746, %get3A_1747] {strides = array<i32>} : memref<17x4096xf32, #tpu.memory_space<vmem>>, vector<1x16xf32>,
        %get3A_1749 = vector.shape_cast %get3A_1748 : vector<1x16xf32> to vector<16xf32>
        %get3A_1750 = arith.index_cast %select_n3A_1681 : i32 to index
        %get3A_1751 = arith.constant 1536 : index
        %get3A_1752 = tpu.vector_load %arg6[%get3A_1750, %get3A_1751] {strides = array<i32>} : memref<17x4096xf32, #tpu.memory_space<vmem>>, vector<1x16xf32>,
        %get3A_1753 = vector.shape_cast %get3A_1752 : vector<1x16xf32> to vector<16xf32>
        %add3A_1754 = arith.addf %get3A_1749, %get3A_1753 : vector<16xf32>
        %get3A_1755 = arith.index_cast %select_n3A_1695 : i32 to index
        %get3A_1756 = arith.constant 2048 : index
        %get3A_1757 = tpu.vector_load %arg6[%get3A_1755, %get3A_1756] {strides = array<i32>} : memref<17x4096xf32, #tpu.memory_space<vmem>>, vector<1x16xf32>,
        %get3A_1758 = vector.shape_cast %get3A_1757 : vector<1x16xf32> to vector<16xf32>
        %get3A_1759 = arith.index_cast %select_n3A_1709 : i32 to index
        %get3A_1760 = arith.constant 2560 : index
        %get3A_1761 = tpu.vector_load %arg6[%get3A_1759, %get3A_1760] {strides = array<i32>} : memref<17x4096xf32, #tpu.memory_space<vmem>>, vector<1x16xf32>,
        %get3A_1762 = vector.shape_cast %get3A_1761 : vector<1x16xf32> to vector<16xf32>
        %add3A_1763 = arith.addf %get3A_1758, %get3A_1762 : vector<16xf32>
        %get3A_1764 = arith.index_cast %select_n3A_1723 : i32 to index
        %get3A_1765 = arith.constant 3072 : index
        %get3A_1766 = tpu.vector_load %arg6[%get3A_1764, %get3A_1765] {strides = array<i32>} : memref<17x4096xf32, #tpu.memory_space<vmem>>, vector<1x16xf32>,
        %get3A_1767 = vector.shape_cast %get3A_1766 : vector<1x16xf32> to vector<16xf32>
        %get3A_1768 = arith.index_cast %select_n3A_1737 : i32 to index
        %get3A_1769 = arith.constant 3584 : index
        %get3A_1770 = tpu.vector_load %arg6[%get3A_1768, %get3A_1769] {strides = array<i32>} : memref<17x4096xf32, #tpu.memory_space<vmem>>, vector<1x16xf32>,
        %get3A_1771 = vector.shape_cast %get3A_1770 : vector<1x16xf32> to vector<16xf32>
        %add3A_1772 = arith.addf %get3A_1767, %get3A_1771 : vector<16xf32>
        %add3A_1773 = arith.addf %add3A_1745, %add3A_1754 : vector<16xf32>
        %add3A_1774 = arith.addf %add3A_1763, %add3A_1772 : vector<16xf32>
        %add3A_1775 = arith.addf %add3A_1773, %add3A_1774 : vector<16xf32>
        %mul3A_1776 = arith.constant 1.250000e-01 : f32
        %mul3A_1777 = vector.broadcast %mul3A_1776 : f32 to vector<16xf32>
        %mul3A_1778 = arith.mulf %add3A_1775, %mul3A_1777 : vector<16xf32>
        %mul3A_1779 = arith.constant 512 : i32
        %mul3A_1780 = arith.muli %scan3A_1625, %mul3A_1779 : i32
        %add3A_1781 = arith.constant 0 : i32
        %add3A_1782 = arith.addi %mul3A_1780, %add3A_1781 : i32
        %swap3A_1783 = arith.index_cast %add3A_1782 : i32 to index
        %swap3A_1784 = tpu.vector_load %arg8[%swap3A_1783] {strides = array<i32>} : memref<4608xf32, #tpu.memory_space<vmem>>, vector<16xf32>,
        %swap3A_1785 = vector.shape_cast %swap3A_1784 : vector<16xf32> to vector<16xf32>
        %swap3A_1786 = vector.shape_cast %mul3A_1778 : vector<16xf32> to vector<16xf32>
        tpu.vector_store %arg8[%swap3A_1783], %swap3A_1786 {strides = array<i32>} : memref<4608xf32, #tpu.memory_space<vmem>>, vector<16xf32>,
        %get3A_1787 = arith.index_cast %select_n3A_1639 : i32 to index
        %get3A_1788 = arith.constant 16 : index
        %get3A_1789 = tpu.vector_load %arg6[%get3A_1787, %get3A_1788] {strides = array<i32>} : memref<17x4096xf32, #tpu.memory_space<vmem>>, vector<1x16xf32>,
        %get3A_1790 = vector.shape_cast %get3A_1789 : vector<1x16xf32> to vector<16xf32>
        %get3A_1791 = arith.index_cast %select_n3A_1653 : i32 to index
        %get3A_1792 = arith.constant 528 : index
        %get3A_1793 = tpu.vector_load %arg6[%get3A_1791, %get3A_1792] {strides = array<i32>} : memref<17x4096xf32, #tpu.memory_space<vmem>>, vector<1x16xf32>,
        %get3A_1794 = vector.shape_cast %get3A_1793 : vector<1x16xf32> to vector<16xf32>
        %add3A_1795 = arith.addf %get3A_1790, %get3A_1794 : vector<16xf32>
        %get3A_1796 = arith.index_cast %select_n3A_1667 : i32 to index
        %get3A_1797 = arith.constant 1040 : index
        %get3A_1798 = tpu.vector_load %arg6[%get3A_1796, %get3A_1797] {strides = array<i32>} : memref<17x4096xf32, #tpu.memory_space<vmem>>, vector<1x16xf32>,
        %get3A_1799 = vector.shape_cast %get3A_1798 : vector<1x16xf32> to vector<16xf32>
        %get3A_1800 = arith.index_cast %select_n3A_1681 : i32 to index
        %get3A_1801 = arith.constant 1552 : index
        %get3A_1802 = tpu.vector_load %arg6[%get3A_1800, %get3A_1801] {strides = array<i32>} : memref<17x4096xf32, #tpu.memory_space<vmem>>, vector<1x16xf32>,
        %get3A_1803 = vector.shape_cast %get3A_1802 : vector<1x16xf32> to vector<16xf32>
        %add3A_1804 = arith.addf %get3A_1799, %get3A_1803 : vector<16xf32>
        %get3A_1805 = arith.index_cast %select_n3A_1695 : i32 to index
        %get3A_1806 = arith.constant 2064 : index
        %get3A_1807 = tpu.vector_load %arg6[%get3A_1805, %get3A_1806] {strides = array<i32>} : memref<17x4096xf32, #tpu.memory_space<vmem>>, vector<1x16xf32>,
        %get3A_1808 = vector.shape_cast %get3A_1807 : vector<1x16xf32> to vector<16xf32>
        %get3A_1809 = arith.index_cast %select_n3A_1709 : i32 to index
        %get3A_1810 = arith.constant 2576 : index
        %get3A_1811 = tpu.vector_load %arg6[%get3A_1809, %get3A_1810] {strides = array<i32>} : memref<17x4096xf32, #tpu.memory_space<vmem>>, vector<1x16xf32>,
        %get3A_1812 = vector.shape_cast %get3A_1811 : vector<1x16xf32> to vector<16xf32>
        %add3A_1813 = arith.addf %get3A_1808, %get3A_1812 : vector<16xf32>
        %get3A_1814 = arith.index_cast %select_n3A_1723 : i32 to index
        %get3A_1815 = arith.constant 3088 : index
        %get3A_1816 = tpu.vector_load %arg6[%get3A_1814, %get3A_1815] {strides = array<i32>} : memref<17x4096xf32, #tpu.memory_space<vmem>>, vector<1x16xf32>,
        %get3A_1817 = vector.shape_cast %get3A_1816 : vector<1x16xf32> to vector<16xf32>
        %get3A_1818 = arith.index_cast %select_n3A_1737 : i32 to index
        %get3A_1819 = arith.constant 3600 : index
        %get3A_1820 = tpu.vector_load %arg6[%get3A_1818, %get3A_1819] {strides = array<i32>} : memref<17x4096xf32, #tpu.memory_space<vmem>>, vector<1x16xf32>,
        %get3A_1821 = vector.shape_cast %get3A_1820 : vector<1x16xf32> to vector<16xf32>
        %add3A_1822 = arith.addf %get3A_1817, %get3A_1821 : vector<16xf32>
        %add3A_1823 = arith.addf %add3A_1795, %add3A_1804 : vector<16xf32>
        %add3A_1824 = arith.addf %add3A_1813, %add3A_1822 : vector<16xf32>
        %add3A_1825 = arith.addf %add3A_1823, %add3A_1824 : vector<16xf32>
        %mul3A_1826 = arith.constant 1.250000e-01 : f32
        %mul3A_1827 = vector.broadcast %mul3A_1826 : f32 to vector<16xf32>
        %mul3A_1828 = arith.mulf %add3A_1825, %mul3A_1827 : vector<16xf32>
        %mul3A_1829 = arith.constant 512 : i32
        %mul3A_1830 = arith.muli %scan3A_1625, %mul3A_1829 : i32
        %add3A_1831 = arith.constant 16 : i32
        %add3A_1832 = arith.addi %mul3A_1830, %add3A_1831 : i32
        %swap3A_1833 = arith.index_cast %add3A_1832 : i32 to index
        %swap3A_1834 = tpu.vector_load %arg8[%swap3A_1833] {strides = array<i32>} : memref<4608xf32, #tpu.memory_space<vmem>>, vector<16xf32>,
        %swap3A_1835 = vector.shape_cast %swap3A_1834 : vector<16xf32> to vector<16xf32>
        %swap3A_1836 = vector.shape_cast %mul3A_1828 : vector<16xf32> to vector<16xf32>
        tpu.vector_store %arg8[%swap3A_1833], %swap3A_1836 {strides = array<i32>} : memref<4608xf32, #tpu.memory_space<vmem>>, vector<16xf32>,
        %get3A_1837 = arith.index_cast %select_n3A_1639 : i32 to index
        %get3A_1838 = arith.constant 32 : index
        %get3A_1839 = tpu.vector_load %arg6[%get3A_1837, %get3A_1838] {strides = array<i32>} : memref<17x4096xf32, #tpu.memory_space<vmem>>, vector<1x16xf32>,
        %get3A_1840 = vector.shape_cast %get3A_1839 : vector<1x16xf32> to vector<16xf32>
        %get3A_1841 = arith.index_cast %select_n3A_1653 : i32 to index
        %get3A_1842 = arith.constant 544 : index
        %get3A_1843 = tpu.vector_load %arg6[%get3A_1841, %get3A_1842] {strides = array<i32>} : memref<17x4096xf32, #tpu.memory_space<vmem>>, vector<1x16xf32>,
        %get3A_1844 = vector.shape_cast %get3A_1843 : vector<1x16xf32> to vector<16xf32>
        %add3A_1845 = arith.addf %get3A_1840, %get3A_1844 : vector<16xf32>
        %get3A_1846 = arith.index_cast %select_n3A_1667 : i32 to index
        %get3A_1847 = arith.constant 1056 : index
        %get3A_1848 = tpu.vector_load %arg6[%get3A_1846, %get3A_1847] {strides = array<i32>} : memref<17x4096xf32, #tpu.memory_space<vmem>>, vector<1x16xf32>,
        %get3A_1849 = vector.shape_cast %get3A_1848 : vector<1x16xf32> to vector<16xf32>
        %get3A_1850 = arith.index_cast %select_n3A_1681 : i32 to index
        %get3A_1851 = arith.constant 1568 : index
        %get3A_1852 = tpu.vector_load %arg6[%get3A_1850, %get3A_1851] {strides = array<i32>} : memref<17x4096xf32, #tpu.memory_space<vmem>>, vector<1x16xf32>,
        %get3A_1853 = vector.shape_cast %get3A_1852 : vector<1x16xf32> to vector<16xf32>
        %add3A_1854 = arith.addf %get3A_1849, %get3A_1853 : vector<16xf32>
        %get3A_1855 = arith.index_cast %select_n3A_1695 : i32 to index
        %get3A_1856 = arith.constant 2080 : index
        %get3A_1857 = tpu.vector_load %arg6[%get3A_1855, %get3A_1856] {strides = array<i32>} : memref<17x4096xf32, #tpu.memory_space<vmem>>, vector<1x16xf32>,
        %get3A_1858 = vector.shape_cast %get3A_1857 : vector<1x16xf32> to vector<16xf32>
        %get3A_1859 = arith.index_cast %select_n3A_1709 : i32 to index
        %get3A_1860 = arith.constant 2592 : index
        %get3A_1861 = tpu.vector_load %arg6[%get3A_1859, %get3A_1860] {strides = array<i32>} : memref<17x4096xf32, #tpu.memory_space<vmem>>, vector<1x16xf32>,
        %get3A_1862 = vector.shape_cast %get3A_1861 : vector<1x16xf32> to vector<16xf32>
        %add3A_1863 = arith.addf %get3A_1858, %get3A_1862 : vector<16xf32>
        %get3A_1864 = arith.index_cast %select_n3A_1723 : i32 to index
        %get3A_1865 = arith.constant 3104 : index
        %get3A_1866 = tpu.vector_load %arg6[%get3A_1864, %get3A_1865] {strides = array<i32>} : memref<17x4096xf32, #tpu.memory_space<vmem>>, vector<1x16xf32>,
        %get3A_1867 = vector.shape_cast %get3A_1866 : vector<1x16xf32> to vector<16xf32>
        %get3A_1868 = arith.index_cast %select_n3A_1737 : i32 to index
        %get3A_1869 = arith.constant 3616 : index
        %get3A_1870 = tpu.vector_load %arg6[%get3A_1868, %get3A_1869] {strides = array<i32>} : memref<17x4096xf32, #tpu.memory_space<vmem>>, vector<1x16xf32>,
        %get3A_1871 = vector.shape_cast %get3A_1870 : vector<1x16xf32> to vector<16xf32>
        %add3A_1872 = arith.addf %get3A_1867, %get3A_1871 : vector<16xf32>
        %add3A_1873 = arith.addf %add3A_1845, %add3A_1854 : vector<16xf32>
        %add3A_1874 = arith.addf %add3A_1863, %add3A_1872 : vector<16xf32>
        %add3A_1875 = arith.addf %add3A_1873, %add3A_1874 : vector<16xf32>
        %mul3A_1876 = arith.constant 1.250000e-01 : f32
        %mul3A_1877 = vector.broadcast %mul3A_1876 : f32 to vector<16xf32>
        %mul3A_1878 = arith.mulf %add3A_1875, %mul3A_1877 : vector<16xf32>
        %mul3A_1879 = arith.constant 512 : i32
        %mul3A_1880 = arith.muli %scan3A_1625, %mul3A_1879 : i32
        %add3A_1881 = arith.constant 32 : i32
        %add3A_1882 = arith.addi %mul3A_1880, %add3A_1881 : i32
        %swap3A_1883 = arith.index_cast %add3A_1882 : i32 to index
        %swap3A_1884 = tpu.vector_load %arg8[%swap3A_1883] {strides = array<i32>} : memref<4608xf32, #tpu.memory_space<vmem>>, vector<16xf32>,
        %swap3A_1885 = vector.shape_cast %swap3A_1884 : vector<16xf32> to vector<16xf32>
        %swap3A_1886 = vector.shape_cast %mul3A_1878 : vector<16xf32> to vector<16xf32>
        tpu.vector_store %arg8[%swap3A_1883], %swap3A_1886 {strides = array<i32>} : memref<4608xf32, #tpu.memory_space<vmem>>, vector<16xf32>,
        %get3A_1887 = arith.index_cast %select_n3A_1639 : i32 to index
        %get3A_1888 = arith.constant 48 : index
        %get3A_1889 = tpu.vector_load %arg6[%get3A_1887, %get3A_1888] {strides = array<i32>} : memref<17x4096xf32, #tpu.memory_space<vmem>>, vector<1x16xf32>,
        %get3A_1890 = vector.shape_cast %get3A_1889 : vector<1x16xf32> to vector<16xf32>
        %get3A_1891 = arith.index_cast %select_n3A_1653 : i32 to index
        %get3A_1892 = arith.constant 560 : index
        %get3A_1893 = tpu.vector_load %arg6[%get3A_1891, %get3A_1892] {strides = array<i32>} : memref<17x4096xf32, #tpu.memory_space<vmem>>, vector<1x16xf32>,
        %get3A_1894 = vector.shape_cast %get3A_1893 : vector<1x16xf32> to vector<16xf32>
        %add3A_1895 = arith.addf %get3A_1890, %get3A_1894 : vector<16xf32>
        %get3A_1896 = arith.index_cast %select_n3A_1667 : i32 to index
        %get3A_1897 = arith.constant 1072 : index
        %get3A_1898 = tpu.vector_load %arg6[%get3A_1896, %get3A_1897] {strides = array<i32>} : memref<17x4096xf32, #tpu.memory_space<vmem>>, vector<1x16xf32>,
        %get3A_1899 = vector.shape_cast %get3A_1898 : vector<1x16xf32> to vector<16xf32>
        %get3A_1900 = arith.index_cast %select_n3A_1681 : i32 to index
        %get3A_1901 = arith.constant 1584 : index
        %get3A_1902 = tpu.vector_load %arg6[%get3A_1900, %get3A_1901] {strides = array<i32>} : memref<17x4096xf32, #tpu.memory_space<vmem>>, vector<1x16xf32>,
        %get3A_1903 = vector.shape_cast %get3A_1902 : vector<1x16xf32> to vector<16xf32>
        %add3A_1904 = arith.addf %get3A_1899, %get3A_1903 : vector<16xf32>
        %get3A_1905 = arith.index_cast %select_n3A_1695 : i32 to index
        %get3A_1906 = arith.constant 2096 : index
        %get3A_1907 = tpu.vector_load %arg6[%get3A_1905, %get3A_1906] {strides = array<i32>} : memref<17x4096xf32, #tpu.memory_space<vmem>>, vector<1x16xf32>,
        %get3A_1908 = vector.shape_cast %get3A_1907 : vector<1x16xf32> to vector<16xf32>
        %get3A_1909 = arith.index_cast %select_n3A_1709 : i32 to index
        %get3A_1910 = arith.constant 2608 : index
        %get3A_1911 = tpu.vector_load %arg6[%get3A_1909, %get3A_1910] {strides = array<i32>} : memref<17x4096xf32, #tpu.memory_space<vmem>>, vector<1x16xf32>,
        %get3A_1912 = vector.shape_cast %get3A_1911 : vector<1x16xf32> to vector<16xf32>
        %add3A_1913 = arith.addf %get3A_1908, %get3A_1912 : vector<16xf32>
        %get3A_1914 = arith.index_cast %select_n3A_1723 : i32 to index
        %get3A_1915 = arith.constant 3120 : index
        %get3A_1916 = tpu.vector_load %arg6[%get3A_1914, %get3A_1915] {strides = array<i32>} : memref<17x4096xf32, #tpu.memory_space<vmem>>, vector<1x16xf32>,
        %get3A_1917 = vector.shape_cast %get3A_1916 : vector<1x16xf32> to vector<16xf32>
        %get3A_1918 = arith.index_cast %select_n3A_1737 : i32 to index
        %get3A_1919 = arith.constant 3632 : index
        %get3A_1920 = tpu.vector_load %arg6[%get3A_1918, %get3A_1919] {strides = array<i32>} : memref<17x4096xf32, #tpu.memory_space<vmem>>, vector<1x16xf32>,
        %get3A_1921 = vector.shape_cast %get3A_1920 : vector<1x16xf32> to vector<16xf32>
        %add3A_1922 = arith.addf %get3A_1917, %get3A_1921 : vector<16xf32>
        %add3A_1923 = arith.addf %add3A_1895, %add3A_1904 : vector<16xf32>
        %add3A_1924 = arith.addf %add3A_1913, %add3A_1922 : vector<16xf32>
        %add3A_1925 = arith.addf %add3A_1923, %add3A_1924 : vector<16xf32>
        %mul3A_1926 = arith.constant 1.250000e-01 : f32
        %mul3A_1927 = vector.broadcast %mul3A_1926 : f32 to vector<16xf32>
        %mul3A_1928 = arith.mulf %add3A_1925, %mul3A_1927 : vector<16xf32>
        %mul3A_1929 = arith.constant 512 : i32
        %mul3A_1930 = arith.muli %scan3A_1625, %mul3A_1929 : i32
        %add3A_1931 = arith.constant 48 : i32
        %add3A_1932 = arith.addi %mul3A_1930, %add3A_1931 : i32
        %swap3A_1933 = arith.index_cast %add3A_1932 : i32 to index
        %swap3A_1934 = tpu.vector_load %arg8[%swap3A_1933] {strides = array<i32>} : memref<4608xf32, #tpu.memory_space<vmem>>, vector<16xf32>,
        %swap3A_1935 = vector.shape_cast %swap3A_1934 : vector<16xf32> to vector<16xf32>
        %swap3A_1936 = vector.shape_cast %mul3A_1928 : vector<16xf32> to vector<16xf32>
        tpu.vector_store %arg8[%swap3A_1933], %swap3A_1936 {strides = array<i32>} : memref<4608xf32, #tpu.memory_space<vmem>>, vector<16xf32>,
        %get3A_1937 = arith.index_cast %select_n3A_1639 : i32 to index
        %get3A_1938 = arith.constant 64 : index
        %get3A_1939 = tpu.vector_load %arg6[%get3A_1937, %get3A_1938] {strides = array<i32>} : memref<17x4096xf32, #tpu.memory_space<vmem>>, vector<1x16xf32>,
        %get3A_1940 = vector.shape_cast %get3A_1939 : vector<1x16xf32> to vector<16xf32>
        %get3A_1941 = arith.index_cast %select_n3A_1653 : i32 to index
        %get3A_1942 = arith.constant 576 : index
        %get3A_1943 = tpu.vector_load %arg6[%get3A_1941, %get3A_1942] {strides = array<i32>} : memref<17x4096xf32, #tpu.memory_space<vmem>>, vector<1x16xf32>,
        %get3A_1944 = vector.shape_cast %get3A_1943 : vector<1x16xf32> to vector<16xf32>
        %add3A_1945 = arith.addf %get3A_1940, %get3A_1944 : vector<16xf32>
        %get3A_1946 = arith.index_cast %select_n3A_1667 : i32 to index
        %get3A_1947 = arith.constant 1088 : index
        %get3A_1948 = tpu.vector_load %arg6[%get3A_1946, %get3A_1947] {strides = array<i32>} : memref<17x4096xf32, #tpu.memory_space<vmem>>, vector<1x16xf32>,
        %get3A_1949 = vector.shape_cast %get3A_1948 : vector<1x16xf32> to vector<16xf32>
        %get3A_1950 = arith.index_cast %select_n3A_1681 : i32 to index
        %get3A_1951 = arith.constant 1600 : index
        %get3A_1952 = tpu.vector_load %arg6[%get3A_1950, %get3A_1951] {strides = array<i32>} : memref<17x4096xf32, #tpu.memory_space<vmem>>, vector<1x16xf32>,
        %get3A_1953 = vector.shape_cast %get3A_1952 : vector<1x16xf32> to vector<16xf32>
        %add3A_1954 = arith.addf %get3A_1949, %get3A_1953 : vector<16xf32>
        %get3A_1955 = arith.index_cast %select_n3A_1695 : i32 to index
        %get3A_1956 = arith.constant 2112 : index
        %get3A_1957 = tpu.vector_load %arg6[%get3A_1955, %get3A_1956] {strides = array<i32>} : memref<17x4096xf32, #tpu.memory_space<vmem>>, vector<1x16xf32>,
        %get3A_1958 = vector.shape_cast %get3A_1957 : vector<1x16xf32> to vector<16xf32>
        %get3A_1959 = arith.index_cast %select_n3A_1709 : i32 to index
        %get3A_1960 = arith.constant 2624 : index
        %get3A_1961 = tpu.vector_load %arg6[%get3A_1959, %get3A_1960] {strides = array<i32>} : memref<17x4096xf32, #tpu.memory_space<vmem>>, vector<1x16xf32>,
        %get3A_1962 = vector.shape_cast %get3A_1961 : vector<1x16xf32> to vector<16xf32>
        %add3A_1963 = arith.addf %get3A_1958, %get3A_1962 : vector<16xf32>
        %get3A_1964 = arith.index_cast %select_n3A_1723 : i32 to index
        %get3A_1965 = arith.constant 3136 : index
        %get3A_1966 = tpu.vector_load %arg6[%get3A_1964, %get3A_1965] {strides = array<i32>} : memref<17x4096xf32, #tpu.memory_space<vmem>>, vector<1x16xf32>,
        %get3A_1967 = vector.shape_cast %get3A_1966 : vector<1x16xf32> to vector<16xf32>
        %get3A_1968 = arith.index_cast %select_n3A_1737 : i32 to index
        %get3A_1969 = arith.constant 3648 : index
        %get3A_1970 = tpu.vector_load %arg6[%get3A_1968, %get3A_1969] {strides = array<i32>} : memref<17x4096xf32, #tpu.memory_space<vmem>>, vector<1x16xf32>,
        %get3A_1971 = vector.shape_cast %get3A_1970 : vector<1x16xf32> to vector<16xf32>
        %add3A_1972 = arith.addf %get3A_1967, %get3A_1971 : vector<16xf32>
        %add3A_1973 = arith.addf %add3A_1945, %add3A_1954 : vector<16xf32>
        %add3A_1974 = arith.addf %add3A_1963, %add3A_1972 : vector<16xf32>
        %add3A_1975 = arith.addf %add3A_1973, %add3A_1974 : vector<16xf32>
        %mul3A_1976 = arith.constant 1.250000e-01 : f32
        %mul3A_1977 = vector.broadcast %mul3A_1976 : f32 to vector<16xf32>
        %mul3A_1978 = arith.mulf %add3A_1975, %mul3A_1977 : vector<16xf32>
        %mul3A_1979 = arith.constant 512 : i32
        %mul3A_1980 = arith.muli %scan3A_1625, %mul3A_1979 : i32
        %add3A_1981 = arith.constant 64 : i32
        %add3A_1982 = arith.addi %mul3A_1980, %add3A_1981 : i32
        %swap3A_1983 = arith.index_cast %add3A_1982 : i32 to index
        %swap3A_1984 = tpu.vector_load %arg8[%swap3A_1983] {strides = array<i32>} : memref<4608xf32, #tpu.memory_space<vmem>>, vector<16xf32>,
        %swap3A_1985 = vector.shape_cast %swap3A_1984 : vector<16xf32> to vector<16xf32>
        %swap3A_1986 = vector.shape_cast %mul3A_1978 : vector<16xf32> to vector<16xf32>
        tpu.vector_store %arg8[%swap3A_1983], %swap3A_1986 {strides = array<i32>} : memref<4608xf32, #tpu.memory_space<vmem>>, vector<16xf32>,
        %get3A_1987 = arith.index_cast %select_n3A_1639 : i32 to index
        %get3A_1988 = arith.constant 80 : index
        %get3A_1989 = tpu.vector_load %arg6[%get3A_1987, %get3A_1988] {strides = array<i32>} : memref<17x4096xf32, #tpu.memory_space<vmem>>, vector<1x16xf32>,
        %get3A_1990 = vector.shape_cast %get3A_1989 : vector<1x16xf32> to vector<16xf32>
        %get3A_1991 = arith.index_cast %select_n3A_1653 : i32 to index
        %get3A_1992 = arith.constant 592 : index
        %get3A_1993 = tpu.vector_load %arg6[%get3A_1991, %get3A_1992] {strides = array<i32>} : memref<17x4096xf32, #tpu.memory_space<vmem>>, vector<1x16xf32>,
        %get3A_1994 = vector.shape_cast %get3A_1993 : vector<1x16xf32> to vector<16xf32>
        %add3A_1995 = arith.addf %get3A_1990, %get3A_1994 : vector<16xf32>
        %get3A_1996 = arith.index_cast %select_n3A_1667 : i32 to index
        %get3A_1997 = arith.constant 1104 : index
        %get3A_1998 = tpu.vector_load %arg6[%get3A_1996, %get3A_1997] {strides = array<i32>} : memref<17x4096xf32, #tpu.memory_space<vmem>>, vector<1x16xf32>,
        %get3A_1999 = vector.shape_cast %get3A_1998 : vector<1x16xf32> to vector<16xf32>
        %get3A_2000 = arith.index_cast %select_n3A_1681 : i32 to index
        %get3A_2001 = arith.constant 1616 : index
        %get3A_2002 = tpu.vector_load %arg6[%get3A_2000, %get3A_2001] {strides = array<i32>} : memref<17x4096xf32, #tpu.memory_space<vmem>>, vector<1x16xf32>,
        %get3A_2003 = vector.shape_cast %get3A_2002 : vector<1x16xf32> to vector<16xf32>
        %add3A_2004 = arith.addf %get3A_1999, %get3A_2003 : vector<16xf32>
        %get3A_2005 = arith.index_cast %select_n3A_1695 : i32 to index
        %get3A_2006 = arith.constant 2128 : index
        %get3A_2007 = tpu.vector_load %arg6[%get3A_2005, %get3A_2006] {strides = array<i32>} : memref<17x4096xf32, #tpu.memory_space<vmem>>, vector<1x16xf32>,
        %get3A_2008 = vector.shape_cast %get3A_2007 : vector<1x16xf32> to vector<16xf32>
        %get3A_2009 = arith.index_cast %select_n3A_1709 : i32 to index
        %get3A_2010 = arith.constant 2640 : index
        %get3A_2011 = tpu.vector_load %arg6[%get3A_2009, %get3A_2010] {strides = array<i32>} : memref<17x4096xf32, #tpu.memory_space<vmem>>, vector<1x16xf32>,
        %get3A_2012 = vector.shape_cast %get3A_2011 : vector<1x16xf32> to vector<16xf32>
        %add3A_2013 = arith.addf %get3A_2008, %get3A_2012 : vector<16xf32>
        %get3A_2014 = arith.index_cast %select_n3A_1723 : i32 to index
        %get3A_2015 = arith.constant 3152 : index
        %get3A_2016 = tpu.vector_load %arg6[%get3A_2014, %get3A_2015] {strides = array<i32>} : memref<17x4096xf32, #tpu.memory_space<vmem>>, vector<1x16xf32>,
        %get3A_2017 = vector.shape_cast %get3A_2016 : vector<1x16xf32> to vector<16xf32>
        %get3A_2018 = arith.index_cast %select_n3A_1737 : i32 to index
        %get3A_2019 = arith.constant 3664 : index
        %get3A_2020 = tpu.vector_load %arg6[%get3A_2018, %get3A_2019] {strides = array<i32>} : memref<17x4096xf32, #tpu.memory_space<vmem>>, vector<1x16xf32>,
        %get3A_2021 = vector.shape_cast %get3A_2020 : vector<1x16xf32> to vector<16xf32>
        %add3A_2022 = arith.addf %get3A_2017, %get3A_2021 : vector<16xf32>
        %add3A_2023 = arith.addf %add3A_1995, %add3A_2004 : vector<16xf32>
        %add3A_2024 = arith.addf %add3A_2013, %add3A_2022 : vector<16xf32>
        %add3A_2025 = arith.addf %add3A_2023, %add3A_2024 : vector<16xf32>
        %mul3A_2026 = arith.constant 1.250000e-01 : f32
        %mul3A_2027 = vector.broadcast %mul3A_2026 : f32 to vector<16xf32>
        %mul3A_2028 = arith.mulf %add3A_2025, %mul3A_2027 : vector<16xf32>
        %mul3A_2029 = arith.constant 512 : i32
        %mul3A_2030 = arith.muli %scan3A_1625, %mul3A_2029 : i32
        %add3A_2031 = arith.constant 80 : i32
        %add3A_2032 = arith.addi %mul3A_2030, %add3A_2031 : i32
        %swap3A_2033 = arith.index_cast %add3A_2032 : i32 to index
        %swap3A_2034 = tpu.vector_load %arg8[%swap3A_2033] {strides = array<i32>} : memref<4608xf32, #tpu.memory_space<vmem>>, vector<16xf32>,
        %swap3A_2035 = vector.shape_cast %swap3A_2034 : vector<16xf32> to vector<16xf32>
        %swap3A_2036 = vector.shape_cast %mul3A_2028 : vector<16xf32> to vector<16xf32>
        tpu.vector_store %arg8[%swap3A_2033], %swap3A_2036 {strides = array<i32>} : memref<4608xf32, #tpu.memory_space<vmem>>, vector<16xf32>,
        %get3A_2037 = arith.index_cast %select_n3A_1639 : i32 to index
        %get3A_2038 = arith.constant 96 : index
        %get3A_2039 = tpu.vector_load %arg6[%get3A_2037, %get3A_2038] {strides = array<i32>} : memref<17x4096xf32, #tpu.memory_space<vmem>>, vector<1x16xf32>,
        %get3A_2040 = vector.shape_cast %get3A_2039 : vector<1x16xf32> to vector<16xf32>
        %get3A_2041 = arith.index_cast %select_n3A_1653 : i32 to index
        %get3A_2042 = arith.constant 608 : index
        %get3A_2043 = tpu.vector_load %arg6[%get3A_2041, %get3A_2042] {strides = array<i32>} : memref<17x4096xf32, #tpu.memory_space<vmem>>, vector<1x16xf32>,
        %get3A_2044 = vector.shape_cast %get3A_2043 : vector<1x16xf32> to vector<16xf32>
        %add3A_2045 = arith.addf %get3A_2040, %get3A_2044 : vector<16xf32>
        %get3A_2046 = arith.index_cast %select_n3A_1667 : i32 to index
        %get3A_2047 = arith.constant 1120 : index
        %get3A_2048 = tpu.vector_load %arg6[%get3A_2046, %get3A_2047] {strides = array<i32>} : memref<17x4096xf32, #tpu.memory_space<vmem>>, vector<1x16xf32>,
        %get3A_2049 = vector.shape_cast %get3A_2048 : vector<1x16xf32> to vector<16xf32>
        %get3A_2050 = arith.index_cast %select_n3A_1681 : i32 to index
        %get3A_2051 = arith.constant 1632 : index
        %get3A_2052 = tpu.vector_load %arg6[%get3A_2050, %get3A_2051] {strides = array<i32>} : memref<17x4096xf32, #tpu.memory_space<vmem>>, vector<1x16xf32>,
        %get3A_2053 = vector.shape_cast %get3A_2052 : vector<1x16xf32> to vector<16xf32>
        %add3A_2054 = arith.addf %get3A_2049, %get3A_2053 : vector<16xf32>
        %get3A_2055 = arith.index_cast %select_n3A_1695 : i32 to index
        %get3A_2056 = arith.constant 2144 : index
        %get3A_2057 = tpu.vector_load %arg6[%get3A_2055, %get3A_2056] {strides = array<i32>} : memref<17x4096xf32, #tpu.memory_space<vmem>>, vector<1x16xf32>,
        %get3A_2058 = vector.shape_cast %get3A_2057 : vector<1x16xf32> to vector<16xf32>
        %get3A_2059 = arith.index_cast %select_n3A_1709 : i32 to index
        %get3A_2060 = arith.constant 2656 : index
        %get3A_2061 = tpu.vector_load %arg6[%get3A_2059, %get3A_2060] {strides = array<i32>} : memref<17x4096xf32, #tpu.memory_space<vmem>>, vector<1x16xf32>,
        %get3A_2062 = vector.shape_cast %get3A_2061 : vector<1x16xf32> to vector<16xf32>
        %add3A_2063 = arith.addf %get3A_2058, %get3A_2062 : vector<16xf32>
        %get3A_2064 = arith.index_cast %select_n3A_1723 : i32 to index
        %get3A_2065 = arith.constant 3168 : index
        %get3A_2066 = tpu.vector_load %arg6[%get3A_2064, %get3A_2065] {strides = array<i32>} : memref<17x4096xf32, #tpu.memory_space<vmem>>, vector<1x16xf32>,
        %get3A_2067 = vector.shape_cast %get3A_2066 : vector<1x16xf32> to vector<16xf32>
        %get3A_2068 = arith.index_cast %select_n3A_1737 : i32 to index
        %get3A_2069 = arith.constant 3680 : index
        %get3A_2070 = tpu.vector_load %arg6[%get3A_2068, %get3A_2069] {strides = array<i32>} : memref<17x4096xf32, #tpu.memory_space<vmem>>, vector<1x16xf32>,
        %get3A_2071 = vector.shape_cast %get3A_2070 : vector<1x16xf32> to vector<16xf32>
        %add3A_2072 = arith.addf %get3A_2067, %get3A_2071 : vector<16xf32>
        %add3A_2073 = arith.addf %add3A_2045, %add3A_2054 : vector<16xf32>
        %add3A_2074 = arith.addf %add3A_2063, %add3A_2072 : vector<16xf32>
        %add3A_2075 = arith.addf %add3A_2073, %add3A_2074 : vector<16xf32>
        %mul3A_2076 = arith.constant 1.250000e-01 : f32
        %mul3A_2077 = vector.broadcast %mul3A_2076 : f32 to vector<16xf32>
        %mul3A_2078 = arith.mulf %add3A_2075, %mul3A_2077 : vector<16xf32>
        %mul3A_2079 = arith.constant 512 : i32
        %mul3A_2080 = arith.muli %scan3A_1625, %mul3A_2079 : i32
        %add3A_2081 = arith.constant 96 : i32
        %add3A_2082 = arith.addi %mul3A_2080, %add3A_2081 : i32
        %swap3A_2083 = arith.index_cast %add3A_2082 : i32 to index
        %swap3A_2084 = tpu.vector_load %arg8[%swap3A_2083] {strides = array<i32>} : memref<4608xf32, #tpu.memory_space<vmem>>, vector<16xf32>,
        %swap3A_2085 = vector.shape_cast %swap3A_2084 : vector<16xf32> to vector<16xf32>
        %swap3A_2086 = vector.shape_cast %mul3A_2078 : vector<16xf32> to vector<16xf32>
        tpu.vector_store %arg8[%swap3A_2083], %swap3A_2086 {strides = array<i32>} : memref<4608xf32, #tpu.memory_space<vmem>>, vector<16xf32>,
        %get3A_2087 = arith.index_cast %select_n3A_1639 : i32 to index
        %get3A_2088 = arith.constant 112 : index
        %get3A_2089 = tpu.vector_load %arg6[%get3A_2087, %get3A_2088] {strides = array<i32>} : memref<17x4096xf32, #tpu.memory_space<vmem>>, vector<1x16xf32>,
        %get3A_2090 = vector.shape_cast %get3A_2089 : vector<1x16xf32> to vector<16xf32>
        %get3A_2091 = arith.index_cast %select_n3A_1653 : i32 to index
        %get3A_2092 = arith.constant 624 : index
        %get3A_2093 = tpu.vector_load %arg6[%get3A_2091, %get3A_2092] {strides = array<i32>} : memref<17x4096xf32, #tpu.memory_space<vmem>>, vector<1x16xf32>,
        %get3A_2094 = vector.shape_cast %get3A_2093 : vector<1x16xf32> to vector<16xf32>
        %add3A_2095 = arith.addf %get3A_2090, %get3A_2094 : vector<16xf32>
        %get3A_2096 = arith.index_cast %select_n3A_1667 : i32 to index
        %get3A_2097 = arith.constant 1136 : index
        %get3A_2098 = tpu.vector_load %arg6[%get3A_2096, %get3A_2097] {strides = array<i32>} : memref<17x4096xf32, #tpu.memory_space<vmem>>, vector<1x16xf32>,
        %get3A_2099 = vector.shape_cast %get3A_2098 : vector<1x16xf32> to vector<16xf32>
        %get3A_2100 = arith.index_cast %select_n3A_1681 : i32 to index
        %get3A_2101 = arith.constant 1648 : index
        %get3A_2102 = tpu.vector_load %arg6[%get3A_2100, %get3A_2101] {strides = array<i32>} : memref<17x4096xf32, #tpu.memory_space<vmem>>, vector<1x16xf32>,
        %get3A_2103 = vector.shape_cast %get3A_2102 : vector<1x16xf32> to vector<16xf32>
        %add3A_2104 = arith.addf %get3A_2099, %get3A_2103 : vector<16xf32>
        %get3A_2105 = arith.index_cast %select_n3A_1695 : i32 to index
        %get3A_2106 = arith.constant 2160 : index
        %get3A_2107 = tpu.vector_load %arg6[%get3A_2105, %get3A_2106] {strides = array<i32>} : memref<17x4096xf32, #tpu.memory_space<vmem>>, vector<1x16xf32>,
        %get3A_2108 = vector.shape_cast %get3A_2107 : vector<1x16xf32> to vector<16xf32>
        %get3A_2109 = arith.index_cast %select_n3A_1709 : i32 to index
        %get3A_2110 = arith.constant 2672 : index
        %get3A_2111 = tpu.vector_load %arg6[%get3A_2109, %get3A_2110] {strides = array<i32>} : memref<17x4096xf32, #tpu.memory_space<vmem>>, vector<1x16xf32>,
        %get3A_2112 = vector.shape_cast %get3A_2111 : vector<1x16xf32> to vector<16xf32>
        %add3A_2113 = arith.addf %get3A_2108, %get3A_2112 : vector<16xf32>
        %get3A_2114 = arith.index_cast %select_n3A_1723 : i32 to index
        %get3A_2115 = arith.constant 3184 : index
        %get3A_2116 = tpu.vector_load %arg6[%get3A_2114, %get3A_2115] {strides = array<i32>} : memref<17x4096xf32, #tpu.memory_space<vmem>>, vector<1x16xf32>,
        %get3A_2117 = vector.shape_cast %get3A_2116 : vector<1x16xf32> to vector<16xf32>
        %get3A_2118 = arith.index_cast %select_n3A_1737 : i32 to index
        %get3A_2119 = arith.constant 3696 : index
        %get3A_2120 = tpu.vector_load %arg6[%get3A_2118, %get3A_2119] {strides = array<i32>} : memref<17x4096xf32, #tpu.memory_space<vmem>>, vector<1x16xf32>,
        %get3A_2121 = vector.shape_cast %get3A_2120 : vector<1x16xf32> to vector<16xf32>
        %add3A_2122 = arith.addf %get3A_2117, %get3A_2121 : vector<16xf32>
        %add3A_2123 = arith.addf %add3A_2095, %add3A_2104 : vector<16xf32>
        %add3A_2124 = arith.addf %add3A_2113, %add3A_2122 : vector<16xf32>
        %add3A_2125 = arith.addf %add3A_2123, %add3A_2124 : vector<16xf32>
        %mul3A_2126 = arith.constant 1.250000e-01 : f32
        %mul3A_2127 = vector.broadcast %mul3A_2126 : f32 to vector<16xf32>
        %mul3A_2128 = arith.mulf %add3A_2125, %mul3A_2127 : vector<16xf32>
        %mul3A_2129 = arith.constant 512 : i32
        %mul3A_2130 = arith.muli %scan3A_1625, %mul3A_2129 : i32
        %add3A_2131 = arith.constant 112 : i32
        %add3A_2132 = arith.addi %mul3A_2130, %add3A_2131 : i32
        %swap3A_2133 = arith.index_cast %add3A_2132 : i32 to index
        %swap3A_2134 = tpu.vector_load %arg8[%swap3A_2133] {strides = array<i32>} : memref<4608xf32, #tpu.memory_space<vmem>>, vector<16xf32>,
        %swap3A_2135 = vector.shape_cast %swap3A_2134 : vector<16xf32> to vector<16xf32>
        %swap3A_2136 = vector.shape_cast %mul3A_2128 : vector<16xf32> to vector<16xf32>
        tpu.vector_store %arg8[%swap3A_2133], %swap3A_2136 {strides = array<i32>} : memref<4608xf32, #tpu.memory_space<vmem>>, vector<16xf32>,
        %get3A_2137 = arith.index_cast %select_n3A_1639 : i32 to index
        %get3A_2138 = arith.constant 128 : index
        %get3A_2139 = tpu.vector_load %arg6[%get3A_2137, %get3A_2138] {strides = array<i32>} : memref<17x4096xf32, #tpu.memory_space<vmem>>, vector<1x16xf32>,
        %get3A_2140 = vector.shape_cast %get3A_2139 : vector<1x16xf32> to vector<16xf32>
        %get3A_2141 = arith.index_cast %select_n3A_1653 : i32 to index
        %get3A_2142 = arith.constant 640 : index
        %get3A_2143 = tpu.vector_load %arg6[%get3A_2141, %get3A_2142] {strides = array<i32>} : memref<17x4096xf32, #tpu.memory_space<vmem>>, vector<1x16xf32>,
        %get3A_2144 = vector.shape_cast %get3A_2143 : vector<1x16xf32> to vector<16xf32>
        %add3A_2145 = arith.addf %get3A_2140, %get3A_2144 : vector<16xf32>
        %get3A_2146 = arith.index_cast %select_n3A_1667 : i32 to index
        %get3A_2147 = arith.constant 1152 : index
        %get3A_2148 = tpu.vector_load %arg6[%get3A_2146, %get3A_2147] {strides = array<i32>} : memref<17x4096xf32, #tpu.memory_space<vmem>>, vector<1x16xf32>,
        %get3A_2149 = vector.shape_cast %get3A_2148 : vector<1x16xf32> to vector<16xf32>
        %get3A_2150 = arith.index_cast %select_n3A_1681 : i32 to index
        %get3A_2151 = arith.constant 1664 : index
        %get3A_2152 = tpu.vector_load %arg6[%get3A_2150, %get3A_2151] {strides = array<i32>} : memref<17x4096xf32, #tpu.memory_space<vmem>>, vector<1x16xf32>,
        %get3A_2153 = vector.shape_cast %get3A_2152 : vector<1x16xf32> to vector<16xf32>
        %add3A_2154 = arith.addf %get3A_2149, %get3A_2153 : vector<16xf32>
        %get3A_2155 = arith.index_cast %select_n3A_1695 : i32 to index
        %get3A_2156 = arith.constant 2176 : index
        %get3A_2157 = tpu.vector_load %arg6[%get3A_2155, %get3A_2156] {strides = array<i32>} : memref<17x4096xf32, #tpu.memory_space<vmem>>, vector<1x16xf32>,
        %get3A_2158 = vector.shape_cast %get3A_2157 : vector<1x16xf32> to vector<16xf32>
        %get3A_2159 = arith.index_cast %select_n3A_1709 : i32 to index
        %get3A_2160 = arith.constant 2688 : index
        %get3A_2161 = tpu.vector_load %arg6[%get3A_2159, %get3A_2160] {strides = array<i32>} : memref<17x4096xf32, #tpu.memory_space<vmem>>, vector<1x16xf32>,
        %get3A_2162 = vector.shape_cast %get3A_2161 : vector<1x16xf32> to vector<16xf32>
        %add3A_2163 = arith.addf %get3A_2158, %get3A_2162 : vector<16xf32>
        %get3A_2164 = arith.index_cast %select_n3A_1723 : i32 to index
        %get3A_2165 = arith.constant 3200 : index
        %get3A_2166 = tpu.vector_load %arg6[%get3A_2164, %get3A_2165] {strides = array<i32>} : memref<17x4096xf32, #tpu.memory_space<vmem>>, vector<1x16xf32>,
        %get3A_2167 = vector.shape_cast %get3A_2166 : vector<1x16xf32> to vector<16xf32>
        %get3A_2168 = arith.index_cast %select_n3A_1737 : i32 to index
        %get3A_2169 = arith.constant 3712 : index
        %get3A_2170 = tpu.vector_load %arg6[%get3A_2168, %get3A_2169] {strides = array<i32>} : memref<17x4096xf32, #tpu.memory_space<vmem>>, vector<1x16xf32>,
        %get3A_2171 = vector.shape_cast %get3A_2170 : vector<1x16xf32> to vector<16xf32>
        %add3A_2172 = arith.addf %get3A_2167, %get3A_2171 : vector<16xf32>
        %add3A_2173 = arith.addf %add3A_2145, %add3A_2154 : vector<16xf32>
        %add3A_2174 = arith.addf %add3A_2163, %add3A_2172 : vector<16xf32>
        %add3A_2175 = arith.addf %add3A_2173, %add3A_2174 : vector<16xf32>
        %mul3A_2176 = arith.constant 1.250000e-01 : f32
        %mul3A_2177 = vector.broadcast %mul3A_2176 : f32 to vector<16xf32>
        %mul3A_2178 = arith.mulf %add3A_2175, %mul3A_2177 : vector<16xf32>
        %mul3A_2179 = arith.constant 512 : i32
        %mul3A_2180 = arith.muli %scan3A_1625, %mul3A_2179 : i32
        %add3A_2181 = arith.constant 128 : i32
        %add3A_2182 = arith.addi %mul3A_2180, %add3A_2181 : i32
        %swap3A_2183 = arith.index_cast %add3A_2182 : i32 to index
        %swap3A_2184 = tpu.vector_load %arg8[%swap3A_2183] {strides = array<i32>} : memref<4608xf32, #tpu.memory_space<vmem>>, vector<16xf32>,
        %swap3A_2185 = vector.shape_cast %swap3A_2184 : vector<16xf32> to vector<16xf32>
        %swap3A_2186 = vector.shape_cast %mul3A_2178 : vector<16xf32> to vector<16xf32>
        tpu.vector_store %arg8[%swap3A_2183], %swap3A_2186 {strides = array<i32>} : memref<4608xf32, #tpu.memory_space<vmem>>, vector<16xf32>,
        %get3A_2187 = arith.index_cast %select_n3A_1639 : i32 to index
        %get3A_2188 = arith.constant 144 : index
        %get3A_2189 = tpu.vector_load %arg6[%get3A_2187, %get3A_2188] {strides = array<i32>} : memref<17x4096xf32, #tpu.memory_space<vmem>>, vector<1x16xf32>,
        %get3A_2190 = vector.shape_cast %get3A_2189 : vector<1x16xf32> to vector<16xf32>
        %get3A_2191 = arith.index_cast %select_n3A_1653 : i32 to index
        %get3A_2192 = arith.constant 656 : index
        %get3A_2193 = tpu.vector_load %arg6[%get3A_2191, %get3A_2192] {strides = array<i32>} : memref<17x4096xf32, #tpu.memory_space<vmem>>, vector<1x16xf32>,
        %get3A_2194 = vector.shape_cast %get3A_2193 : vector<1x16xf32> to vector<16xf32>
        %add3A_2195 = arith.addf %get3A_2190, %get3A_2194 : vector<16xf32>
        %get3A_2196 = arith.index_cast %select_n3A_1667 : i32 to index
        %get3A_2197 = arith.constant 1168 : index
        %get3A_2198 = tpu.vector_load %arg6[%get3A_2196, %get3A_2197] {strides = array<i32>} : memref<17x4096xf32, #tpu.memory_space<vmem>>, vector<1x16xf32>,
        %get3A_2199 = vector.shape_cast %get3A_2198 : vector<1x16xf32> to vector<16xf32>
        %get3A_2200 = arith.index_cast %select_n3A_1681 : i32 to index
        %get3A_2201 = arith.constant 1680 : index
        %get3A_2202 = tpu.vector_load %arg6[%get3A_2200, %get3A_2201] {strides = array<i32>} : memref<17x4096xf32, #tpu.memory_space<vmem>>, vector<1x16xf32>,
        %get3A_2203 = vector.shape_cast %get3A_2202 : vector<1x16xf32> to vector<16xf32>
        %add3A_2204 = arith.addf %get3A_2199, %get3A_2203 : vector<16xf32>
        %get3A_2205 = arith.index_cast %select_n3A_1695 : i32 to index
        %get3A_2206 = arith.constant 2192 : index
        %get3A_2207 = tpu.vector_load %arg6[%get3A_2205, %get3A_2206] {strides = array<i32>} : memref<17x4096xf32, #tpu.memory_space<vmem>>, vector<1x16xf32>,
        %get3A_2208 = vector.shape_cast %get3A_2207 : vector<1x16xf32> to vector<16xf32>
        %get3A_2209 = arith.index_cast %select_n3A_1709 : i32 to index
        %get3A_2210 = arith.constant 2704 : index
        %get3A_2211 = tpu.vector_load %arg6[%get3A_2209, %get3A_2210] {strides = array<i32>} : memref<17x4096xf32, #tpu.memory_space<vmem>>, vector<1x16xf32>,
        %get3A_2212 = vector.shape_cast %get3A_2211 : vector<1x16xf32> to vector<16xf32>
        %add3A_2213 = arith.addf %get3A_2208, %get3A_2212 : vector<16xf32>
        %get3A_2214 = arith.index_cast %select_n3A_1723 : i32 to index
        %get3A_2215 = arith.constant 3216 : index
        %get3A_2216 = tpu.vector_load %arg6[%get3A_2214, %get3A_2215] {strides = array<i32>} : memref<17x4096xf32, #tpu.memory_space<vmem>>, vector<1x16xf32>,
        %get3A_2217 = vector.shape_cast %get3A_2216 : vector<1x16xf32> to vector<16xf32>
        %get3A_2218 = arith.index_cast %select_n3A_1737 : i32 to index
        %get3A_2219 = arith.constant 3728 : index
        %get3A_2220 = tpu.vector_load %arg6[%get3A_2218, %get3A_2219] {strides = array<i32>} : memref<17x4096xf32, #tpu.memory_space<vmem>>, vector<1x16xf32>,
        %get3A_2221 = vector.shape_cast %get3A_2220 : vector<1x16xf32> to vector<16xf32>
        %add3A_2222 = arith.addf %get3A_2217, %get3A_2221 : vector<16xf32>
        %add3A_2223 = arith.addf %add3A_2195, %add3A_2204 : vector<16xf32>
        %add3A_2224 = arith.addf %add3A_2213, %add3A_2222 : vector<16xf32>
        %add3A_2225 = arith.addf %add3A_2223, %add3A_2224 : vector<16xf32>
        %mul3A_2226 = arith.constant 1.250000e-01 : f32
        %mul3A_2227 = vector.broadcast %mul3A_2226 : f32 to vector<16xf32>
        %mul3A_2228 = arith.mulf %add3A_2225, %mul3A_2227 : vector<16xf32>
        %mul3A_2229 = arith.constant 512 : i32
        %mul3A_2230 = arith.muli %scan3A_1625, %mul3A_2229 : i32
        %add3A_2231 = arith.constant 144 : i32
        %add3A_2232 = arith.addi %mul3A_2230, %add3A_2231 : i32
        %swap3A_2233 = arith.index_cast %add3A_2232 : i32 to index
        %swap3A_2234 = tpu.vector_load %arg8[%swap3A_2233] {strides = array<i32>} : memref<4608xf32, #tpu.memory_space<vmem>>, vector<16xf32>,
        %swap3A_2235 = vector.shape_cast %swap3A_2234 : vector<16xf32> to vector<16xf32>
        %swap3A_2236 = vector.shape_cast %mul3A_2228 : vector<16xf32> to vector<16xf32>
        tpu.vector_store %arg8[%swap3A_2233], %swap3A_2236 {strides = array<i32>} : memref<4608xf32, #tpu.memory_space<vmem>>, vector<16xf32>,
        %get3A_2237 = arith.index_cast %select_n3A_1639 : i32 to index
        %get3A_2238 = arith.constant 160 : index
        %get3A_2239 = tpu.vector_load %arg6[%get3A_2237, %get3A_2238] {strides = array<i32>} : memref<17x4096xf32, #tpu.memory_space<vmem>>, vector<1x16xf32>,
        %get3A_2240 = vector.shape_cast %get3A_2239 : vector<1x16xf32> to vector<16xf32>
        %get3A_2241 = arith.index_cast %select_n3A_1653 : i32 to index
        %get3A_2242 = arith.constant 672 : index
        %get3A_2243 = tpu.vector_load %arg6[%get3A_2241, %get3A_2242] {strides = array<i32>} : memref<17x4096xf32, #tpu.memory_space<vmem>>, vector<1x16xf32>,
        %get3A_2244 = vector.shape_cast %get3A_2243 : vector<1x16xf32> to vector<16xf32>
        %add3A_2245 = arith.addf %get3A_2240, %get3A_2244 : vector<16xf32>
        %get3A_2246 = arith.index_cast %select_n3A_1667 : i32 to index
        %get3A_2247 = arith.constant 1184 : index
        %get3A_2248 = tpu.vector_load %arg6[%get3A_2246, %get3A_2247] {strides = array<i32>} : memref<17x4096xf32, #tpu.memory_space<vmem>>, vector<1x16xf32>,
        %get3A_2249 = vector.shape_cast %get3A_2248 : vector<1x16xf32> to vector<16xf32>
        %get3A_2250 = arith.index_cast %select_n3A_1681 : i32 to index
        %get3A_2251 = arith.constant 1696 : index
        %get3A_2252 = tpu.vector_load %arg6[%get3A_2250, %get3A_2251] {strides = array<i32>} : memref<17x4096xf32, #tpu.memory_space<vmem>>, vector<1x16xf32>,
        %get3A_2253 = vector.shape_cast %get3A_2252 : vector<1x16xf32> to vector<16xf32>
        %add3A_2254 = arith.addf %get3A_2249, %get3A_2253 : vector<16xf32>
        %get3A_2255 = arith.index_cast %select_n3A_1695 : i32 to index
        %get3A_2256 = arith.constant 2208 : index
        %get3A_2257 = tpu.vector_load %arg6[%get3A_2255, %get3A_2256] {strides = array<i32>} : memref<17x4096xf32, #tpu.memory_space<vmem>>, vector<1x16xf32>,
        %get3A_2258 = vector.shape_cast %get3A_2257 : vector<1x16xf32> to vector<16xf32>
        %get3A_2259 = arith.index_cast %select_n3A_1709 : i32 to index
        %get3A_2260 = arith.constant 2720 : index
        %get3A_2261 = tpu.vector_load %arg6[%get3A_2259, %get3A_2260] {strides = array<i32>} : memref<17x4096xf32, #tpu.memory_space<vmem>>, vector<1x16xf32>,
        %get3A_2262 = vector.shape_cast %get3A_2261 : vector<1x16xf32> to vector<16xf32>
        %add3A_2263 = arith.addf %get3A_2258, %get3A_2262 : vector<16xf32>
        %get3A_2264 = arith.index_cast %select_n3A_1723 : i32 to index
        %get3A_2265 = arith.constant 3232 : index
        %get3A_2266 = tpu.vector_load %arg6[%get3A_2264, %get3A_2265] {strides = array<i32>} : memref<17x4096xf32, #tpu.memory_space<vmem>>, vector<1x16xf32>,
        %get3A_2267 = vector.shape_cast %get3A_2266 : vector<1x16xf32> to vector<16xf32>
        %get3A_2268 = arith.index_cast %select_n3A_1737 : i32 to index
        %get3A_2269 = arith.constant 3744 : index
        %get3A_2270 = tpu.vector_load %arg6[%get3A_2268, %get3A_2269] {strides = array<i32>} : memref<17x4096xf32, #tpu.memory_space<vmem>>, vector<1x16xf32>,
        %get3A_2271 = vector.shape_cast %get3A_2270 : vector<1x16xf32> to vector<16xf32>
        %add3A_2272 = arith.addf %get3A_2267, %get3A_2271 : vector<16xf32>
        %add3A_2273 = arith.addf %add3A_2245, %add3A_2254 : vector<16xf32>
        %add3A_2274 = arith.addf %add3A_2263, %add3A_2272 : vector<16xf32>
        %add3A_2275 = arith.addf %add3A_2273, %add3A_2274 : vector<16xf32>
        %mul3A_2276 = arith.constant 1.250000e-01 : f32
        %mul3A_2277 = vector.broadcast %mul3A_2276 : f32 to vector<16xf32>
        %mul3A_2278 = arith.mulf %add3A_2275, %mul3A_2277 : vector<16xf32>
        %mul3A_2279 = arith.constant 512 : i32
        %mul3A_2280 = arith.muli %scan3A_1625, %mul3A_2279 : i32
        %add3A_2281 = arith.constant 160 : i32
        %add3A_2282 = arith.addi %mul3A_2280, %add3A_2281 : i32
        %swap3A_2283 = arith.index_cast %add3A_2282 : i32 to index
        %swap3A_2284 = tpu.vector_load %arg8[%swap3A_2283] {strides = array<i32>} : memref<4608xf32, #tpu.memory_space<vmem>>, vector<16xf32>,
        %swap3A_2285 = vector.shape_cast %swap3A_2284 : vector<16xf32> to vector<16xf32>
        %swap3A_2286 = vector.shape_cast %mul3A_2278 : vector<16xf32> to vector<16xf32>
        tpu.vector_store %arg8[%swap3A_2283], %swap3A_2286 {strides = array<i32>} : memref<4608xf32, #tpu.memory_space<vmem>>, vector<16xf32>,
        %get3A_2287 = arith.index_cast %select_n3A_1639 : i32 to index
        %get3A_2288 = arith.constant 176 : index
        %get3A_2289 = tpu.vector_load %arg6[%get3A_2287, %get3A_2288] {strides = array<i32>} : memref<17x4096xf32, #tpu.memory_space<vmem>>, vector<1x16xf32>,
        %get3A_2290 = vector.shape_cast %get3A_2289 : vector<1x16xf32> to vector<16xf32>
        %get3A_2291 = arith.index_cast %select_n3A_1653 : i32 to index
        %get3A_2292 = arith.constant 688 : index
        %get3A_2293 = tpu.vector_load %arg6[%get3A_2291, %get3A_2292] {strides = array<i32>} : memref<17x4096xf32, #tpu.memory_space<vmem>>, vector<1x16xf32>,
        %get3A_2294 = vector.shape_cast %get3A_2293 : vector<1x16xf32> to vector<16xf32>
        %add3A_2295 = arith.addf %get3A_2290, %get3A_2294 : vector<16xf32>
        %get3A_2296 = arith.index_cast %select_n3A_1667 : i32 to index
        %get3A_2297 = arith.constant 1200 : index
        %get3A_2298 = tpu.vector_load %arg6[%get3A_2296, %get3A_2297] {strides = array<i32>} : memref<17x4096xf32, #tpu.memory_space<vmem>>, vector<1x16xf32>,
        %get3A_2299 = vector.shape_cast %get3A_2298 : vector<1x16xf32> to vector<16xf32>
        %get3A_2300 = arith.index_cast %select_n3A_1681 : i32 to index
        %get3A_2301 = arith.constant 1712 : index
        %get3A_2302 = tpu.vector_load %arg6[%get3A_2300, %get3A_2301] {strides = array<i32>} : memref<17x4096xf32, #tpu.memory_space<vmem>>, vector<1x16xf32>,
        %get3A_2303 = vector.shape_cast %get3A_2302 : vector<1x16xf32> to vector<16xf32>
        %add3A_2304 = arith.addf %get3A_2299, %get3A_2303 : vector<16xf32>
        %get3A_2305 = arith.index_cast %select_n3A_1695 : i32 to index
        %get3A_2306 = arith.constant 2224 : index
        %get3A_2307 = tpu.vector_load %arg6[%get3A_2305, %get3A_2306] {strides = array<i32>} : memref<17x4096xf32, #tpu.memory_space<vmem>>, vector<1x16xf32>,
        %get3A_2308 = vector.shape_cast %get3A_2307 : vector<1x16xf32> to vector<16xf32>
        %get3A_2309 = arith.index_cast %select_n3A_1709 : i32 to index
        %get3A_2310 = arith.constant 2736 : index
        %get3A_2311 = tpu.vector_load %arg6[%get3A_2309, %get3A_2310] {strides = array<i32>} : memref<17x4096xf32, #tpu.memory_space<vmem>>, vector<1x16xf32>,
        %get3A_2312 = vector.shape_cast %get3A_2311 : vector<1x16xf32> to vector<16xf32>
        %add3A_2313 = arith.addf %get3A_2308, %get3A_2312 : vector<16xf32>
        %get3A_2314 = arith.index_cast %select_n3A_1723 : i32 to index
        %get3A_2315 = arith.constant 3248 : index
        %get3A_2316 = tpu.vector_load %arg6[%get3A_2314, %get3A_2315] {strides = array<i32>} : memref<17x4096xf32, #tpu.memory_space<vmem>>, vector<1x16xf32>,
        %get3A_2317 = vector.shape_cast %get3A_2316 : vector<1x16xf32> to vector<16xf32>
        %get3A_2318 = arith.index_cast %select_n3A_1737 : i32 to index
        %get3A_2319 = arith.constant 3760 : index
        %get3A_2320 = tpu.vector_load %arg6[%get3A_2318, %get3A_2319] {strides = array<i32>} : memref<17x4096xf32, #tpu.memory_space<vmem>>, vector<1x16xf32>,
        %get3A_2321 = vector.shape_cast %get3A_2320 : vector<1x16xf32> to vector<16xf32>
        %add3A_2322 = arith.addf %get3A_2317, %get3A_2321 : vector<16xf32>
        %add3A_2323 = arith.addf %add3A_2295, %add3A_2304 : vector<16xf32>
        %add3A_2324 = arith.addf %add3A_2313, %add3A_2322 : vector<16xf32>
        %add3A_2325 = arith.addf %add3A_2323, %add3A_2324 : vector<16xf32>
        %mul3A_2326 = arith.constant 1.250000e-01 : f32
        %mul3A_2327 = vector.broadcast %mul3A_2326 : f32 to vector<16xf32>
        %mul3A_2328 = arith.mulf %add3A_2325, %mul3A_2327 : vector<16xf32>
        %mul3A_2329 = arith.constant 512 : i32
        %mul3A_2330 = arith.muli %scan3A_1625, %mul3A_2329 : i32
        %add3A_2331 = arith.constant 176 : i32
        %add3A_2332 = arith.addi %mul3A_2330, %add3A_2331 : i32
        %swap3A_2333 = arith.index_cast %add3A_2332 : i32 to index
        %swap3A_2334 = tpu.vector_load %arg8[%swap3A_2333] {strides = array<i32>} : memref<4608xf32, #tpu.memory_space<vmem>>, vector<16xf32>,
        %swap3A_2335 = vector.shape_cast %swap3A_2334 : vector<16xf32> to vector<16xf32>
        %swap3A_2336 = vector.shape_cast %mul3A_2328 : vector<16xf32> to vector<16xf32>
        tpu.vector_store %arg8[%swap3A_2333], %swap3A_2336 {strides = array<i32>} : memref<4608xf32, #tpu.memory_space<vmem>>, vector<16xf32>,
        %get3A_2337 = arith.index_cast %select_n3A_1639 : i32 to index
        %get3A_2338 = arith.constant 192 : index
        %get3A_2339 = tpu.vector_load %arg6[%get3A_2337, %get3A_2338] {strides = array<i32>} : memref<17x4096xf32, #tpu.memory_space<vmem>>, vector<1x16xf32>,
        %get3A_2340 = vector.shape_cast %get3A_2339 : vector<1x16xf32> to vector<16xf32>
        %get3A_2341 = arith.index_cast %select_n3A_1653 : i32 to index
        %get3A_2342 = arith.constant 704 : index
        %get3A_2343 = tpu.vector_load %arg6[%get3A_2341, %get3A_2342] {strides = array<i32>} : memref<17x4096xf32, #tpu.memory_space<vmem>>, vector<1x16xf32>,
        %get3A_2344 = vector.shape_cast %get3A_2343 : vector<1x16xf32> to vector<16xf32>
        %add3A_2345 = arith.addf %get3A_2340, %get3A_2344 : vector<16xf32>
        %get3A_2346 = arith.index_cast %select_n3A_1667 : i32 to index
        %get3A_2347 = arith.constant 1216 : index
        %get3A_2348 = tpu.vector_load %arg6[%get3A_2346, %get3A_2347] {strides = array<i32>} : memref<17x4096xf32, #tpu.memory_space<vmem>>, vector<1x16xf32>,
        %get3A_2349 = vector.shape_cast %get3A_2348 : vector<1x16xf32> to vector<16xf32>
        %get3A_2350 = arith.index_cast %select_n3A_1681 : i32 to index
        %get3A_2351 = arith.constant 1728 : index
        %get3A_2352 = tpu.vector_load %arg6[%get3A_2350, %get3A_2351] {strides = array<i32>} : memref<17x4096xf32, #tpu.memory_space<vmem>>, vector<1x16xf32>,
        %get3A_2353 = vector.shape_cast %get3A_2352 : vector<1x16xf32> to vector<16xf32>
        %add3A_2354 = arith.addf %get3A_2349, %get3A_2353 : vector<16xf32>
        %get3A_2355 = arith.index_cast %select_n3A_1695 : i32 to index
        %get3A_2356 = arith.constant 2240 : index
        %get3A_2357 = tpu.vector_load %arg6[%get3A_2355, %get3A_2356] {strides = array<i32>} : memref<17x4096xf32, #tpu.memory_space<vmem>>, vector<1x16xf32>,
        %get3A_2358 = vector.shape_cast %get3A_2357 : vector<1x16xf32> to vector<16xf32>
        %get3A_2359 = arith.index_cast %select_n3A_1709 : i32 to index
        %get3A_2360 = arith.constant 2752 : index
        %get3A_2361 = tpu.vector_load %arg6[%get3A_2359, %get3A_2360] {strides = array<i32>} : memref<17x4096xf32, #tpu.memory_space<vmem>>, vector<1x16xf32>,
        %get3A_2362 = vector.shape_cast %get3A_2361 : vector<1x16xf32> to vector<16xf32>
        %add3A_2363 = arith.addf %get3A_2358, %get3A_2362 : vector<16xf32>
        %get3A_2364 = arith.index_cast %select_n3A_1723 : i32 to index
        %get3A_2365 = arith.constant 3264 : index
        %get3A_2366 = tpu.vector_load %arg6[%get3A_2364, %get3A_2365] {strides = array<i32>} : memref<17x4096xf32, #tpu.memory_space<vmem>>, vector<1x16xf32>,
        %get3A_2367 = vector.shape_cast %get3A_2366 : vector<1x16xf32> to vector<16xf32>
        %get3A_2368 = arith.index_cast %select_n3A_1737 : i32 to index
        %get3A_2369 = arith.constant 3776 : index
        %get3A_2370 = tpu.vector_load %arg6[%get3A_2368, %get3A_2369] {strides = array<i32>} : memref<17x4096xf32, #tpu.memory_space<vmem>>, vector<1x16xf32>,
        %get3A_2371 = vector.shape_cast %get3A_2370 : vector<1x16xf32> to vector<16xf32>
        %add3A_2372 = arith.addf %get3A_2367, %get3A_2371 : vector<16xf32>
        %add3A_2373 = arith.addf %add3A_2345, %add3A_2354 : vector<16xf32>
        %add3A_2374 = arith.addf %add3A_2363, %add3A_2372 : vector<16xf32>
        %add3A_2375 = arith.addf %add3A_2373, %add3A_2374 : vector<16xf32>
        %mul3A_2376 = arith.constant 1.250000e-01 : f32
        %mul3A_2377 = vector.broadcast %mul3A_2376 : f32 to vector<16xf32>
        %mul3A_2378 = arith.mulf %add3A_2375, %mul3A_2377 : vector<16xf32>
        %mul3A_2379 = arith.constant 512 : i32
        %mul3A_2380 = arith.muli %scan3A_1625, %mul3A_2379 : i32
        %add3A_2381 = arith.constant 192 : i32
        %add3A_2382 = arith.addi %mul3A_2380, %add3A_2381 : i32
        %swap3A_2383 = arith.index_cast %add3A_2382 : i32 to index
        %swap3A_2384 = tpu.vector_load %arg8[%swap3A_2383] {strides = array<i32>} : memref<4608xf32, #tpu.memory_space<vmem>>, vector<16xf32>,
        %swap3A_2385 = vector.shape_cast %swap3A_2384 : vector<16xf32> to vector<16xf32>
        %swap3A_2386 = vector.shape_cast %mul3A_2378 : vector<16xf32> to vector<16xf32>
        tpu.vector_store %arg8[%swap3A_2383], %swap3A_2386 {strides = array<i32>} : memref<4608xf32, #tpu.memory_space<vmem>>, vector<16xf32>,
        %get3A_2387 = arith.index_cast %select_n3A_1639 : i32 to index
        %get3A_2388 = arith.constant 208 : index
        %get3A_2389 = tpu.vector_load %arg6[%get3A_2387, %get3A_2388] {strides = array<i32>} : memref<17x4096xf32, #tpu.memory_space<vmem>>, vector<1x16xf32>,
        %get3A_2390 = vector.shape_cast %get3A_2389 : vector<1x16xf32> to vector<16xf32>
        %get3A_2391 = arith.index_cast %select_n3A_1653 : i32 to index
        %get3A_2392 = arith.constant 720 : index
        %get3A_2393 = tpu.vector_load %arg6[%get3A_2391, %get3A_2392] {strides = array<i32>} : memref<17x4096xf32, #tpu.memory_space<vmem>>, vector<1x16xf32>,
        %get3A_2394 = vector.shape_cast %get3A_2393 : vector<1x16xf32> to vector<16xf32>
        %add3A_2395 = arith.addf %get3A_2390, %get3A_2394 : vector<16xf32>
        %get3A_2396 = arith.index_cast %select_n3A_1667 : i32 to index
        %get3A_2397 = arith.constant 1232 : index
        %get3A_2398 = tpu.vector_load %arg6[%get3A_2396, %get3A_2397] {strides = array<i32>} : memref<17x4096xf32, #tpu.memory_space<vmem>>, vector<1x16xf32>,
        %get3A_2399 = vector.shape_cast %get3A_2398 : vector<1x16xf32> to vector<16xf32>
        %get3A_2400 = arith.index_cast %select_n3A_1681 : i32 to index
        %get3A_2401 = arith.constant 1744 : index
        %get3A_2402 = tpu.vector_load %arg6[%get3A_2400, %get3A_2401] {strides = array<i32>} : memref<17x4096xf32, #tpu.memory_space<vmem>>, vector<1x16xf32>,
        %get3A_2403 = vector.shape_cast %get3A_2402 : vector<1x16xf32> to vector<16xf32>
        %add3A_2404 = arith.addf %get3A_2399, %get3A_2403 : vector<16xf32>
        %get3A_2405 = arith.index_cast %select_n3A_1695 : i32 to index
        %get3A_2406 = arith.constant 2256 : index
        %get3A_2407 = tpu.vector_load %arg6[%get3A_2405, %get3A_2406] {strides = array<i32>} : memref<17x4096xf32, #tpu.memory_space<vmem>>, vector<1x16xf32>,
        %get3A_2408 = vector.shape_cast %get3A_2407 : vector<1x16xf32> to vector<16xf32>
        %get3A_2409 = arith.index_cast %select_n3A_1709 : i32 to index
        %get3A_2410 = arith.constant 2768 : index
        %get3A_2411 = tpu.vector_load %arg6[%get3A_2409, %get3A_2410] {strides = array<i32>} : memref<17x4096xf32, #tpu.memory_space<vmem>>, vector<1x16xf32>,
        %get3A_2412 = vector.shape_cast %get3A_2411 : vector<1x16xf32> to vector<16xf32>
        %add3A_2413 = arith.addf %get3A_2408, %get3A_2412 : vector<16xf32>
        %get3A_2414 = arith.index_cast %select_n3A_1723 : i32 to index
        %get3A_2415 = arith.constant 3280 : index
        %get3A_2416 = tpu.vector_load %arg6[%get3A_2414, %get3A_2415] {strides = array<i32>} : memref<17x4096xf32, #tpu.memory_space<vmem>>, vector<1x16xf32>,
        %get3A_2417 = vector.shape_cast %get3A_2416 : vector<1x16xf32> to vector<16xf32>
        %get3A_2418 = arith.index_cast %select_n3A_1737 : i32 to index
        %get3A_2419 = arith.constant 3792 : index
        %get3A_2420 = tpu.vector_load %arg6[%get3A_2418, %get3A_2419] {strides = array<i32>} : memref<17x4096xf32, #tpu.memory_space<vmem>>, vector<1x16xf32>,
        %get3A_2421 = vector.shape_cast %get3A_2420 : vector<1x16xf32> to vector<16xf32>
        %add3A_2422 = arith.addf %get3A_2417, %get3A_2421 : vector<16xf32>
        %add3A_2423 = arith.addf %add3A_2395, %add3A_2404 : vector<16xf32>
        %add3A_2424 = arith.addf %add3A_2413, %add3A_2422 : vector<16xf32>
        %add3A_2425 = arith.addf %add3A_2423, %add3A_2424 : vector<16xf32>
        %mul3A_2426 = arith.constant 1.250000e-01 : f32
        %mul3A_2427 = vector.broadcast %mul3A_2426 : f32 to vector<16xf32>
        %mul3A_2428 = arith.mulf %add3A_2425, %mul3A_2427 : vector<16xf32>
        %mul3A_2429 = arith.constant 512 : i32
        %mul3A_2430 = arith.muli %scan3A_1625, %mul3A_2429 : i32
        %add3A_2431 = arith.constant 208 : i32
        %add3A_2432 = arith.addi %mul3A_2430, %add3A_2431 : i32
        %swap3A_2433 = arith.index_cast %add3A_2432 : i32 to index
        %swap3A_2434 = tpu.vector_load %arg8[%swap3A_2433] {strides = array<i32>} : memref<4608xf32, #tpu.memory_space<vmem>>, vector<16xf32>,
        %swap3A_2435 = vector.shape_cast %swap3A_2434 : vector<16xf32> to vector<16xf32>
        %swap3A_2436 = vector.shape_cast %mul3A_2428 : vector<16xf32> to vector<16xf32>
        tpu.vector_store %arg8[%swap3A_2433], %swap3A_2436 {strides = array<i32>} : memref<4608xf32, #tpu.memory_space<vmem>>, vector<16xf32>,
        %get3A_2437 = arith.index_cast %select_n3A_1639 : i32 to index
        %get3A_2438 = arith.constant 224 : index
        %get3A_2439 = tpu.vector_load %arg6[%get3A_2437, %get3A_2438] {strides = array<i32>} : memref<17x4096xf32, #tpu.memory_space<vmem>>, vector<1x16xf32>,
        %get3A_2440 = vector.shape_cast %get3A_2439 : vector<1x16xf32> to vector<16xf32>
        %get3A_2441 = arith.index_cast %select_n3A_1653 : i32 to index
        %get3A_2442 = arith.constant 736 : index
        %get3A_2443 = tpu.vector_load %arg6[%get3A_2441, %get3A_2442] {strides = array<i32>} : memref<17x4096xf32, #tpu.memory_space<vmem>>, vector<1x16xf32>,
        %get3A_2444 = vector.shape_cast %get3A_2443 : vector<1x16xf32> to vector<16xf32>
        %add3A_2445 = arith.addf %get3A_2440, %get3A_2444 : vector<16xf32>
        %get3A_2446 = arith.index_cast %select_n3A_1667 : i32 to index
        %get3A_2447 = arith.constant 1248 : index
        %get3A_2448 = tpu.vector_load %arg6[%get3A_2446, %get3A_2447] {strides = array<i32>} : memref<17x4096xf32, #tpu.memory_space<vmem>>, vector<1x16xf32>,
        %get3A_2449 = vector.shape_cast %get3A_2448 : vector<1x16xf32> to vector<16xf32>
        %get3A_2450 = arith.index_cast %select_n3A_1681 : i32 to index
        %get3A_2451 = arith.constant 1760 : index
        %get3A_2452 = tpu.vector_load %arg6[%get3A_2450, %get3A_2451] {strides = array<i32>} : memref<17x4096xf32, #tpu.memory_space<vmem>>, vector<1x16xf32>,
        %get3A_2453 = vector.shape_cast %get3A_2452 : vector<1x16xf32> to vector<16xf32>
        %add3A_2454 = arith.addf %get3A_2449, %get3A_2453 : vector<16xf32>
        %get3A_2455 = arith.index_cast %select_n3A_1695 : i32 to index
        %get3A_2456 = arith.constant 2272 : index
        %get3A_2457 = tpu.vector_load %arg6[%get3A_2455, %get3A_2456] {strides = array<i32>} : memref<17x4096xf32, #tpu.memory_space<vmem>>, vector<1x16xf32>,
        %get3A_2458 = vector.shape_cast %get3A_2457 : vector<1x16xf32> to vector<16xf32>
        %get3A_2459 = arith.index_cast %select_n3A_1709 : i32 to index
        %get3A_2460 = arith.constant 2784 : index
        %get3A_2461 = tpu.vector_load %arg6[%get3A_2459, %get3A_2460] {strides = array<i32>} : memref<17x4096xf32, #tpu.memory_space<vmem>>, vector<1x16xf32>,
        %get3A_2462 = vector.shape_cast %get3A_2461 : vector<1x16xf32> to vector<16xf32>
        %add3A_2463 = arith.addf %get3A_2458, %get3A_2462 : vector<16xf32>
        %get3A_2464 = arith.index_cast %select_n3A_1723 : i32 to index
        %get3A_2465 = arith.constant 3296 : index
        %get3A_2466 = tpu.vector_load %arg6[%get3A_2464, %get3A_2465] {strides = array<i32>} : memref<17x4096xf32, #tpu.memory_space<vmem>>, vector<1x16xf32>,
        %get3A_2467 = vector.shape_cast %get3A_2466 : vector<1x16xf32> to vector<16xf32>
        %get3A_2468 = arith.index_cast %select_n3A_1737 : i32 to index
        %get3A_2469 = arith.constant 3808 : index
        %get3A_2470 = tpu.vector_load %arg6[%get3A_2468, %get3A_2469] {strides = array<i32>} : memref<17x4096xf32, #tpu.memory_space<vmem>>, vector<1x16xf32>,
        %get3A_2471 = vector.shape_cast %get3A_2470 : vector<1x16xf32> to vector<16xf32>
        %add3A_2472 = arith.addf %get3A_2467, %get3A_2471 : vector<16xf32>
        %add3A_2473 = arith.addf %add3A_2445, %add3A_2454 : vector<16xf32>
        %add3A_2474 = arith.addf %add3A_2463, %add3A_2472 : vector<16xf32>
        %add3A_2475 = arith.addf %add3A_2473, %add3A_2474 : vector<16xf32>
        %mul3A_2476 = arith.constant 1.250000e-01 : f32
        %mul3A_2477 = vector.broadcast %mul3A_2476 : f32 to vector<16xf32>
        %mul3A_2478 = arith.mulf %add3A_2475, %mul3A_2477 : vector<16xf32>
        %mul3A_2479 = arith.constant 512 : i32
        %mul3A_2480 = arith.muli %scan3A_1625, %mul3A_2479 : i32
        %add3A_2481 = arith.constant 224 : i32
        %add3A_2482 = arith.addi %mul3A_2480, %add3A_2481 : i32
        %swap3A_2483 = arith.index_cast %add3A_2482 : i32 to index
        %swap3A_2484 = tpu.vector_load %arg8[%swap3A_2483] {strides = array<i32>} : memref<4608xf32, #tpu.memory_space<vmem>>, vector<16xf32>,
        %swap3A_2485 = vector.shape_cast %swap3A_2484 : vector<16xf32> to vector<16xf32>
        %swap3A_2486 = vector.shape_cast %mul3A_2478 : vector<16xf32> to vector<16xf32>
        tpu.vector_store %arg8[%swap3A_2483], %swap3A_2486 {strides = array<i32>} : memref<4608xf32, #tpu.memory_space<vmem>>, vector<16xf32>,
        %get3A_2487 = arith.index_cast %select_n3A_1639 : i32 to index
        %get3A_2488 = arith.constant 240 : index
        %get3A_2489 = tpu.vector_load %arg6[%get3A_2487, %get3A_2488] {strides = array<i32>} : memref<17x4096xf32, #tpu.memory_space<vmem>>, vector<1x16xf32>,
        %get3A_2490 = vector.shape_cast %get3A_2489 : vector<1x16xf32> to vector<16xf32>
        %get3A_2491 = arith.index_cast %select_n3A_1653 : i32 to index
        %get3A_2492 = arith.constant 752 : index
        %get3A_2493 = tpu.vector_load %arg6[%get3A_2491, %get3A_2492] {strides = array<i32>} : memref<17x4096xf32, #tpu.memory_space<vmem>>, vector<1x16xf32>,
        %get3A_2494 = vector.shape_cast %get3A_2493 : vector<1x16xf32> to vector<16xf32>
        %add3A_2495 = arith.addf %get3A_2490, %get3A_2494 : vector<16xf32>
        %get3A_2496 = arith.index_cast %select_n3A_1667 : i32 to index
        %get3A_2497 = arith.constant 1264 : index
        %get3A_2498 = tpu.vector_load %arg6[%get3A_2496, %get3A_2497] {strides = array<i32>} : memref<17x4096xf32, #tpu.memory_space<vmem>>, vector<1x16xf32>,
        %get3A_2499 = vector.shape_cast %get3A_2498 : vector<1x16xf32> to vector<16xf32>
        %get3A_2500 = arith.index_cast %select_n3A_1681 : i32 to index
        %get3A_2501 = arith.constant 1776 : index
        %get3A_2502 = tpu.vector_load %arg6[%get3A_2500, %get3A_2501] {strides = array<i32>} : memref<17x4096xf32, #tpu.memory_space<vmem>>, vector<1x16xf32>,
        %get3A_2503 = vector.shape_cast %get3A_2502 : vector<1x16xf32> to vector<16xf32>
        %add3A_2504 = arith.addf %get3A_2499, %get3A_2503 : vector<16xf32>
        %get3A_2505 = arith.index_cast %select_n3A_1695 : i32 to index
        %get3A_2506 = arith.constant 2288 : index
        %get3A_2507 = tpu.vector_load %arg6[%get3A_2505, %get3A_2506] {strides = array<i32>} : memref<17x4096xf32, #tpu.memory_space<vmem>>, vector<1x16xf32>,
        %get3A_2508 = vector.shape_cast %get3A_2507 : vector<1x16xf32> to vector<16xf32>
        %get3A_2509 = arith.index_cast %select_n3A_1709 : i32 to index
        %get3A_2510 = arith.constant 2800 : index
        %get3A_2511 = tpu.vector_load %arg6[%get3A_2509, %get3A_2510] {strides = array<i32>} : memref<17x4096xf32, #tpu.memory_space<vmem>>, vector<1x16xf32>,
        %get3A_2512 = vector.shape_cast %get3A_2511 : vector<1x16xf32> to vector<16xf32>
        %add3A_2513 = arith.addf %get3A_2508, %get3A_2512 : vector<16xf32>
        %get3A_2514 = arith.index_cast %select_n3A_1723 : i32 to index
        %get3A_2515 = arith.constant 3312 : index
        %get3A_2516 = tpu.vector_load %arg6[%get3A_2514, %get3A_2515] {strides = array<i32>} : memref<17x4096xf32, #tpu.memory_space<vmem>>, vector<1x16xf32>,
        %get3A_2517 = vector.shape_cast %get3A_2516 : vector<1x16xf32> to vector<16xf32>
        %get3A_2518 = arith.index_cast %select_n3A_1737 : i32 to index
        %get3A_2519 = arith.constant 3824 : index
        %get3A_2520 = tpu.vector_load %arg6[%get3A_2518, %get3A_2519] {strides = array<i32>} : memref<17x4096xf32, #tpu.memory_space<vmem>>, vector<1x16xf32>,
        %get3A_2521 = vector.shape_cast %get3A_2520 : vector<1x16xf32> to vector<16xf32>
        %add3A_2522 = arith.addf %get3A_2517, %get3A_2521 : vector<16xf32>
        %add3A_2523 = arith.addf %add3A_2495, %add3A_2504 : vector<16xf32>
        %add3A_2524 = arith.addf %add3A_2513, %add3A_2522 : vector<16xf32>
        %add3A_2525 = arith.addf %add3A_2523, %add3A_2524 : vector<16xf32>
        %mul3A_2526 = arith.constant 1.250000e-01 : f32
        %mul3A_2527 = vector.broadcast %mul3A_2526 : f32 to vector<16xf32>
        %mul3A_2528 = arith.mulf %add3A_2525, %mul3A_2527 : vector<16xf32>
        %mul3A_2529 = arith.constant 512 : i32
        %mul3A_2530 = arith.muli %scan3A_1625, %mul3A_2529 : i32
        %add3A_2531 = arith.constant 240 : i32
        %add3A_2532 = arith.addi %mul3A_2530, %add3A_2531 : i32
        %swap3A_2533 = arith.index_cast %add3A_2532 : i32 to index
        %swap3A_2534 = tpu.vector_load %arg8[%swap3A_2533] {strides = array<i32>} : memref<4608xf32, #tpu.memory_space<vmem>>, vector<16xf32>,
        %swap3A_2535 = vector.shape_cast %swap3A_2534 : vector<16xf32> to vector<16xf32>
        %swap3A_2536 = vector.shape_cast %mul3A_2528 : vector<16xf32> to vector<16xf32>
        tpu.vector_store %arg8[%swap3A_2533], %swap3A_2536 {strides = array<i32>} : memref<4608xf32, #tpu.memory_space<vmem>>, vector<16xf32>,
        %get3A_2537 = arith.index_cast %select_n3A_1639 : i32 to index
        %get3A_2538 = arith.constant 256 : index
        %get3A_2539 = tpu.vector_load %arg6[%get3A_2537, %get3A_2538] {strides = array<i32>} : memref<17x4096xf32, #tpu.memory_space<vmem>>, vector<1x16xf32>,
        %get3A_2540 = vector.shape_cast %get3A_2539 : vector<1x16xf32> to vector<16xf32>
        %get3A_2541 = arith.index_cast %select_n3A_1653 : i32 to index
        %get3A_2542 = arith.constant 768 : index
        %get3A_2543 = tpu.vector_load %arg6[%get3A_2541, %get3A_2542] {strides = array<i32>} : memref<17x4096xf32, #tpu.memory_space<vmem>>, vector<1x16xf32>,
        %get3A_2544 = vector.shape_cast %get3A_2543 : vector<1x16xf32> to vector<16xf32>
        %add3A_2545 = arith.addf %get3A_2540, %get3A_2544 : vector<16xf32>
        %get3A_2546 = arith.index_cast %select_n3A_1667 : i32 to index
        %get3A_2547 = arith.constant 1280 : index
        %get3A_2548 = tpu.vector_load %arg6[%get3A_2546, %get3A_2547] {strides = array<i32>} : memref<17x4096xf32, #tpu.memory_space<vmem>>, vector<1x16xf32>,
        %get3A_2549 = vector.shape_cast %get3A_2548 : vector<1x16xf32> to vector<16xf32>
        %get3A_2550 = arith.index_cast %select_n3A_1681 : i32 to index
        %get3A_2551 = arith.constant 1792 : index
        %get3A_2552 = tpu.vector_load %arg6[%get3A_2550, %get3A_2551] {strides = array<i32>} : memref<17x4096xf32, #tpu.memory_space<vmem>>, vector<1x16xf32>,
        %get3A_2553 = vector.shape_cast %get3A_2552 : vector<1x16xf32> to vector<16xf32>
        %add3A_2554 = arith.addf %get3A_2549, %get3A_2553 : vector<16xf32>
        %get3A_2555 = arith.index_cast %select_n3A_1695 : i32 to index
        %get3A_2556 = arith.constant 2304 : index
        %get3A_2557 = tpu.vector_load %arg6[%get3A_2555, %get3A_2556] {strides = array<i32>} : memref<17x4096xf32, #tpu.memory_space<vmem>>, vector<1x16xf32>,
        %get3A_2558 = vector.shape_cast %get3A_2557 : vector<1x16xf32> to vector<16xf32>
        %get3A_2559 = arith.index_cast %select_n3A_1709 : i32 to index
        %get3A_2560 = arith.constant 2816 : index
        %get3A_2561 = tpu.vector_load %arg6[%get3A_2559, %get3A_2560] {strides = array<i32>} : memref<17x4096xf32, #tpu.memory_space<vmem>>, vector<1x16xf32>,
        %get3A_2562 = vector.shape_cast %get3A_2561 : vector<1x16xf32> to vector<16xf32>
        %add3A_2563 = arith.addf %get3A_2558, %get3A_2562 : vector<16xf32>
        %get3A_2564 = arith.index_cast %select_n3A_1723 : i32 to index
        %get3A_2565 = arith.constant 3328 : index
        %get3A_2566 = tpu.vector_load %arg6[%get3A_2564, %get3A_2565] {strides = array<i32>} : memref<17x4096xf32, #tpu.memory_space<vmem>>, vector<1x16xf32>,
        %get3A_2567 = vector.shape_cast %get3A_2566 : vector<1x16xf32> to vector<16xf32>
        %get3A_2568 = arith.index_cast %select_n3A_1737 : i32 to index
        %get3A_2569 = arith.constant 3840 : index
        %get3A_2570 = tpu.vector_load %arg6[%get3A_2568, %get3A_2569] {strides = array<i32>} : memref<17x4096xf32, #tpu.memory_space<vmem>>, vector<1x16xf32>,
        %get3A_2571 = vector.shape_cast %get3A_2570 : vector<1x16xf32> to vector<16xf32>
        %add3A_2572 = arith.addf %get3A_2567, %get3A_2571 : vector<16xf32>
        %add3A_2573 = arith.addf %add3A_2545, %add3A_2554 : vector<16xf32>
        %add3A_2574 = arith.addf %add3A_2563, %add3A_2572 : vector<16xf32>
        %add3A_2575 = arith.addf %add3A_2573, %add3A_2574 : vector<16xf32>
        %mul3A_2576 = arith.constant 1.250000e-01 : f32
        %mul3A_2577 = vector.broadcast %mul3A_2576 : f32 to vector<16xf32>
        %mul3A_2578 = arith.mulf %add3A_2575, %mul3A_2577 : vector<16xf32>
        %mul3A_2579 = arith.constant 512 : i32
        %mul3A_2580 = arith.muli %scan3A_1625, %mul3A_2579 : i32
        %add3A_2581 = arith.constant 256 : i32
        %add3A_2582 = arith.addi %mul3A_2580, %add3A_2581 : i32
        %swap3A_2583 = arith.index_cast %add3A_2582 : i32 to index
        %swap3A_2584 = tpu.vector_load %arg8[%swap3A_2583] {strides = array<i32>} : memref<4608xf32, #tpu.memory_space<vmem>>, vector<16xf32>,
        %swap3A_2585 = vector.shape_cast %swap3A_2584 : vector<16xf32> to vector<16xf32>
        %swap3A_2586 = vector.shape_cast %mul3A_2578 : vector<16xf32> to vector<16xf32>
        tpu.vector_store %arg8[%swap3A_2583], %swap3A_2586 {strides = array<i32>} : memref<4608xf32, #tpu.memory_space<vmem>>, vector<16xf32>,
        %get3A_2587 = arith.index_cast %select_n3A_1639 : i32 to index
        %get3A_2588 = arith.constant 272 : index
        %get3A_2589 = tpu.vector_load %arg6[%get3A_2587, %get3A_2588] {strides = array<i32>} : memref<17x4096xf32, #tpu.memory_space<vmem>>, vector<1x16xf32>,
        %get3A_2590 = vector.shape_cast %get3A_2589 : vector<1x16xf32> to vector<16xf32>
        %get3A_2591 = arith.index_cast %select_n3A_1653 : i32 to index
        %get3A_2592 = arith.constant 784 : index
        %get3A_2593 = tpu.vector_load %arg6[%get3A_2591, %get3A_2592] {strides = array<i32>} : memref<17x4096xf32, #tpu.memory_space<vmem>>, vector<1x16xf32>,
        %get3A_2594 = vector.shape_cast %get3A_2593 : vector<1x16xf32> to vector<16xf32>
        %add3A_2595 = arith.addf %get3A_2590, %get3A_2594 : vector<16xf32>
        %get3A_2596 = arith.index_cast %select_n3A_1667 : i32 to index
        %get3A_2597 = arith.constant 1296 : index
        %get3A_2598 = tpu.vector_load %arg6[%get3A_2596, %get3A_2597] {strides = array<i32>} : memref<17x4096xf32, #tpu.memory_space<vmem>>, vector<1x16xf32>,
        %get3A_2599 = vector.shape_cast %get3A_2598 : vector<1x16xf32> to vector<16xf32>
        %get3A_2600 = arith.index_cast %select_n3A_1681 : i32 to index
        %get3A_2601 = arith.constant 1808 : index
        %get3A_2602 = tpu.vector_load %arg6[%get3A_2600, %get3A_2601] {strides = array<i32>} : memref<17x4096xf32, #tpu.memory_space<vmem>>, vector<1x16xf32>,
        %get3A_2603 = vector.shape_cast %get3A_2602 : vector<1x16xf32> to vector<16xf32>
        %add3A_2604 = arith.addf %get3A_2599, %get3A_2603 : vector<16xf32>
        %get3A_2605 = arith.index_cast %select_n3A_1695 : i32 to index
        %get3A_2606 = arith.constant 2320 : index
        %get3A_2607 = tpu.vector_load %arg6[%get3A_2605, %get3A_2606] {strides = array<i32>} : memref<17x4096xf32, #tpu.memory_space<vmem>>, vector<1x16xf32>,
        %get3A_2608 = vector.shape_cast %get3A_2607 : vector<1x16xf32> to vector<16xf32>
        %get3A_2609 = arith.index_cast %select_n3A_1709 : i32 to index
        %get3A_2610 = arith.constant 2832 : index
        %get3A_2611 = tpu.vector_load %arg6[%get3A_2609, %get3A_2610] {strides = array<i32>} : memref<17x4096xf32, #tpu.memory_space<vmem>>, vector<1x16xf32>,
        %get3A_2612 = vector.shape_cast %get3A_2611 : vector<1x16xf32> to vector<16xf32>
        %add3A_2613 = arith.addf %get3A_2608, %get3A_2612 : vector<16xf32>
        %get3A_2614 = arith.index_cast %select_n3A_1723 : i32 to index
        %get3A_2615 = arith.constant 3344 : index
        %get3A_2616 = tpu.vector_load %arg6[%get3A_2614, %get3A_2615] {strides = array<i32>} : memref<17x4096xf32, #tpu.memory_space<vmem>>, vector<1x16xf32>,
        %get3A_2617 = vector.shape_cast %get3A_2616 : vector<1x16xf32> to vector<16xf32>
        %get3A_2618 = arith.index_cast %select_n3A_1737 : i32 to index
        %get3A_2619 = arith.constant 3856 : index
        %get3A_2620 = tpu.vector_load %arg6[%get3A_2618, %get3A_2619] {strides = array<i32>} : memref<17x4096xf32, #tpu.memory_space<vmem>>, vector<1x16xf32>,
        %get3A_2621 = vector.shape_cast %get3A_2620 : vector<1x16xf32> to vector<16xf32>
        %add3A_2622 = arith.addf %get3A_2617, %get3A_2621 : vector<16xf32>
        %add3A_2623 = arith.addf %add3A_2595, %add3A_2604 : vector<16xf32>
        %add3A_2624 = arith.addf %add3A_2613, %add3A_2622 : vector<16xf32>
        %add3A_2625 = arith.addf %add3A_2623, %add3A_2624 : vector<16xf32>
        %mul3A_2626 = arith.constant 1.250000e-01 : f32
        %mul3A_2627 = vector.broadcast %mul3A_2626 : f32 to vector<16xf32>
        %mul3A_2628 = arith.mulf %add3A_2625, %mul3A_2627 : vector<16xf32>
        %mul3A_2629 = arith.constant 512 : i32
        %mul3A_2630 = arith.muli %scan3A_1625, %mul3A_2629 : i32
        %add3A_2631 = arith.constant 272 : i32
        %add3A_2632 = arith.addi %mul3A_2630, %add3A_2631 : i32
        %swap3A_2633 = arith.index_cast %add3A_2632 : i32 to index
        %swap3A_2634 = tpu.vector_load %arg8[%swap3A_2633] {strides = array<i32>} : memref<4608xf32, #tpu.memory_space<vmem>>, vector<16xf32>,
        %swap3A_2635 = vector.shape_cast %swap3A_2634 : vector<16xf32> to vector<16xf32>
        %swap3A_2636 = vector.shape_cast %mul3A_2628 : vector<16xf32> to vector<16xf32>
        tpu.vector_store %arg8[%swap3A_2633], %swap3A_2636 {strides = array<i32>} : memref<4608xf32, #tpu.memory_space<vmem>>, vector<16xf32>,
        %get3A_2637 = arith.index_cast %select_n3A_1639 : i32 to index
        %get3A_2638 = arith.constant 288 : index
        %get3A_2639 = tpu.vector_load %arg6[%get3A_2637, %get3A_2638] {strides = array<i32>} : memref<17x4096xf32, #tpu.memory_space<vmem>>, vector<1x16xf32>,
        %get3A_2640 = vector.shape_cast %get3A_2639 : vector<1x16xf32> to vector<16xf32>
        %get3A_2641 = arith.index_cast %select_n3A_1653 : i32 to index
        %get3A_2642 = arith.constant 800 : index
        %get3A_2643 = tpu.vector_load %arg6[%get3A_2641, %get3A_2642] {strides = array<i32>} : memref<17x4096xf32, #tpu.memory_space<vmem>>, vector<1x16xf32>,
        %get3A_2644 = vector.shape_cast %get3A_2643 : vector<1x16xf32> to vector<16xf32>
        %add3A_2645 = arith.addf %get3A_2640, %get3A_2644 : vector<16xf32>
        %get3A_2646 = arith.index_cast %select_n3A_1667 : i32 to index
        %get3A_2647 = arith.constant 1312 : index
        %get3A_2648 = tpu.vector_load %arg6[%get3A_2646, %get3A_2647] {strides = array<i32>} : memref<17x4096xf32, #tpu.memory_space<vmem>>, vector<1x16xf32>,
        %get3A_2649 = vector.shape_cast %get3A_2648 : vector<1x16xf32> to vector<16xf32>
        %get3A_2650 = arith.index_cast %select_n3A_1681 : i32 to index
        %get3A_2651 = arith.constant 1824 : index
        %get3A_2652 = tpu.vector_load %arg6[%get3A_2650, %get3A_2651] {strides = array<i32>} : memref<17x4096xf32, #tpu.memory_space<vmem>>, vector<1x16xf32>,
        %get3A_2653 = vector.shape_cast %get3A_2652 : vector<1x16xf32> to vector<16xf32>
        %add3A_2654 = arith.addf %get3A_2649, %get3A_2653 : vector<16xf32>
        %get3A_2655 = arith.index_cast %select_n3A_1695 : i32 to index
        %get3A_2656 = arith.constant 2336 : index
        %get3A_2657 = tpu.vector_load %arg6[%get3A_2655, %get3A_2656] {strides = array<i32>} : memref<17x4096xf32, #tpu.memory_space<vmem>>, vector<1x16xf32>,
        %get3A_2658 = vector.shape_cast %get3A_2657 : vector<1x16xf32> to vector<16xf32>
        %get3A_2659 = arith.index_cast %select_n3A_1709 : i32 to index
        %get3A_2660 = arith.constant 2848 : index
        %get3A_2661 = tpu.vector_load %arg6[%get3A_2659, %get3A_2660] {strides = array<i32>} : memref<17x4096xf32, #tpu.memory_space<vmem>>, vector<1x16xf32>,
        %get3A_2662 = vector.shape_cast %get3A_2661 : vector<1x16xf32> to vector<16xf32>
        %add3A_2663 = arith.addf %get3A_2658, %get3A_2662 : vector<16xf32>
        %get3A_2664 = arith.index_cast %select_n3A_1723 : i32 to index
        %get3A_2665 = arith.constant 3360 : index
        %get3A_2666 = tpu.vector_load %arg6[%get3A_2664, %get3A_2665] {strides = array<i32>} : memref<17x4096xf32, #tpu.memory_space<vmem>>, vector<1x16xf32>,
        %get3A_2667 = vector.shape_cast %get3A_2666 : vector<1x16xf32> to vector<16xf32>
        %get3A_2668 = arith.index_cast %select_n3A_1737 : i32 to index
        %get3A_2669 = arith.constant 3872 : index
        %get3A_2670 = tpu.vector_load %arg6[%get3A_2668, %get3A_2669] {strides = array<i32>} : memref<17x4096xf32, #tpu.memory_space<vmem>>, vector<1x16xf32>,
        %get3A_2671 = vector.shape_cast %get3A_2670 : vector<1x16xf32> to vector<16xf32>
        %add3A_2672 = arith.addf %get3A_2667, %get3A_2671 : vector<16xf32>
        %add3A_2673 = arith.addf %add3A_2645, %add3A_2654 : vector<16xf32>
        %add3A_2674 = arith.addf %add3A_2663, %add3A_2672 : vector<16xf32>
        %add3A_2675 = arith.addf %add3A_2673, %add3A_2674 : vector<16xf32>
        %mul3A_2676 = arith.constant 1.250000e-01 : f32
        %mul3A_2677 = vector.broadcast %mul3A_2676 : f32 to vector<16xf32>
        %mul3A_2678 = arith.mulf %add3A_2675, %mul3A_2677 : vector<16xf32>
        %mul3A_2679 = arith.constant 512 : i32
        %mul3A_2680 = arith.muli %scan3A_1625, %mul3A_2679 : i32
        %add3A_2681 = arith.constant 288 : i32
        %add3A_2682 = arith.addi %mul3A_2680, %add3A_2681 : i32
        %swap3A_2683 = arith.index_cast %add3A_2682 : i32 to index
        %swap3A_2684 = tpu.vector_load %arg8[%swap3A_2683] {strides = array<i32>} : memref<4608xf32, #tpu.memory_space<vmem>>, vector<16xf32>,
        %swap3A_2685 = vector.shape_cast %swap3A_2684 : vector<16xf32> to vector<16xf32>
        %swap3A_2686 = vector.shape_cast %mul3A_2678 : vector<16xf32> to vector<16xf32>
        tpu.vector_store %arg8[%swap3A_2683], %swap3A_2686 {strides = array<i32>} : memref<4608xf32, #tpu.memory_space<vmem>>, vector<16xf32>,
        %get3A_2687 = arith.index_cast %select_n3A_1639 : i32 to index
        %get3A_2688 = arith.constant 304 : index
        %get3A_2689 = tpu.vector_load %arg6[%get3A_2687, %get3A_2688] {strides = array<i32>} : memref<17x4096xf32, #tpu.memory_space<vmem>>, vector<1x16xf32>,
        %get3A_2690 = vector.shape_cast %get3A_2689 : vector<1x16xf32> to vector<16xf32>
        %get3A_2691 = arith.index_cast %select_n3A_1653 : i32 to index
        %get3A_2692 = arith.constant 816 : index
        %get3A_2693 = tpu.vector_load %arg6[%get3A_2691, %get3A_2692] {strides = array<i32>} : memref<17x4096xf32, #tpu.memory_space<vmem>>, vector<1x16xf32>,
        %get3A_2694 = vector.shape_cast %get3A_2693 : vector<1x16xf32> to vector<16xf32>
        %add3A_2695 = arith.addf %get3A_2690, %get3A_2694 : vector<16xf32>
        %get3A_2696 = arith.index_cast %select_n3A_1667 : i32 to index
        %get3A_2697 = arith.constant 1328 : index
        %get3A_2698 = tpu.vector_load %arg6[%get3A_2696, %get3A_2697] {strides = array<i32>} : memref<17x4096xf32, #tpu.memory_space<vmem>>, vector<1x16xf32>,
        %get3A_2699 = vector.shape_cast %get3A_2698 : vector<1x16xf32> to vector<16xf32>
        %get3A_2700 = arith.index_cast %select_n3A_1681 : i32 to index
        %get3A_2701 = arith.constant 1840 : index
        %get3A_2702 = tpu.vector_load %arg6[%get3A_2700, %get3A_2701] {strides = array<i32>} : memref<17x4096xf32, #tpu.memory_space<vmem>>, vector<1x16xf32>,
        %get3A_2703 = vector.shape_cast %get3A_2702 : vector<1x16xf32> to vector<16xf32>
        %add3A_2704 = arith.addf %get3A_2699, %get3A_2703 : vector<16xf32>
        %get3A_2705 = arith.index_cast %select_n3A_1695 : i32 to index
        %get3A_2706 = arith.constant 2352 : index
        %get3A_2707 = tpu.vector_load %arg6[%get3A_2705, %get3A_2706] {strides = array<i32>} : memref<17x4096xf32, #tpu.memory_space<vmem>>, vector<1x16xf32>,
        %get3A_2708 = vector.shape_cast %get3A_2707 : vector<1x16xf32> to vector<16xf32>
        %get3A_2709 = arith.index_cast %select_n3A_1709 : i32 to index
        %get3A_2710 = arith.constant 2864 : index
        %get3A_2711 = tpu.vector_load %arg6[%get3A_2709, %get3A_2710] {strides = array<i32>} : memref<17x4096xf32, #tpu.memory_space<vmem>>, vector<1x16xf32>,
        %get3A_2712 = vector.shape_cast %get3A_2711 : vector<1x16xf32> to vector<16xf32>
        %add3A_2713 = arith.addf %get3A_2708, %get3A_2712 : vector<16xf32>
        %get3A_2714 = arith.index_cast %select_n3A_1723 : i32 to index
        %get3A_2715 = arith.constant 3376 : index
        %get3A_2716 = tpu.vector_load %arg6[%get3A_2714, %get3A_2715] {strides = array<i32>} : memref<17x4096xf32, #tpu.memory_space<vmem>>, vector<1x16xf32>,
        %get3A_2717 = vector.shape_cast %get3A_2716 : vector<1x16xf32> to vector<16xf32>
        %get3A_2718 = arith.index_cast %select_n3A_1737 : i32 to index
        %get3A_2719 = arith.constant 3888 : index
        %get3A_2720 = tpu.vector_load %arg6[%get3A_2718, %get3A_2719] {strides = array<i32>} : memref<17x4096xf32, #tpu.memory_space<vmem>>, vector<1x16xf32>,
        %get3A_2721 = vector.shape_cast %get3A_2720 : vector<1x16xf32> to vector<16xf32>
        %add3A_2722 = arith.addf %get3A_2717, %get3A_2721 : vector<16xf32>
        %add3A_2723 = arith.addf %add3A_2695, %add3A_2704 : vector<16xf32>
        %add3A_2724 = arith.addf %add3A_2713, %add3A_2722 : vector<16xf32>
        %add3A_2725 = arith.addf %add3A_2723, %add3A_2724 : vector<16xf32>
        %mul3A_2726 = arith.constant 1.250000e-01 : f32
        %mul3A_2727 = vector.broadcast %mul3A_2726 : f32 to vector<16xf32>
        %mul3A_2728 = arith.mulf %add3A_2725, %mul3A_2727 : vector<16xf32>
        %mul3A_2729 = arith.constant 512 : i32
        %mul3A_2730 = arith.muli %scan3A_1625, %mul3A_2729 : i32
        %add3A_2731 = arith.constant 304 : i32
        %add3A_2732 = arith.addi %mul3A_2730, %add3A_2731 : i32
        %swap3A_2733 = arith.index_cast %add3A_2732 : i32 to index
        %swap3A_2734 = tpu.vector_load %arg8[%swap3A_2733] {strides = array<i32>} : memref<4608xf32, #tpu.memory_space<vmem>>, vector<16xf32>,
        %swap3A_2735 = vector.shape_cast %swap3A_2734 : vector<16xf32> to vector<16xf32>
        %swap3A_2736 = vector.shape_cast %mul3A_2728 : vector<16xf32> to vector<16xf32>
        tpu.vector_store %arg8[%swap3A_2733], %swap3A_2736 {strides = array<i32>} : memref<4608xf32, #tpu.memory_space<vmem>>, vector<16xf32>,
        %get3A_2737 = arith.index_cast %select_n3A_1639 : i32 to index
        %get3A_2738 = arith.constant 320 : index
        %get3A_2739 = tpu.vector_load %arg6[%get3A_2737, %get3A_2738] {strides = array<i32>} : memref<17x4096xf32, #tpu.memory_space<vmem>>, vector<1x16xf32>,
        %get3A_2740 = vector.shape_cast %get3A_2739 : vector<1x16xf32> to vector<16xf32>
        %get3A_2741 = arith.index_cast %select_n3A_1653 : i32 to index
        %get3A_2742 = arith.constant 832 : index
        %get3A_2743 = tpu.vector_load %arg6[%get3A_2741, %get3A_2742] {strides = array<i32>} : memref<17x4096xf32, #tpu.memory_space<vmem>>, vector<1x16xf32>,
        %get3A_2744 = vector.shape_cast %get3A_2743 : vector<1x16xf32> to vector<16xf32>
        %add3A_2745 = arith.addf %get3A_2740, %get3A_2744 : vector<16xf32>
        %get3A_2746 = arith.index_cast %select_n3A_1667 : i32 to index
        %get3A_2747 = arith.constant 1344 : index
        %get3A_2748 = tpu.vector_load %arg6[%get3A_2746, %get3A_2747] {strides = array<i32>} : memref<17x4096xf32, #tpu.memory_space<vmem>>, vector<1x16xf32>,
        %get3A_2749 = vector.shape_cast %get3A_2748 : vector<1x16xf32> to vector<16xf32>
        %get3A_2750 = arith.index_cast %select_n3A_1681 : i32 to index
        %get3A_2751 = arith.constant 1856 : index
        %get3A_2752 = tpu.vector_load %arg6[%get3A_2750, %get3A_2751] {strides = array<i32>} : memref<17x4096xf32, #tpu.memory_space<vmem>>, vector<1x16xf32>,
        %get3A_2753 = vector.shape_cast %get3A_2752 : vector<1x16xf32> to vector<16xf32>
        %add3A_2754 = arith.addf %get3A_2749, %get3A_2753 : vector<16xf32>
        %get3A_2755 = arith.index_cast %select_n3A_1695 : i32 to index
        %get3A_2756 = arith.constant 2368 : index
        %get3A_2757 = tpu.vector_load %arg6[%get3A_2755, %get3A_2756] {strides = array<i32>} : memref<17x4096xf32, #tpu.memory_space<vmem>>, vector<1x16xf32>,
        %get3A_2758 = vector.shape_cast %get3A_2757 : vector<1x16xf32> to vector<16xf32>
        %get3A_2759 = arith.index_cast %select_n3A_1709 : i32 to index
        %get3A_2760 = arith.constant 2880 : index
        %get3A_2761 = tpu.vector_load %arg6[%get3A_2759, %get3A_2760] {strides = array<i32>} : memref<17x4096xf32, #tpu.memory_space<vmem>>, vector<1x16xf32>,
        %get3A_2762 = vector.shape_cast %get3A_2761 : vector<1x16xf32> to vector<16xf32>
        %add3A_2763 = arith.addf %get3A_2758, %get3A_2762 : vector<16xf32>
        %get3A_2764 = arith.index_cast %select_n3A_1723 : i32 to index
        %get3A_2765 = arith.constant 3392 : index
        %get3A_2766 = tpu.vector_load %arg6[%get3A_2764, %get3A_2765] {strides = array<i32>} : memref<17x4096xf32, #tpu.memory_space<vmem>>, vector<1x16xf32>,
        %get3A_2767 = vector.shape_cast %get3A_2766 : vector<1x16xf32> to vector<16xf32>
        %get3A_2768 = arith.index_cast %select_n3A_1737 : i32 to index
        %get3A_2769 = arith.constant 3904 : index
        %get3A_2770 = tpu.vector_load %arg6[%get3A_2768, %get3A_2769] {strides = array<i32>} : memref<17x4096xf32, #tpu.memory_space<vmem>>, vector<1x16xf32>,
        %get3A_2771 = vector.shape_cast %get3A_2770 : vector<1x16xf32> to vector<16xf32>
        %add3A_2772 = arith.addf %get3A_2767, %get3A_2771 : vector<16xf32>
        %add3A_2773 = arith.addf %add3A_2745, %add3A_2754 : vector<16xf32>
        %add3A_2774 = arith.addf %add3A_2763, %add3A_2772 : vector<16xf32>
        %add3A_2775 = arith.addf %add3A_2773, %add3A_2774 : vector<16xf32>
        %mul3A_2776 = arith.constant 1.250000e-01 : f32
        %mul3A_2777 = vector.broadcast %mul3A_2776 : f32 to vector<16xf32>
        %mul3A_2778 = arith.mulf %add3A_2775, %mul3A_2777 : vector<16xf32>
        %mul3A_2779 = arith.constant 512 : i32
        %mul3A_2780 = arith.muli %scan3A_1625, %mul3A_2779 : i32
        %add3A_2781 = arith.constant 320 : i32
        %add3A_2782 = arith.addi %mul3A_2780, %add3A_2781 : i32
        %swap3A_2783 = arith.index_cast %add3A_2782 : i32 to index
        %swap3A_2784 = tpu.vector_load %arg8[%swap3A_2783] {strides = array<i32>} : memref<4608xf32, #tpu.memory_space<vmem>>, vector<16xf32>,
        %swap3A_2785 = vector.shape_cast %swap3A_2784 : vector<16xf32> to vector<16xf32>
        %swap3A_2786 = vector.shape_cast %mul3A_2778 : vector<16xf32> to vector<16xf32>
        tpu.vector_store %arg8[%swap3A_2783], %swap3A_2786 {strides = array<i32>} : memref<4608xf32, #tpu.memory_space<vmem>>, vector<16xf32>,
        %get3A_2787 = arith.index_cast %select_n3A_1639 : i32 to index
        %get3A_2788 = arith.constant 336 : index
        %get3A_2789 = tpu.vector_load %arg6[%get3A_2787, %get3A_2788] {strides = array<i32>} : memref<17x4096xf32, #tpu.memory_space<vmem>>, vector<1x16xf32>,
        %get3A_2790 = vector.shape_cast %get3A_2789 : vector<1x16xf32> to vector<16xf32>
        %get3A_2791 = arith.index_cast %select_n3A_1653 : i32 to index
        %get3A_2792 = arith.constant 848 : index
        %get3A_2793 = tpu.vector_load %arg6[%get3A_2791, %get3A_2792] {strides = array<i32>} : memref<17x4096xf32, #tpu.memory_space<vmem>>, vector<1x16xf32>,
        %get3A_2794 = vector.shape_cast %get3A_2793 : vector<1x16xf32> to vector<16xf32>
        %add3A_2795 = arith.addf %get3A_2790, %get3A_2794 : vector<16xf32>
        %get3A_2796 = arith.index_cast %select_n3A_1667 : i32 to index
        %get3A_2797 = arith.constant 1360 : index
        %get3A_2798 = tpu.vector_load %arg6[%get3A_2796, %get3A_2797] {strides = array<i32>} : memref<17x4096xf32, #tpu.memory_space<vmem>>, vector<1x16xf32>,
        %get3A_2799 = vector.shape_cast %get3A_2798 : vector<1x16xf32> to vector<16xf32>
        %get3A_2800 = arith.index_cast %select_n3A_1681 : i32 to index
        %get3A_2801 = arith.constant 1872 : index
        %get3A_2802 = tpu.vector_load %arg6[%get3A_2800, %get3A_2801] {strides = array<i32>} : memref<17x4096xf32, #tpu.memory_space<vmem>>, vector<1x16xf32>,
        %get3A_2803 = vector.shape_cast %get3A_2802 : vector<1x16xf32> to vector<16xf32>
        %add3A_2804 = arith.addf %get3A_2799, %get3A_2803 : vector<16xf32>
        %get3A_2805 = arith.index_cast %select_n3A_1695 : i32 to index
        %get3A_2806 = arith.constant 2384 : index
        %get3A_2807 = tpu.vector_load %arg6[%get3A_2805, %get3A_2806] {strides = array<i32>} : memref<17x4096xf32, #tpu.memory_space<vmem>>, vector<1x16xf32>,
        %get3A_2808 = vector.shape_cast %get3A_2807 : vector<1x16xf32> to vector<16xf32>
        %get3A_2809 = arith.index_cast %select_n3A_1709 : i32 to index
        %get3A_2810 = arith.constant 2896 : index
        %get3A_2811 = tpu.vector_load %arg6[%get3A_2809, %get3A_2810] {strides = array<i32>} : memref<17x4096xf32, #tpu.memory_space<vmem>>, vector<1x16xf32>,
        %get3A_2812 = vector.shape_cast %get3A_2811 : vector<1x16xf32> to vector<16xf32>
        %add3A_2813 = arith.addf %get3A_2808, %get3A_2812 : vector<16xf32>
        %get3A_2814 = arith.index_cast %select_n3A_1723 : i32 to index
        %get3A_2815 = arith.constant 3408 : index
        %get3A_2816 = tpu.vector_load %arg6[%get3A_2814, %get3A_2815] {strides = array<i32>} : memref<17x4096xf32, #tpu.memory_space<vmem>>, vector<1x16xf32>,
        %get3A_2817 = vector.shape_cast %get3A_2816 : vector<1x16xf32> to vector<16xf32>
        %get3A_2818 = arith.index_cast %select_n3A_1737 : i32 to index
        %get3A_2819 = arith.constant 3920 : index
        %get3A_2820 = tpu.vector_load %arg6[%get3A_2818, %get3A_2819] {strides = array<i32>} : memref<17x4096xf32, #tpu.memory_space<vmem>>, vector<1x16xf32>,
        %get3A_2821 = vector.shape_cast %get3A_2820 : vector<1x16xf32> to vector<16xf32>
        %add3A_2822 = arith.addf %get3A_2817, %get3A_2821 : vector<16xf32>
        %add3A_2823 = arith.addf %add3A_2795, %add3A_2804 : vector<16xf32>
        %add3A_2824 = arith.addf %add3A_2813, %add3A_2822 : vector<16xf32>
        %add3A_2825 = arith.addf %add3A_2823, %add3A_2824 : vector<16xf32>
        %mul3A_2826 = arith.constant 1.250000e-01 : f32
        %mul3A_2827 = vector.broadcast %mul3A_2826 : f32 to vector<16xf32>
        %mul3A_2828 = arith.mulf %add3A_2825, %mul3A_2827 : vector<16xf32>
        %mul3A_2829 = arith.constant 512 : i32
        %mul3A_2830 = arith.muli %scan3A_1625, %mul3A_2829 : i32
        %add3A_2831 = arith.constant 336 : i32
        %add3A_2832 = arith.addi %mul3A_2830, %add3A_2831 : i32
        %swap3A_2833 = arith.index_cast %add3A_2832 : i32 to index
        %swap3A_2834 = tpu.vector_load %arg8[%swap3A_2833] {strides = array<i32>} : memref<4608xf32, #tpu.memory_space<vmem>>, vector<16xf32>,
        %swap3A_2835 = vector.shape_cast %swap3A_2834 : vector<16xf32> to vector<16xf32>
        %swap3A_2836 = vector.shape_cast %mul3A_2828 : vector<16xf32> to vector<16xf32>
        tpu.vector_store %arg8[%swap3A_2833], %swap3A_2836 {strides = array<i32>} : memref<4608xf32, #tpu.memory_space<vmem>>, vector<16xf32>,
        %get3A_2837 = arith.index_cast %select_n3A_1639 : i32 to index
        %get3A_2838 = arith.constant 352 : index
        %get3A_2839 = tpu.vector_load %arg6[%get3A_2837, %get3A_2838] {strides = array<i32>} : memref<17x4096xf32, #tpu.memory_space<vmem>>, vector<1x16xf32>,
        %get3A_2840 = vector.shape_cast %get3A_2839 : vector<1x16xf32> to vector<16xf32>
        %get3A_2841 = arith.index_cast %select_n3A_1653 : i32 to index
        %get3A_2842 = arith.constant 864 : index
        %get3A_2843 = tpu.vector_load %arg6[%get3A_2841, %get3A_2842] {strides = array<i32>} : memref<17x4096xf32, #tpu.memory_space<vmem>>, vector<1x16xf32>,
        %get3A_2844 = vector.shape_cast %get3A_2843 : vector<1x16xf32> to vector<16xf32>
        %add3A_2845 = arith.addf %get3A_2840, %get3A_2844 : vector<16xf32>
        %get3A_2846 = arith.index_cast %select_n3A_1667 : i32 to index
        %get3A_2847 = arith.constant 1376 : index
        %get3A_2848 = tpu.vector_load %arg6[%get3A_2846, %get3A_2847] {strides = array<i32>} : memref<17x4096xf32, #tpu.memory_space<vmem>>, vector<1x16xf32>,
        %get3A_2849 = vector.shape_cast %get3A_2848 : vector<1x16xf32> to vector<16xf32>
        %get3A_2850 = arith.index_cast %select_n3A_1681 : i32 to index
        %get3A_2851 = arith.constant 1888 : index
        %get3A_2852 = tpu.vector_load %arg6[%get3A_2850, %get3A_2851] {strides = array<i32>} : memref<17x4096xf32, #tpu.memory_space<vmem>>, vector<1x16xf32>,
        %get3A_2853 = vector.shape_cast %get3A_2852 : vector<1x16xf32> to vector<16xf32>
        %add3A_2854 = arith.addf %get3A_2849, %get3A_2853 : vector<16xf32>
        %get3A_2855 = arith.index_cast %select_n3A_1695 : i32 to index
        %get3A_2856 = arith.constant 2400 : index
        %get3A_2857 = tpu.vector_load %arg6[%get3A_2855, %get3A_2856] {strides = array<i32>} : memref<17x4096xf32, #tpu.memory_space<vmem>>, vector<1x16xf32>,
        %get3A_2858 = vector.shape_cast %get3A_2857 : vector<1x16xf32> to vector<16xf32>
        %get3A_2859 = arith.index_cast %select_n3A_1709 : i32 to index
        %get3A_2860 = arith.constant 2912 : index
        %get3A_2861 = tpu.vector_load %arg6[%get3A_2859, %get3A_2860] {strides = array<i32>} : memref<17x4096xf32, #tpu.memory_space<vmem>>, vector<1x16xf32>,
        %get3A_2862 = vector.shape_cast %get3A_2861 : vector<1x16xf32> to vector<16xf32>
        %add3A_2863 = arith.addf %get3A_2858, %get3A_2862 : vector<16xf32>
        %get3A_2864 = arith.index_cast %select_n3A_1723 : i32 to index
        %get3A_2865 = arith.constant 3424 : index
        %get3A_2866 = tpu.vector_load %arg6[%get3A_2864, %get3A_2865] {strides = array<i32>} : memref<17x4096xf32, #tpu.memory_space<vmem>>, vector<1x16xf32>,
        %get3A_2867 = vector.shape_cast %get3A_2866 : vector<1x16xf32> to vector<16xf32>
        %get3A_2868 = arith.index_cast %select_n3A_1737 : i32 to index
        %get3A_2869 = arith.constant 3936 : index
        %get3A_2870 = tpu.vector_load %arg6[%get3A_2868, %get3A_2869] {strides = array<i32>} : memref<17x4096xf32, #tpu.memory_space<vmem>>, vector<1x16xf32>,
        %get3A_2871 = vector.shape_cast %get3A_2870 : vector<1x16xf32> to vector<16xf32>
        %add3A_2872 = arith.addf %get3A_2867, %get3A_2871 : vector<16xf32>
        %add3A_2873 = arith.addf %add3A_2845, %add3A_2854 : vector<16xf32>
        %add3A_2874 = arith.addf %add3A_2863, %add3A_2872 : vector<16xf32>
        %add3A_2875 = arith.addf %add3A_2873, %add3A_2874 : vector<16xf32>
        %mul3A_2876 = arith.constant 1.250000e-01 : f32
        %mul3A_2877 = vector.broadcast %mul3A_2876 : f32 to vector<16xf32>
        %mul3A_2878 = arith.mulf %add3A_2875, %mul3A_2877 : vector<16xf32>
        %mul3A_2879 = arith.constant 512 : i32
        %mul3A_2880 = arith.muli %scan3A_1625, %mul3A_2879 : i32
        %add3A_2881 = arith.constant 352 : i32
        %add3A_2882 = arith.addi %mul3A_2880, %add3A_2881 : i32
        %swap3A_2883 = arith.index_cast %add3A_2882 : i32 to index
        %swap3A_2884 = tpu.vector_load %arg8[%swap3A_2883] {strides = array<i32>} : memref<4608xf32, #tpu.memory_space<vmem>>, vector<16xf32>,
        %swap3A_2885 = vector.shape_cast %swap3A_2884 : vector<16xf32> to vector<16xf32>
        %swap3A_2886 = vector.shape_cast %mul3A_2878 : vector<16xf32> to vector<16xf32>
        tpu.vector_store %arg8[%swap3A_2883], %swap3A_2886 {strides = array<i32>} : memref<4608xf32, #tpu.memory_space<vmem>>, vector<16xf32>,
        %get3A_2887 = arith.index_cast %select_n3A_1639 : i32 to index
        %get3A_2888 = arith.constant 368 : index
        %get3A_2889 = tpu.vector_load %arg6[%get3A_2887, %get3A_2888] {strides = array<i32>} : memref<17x4096xf32, #tpu.memory_space<vmem>>, vector<1x16xf32>,
        %get3A_2890 = vector.shape_cast %get3A_2889 : vector<1x16xf32> to vector<16xf32>
        %get3A_2891 = arith.index_cast %select_n3A_1653 : i32 to index
        %get3A_2892 = arith.constant 880 : index
        %get3A_2893 = tpu.vector_load %arg6[%get3A_2891, %get3A_2892] {strides = array<i32>} : memref<17x4096xf32, #tpu.memory_space<vmem>>, vector<1x16xf32>,
        %get3A_2894 = vector.shape_cast %get3A_2893 : vector<1x16xf32> to vector<16xf32>
        %add3A_2895 = arith.addf %get3A_2890, %get3A_2894 : vector<16xf32>
        %get3A_2896 = arith.index_cast %select_n3A_1667 : i32 to index
        %get3A_2897 = arith.constant 1392 : index
        %get3A_2898 = tpu.vector_load %arg6[%get3A_2896, %get3A_2897] {strides = array<i32>} : memref<17x4096xf32, #tpu.memory_space<vmem>>, vector<1x16xf32>,
        %get3A_2899 = vector.shape_cast %get3A_2898 : vector<1x16xf32> to vector<16xf32>
        %get3A_2900 = arith.index_cast %select_n3A_1681 : i32 to index
        %get3A_2901 = arith.constant 1904 : index
        %get3A_2902 = tpu.vector_load %arg6[%get3A_2900, %get3A_2901] {strides = array<i32>} : memref<17x4096xf32, #tpu.memory_space<vmem>>, vector<1x16xf32>,
        %get3A_2903 = vector.shape_cast %get3A_2902 : vector<1x16xf32> to vector<16xf32>
        %add3A_2904 = arith.addf %get3A_2899, %get3A_2903 : vector<16xf32>
        %get3A_2905 = arith.index_cast %select_n3A_1695 : i32 to index
        %get3A_2906 = arith.constant 2416 : index
        %get3A_2907 = tpu.vector_load %arg6[%get3A_2905, %get3A_2906] {strides = array<i32>} : memref<17x4096xf32, #tpu.memory_space<vmem>>, vector<1x16xf32>,
        %get3A_2908 = vector.shape_cast %get3A_2907 : vector<1x16xf32> to vector<16xf32>
        %get3A_2909 = arith.index_cast %select_n3A_1709 : i32 to index
        %get3A_2910 = arith.constant 2928 : index
        %get3A_2911 = tpu.vector_load %arg6[%get3A_2909, %get3A_2910] {strides = array<i32>} : memref<17x4096xf32, #tpu.memory_space<vmem>>, vector<1x16xf32>,
        %get3A_2912 = vector.shape_cast %get3A_2911 : vector<1x16xf32> to vector<16xf32>
        %add3A_2913 = arith.addf %get3A_2908, %get3A_2912 : vector<16xf32>
        %get3A_2914 = arith.index_cast %select_n3A_1723 : i32 to index
        %get3A_2915 = arith.constant 3440 : index
        %get3A_2916 = tpu.vector_load %arg6[%get3A_2914, %get3A_2915] {strides = array<i32>} : memref<17x4096xf32, #tpu.memory_space<vmem>>, vector<1x16xf32>,
        %get3A_2917 = vector.shape_cast %get3A_2916 : vector<1x16xf32> to vector<16xf32>
        %get3A_2918 = arith.index_cast %select_n3A_1737 : i32 to index
        %get3A_2919 = arith.constant 3952 : index
        %get3A_2920 = tpu.vector_load %arg6[%get3A_2918, %get3A_2919] {strides = array<i32>} : memref<17x4096xf32, #tpu.memory_space<vmem>>, vector<1x16xf32>,
        %get3A_2921 = vector.shape_cast %get3A_2920 : vector<1x16xf32> to vector<16xf32>
        %add3A_2922 = arith.addf %get3A_2917, %get3A_2921 : vector<16xf32>
        %add3A_2923 = arith.addf %add3A_2895, %add3A_2904 : vector<16xf32>
        %add3A_2924 = arith.addf %add3A_2913, %add3A_2922 : vector<16xf32>
        %add3A_2925 = arith.addf %add3A_2923, %add3A_2924 : vector<16xf32>
        %mul3A_2926 = arith.constant 1.250000e-01 : f32
        %mul3A_2927 = vector.broadcast %mul3A_2926 : f32 to vector<16xf32>
        %mul3A_2928 = arith.mulf %add3A_2925, %mul3A_2927 : vector<16xf32>
        %mul3A_2929 = arith.constant 512 : i32
        %mul3A_2930 = arith.muli %scan3A_1625, %mul3A_2929 : i32
        %add3A_2931 = arith.constant 368 : i32
        %add3A_2932 = arith.addi %mul3A_2930, %add3A_2931 : i32
        %swap3A_2933 = arith.index_cast %add3A_2932 : i32 to index
        %swap3A_2934 = tpu.vector_load %arg8[%swap3A_2933] {strides = array<i32>} : memref<4608xf32, #tpu.memory_space<vmem>>, vector<16xf32>,
        %swap3A_2935 = vector.shape_cast %swap3A_2934 : vector<16xf32> to vector<16xf32>
        %swap3A_2936 = vector.shape_cast %mul3A_2928 : vector<16xf32> to vector<16xf32>
        tpu.vector_store %arg8[%swap3A_2933], %swap3A_2936 {strides = array<i32>} : memref<4608xf32, #tpu.memory_space<vmem>>, vector<16xf32>,
        %get3A_2937 = arith.index_cast %select_n3A_1639 : i32 to index
        %get3A_2938 = arith.constant 384 : index
        %get3A_2939 = tpu.vector_load %arg6[%get3A_2937, %get3A_2938] {strides = array<i32>} : memref<17x4096xf32, #tpu.memory_space<vmem>>, vector<1x16xf32>,
        %get3A_2940 = vector.shape_cast %get3A_2939 : vector<1x16xf32> to vector<16xf32>
        %get3A_2941 = arith.index_cast %select_n3A_1653 : i32 to index
        %get3A_2942 = arith.constant 896 : index
        %get3A_2943 = tpu.vector_load %arg6[%get3A_2941, %get3A_2942] {strides = array<i32>} : memref<17x4096xf32, #tpu.memory_space<vmem>>, vector<1x16xf32>,
        %get3A_2944 = vector.shape_cast %get3A_2943 : vector<1x16xf32> to vector<16xf32>
        %add3A_2945 = arith.addf %get3A_2940, %get3A_2944 : vector<16xf32>
        %get3A_2946 = arith.index_cast %select_n3A_1667 : i32 to index
        %get3A_2947 = arith.constant 1408 : index
        %get3A_2948 = tpu.vector_load %arg6[%get3A_2946, %get3A_2947] {strides = array<i32>} : memref<17x4096xf32, #tpu.memory_space<vmem>>, vector<1x16xf32>,
        %get3A_2949 = vector.shape_cast %get3A_2948 : vector<1x16xf32> to vector<16xf32>
        %get3A_2950 = arith.index_cast %select_n3A_1681 : i32 to index
        %get3A_2951 = arith.constant 1920 : index
        %get3A_2952 = tpu.vector_load %arg6[%get3A_2950, %get3A_2951] {strides = array<i32>} : memref<17x4096xf32, #tpu.memory_space<vmem>>, vector<1x16xf32>,
        %get3A_2953 = vector.shape_cast %get3A_2952 : vector<1x16xf32> to vector<16xf32>
        %add3A_2954 = arith.addf %get3A_2949, %get3A_2953 : vector<16xf32>
        %get3A_2955 = arith.index_cast %select_n3A_1695 : i32 to index
        %get3A_2956 = arith.constant 2432 : index
        %get3A_2957 = tpu.vector_load %arg6[%get3A_2955, %get3A_2956] {strides = array<i32>} : memref<17x4096xf32, #tpu.memory_space<vmem>>, vector<1x16xf32>,
        %get3A_2958 = vector.shape_cast %get3A_2957 : vector<1x16xf32> to vector<16xf32>
        %get3A_2959 = arith.index_cast %select_n3A_1709 : i32 to index
        %get3A_2960 = arith.constant 2944 : index
        %get3A_2961 = tpu.vector_load %arg6[%get3A_2959, %get3A_2960] {strides = array<i32>} : memref<17x4096xf32, #tpu.memory_space<vmem>>, vector<1x16xf32>,
        %get3A_2962 = vector.shape_cast %get3A_2961 : vector<1x16xf32> to vector<16xf32>
        %add3A_2963 = arith.addf %get3A_2958, %get3A_2962 : vector<16xf32>
        %get3A_2964 = arith.index_cast %select_n3A_1723 : i32 to index
        %get3A_2965 = arith.constant 3456 : index
        %get3A_2966 = tpu.vector_load %arg6[%get3A_2964, %get3A_2965] {strides = array<i32>} : memref<17x4096xf32, #tpu.memory_space<vmem>>, vector<1x16xf32>,
        %get3A_2967 = vector.shape_cast %get3A_2966 : vector<1x16xf32> to vector<16xf32>
        %get3A_2968 = arith.index_cast %select_n3A_1737 : i32 to index
        %get3A_2969 = arith.constant 3968 : index
        %get3A_2970 = tpu.vector_load %arg6[%get3A_2968, %get3A_2969] {strides = array<i32>} : memref<17x4096xf32, #tpu.memory_space<vmem>>, vector<1x16xf32>,
        %get3A_2971 = vector.shape_cast %get3A_2970 : vector<1x16xf32> to vector<16xf32>
        %add3A_2972 = arith.addf %get3A_2967, %get3A_2971 : vector<16xf32>
        %add3A_2973 = arith.addf %add3A_2945, %add3A_2954 : vector<16xf32>
        %add3A_2974 = arith.addf %add3A_2963, %add3A_2972 : vector<16xf32>
        %add3A_2975 = arith.addf %add3A_2973, %add3A_2974 : vector<16xf32>
        %mul3A_2976 = arith.constant 1.250000e-01 : f32
        %mul3A_2977 = vector.broadcast %mul3A_2976 : f32 to vector<16xf32>
        %mul3A_2978 = arith.mulf %add3A_2975, %mul3A_2977 : vector<16xf32>
        %mul3A_2979 = arith.constant 512 : i32
        %mul3A_2980 = arith.muli %scan3A_1625, %mul3A_2979 : i32
        %add3A_2981 = arith.constant 384 : i32
        %add3A_2982 = arith.addi %mul3A_2980, %add3A_2981 : i32
        %swap3A_2983 = arith.index_cast %add3A_2982 : i32 to index
        %swap3A_2984 = tpu.vector_load %arg8[%swap3A_2983] {strides = array<i32>} : memref<4608xf32, #tpu.memory_space<vmem>>, vector<16xf32>,
        %swap3A_2985 = vector.shape_cast %swap3A_2984 : vector<16xf32> to vector<16xf32>
        %swap3A_2986 = vector.shape_cast %mul3A_2978 : vector<16xf32> to vector<16xf32>
        tpu.vector_store %arg8[%swap3A_2983], %swap3A_2986 {strides = array<i32>} : memref<4608xf32, #tpu.memory_space<vmem>>, vector<16xf32>,
        %get3A_2987 = arith.index_cast %select_n3A_1639 : i32 to index
        %get3A_2988 = arith.constant 400 : index
        %get3A_2989 = tpu.vector_load %arg6[%get3A_2987, %get3A_2988] {strides = array<i32>} : memref<17x4096xf32, #tpu.memory_space<vmem>>, vector<1x16xf32>,
        %get3A_2990 = vector.shape_cast %get3A_2989 : vector<1x16xf32> to vector<16xf32>
        %get3A_2991 = arith.index_cast %select_n3A_1653 : i32 to index
        %get3A_2992 = arith.constant 912 : index
        %get3A_2993 = tpu.vector_load %arg6[%get3A_2991, %get3A_2992] {strides = array<i32>} : memref<17x4096xf32, #tpu.memory_space<vmem>>, vector<1x16xf32>,
        %get3A_2994 = vector.shape_cast %get3A_2993 : vector<1x16xf32> to vector<16xf32>
        %add3A_2995 = arith.addf %get3A_2990, %get3A_2994 : vector<16xf32>
        %get3A_2996 = arith.index_cast %select_n3A_1667 : i32 to index
        %get3A_2997 = arith.constant 1424 : index
        %get3A_2998 = tpu.vector_load %arg6[%get3A_2996, %get3A_2997] {strides = array<i32>} : memref<17x4096xf32, #tpu.memory_space<vmem>>, vector<1x16xf32>,
        %get3A_2999 = vector.shape_cast %get3A_2998 : vector<1x16xf32> to vector<16xf32>
        %get3A_3000 = arith.index_cast %select_n3A_1681 : i32 to index
        %get3A_3001 = arith.constant 1936 : index
        %get3A_3002 = tpu.vector_load %arg6[%get3A_3000, %get3A_3001] {strides = array<i32>} : memref<17x4096xf32, #tpu.memory_space<vmem>>, vector<1x16xf32>,
        %get3A_3003 = vector.shape_cast %get3A_3002 : vector<1x16xf32> to vector<16xf32>
        %add3A_3004 = arith.addf %get3A_2999, %get3A_3003 : vector<16xf32>
        %get3A_3005 = arith.index_cast %select_n3A_1695 : i32 to index
        %get3A_3006 = arith.constant 2448 : index
        %get3A_3007 = tpu.vector_load %arg6[%get3A_3005, %get3A_3006] {strides = array<i32>} : memref<17x4096xf32, #tpu.memory_space<vmem>>, vector<1x16xf32>,
        %get3A_3008 = vector.shape_cast %get3A_3007 : vector<1x16xf32> to vector<16xf32>
        %get3A_3009 = arith.index_cast %select_n3A_1709 : i32 to index
        %get3A_3010 = arith.constant 2960 : index
        %get3A_3011 = tpu.vector_load %arg6[%get3A_3009, %get3A_3010] {strides = array<i32>} : memref<17x4096xf32, #tpu.memory_space<vmem>>, vector<1x16xf32>,
        %get3A_3012 = vector.shape_cast %get3A_3011 : vector<1x16xf32> to vector<16xf32>
        %add3A_3013 = arith.addf %get3A_3008, %get3A_3012 : vector<16xf32>
        %get3A_3014 = arith.index_cast %select_n3A_1723 : i32 to index
        %get3A_3015 = arith.constant 3472 : index
        %get3A_3016 = tpu.vector_load %arg6[%get3A_3014, %get3A_3015] {strides = array<i32>} : memref<17x4096xf32, #tpu.memory_space<vmem>>, vector<1x16xf32>,
        %get3A_3017 = vector.shape_cast %get3A_3016 : vector<1x16xf32> to vector<16xf32>
        %get3A_3018 = arith.index_cast %select_n3A_1737 : i32 to index
        %get3A_3019 = arith.constant 3984 : index
        %get3A_3020 = tpu.vector_load %arg6[%get3A_3018, %get3A_3019] {strides = array<i32>} : memref<17x4096xf32, #tpu.memory_space<vmem>>, vector<1x16xf32>,
        %get3A_3021 = vector.shape_cast %get3A_3020 : vector<1x16xf32> to vector<16xf32>
        %add3A_3022 = arith.addf %get3A_3017, %get3A_3021 : vector<16xf32>
        %add3A_3023 = arith.addf %add3A_2995, %add3A_3004 : vector<16xf32>
        %add3A_3024 = arith.addf %add3A_3013, %add3A_3022 : vector<16xf32>
        %add3A_3025 = arith.addf %add3A_3023, %add3A_3024 : vector<16xf32>
        %mul3A_3026 = arith.constant 1.250000e-01 : f32
        %mul3A_3027 = vector.broadcast %mul3A_3026 : f32 to vector<16xf32>
        %mul3A_3028 = arith.mulf %add3A_3025, %mul3A_3027 : vector<16xf32>
        %mul3A_3029 = arith.constant 512 : i32
        %mul3A_3030 = arith.muli %scan3A_1625, %mul3A_3029 : i32
        %add3A_3031 = arith.constant 400 : i32
        %add3A_3032 = arith.addi %mul3A_3030, %add3A_3031 : i32
        %swap3A_3033 = arith.index_cast %add3A_3032 : i32 to index
        %swap3A_3034 = tpu.vector_load %arg8[%swap3A_3033] {strides = array<i32>} : memref<4608xf32, #tpu.memory_space<vmem>>, vector<16xf32>,
        %swap3A_3035 = vector.shape_cast %swap3A_3034 : vector<16xf32> to vector<16xf32>
        %swap3A_3036 = vector.shape_cast %mul3A_3028 : vector<16xf32> to vector<16xf32>
        tpu.vector_store %arg8[%swap3A_3033], %swap3A_3036 {strides = array<i32>} : memref<4608xf32, #tpu.memory_space<vmem>>, vector<16xf32>,
        %get3A_3037 = arith.index_cast %select_n3A_1639 : i32 to index
        %get3A_3038 = arith.constant 416 : index
        %get3A_3039 = tpu.vector_load %arg6[%get3A_3037, %get3A_3038] {strides = array<i32>} : memref<17x4096xf32, #tpu.memory_space<vmem>>, vector<1x16xf32>,
        %get3A_3040 = vector.shape_cast %get3A_3039 : vector<1x16xf32> to vector<16xf32>
        %get3A_3041 = arith.index_cast %select_n3A_1653 : i32 to index
        %get3A_3042 = arith.constant 928 : index
        %get3A_3043 = tpu.vector_load %arg6[%get3A_3041, %get3A_3042] {strides = array<i32>} : memref<17x4096xf32, #tpu.memory_space<vmem>>, vector<1x16xf32>,
        %get3A_3044 = vector.shape_cast %get3A_3043 : vector<1x16xf32> to vector<16xf32>
        %add3A_3045 = arith.addf %get3A_3040, %get3A_3044 : vector<16xf32>
        %get3A_3046 = arith.index_cast %select_n3A_1667 : i32 to index
        %get3A_3047 = arith.constant 1440 : index
        %get3A_3048 = tpu.vector_load %arg6[%get3A_3046, %get3A_3047] {strides = array<i32>} : memref<17x4096xf32, #tpu.memory_space<vmem>>, vector<1x16xf32>,
        %get3A_3049 = vector.shape_cast %get3A_3048 : vector<1x16xf32> to vector<16xf32>
        %get3A_3050 = arith.index_cast %select_n3A_1681 : i32 to index
        %get3A_3051 = arith.constant 1952 : index
        %get3A_3052 = tpu.vector_load %arg6[%get3A_3050, %get3A_3051] {strides = array<i32>} : memref<17x4096xf32, #tpu.memory_space<vmem>>, vector<1x16xf32>,
        %get3A_3053 = vector.shape_cast %get3A_3052 : vector<1x16xf32> to vector<16xf32>
        %add3A_3054 = arith.addf %get3A_3049, %get3A_3053 : vector<16xf32>
        %get3A_3055 = arith.index_cast %select_n3A_1695 : i32 to index
        %get3A_3056 = arith.constant 2464 : index
        %get3A_3057 = tpu.vector_load %arg6[%get3A_3055, %get3A_3056] {strides = array<i32>} : memref<17x4096xf32, #tpu.memory_space<vmem>>, vector<1x16xf32>,
        %get3A_3058 = vector.shape_cast %get3A_3057 : vector<1x16xf32> to vector<16xf32>
        %get3A_3059 = arith.index_cast %select_n3A_1709 : i32 to index
        %get3A_3060 = arith.constant 2976 : index
        %get3A_3061 = tpu.vector_load %arg6[%get3A_3059, %get3A_3060] {strides = array<i32>} : memref<17x4096xf32, #tpu.memory_space<vmem>>, vector<1x16xf32>,
        %get3A_3062 = vector.shape_cast %get3A_3061 : vector<1x16xf32> to vector<16xf32>
        %add3A_3063 = arith.addf %get3A_3058, %get3A_3062 : vector<16xf32>
        %get3A_3064 = arith.index_cast %select_n3A_1723 : i32 to index
        %get3A_3065 = arith.constant 3488 : index
        %get3A_3066 = tpu.vector_load %arg6[%get3A_3064, %get3A_3065] {strides = array<i32>} : memref<17x4096xf32, #tpu.memory_space<vmem>>, vector<1x16xf32>,
        %get3A_3067 = vector.shape_cast %get3A_3066 : vector<1x16xf32> to vector<16xf32>
        %get3A_3068 = arith.index_cast %select_n3A_1737 : i32 to index
        %get3A_3069 = arith.constant 4000 : index
        %get3A_3070 = tpu.vector_load %arg6[%get3A_3068, %get3A_3069] {strides = array<i32>} : memref<17x4096xf32, #tpu.memory_space<vmem>>, vector<1x16xf32>,
        %get3A_3071 = vector.shape_cast %get3A_3070 : vector<1x16xf32> to vector<16xf32>
        %add3A_3072 = arith.addf %get3A_3067, %get3A_3071 : vector<16xf32>
        %add3A_3073 = arith.addf %add3A_3045, %add3A_3054 : vector<16xf32>
        %add3A_3074 = arith.addf %add3A_3063, %add3A_3072 : vector<16xf32>
        %add3A_3075 = arith.addf %add3A_3073, %add3A_3074 : vector<16xf32>
        %mul3A_3076 = arith.constant 1.250000e-01 : f32
        %mul3A_3077 = vector.broadcast %mul3A_3076 : f32 to vector<16xf32>
        %mul3A_3078 = arith.mulf %add3A_3075, %mul3A_3077 : vector<16xf32>
        %mul3A_3079 = arith.constant 512 : i32
        %mul3A_3080 = arith.muli %scan3A_1625, %mul3A_3079 : i32
        %add3A_3081 = arith.constant 416 : i32
        %add3A_3082 = arith.addi %mul3A_3080, %add3A_3081 : i32
        %swap3A_3083 = arith.index_cast %add3A_3082 : i32 to index
        %swap3A_3084 = tpu.vector_load %arg8[%swap3A_3083] {strides = array<i32>} : memref<4608xf32, #tpu.memory_space<vmem>>, vector<16xf32>,
        %swap3A_3085 = vector.shape_cast %swap3A_3084 : vector<16xf32> to vector<16xf32>
        %swap3A_3086 = vector.shape_cast %mul3A_3078 : vector<16xf32> to vector<16xf32>
        tpu.vector_store %arg8[%swap3A_3083], %swap3A_3086 {strides = array<i32>} : memref<4608xf32, #tpu.memory_space<vmem>>, vector<16xf32>,
        %get3A_3087 = arith.index_cast %select_n3A_1639 : i32 to index
        %get3A_3088 = arith.constant 432 : index
        %get3A_3089 = tpu.vector_load %arg6[%get3A_3087, %get3A_3088] {strides = array<i32>} : memref<17x4096xf32, #tpu.memory_space<vmem>>, vector<1x16xf32>,
        %get3A_3090 = vector.shape_cast %get3A_3089 : vector<1x16xf32> to vector<16xf32>
        %get3A_3091 = arith.index_cast %select_n3A_1653 : i32 to index
        %get3A_3092 = arith.constant 944 : index
        %get3A_3093 = tpu.vector_load %arg6[%get3A_3091, %get3A_3092] {strides = array<i32>} : memref<17x4096xf32, #tpu.memory_space<vmem>>, vector<1x16xf32>,
        %get3A_3094 = vector.shape_cast %get3A_3093 : vector<1x16xf32> to vector<16xf32>
        %add3A_3095 = arith.addf %get3A_3090, %get3A_3094 : vector<16xf32>
        %get3A_3096 = arith.index_cast %select_n3A_1667 : i32 to index
        %get3A_3097 = arith.constant 1456 : index
        %get3A_3098 = tpu.vector_load %arg6[%get3A_3096, %get3A_3097] {strides = array<i32>} : memref<17x4096xf32, #tpu.memory_space<vmem>>, vector<1x16xf32>,
        %get3A_3099 = vector.shape_cast %get3A_3098 : vector<1x16xf32> to vector<16xf32>
        %get3A_3100 = arith.index_cast %select_n3A_1681 : i32 to index
        %get3A_3101 = arith.constant 1968 : index
        %get3A_3102 = tpu.vector_load %arg6[%get3A_3100, %get3A_3101] {strides = array<i32>} : memref<17x4096xf32, #tpu.memory_space<vmem>>, vector<1x16xf32>,
        %get3A_3103 = vector.shape_cast %get3A_3102 : vector<1x16xf32> to vector<16xf32>
        %add3A_3104 = arith.addf %get3A_3099, %get3A_3103 : vector<16xf32>
        %get3A_3105 = arith.index_cast %select_n3A_1695 : i32 to index
        %get3A_3106 = arith.constant 2480 : index
        %get3A_3107 = tpu.vector_load %arg6[%get3A_3105, %get3A_3106] {strides = array<i32>} : memref<17x4096xf32, #tpu.memory_space<vmem>>, vector<1x16xf32>,
        %get3A_3108 = vector.shape_cast %get3A_3107 : vector<1x16xf32> to vector<16xf32>
        %get3A_3109 = arith.index_cast %select_n3A_1709 : i32 to index
        %get3A_3110 = arith.constant 2992 : index
        %get3A_3111 = tpu.vector_load %arg6[%get3A_3109, %get3A_3110] {strides = array<i32>} : memref<17x4096xf32, #tpu.memory_space<vmem>>, vector<1x16xf32>,
        %get3A_3112 = vector.shape_cast %get3A_3111 : vector<1x16xf32> to vector<16xf32>
        %add3A_3113 = arith.addf %get3A_3108, %get3A_3112 : vector<16xf32>
        %get3A_3114 = arith.index_cast %select_n3A_1723 : i32 to index
        %get3A_3115 = arith.constant 3504 : index
        %get3A_3116 = tpu.vector_load %arg6[%get3A_3114, %get3A_3115] {strides = array<i32>} : memref<17x4096xf32, #tpu.memory_space<vmem>>, vector<1x16xf32>,
        %get3A_3117 = vector.shape_cast %get3A_3116 : vector<1x16xf32> to vector<16xf32>
        %get3A_3118 = arith.index_cast %select_n3A_1737 : i32 to index
        %get3A_3119 = arith.constant 4016 : index
        %get3A_3120 = tpu.vector_load %arg6[%get3A_3118, %get3A_3119] {strides = array<i32>} : memref<17x4096xf32, #tpu.memory_space<vmem>>, vector<1x16xf32>,
        %get3A_3121 = vector.shape_cast %get3A_3120 : vector<1x16xf32> to vector<16xf32>
        %add3A_3122 = arith.addf %get3A_3117, %get3A_3121 : vector<16xf32>
        %add3A_3123 = arith.addf %add3A_3095, %add3A_3104 : vector<16xf32>
        %add3A_3124 = arith.addf %add3A_3113, %add3A_3122 : vector<16xf32>
        %add3A_3125 = arith.addf %add3A_3123, %add3A_3124 : vector<16xf32>
        %mul3A_3126 = arith.constant 1.250000e-01 : f32
        %mul3A_3127 = vector.broadcast %mul3A_3126 : f32 to vector<16xf32>
        %mul3A_3128 = arith.mulf %add3A_3125, %mul3A_3127 : vector<16xf32>
        %mul3A_3129 = arith.constant 512 : i32
        %mul3A_3130 = arith.muli %scan3A_1625, %mul3A_3129 : i32
        %add3A_3131 = arith.constant 432 : i32
        %add3A_3132 = arith.addi %mul3A_3130, %add3A_3131 : i32
        %swap3A_3133 = arith.index_cast %add3A_3132 : i32 to index
        %swap3A_3134 = tpu.vector_load %arg8[%swap3A_3133] {strides = array<i32>} : memref<4608xf32, #tpu.memory_space<vmem>>, vector<16xf32>,
        %swap3A_3135 = vector.shape_cast %swap3A_3134 : vector<16xf32> to vector<16xf32>
        %swap3A_3136 = vector.shape_cast %mul3A_3128 : vector<16xf32> to vector<16xf32>
        tpu.vector_store %arg8[%swap3A_3133], %swap3A_3136 {strides = array<i32>} : memref<4608xf32, #tpu.memory_space<vmem>>, vector<16xf32>,
        %get3A_3137 = arith.index_cast %select_n3A_1639 : i32 to index
        %get3A_3138 = arith.constant 448 : index
        %get3A_3139 = tpu.vector_load %arg6[%get3A_3137, %get3A_3138] {strides = array<i32>} : memref<17x4096xf32, #tpu.memory_space<vmem>>, vector<1x16xf32>,
        %get3A_3140 = vector.shape_cast %get3A_3139 : vector<1x16xf32> to vector<16xf32>
        %get3A_3141 = arith.index_cast %select_n3A_1653 : i32 to index
        %get3A_3142 = arith.constant 960 : index
        %get3A_3143 = tpu.vector_load %arg6[%get3A_3141, %get3A_3142] {strides = array<i32>} : memref<17x4096xf32, #tpu.memory_space<vmem>>, vector<1x16xf32>,
        %get3A_3144 = vector.shape_cast %get3A_3143 : vector<1x16xf32> to vector<16xf32>
        %add3A_3145 = arith.addf %get3A_3140, %get3A_3144 : vector<16xf32>
        %get3A_3146 = arith.index_cast %select_n3A_1667 : i32 to index
        %get3A_3147 = arith.constant 1472 : index
        %get3A_3148 = tpu.vector_load %arg6[%get3A_3146, %get3A_3147] {strides = array<i32>} : memref<17x4096xf32, #tpu.memory_space<vmem>>, vector<1x16xf32>,
        %get3A_3149 = vector.shape_cast %get3A_3148 : vector<1x16xf32> to vector<16xf32>
        %get3A_3150 = arith.index_cast %select_n3A_1681 : i32 to index
        %get3A_3151 = arith.constant 1984 : index
        %get3A_3152 = tpu.vector_load %arg6[%get3A_3150, %get3A_3151] {strides = array<i32>} : memref<17x4096xf32, #tpu.memory_space<vmem>>, vector<1x16xf32>,
        %get3A_3153 = vector.shape_cast %get3A_3152 : vector<1x16xf32> to vector<16xf32>
        %add3A_3154 = arith.addf %get3A_3149, %get3A_3153 : vector<16xf32>
        %get3A_3155 = arith.index_cast %select_n3A_1695 : i32 to index
        %get3A_3156 = arith.constant 2496 : index
        %get3A_3157 = tpu.vector_load %arg6[%get3A_3155, %get3A_3156] {strides = array<i32>} : memref<17x4096xf32, #tpu.memory_space<vmem>>, vector<1x16xf32>,
        %get3A_3158 = vector.shape_cast %get3A_3157 : vector<1x16xf32> to vector<16xf32>
        %get3A_3159 = arith.index_cast %select_n3A_1709 : i32 to index
        %get3A_3160 = arith.constant 3008 : index
        %get3A_3161 = tpu.vector_load %arg6[%get3A_3159, %get3A_3160] {strides = array<i32>} : memref<17x4096xf32, #tpu.memory_space<vmem>>, vector<1x16xf32>,
        %get3A_3162 = vector.shape_cast %get3A_3161 : vector<1x16xf32> to vector<16xf32>
        %add3A_3163 = arith.addf %get3A_3158, %get3A_3162 : vector<16xf32>
        %get3A_3164 = arith.index_cast %select_n3A_1723 : i32 to index
        %get3A_3165 = arith.constant 3520 : index
        %get3A_3166 = tpu.vector_load %arg6[%get3A_3164, %get3A_3165] {strides = array<i32>} : memref<17x4096xf32, #tpu.memory_space<vmem>>, vector<1x16xf32>,
        %get3A_3167 = vector.shape_cast %get3A_3166 : vector<1x16xf32> to vector<16xf32>
        %get3A_3168 = arith.index_cast %select_n3A_1737 : i32 to index
        %get3A_3169 = arith.constant 4032 : index
        %get3A_3170 = tpu.vector_load %arg6[%get3A_3168, %get3A_3169] {strides = array<i32>} : memref<17x4096xf32, #tpu.memory_space<vmem>>, vector<1x16xf32>,
        %get3A_3171 = vector.shape_cast %get3A_3170 : vector<1x16xf32> to vector<16xf32>
        %add3A_3172 = arith.addf %get3A_3167, %get3A_3171 : vector<16xf32>
        %add3A_3173 = arith.addf %add3A_3145, %add3A_3154 : vector<16xf32>
        %add3A_3174 = arith.addf %add3A_3163, %add3A_3172 : vector<16xf32>
        %add3A_3175 = arith.addf %add3A_3173, %add3A_3174 : vector<16xf32>
        %mul3A_3176 = arith.constant 1.250000e-01 : f32
        %mul3A_3177 = vector.broadcast %mul3A_3176 : f32 to vector<16xf32>
        %mul3A_3178 = arith.mulf %add3A_3175, %mul3A_3177 : vector<16xf32>
        %mul3A_3179 = arith.constant 512 : i32
        %mul3A_3180 = arith.muli %scan3A_1625, %mul3A_3179 : i32
        %add3A_3181 = arith.constant 448 : i32
        %add3A_3182 = arith.addi %mul3A_3180, %add3A_3181 : i32
        %swap3A_3183 = arith.index_cast %add3A_3182 : i32 to index
        %swap3A_3184 = tpu.vector_load %arg8[%swap3A_3183] {strides = array<i32>} : memref<4608xf32, #tpu.memory_space<vmem>>, vector<16xf32>,
        %swap3A_3185 = vector.shape_cast %swap3A_3184 : vector<16xf32> to vector<16xf32>
        %swap3A_3186 = vector.shape_cast %mul3A_3178 : vector<16xf32> to vector<16xf32>
        tpu.vector_store %arg8[%swap3A_3183], %swap3A_3186 {strides = array<i32>} : memref<4608xf32, #tpu.memory_space<vmem>>, vector<16xf32>,
        %get3A_3187 = arith.index_cast %select_n3A_1639 : i32 to index
        %get3A_3188 = arith.constant 464 : index
        %get3A_3189 = tpu.vector_load %arg6[%get3A_3187, %get3A_3188] {strides = array<i32>} : memref<17x4096xf32, #tpu.memory_space<vmem>>, vector<1x16xf32>,
        %get3A_3190 = vector.shape_cast %get3A_3189 : vector<1x16xf32> to vector<16xf32>
        %get3A_3191 = arith.index_cast %select_n3A_1653 : i32 to index
        %get3A_3192 = arith.constant 976 : index
        %get3A_3193 = tpu.vector_load %arg6[%get3A_3191, %get3A_3192] {strides = array<i32>} : memref<17x4096xf32, #tpu.memory_space<vmem>>, vector<1x16xf32>,
        %get3A_3194 = vector.shape_cast %get3A_3193 : vector<1x16xf32> to vector<16xf32>
        %add3A_3195 = arith.addf %get3A_3190, %get3A_3194 : vector<16xf32>
        %get3A_3196 = arith.index_cast %select_n3A_1667 : i32 to index
        %get3A_3197 = arith.constant 1488 : index
        %get3A_3198 = tpu.vector_load %arg6[%get3A_3196, %get3A_3197] {strides = array<i32>} : memref<17x4096xf32, #tpu.memory_space<vmem>>, vector<1x16xf32>,
        %get3A_3199 = vector.shape_cast %get3A_3198 : vector<1x16xf32> to vector<16xf32>
        %get3A_3200 = arith.index_cast %select_n3A_1681 : i32 to index
        %get3A_3201 = arith.constant 2000 : index
        %get3A_3202 = tpu.vector_load %arg6[%get3A_3200, %get3A_3201] {strides = array<i32>} : memref<17x4096xf32, #tpu.memory_space<vmem>>, vector<1x16xf32>,
        %get3A_3203 = vector.shape_cast %get3A_3202 : vector<1x16xf32> to vector<16xf32>
        %add3A_3204 = arith.addf %get3A_3199, %get3A_3203 : vector<16xf32>
        %get3A_3205 = arith.index_cast %select_n3A_1695 : i32 to index
        %get3A_3206 = arith.constant 2512 : index
        %get3A_3207 = tpu.vector_load %arg6[%get3A_3205, %get3A_3206] {strides = array<i32>} : memref<17x4096xf32, #tpu.memory_space<vmem>>, vector<1x16xf32>,
        %get3A_3208 = vector.shape_cast %get3A_3207 : vector<1x16xf32> to vector<16xf32>
        %get3A_3209 = arith.index_cast %select_n3A_1709 : i32 to index
        %get3A_3210 = arith.constant 3024 : index
        %get3A_3211 = tpu.vector_load %arg6[%get3A_3209, %get3A_3210] {strides = array<i32>} : memref<17x4096xf32, #tpu.memory_space<vmem>>, vector<1x16xf32>,
        %get3A_3212 = vector.shape_cast %get3A_3211 : vector<1x16xf32> to vector<16xf32>
        %add3A_3213 = arith.addf %get3A_3208, %get3A_3212 : vector<16xf32>
        %get3A_3214 = arith.index_cast %select_n3A_1723 : i32 to index
        %get3A_3215 = arith.constant 3536 : index
        %get3A_3216 = tpu.vector_load %arg6[%get3A_3214, %get3A_3215] {strides = array<i32>} : memref<17x4096xf32, #tpu.memory_space<vmem>>, vector<1x16xf32>,
        %get3A_3217 = vector.shape_cast %get3A_3216 : vector<1x16xf32> to vector<16xf32>
        %get3A_3218 = arith.index_cast %select_n3A_1737 : i32 to index
        %get3A_3219 = arith.constant 4048 : index
        %get3A_3220 = tpu.vector_load %arg6[%get3A_3218, %get3A_3219] {strides = array<i32>} : memref<17x4096xf32, #tpu.memory_space<vmem>>, vector<1x16xf32>,
        %get3A_3221 = vector.shape_cast %get3A_3220 : vector<1x16xf32> to vector<16xf32>
        %add3A_3222 = arith.addf %get3A_3217, %get3A_3221 : vector<16xf32>
        %add3A_3223 = arith.addf %add3A_3195, %add3A_3204 : vector<16xf32>
        %add3A_3224 = arith.addf %add3A_3213, %add3A_3222 : vector<16xf32>
        %add3A_3225 = arith.addf %add3A_3223, %add3A_3224 : vector<16xf32>
        %mul3A_3226 = arith.constant 1.250000e-01 : f32
        %mul3A_3227 = vector.broadcast %mul3A_3226 : f32 to vector<16xf32>
        %mul3A_3228 = arith.mulf %add3A_3225, %mul3A_3227 : vector<16xf32>
        %mul3A_3229 = arith.constant 512 : i32
        %mul3A_3230 = arith.muli %scan3A_1625, %mul3A_3229 : i32
        %add3A_3231 = arith.constant 464 : i32
        %add3A_3232 = arith.addi %mul3A_3230, %add3A_3231 : i32
        %swap3A_3233 = arith.index_cast %add3A_3232 : i32 to index
        %swap3A_3234 = tpu.vector_load %arg8[%swap3A_3233] {strides = array<i32>} : memref<4608xf32, #tpu.memory_space<vmem>>, vector<16xf32>,
        %swap3A_3235 = vector.shape_cast %swap3A_3234 : vector<16xf32> to vector<16xf32>
        %swap3A_3236 = vector.shape_cast %mul3A_3228 : vector<16xf32> to vector<16xf32>
        tpu.vector_store %arg8[%swap3A_3233], %swap3A_3236 {strides = array<i32>} : memref<4608xf32, #tpu.memory_space<vmem>>, vector<16xf32>,
        %get3A_3237 = arith.index_cast %select_n3A_1639 : i32 to index
        %get3A_3238 = arith.constant 480 : index
        %get3A_3239 = tpu.vector_load %arg6[%get3A_3237, %get3A_3238] {strides = array<i32>} : memref<17x4096xf32, #tpu.memory_space<vmem>>, vector<1x16xf32>,
        %get3A_3240 = vector.shape_cast %get3A_3239 : vector<1x16xf32> to vector<16xf32>
        %get3A_3241 = arith.index_cast %select_n3A_1653 : i32 to index
        %get3A_3242 = arith.constant 992 : index
        %get3A_3243 = tpu.vector_load %arg6[%get3A_3241, %get3A_3242] {strides = array<i32>} : memref<17x4096xf32, #tpu.memory_space<vmem>>, vector<1x16xf32>,
        %get3A_3244 = vector.shape_cast %get3A_3243 : vector<1x16xf32> to vector<16xf32>
        %add3A_3245 = arith.addf %get3A_3240, %get3A_3244 : vector<16xf32>
        %get3A_3246 = arith.index_cast %select_n3A_1667 : i32 to index
        %get3A_3247 = arith.constant 1504 : index
        %get3A_3248 = tpu.vector_load %arg6[%get3A_3246, %get3A_3247] {strides = array<i32>} : memref<17x4096xf32, #tpu.memory_space<vmem>>, vector<1x16xf32>,
        %get3A_3249 = vector.shape_cast %get3A_3248 : vector<1x16xf32> to vector<16xf32>
        %get3A_3250 = arith.index_cast %select_n3A_1681 : i32 to index
        %get3A_3251 = arith.constant 2016 : index
        %get3A_3252 = tpu.vector_load %arg6[%get3A_3250, %get3A_3251] {strides = array<i32>} : memref<17x4096xf32, #tpu.memory_space<vmem>>, vector<1x16xf32>,
        %get3A_3253 = vector.shape_cast %get3A_3252 : vector<1x16xf32> to vector<16xf32>
        %add3A_3254 = arith.addf %get3A_3249, %get3A_3253 : vector<16xf32>
        %get3A_3255 = arith.index_cast %select_n3A_1695 : i32 to index
        %get3A_3256 = arith.constant 2528 : index
        %get3A_3257 = tpu.vector_load %arg6[%get3A_3255, %get3A_3256] {strides = array<i32>} : memref<17x4096xf32, #tpu.memory_space<vmem>>, vector<1x16xf32>,
        %get3A_3258 = vector.shape_cast %get3A_3257 : vector<1x16xf32> to vector<16xf32>
        %get3A_3259 = arith.index_cast %select_n3A_1709 : i32 to index
        %get3A_3260 = arith.constant 3040 : index
        %get3A_3261 = tpu.vector_load %arg6[%get3A_3259, %get3A_3260] {strides = array<i32>} : memref<17x4096xf32, #tpu.memory_space<vmem>>, vector<1x16xf32>,
        %get3A_3262 = vector.shape_cast %get3A_3261 : vector<1x16xf32> to vector<16xf32>
        %add3A_3263 = arith.addf %get3A_3258, %get3A_3262 : vector<16xf32>
        %get3A_3264 = arith.index_cast %select_n3A_1723 : i32 to index
        %get3A_3265 = arith.constant 3552 : index
        %get3A_3266 = tpu.vector_load %arg6[%get3A_3264, %get3A_3265] {strides = array<i32>} : memref<17x4096xf32, #tpu.memory_space<vmem>>, vector<1x16xf32>,
        %get3A_3267 = vector.shape_cast %get3A_3266 : vector<1x16xf32> to vector<16xf32>
        %get3A_3268 = arith.index_cast %select_n3A_1737 : i32 to index
        %get3A_3269 = arith.constant 4064 : index
        %get3A_3270 = tpu.vector_load %arg6[%get3A_3268, %get3A_3269] {strides = array<i32>} : memref<17x4096xf32, #tpu.memory_space<vmem>>, vector<1x16xf32>,
        %get3A_3271 = vector.shape_cast %get3A_3270 : vector<1x16xf32> to vector<16xf32>
        %add3A_3272 = arith.addf %get3A_3267, %get3A_3271 : vector<16xf32>
        %add3A_3273 = arith.addf %add3A_3245, %add3A_3254 : vector<16xf32>
        %add3A_3274 = arith.addf %add3A_3263, %add3A_3272 : vector<16xf32>
        %add3A_3275 = arith.addf %add3A_3273, %add3A_3274 : vector<16xf32>
        %mul3A_3276 = arith.constant 1.250000e-01 : f32
        %mul3A_3277 = vector.broadcast %mul3A_3276 : f32 to vector<16xf32>
        %mul3A_3278 = arith.mulf %add3A_3275, %mul3A_3277 : vector<16xf32>
        %mul3A_3279 = arith.constant 512 : i32
        %mul3A_3280 = arith.muli %scan3A_1625, %mul3A_3279 : i32
        %add3A_3281 = arith.constant 480 : i32
        %add3A_3282 = arith.addi %mul3A_3280, %add3A_3281 : i32
        %swap3A_3283 = arith.index_cast %add3A_3282 : i32 to index
        %swap3A_3284 = tpu.vector_load %arg8[%swap3A_3283] {strides = array<i32>} : memref<4608xf32, #tpu.memory_space<vmem>>, vector<16xf32>,
        %swap3A_3285 = vector.shape_cast %swap3A_3284 : vector<16xf32> to vector<16xf32>
        %swap3A_3286 = vector.shape_cast %mul3A_3278 : vector<16xf32> to vector<16xf32>
        tpu.vector_store %arg8[%swap3A_3283], %swap3A_3286 {strides = array<i32>} : memref<4608xf32, #tpu.memory_space<vmem>>, vector<16xf32>,
        %get3A_3287 = arith.index_cast %select_n3A_1639 : i32 to index
        %get3A_3288 = arith.constant 496 : index
        %get3A_3289 = tpu.vector_load %arg6[%get3A_3287, %get3A_3288] {strides = array<i32>} : memref<17x4096xf32, #tpu.memory_space<vmem>>, vector<1x16xf32>,
        %get3A_3290 = vector.shape_cast %get3A_3289 : vector<1x16xf32> to vector<16xf32>
        %get3A_3291 = arith.index_cast %select_n3A_1653 : i32 to index
        %get3A_3292 = arith.constant 1008 : index
        %get3A_3293 = tpu.vector_load %arg6[%get3A_3291, %get3A_3292] {strides = array<i32>} : memref<17x4096xf32, #tpu.memory_space<vmem>>, vector<1x16xf32>,
        %get3A_3294 = vector.shape_cast %get3A_3293 : vector<1x16xf32> to vector<16xf32>
        %add3A_3295 = arith.addf %get3A_3290, %get3A_3294 : vector<16xf32>
        %get3A_3296 = arith.index_cast %select_n3A_1667 : i32 to index
        %get3A_3297 = arith.constant 1520 : index
        %get3A_3298 = tpu.vector_load %arg6[%get3A_3296, %get3A_3297] {strides = array<i32>} : memref<17x4096xf32, #tpu.memory_space<vmem>>, vector<1x16xf32>,
        %get3A_3299 = vector.shape_cast %get3A_3298 : vector<1x16xf32> to vector<16xf32>
        %get3A_3300 = arith.index_cast %select_n3A_1681 : i32 to index
        %get3A_3301 = arith.constant 2032 : index
        %get3A_3302 = tpu.vector_load %arg6[%get3A_3300, %get3A_3301] {strides = array<i32>} : memref<17x4096xf32, #tpu.memory_space<vmem>>, vector<1x16xf32>,
        %get3A_3303 = vector.shape_cast %get3A_3302 : vector<1x16xf32> to vector<16xf32>
        %add3A_3304 = arith.addf %get3A_3299, %get3A_3303 : vector<16xf32>
        %get3A_3305 = arith.index_cast %select_n3A_1695 : i32 to index
        %get3A_3306 = arith.constant 2544 : index
        %get3A_3307 = tpu.vector_load %arg6[%get3A_3305, %get3A_3306] {strides = array<i32>} : memref<17x4096xf32, #tpu.memory_space<vmem>>, vector<1x16xf32>,
        %get3A_3308 = vector.shape_cast %get3A_3307 : vector<1x16xf32> to vector<16xf32>
        %get3A_3309 = arith.index_cast %select_n3A_1709 : i32 to index
        %get3A_3310 = arith.constant 3056 : index
        %get3A_3311 = tpu.vector_load %arg6[%get3A_3309, %get3A_3310] {strides = array<i32>} : memref<17x4096xf32, #tpu.memory_space<vmem>>, vector<1x16xf32>,
        %get3A_3312 = vector.shape_cast %get3A_3311 : vector<1x16xf32> to vector<16xf32>
        %add3A_3313 = arith.addf %get3A_3308, %get3A_3312 : vector<16xf32>
        %get3A_3314 = arith.index_cast %select_n3A_1723 : i32 to index
        %get3A_3315 = arith.constant 3568 : index
        %get3A_3316 = tpu.vector_load %arg6[%get3A_3314, %get3A_3315] {strides = array<i32>} : memref<17x4096xf32, #tpu.memory_space<vmem>>, vector<1x16xf32>,
        %get3A_3317 = vector.shape_cast %get3A_3316 : vector<1x16xf32> to vector<16xf32>
        %get3A_3318 = arith.index_cast %select_n3A_1737 : i32 to index
        %get3A_3319 = arith.constant 4080 : index
        %get3A_3320 = tpu.vector_load %arg6[%get3A_3318, %get3A_3319] {strides = array<i32>} : memref<17x4096xf32, #tpu.memory_space<vmem>>, vector<1x16xf32>,
        %get3A_3321 = vector.shape_cast %get3A_3320 : vector<1x16xf32> to vector<16xf32>
        %add3A_3322 = arith.addf %get3A_3317, %get3A_3321 : vector<16xf32>
        %add3A_3323 = arith.addf %add3A_3295, %add3A_3304 : vector<16xf32>
        %add3A_3324 = arith.addf %add3A_3313, %add3A_3322 : vector<16xf32>
        %add3A_3325 = arith.addf %add3A_3323, %add3A_3324 : vector<16xf32>
        %mul3A_3326 = arith.constant 1.250000e-01 : f32
        %mul3A_3327 = vector.broadcast %mul3A_3326 : f32 to vector<16xf32>
        %mul3A_3328 = arith.mulf %add3A_3325, %mul3A_3327 : vector<16xf32>
        %mul3A_3329 = arith.constant 512 : i32
        %mul3A_3330 = arith.muli %scan3A_1625, %mul3A_3329 : i32
        %add3A_3331 = arith.constant 496 : i32
        %add3A_3332 = arith.addi %mul3A_3330, %add3A_3331 : i32
        %swap3A_3333 = arith.index_cast %add3A_3332 : i32 to index
        %swap3A_3334 = tpu.vector_load %arg8[%swap3A_3333] {strides = array<i32>} : memref<4608xf32, #tpu.memory_space<vmem>>, vector<16xf32>,
        %swap3A_3335 = vector.shape_cast %swap3A_3334 : vector<16xf32> to vector<16xf32>
        %swap3A_3336 = vector.shape_cast %mul3A_3328 : vector<16xf32> to vector<16xf32>
        tpu.vector_store %arg8[%swap3A_3333], %swap3A_3336 {strides = array<i32>} : memref<4608xf32, #tpu.memory_space<vmem>>, vector<16xf32>,
        %lt3A_3337 = arith.constant 7 : i32
        %lt3A_3338 = arith.cmpi slt, %add3A_1626, %lt3A_3337 : i32
        %convert_element_type3A_3339 = arith.extui %lt3A_3338 : i1 to i32
        %cond3A_3340 = arith.constant 0 : i32
        %cond3A_3341 = arith.cmpi ne, %convert_element_type3A_3339, %cond3A_3340 : i32
        scf.if %cond3A_3341 {
          %mul3A_3342 = arith.constant 512 : i32
          %mul3A_3343 = arith.muli %scan3A_1625, %mul3A_3342 : i32
          %add3A_3344 = arith.constant 0 : i32
          %add3A_3345 = arith.addi %mul3A_3343, %add3A_3344 : i32
          %get3A_3346 = arith.index_cast %add3A_3345 : i32 to index
          %get3A_3347 = tpu.vector_load %arg8[%get3A_3346] {strides = array<i32>} : memref<4608xf32, #tpu.memory_space<vmem>>, vector<16xf32>,
          %get3A_3348 = vector.shape_cast %get3A_3347 : vector<16xf32> to vector<16xf32>
          %mul3A_3349 = arith.constant 512 : i32
          %mul3A_3350 = arith.muli %add3A_1626, %mul3A_3349 : i32
          %add3A_3351 = arith.constant 0 : i32
          %add3A_3352 = arith.addi %mul3A_3350, %add3A_3351 : i32
          %get3A_3353 = arith.index_cast %add3A_3352 : i32 to index
          %get3A_3354 = tpu.vector_load %arg7[%get3A_3353] {strides = array<i32>} : memref<3584xf32, #tpu.memory_space<vmem>>, vector<16xf32>,
          %get3A_3355 = vector.shape_cast %get3A_3354 : vector<16xf32> to vector<16xf32>
          %add3A_3356 = arith.addf %get3A_3348, %get3A_3355 : vector<16xf32>
          %swap3A_3357 = arith.index_cast %add3A_3345 : i32 to index
          %swap3A_3358 = tpu.vector_load %arg8[%swap3A_3357] {strides = array<i32>} : memref<4608xf32, #tpu.memory_space<vmem>>, vector<16xf32>,
          %swap3A_3359 = vector.shape_cast %swap3A_3358 : vector<16xf32> to vector<16xf32>
          %swap3A_3360 = vector.shape_cast %add3A_3356 : vector<16xf32> to vector<16xf32>
          tpu.vector_store %arg8[%swap3A_3357], %swap3A_3360 {strides = array<i32>} : memref<4608xf32, #tpu.memory_space<vmem>>, vector<16xf32>,
          %mul3A_3361 = arith.constant 512 : i32
          %mul3A_3362 = arith.muli %scan3A_1625, %mul3A_3361 : i32
          %add3A_3363 = arith.constant 16 : i32
          %add3A_3364 = arith.addi %mul3A_3362, %add3A_3363 : i32
          %get3A_3365 = arith.index_cast %add3A_3364 : i32 to index
          %get3A_3366 = tpu.vector_load %arg8[%get3A_3365] {strides = array<i32>} : memref<4608xf32, #tpu.memory_space<vmem>>, vector<16xf32>,
          %get3A_3367 = vector.shape_cast %get3A_3366 : vector<16xf32> to vector<16xf32>
          %mul3A_3368 = arith.constant 512 : i32
          %mul3A_3369 = arith.muli %add3A_1626, %mul3A_3368 : i32
          %add3A_3370 = arith.constant 16 : i32
          %add3A_3371 = arith.addi %mul3A_3369, %add3A_3370 : i32
          %get3A_3372 = arith.index_cast %add3A_3371 : i32 to index
          %get3A_3373 = tpu.vector_load %arg7[%get3A_3372] {strides = array<i32>} : memref<3584xf32, #tpu.memory_space<vmem>>, vector<16xf32>,
          %get3A_3374 = vector.shape_cast %get3A_3373 : vector<16xf32> to vector<16xf32>
          %add3A_3375 = arith.addf %get3A_3367, %get3A_3374 : vector<16xf32>
          %swap3A_3376 = arith.index_cast %add3A_3364 : i32 to index
          %swap3A_3377 = tpu.vector_load %arg8[%swap3A_3376] {strides = array<i32>} : memref<4608xf32, #tpu.memory_space<vmem>>, vector<16xf32>,
          %swap3A_3378 = vector.shape_cast %swap3A_3377 : vector<16xf32> to vector<16xf32>
          %swap3A_3379 = vector.shape_cast %add3A_3375 : vector<16xf32> to vector<16xf32>
          tpu.vector_store %arg8[%swap3A_3376], %swap3A_3379 {strides = array<i32>} : memref<4608xf32, #tpu.memory_space<vmem>>, vector<16xf32>,
          %mul3A_3380 = arith.constant 512 : i32
          %mul3A_3381 = arith.muli %scan3A_1625, %mul3A_3380 : i32
          %add3A_3382 = arith.constant 32 : i32
          %add3A_3383 = arith.addi %mul3A_3381, %add3A_3382 : i32
          %get3A_3384 = arith.index_cast %add3A_3383 : i32 to index
          %get3A_3385 = tpu.vector_load %arg8[%get3A_3384] {strides = array<i32>} : memref<4608xf32, #tpu.memory_space<vmem>>, vector<16xf32>,
          %get3A_3386 = vector.shape_cast %get3A_3385 : vector<16xf32> to vector<16xf32>
          %mul3A_3387 = arith.constant 512 : i32
          %mul3A_3388 = arith.muli %add3A_1626, %mul3A_3387 : i32
          %add3A_3389 = arith.constant 32 : i32
          %add3A_3390 = arith.addi %mul3A_3388, %add3A_3389 : i32
          %get3A_3391 = arith.index_cast %add3A_3390 : i32 to index
          %get3A_3392 = tpu.vector_load %arg7[%get3A_3391] {strides = array<i32>} : memref<3584xf32, #tpu.memory_space<vmem>>, vector<16xf32>,
          %get3A_3393 = vector.shape_cast %get3A_3392 : vector<16xf32> to vector<16xf32>
          %add3A_3394 = arith.addf %get3A_3386, %get3A_3393 : vector<16xf32>
          %swap3A_3395 = arith.index_cast %add3A_3383 : i32 to index
          %swap3A_3396 = tpu.vector_load %arg8[%swap3A_3395] {strides = array<i32>} : memref<4608xf32, #tpu.memory_space<vmem>>, vector<16xf32>,
          %swap3A_3397 = vector.shape_cast %swap3A_3396 : vector<16xf32> to vector<16xf32>
          %swap3A_3398 = vector.shape_cast %add3A_3394 : vector<16xf32> to vector<16xf32>
          tpu.vector_store %arg8[%swap3A_3395], %swap3A_3398 {strides = array<i32>} : memref<4608xf32, #tpu.memory_space<vmem>>, vector<16xf32>,
          %mul3A_3399 = arith.constant 512 : i32
          %mul3A_3400 = arith.muli %scan3A_1625, %mul3A_3399 : i32
          %add3A_3401 = arith.constant 48 : i32
          %add3A_3402 = arith.addi %mul3A_3400, %add3A_3401 : i32
          %get3A_3403 = arith.index_cast %add3A_3402 : i32 to index
          %get3A_3404 = tpu.vector_load %arg8[%get3A_3403] {strides = array<i32>} : memref<4608xf32, #tpu.memory_space<vmem>>, vector<16xf32>,
          %get3A_3405 = vector.shape_cast %get3A_3404 : vector<16xf32> to vector<16xf32>
          %mul3A_3406 = arith.constant 512 : i32
          %mul3A_3407 = arith.muli %add3A_1626, %mul3A_3406 : i32
          %add3A_3408 = arith.constant 48 : i32
          %add3A_3409 = arith.addi %mul3A_3407, %add3A_3408 : i32
          %get3A_3410 = arith.index_cast %add3A_3409 : i32 to index
          %get3A_3411 = tpu.vector_load %arg7[%get3A_3410] {strides = array<i32>} : memref<3584xf32, #tpu.memory_space<vmem>>, vector<16xf32>,
          %get3A_3412 = vector.shape_cast %get3A_3411 : vector<16xf32> to vector<16xf32>
          %add3A_3413 = arith.addf %get3A_3405, %get3A_3412 : vector<16xf32>
          %swap3A_3414 = arith.index_cast %add3A_3402 : i32 to index
          %swap3A_3415 = tpu.vector_load %arg8[%swap3A_3414] {strides = array<i32>} : memref<4608xf32, #tpu.memory_space<vmem>>, vector<16xf32>,
          %swap3A_3416 = vector.shape_cast %swap3A_3415 : vector<16xf32> to vector<16xf32>
          %swap3A_3417 = vector.shape_cast %add3A_3413 : vector<16xf32> to vector<16xf32>
          tpu.vector_store %arg8[%swap3A_3414], %swap3A_3417 {strides = array<i32>} : memref<4608xf32, #tpu.memory_space<vmem>>, vector<16xf32>,
          %mul3A_3418 = arith.constant 512 : i32
          %mul3A_3419 = arith.muli %scan3A_1625, %mul3A_3418 : i32
          %add3A_3420 = arith.constant 64 : i32
          %add3A_3421 = arith.addi %mul3A_3419, %add3A_3420 : i32
          %get3A_3422 = arith.index_cast %add3A_3421 : i32 to index
          %get3A_3423 = tpu.vector_load %arg8[%get3A_3422] {strides = array<i32>} : memref<4608xf32, #tpu.memory_space<vmem>>, vector<16xf32>,
          %get3A_3424 = vector.shape_cast %get3A_3423 : vector<16xf32> to vector<16xf32>
          %mul3A_3425 = arith.constant 512 : i32
          %mul3A_3426 = arith.muli %add3A_1626, %mul3A_3425 : i32
          %add3A_3427 = arith.constant 64 : i32
          %add3A_3428 = arith.addi %mul3A_3426, %add3A_3427 : i32
          %get3A_3429 = arith.index_cast %add3A_3428 : i32 to index
          %get3A_3430 = tpu.vector_load %arg7[%get3A_3429] {strides = array<i32>} : memref<3584xf32, #tpu.memory_space<vmem>>, vector<16xf32>,
          %get3A_3431 = vector.shape_cast %get3A_3430 : vector<16xf32> to vector<16xf32>
          %add3A_3432 = arith.addf %get3A_3424, %get3A_3431 : vector<16xf32>
          %swap3A_3433 = arith.index_cast %add3A_3421 : i32 to index
          %swap3A_3434 = tpu.vector_load %arg8[%swap3A_3433] {strides = array<i32>} : memref<4608xf32, #tpu.memory_space<vmem>>, vector<16xf32>,
          %swap3A_3435 = vector.shape_cast %swap3A_3434 : vector<16xf32> to vector<16xf32>
          %swap3A_3436 = vector.shape_cast %add3A_3432 : vector<16xf32> to vector<16xf32>
          tpu.vector_store %arg8[%swap3A_3433], %swap3A_3436 {strides = array<i32>} : memref<4608xf32, #tpu.memory_space<vmem>>, vector<16xf32>,
          %mul3A_3437 = arith.constant 512 : i32
          %mul3A_3438 = arith.muli %scan3A_1625, %mul3A_3437 : i32
          %add3A_3439 = arith.constant 80 : i32
          %add3A_3440 = arith.addi %mul3A_3438, %add3A_3439 : i32
          %get3A_3441 = arith.index_cast %add3A_3440 : i32 to index
          %get3A_3442 = tpu.vector_load %arg8[%get3A_3441] {strides = array<i32>} : memref<4608xf32, #tpu.memory_space<vmem>>, vector<16xf32>,
          %get3A_3443 = vector.shape_cast %get3A_3442 : vector<16xf32> to vector<16xf32>
          %mul3A_3444 = arith.constant 512 : i32
          %mul3A_3445 = arith.muli %add3A_1626, %mul3A_3444 : i32
          %add3A_3446 = arith.constant 80 : i32
          %add3A_3447 = arith.addi %mul3A_3445, %add3A_3446 : i32
          %get3A_3448 = arith.index_cast %add3A_3447 : i32 to index
          %get3A_3449 = tpu.vector_load %arg7[%get3A_3448] {strides = array<i32>} : memref<3584xf32, #tpu.memory_space<vmem>>, vector<16xf32>,
          %get3A_3450 = vector.shape_cast %get3A_3449 : vector<16xf32> to vector<16xf32>
          %add3A_3451 = arith.addf %get3A_3443, %get3A_3450 : vector<16xf32>
          %swap3A_3452 = arith.index_cast %add3A_3440 : i32 to index
          %swap3A_3453 = tpu.vector_load %arg8[%swap3A_3452] {strides = array<i32>} : memref<4608xf32, #tpu.memory_space<vmem>>, vector<16xf32>,
          %swap3A_3454 = vector.shape_cast %swap3A_3453 : vector<16xf32> to vector<16xf32>
          %swap3A_3455 = vector.shape_cast %add3A_3451 : vector<16xf32> to vector<16xf32>
          tpu.vector_store %arg8[%swap3A_3452], %swap3A_3455 {strides = array<i32>} : memref<4608xf32, #tpu.memory_space<vmem>>, vector<16xf32>,
          %mul3A_3456 = arith.constant 512 : i32
          %mul3A_3457 = arith.muli %scan3A_1625, %mul3A_3456 : i32
          %add3A_3458 = arith.constant 96 : i32
          %add3A_3459 = arith.addi %mul3A_3457, %add3A_3458 : i32
          %get3A_3460 = arith.index_cast %add3A_3459 : i32 to index
          %get3A_3461 = tpu.vector_load %arg8[%get3A_3460] {strides = array<i32>} : memref<4608xf32, #tpu.memory_space<vmem>>, vector<16xf32>,
          %get3A_3462 = vector.shape_cast %get3A_3461 : vector<16xf32> to vector<16xf32>
          %mul3A_3463 = arith.constant 512 : i32
          %mul3A_3464 = arith.muli %add3A_1626, %mul3A_3463 : i32
          %add3A_3465 = arith.constant 96 : i32
          %add3A_3466 = arith.addi %mul3A_3464, %add3A_3465 : i32
          %get3A_3467 = arith.index_cast %add3A_3466 : i32 to index
          %get3A_3468 = tpu.vector_load %arg7[%get3A_3467] {strides = array<i32>} : memref<3584xf32, #tpu.memory_space<vmem>>, vector<16xf32>,
          %get3A_3469 = vector.shape_cast %get3A_3468 : vector<16xf32> to vector<16xf32>
          %add3A_3470 = arith.addf %get3A_3462, %get3A_3469 : vector<16xf32>
          %swap3A_3471 = arith.index_cast %add3A_3459 : i32 to index
          %swap3A_3472 = tpu.vector_load %arg8[%swap3A_3471] {strides = array<i32>} : memref<4608xf32, #tpu.memory_space<vmem>>, vector<16xf32>,
          %swap3A_3473 = vector.shape_cast %swap3A_3472 : vector<16xf32> to vector<16xf32>
          %swap3A_3474 = vector.shape_cast %add3A_3470 : vector<16xf32> to vector<16xf32>
          tpu.vector_store %arg8[%swap3A_3471], %swap3A_3474 {strides = array<i32>} : memref<4608xf32, #tpu.memory_space<vmem>>, vector<16xf32>,
          %mul3A_3475 = arith.constant 512 : i32
          %mul3A_3476 = arith.muli %scan3A_1625, %mul3A_3475 : i32
          %add3A_3477 = arith.constant 112 : i32
          %add3A_3478 = arith.addi %mul3A_3476, %add3A_3477 : i32
          %get3A_3479 = arith.index_cast %add3A_3478 : i32 to index
          %get3A_3480 = tpu.vector_load %arg8[%get3A_3479] {strides = array<i32>} : memref<4608xf32, #tpu.memory_space<vmem>>, vector<16xf32>,
          %get3A_3481 = vector.shape_cast %get3A_3480 : vector<16xf32> to vector<16xf32>
          %mul3A_3482 = arith.constant 512 : i32
          %mul3A_3483 = arith.muli %add3A_1626, %mul3A_3482 : i32
          %add3A_3484 = arith.constant 112 : i32
          %add3A_3485 = arith.addi %mul3A_3483, %add3A_3484 : i32
          %get3A_3486 = arith.index_cast %add3A_3485 : i32 to index
          %get3A_3487 = tpu.vector_load %arg7[%get3A_3486] {strides = array<i32>} : memref<3584xf32, #tpu.memory_space<vmem>>, vector<16xf32>,
          %get3A_3488 = vector.shape_cast %get3A_3487 : vector<16xf32> to vector<16xf32>
          %add3A_3489 = arith.addf %get3A_3481, %get3A_3488 : vector<16xf32>
          %swap3A_3490 = arith.index_cast %add3A_3478 : i32 to index
          %swap3A_3491 = tpu.vector_load %arg8[%swap3A_3490] {strides = array<i32>} : memref<4608xf32, #tpu.memory_space<vmem>>, vector<16xf32>,
          %swap3A_3492 = vector.shape_cast %swap3A_3491 : vector<16xf32> to vector<16xf32>
          %swap3A_3493 = vector.shape_cast %add3A_3489 : vector<16xf32> to vector<16xf32>
          tpu.vector_store %arg8[%swap3A_3490], %swap3A_3493 {strides = array<i32>} : memref<4608xf32, #tpu.memory_space<vmem>>, vector<16xf32>,
          %mul3A_3494 = arith.constant 512 : i32
          %mul3A_3495 = arith.muli %scan3A_1625, %mul3A_3494 : i32
          %add3A_3496 = arith.constant 128 : i32
          %add3A_3497 = arith.addi %mul3A_3495, %add3A_3496 : i32
          %get3A_3498 = arith.index_cast %add3A_3497 : i32 to index
          %get3A_3499 = tpu.vector_load %arg8[%get3A_3498] {strides = array<i32>} : memref<4608xf32, #tpu.memory_space<vmem>>, vector<16xf32>,
          %get3A_3500 = vector.shape_cast %get3A_3499 : vector<16xf32> to vector<16xf32>
          %mul3A_3501 = arith.constant 512 : i32
          %mul3A_3502 = arith.muli %add3A_1626, %mul3A_3501 : i32
          %add3A_3503 = arith.constant 128 : i32
          %add3A_3504 = arith.addi %mul3A_3502, %add3A_3503 : i32
          %get3A_3505 = arith.index_cast %add3A_3504 : i32 to index
          %get3A_3506 = tpu.vector_load %arg7[%get3A_3505] {strides = array<i32>} : memref<3584xf32, #tpu.memory_space<vmem>>, vector<16xf32>,
          %get3A_3507 = vector.shape_cast %get3A_3506 : vector<16xf32> to vector<16xf32>
          %add3A_3508 = arith.addf %get3A_3500, %get3A_3507 : vector<16xf32>
          %swap3A_3509 = arith.index_cast %add3A_3497 : i32 to index
          %swap3A_3510 = tpu.vector_load %arg8[%swap3A_3509] {strides = array<i32>} : memref<4608xf32, #tpu.memory_space<vmem>>, vector<16xf32>,
          %swap3A_3511 = vector.shape_cast %swap3A_3510 : vector<16xf32> to vector<16xf32>
          %swap3A_3512 = vector.shape_cast %add3A_3508 : vector<16xf32> to vector<16xf32>
          tpu.vector_store %arg8[%swap3A_3509], %swap3A_3512 {strides = array<i32>} : memref<4608xf32, #tpu.memory_space<vmem>>, vector<16xf32>,
          %mul3A_3513 = arith.constant 512 : i32
          %mul3A_3514 = arith.muli %scan3A_1625, %mul3A_3513 : i32
          %add3A_3515 = arith.constant 144 : i32
          %add3A_3516 = arith.addi %mul3A_3514, %add3A_3515 : i32
          %get3A_3517 = arith.index_cast %add3A_3516 : i32 to index
          %get3A_3518 = tpu.vector_load %arg8[%get3A_3517] {strides = array<i32>} : memref<4608xf32, #tpu.memory_space<vmem>>, vector<16xf32>,
          %get3A_3519 = vector.shape_cast %get3A_3518 : vector<16xf32> to vector<16xf32>
          %mul3A_3520 = arith.constant 512 : i32
          %mul3A_3521 = arith.muli %add3A_1626, %mul3A_3520 : i32
          %add3A_3522 = arith.constant 144 : i32
          %add3A_3523 = arith.addi %mul3A_3521, %add3A_3522 : i32
          %get3A_3524 = arith.index_cast %add3A_3523 : i32 to index
          %get3A_3525 = tpu.vector_load %arg7[%get3A_3524] {strides = array<i32>} : memref<3584xf32, #tpu.memory_space<vmem>>, vector<16xf32>,
          %get3A_3526 = vector.shape_cast %get3A_3525 : vector<16xf32> to vector<16xf32>
          %add3A_3527 = arith.addf %get3A_3519, %get3A_3526 : vector<16xf32>
          %swap3A_3528 = arith.index_cast %add3A_3516 : i32 to index
          %swap3A_3529 = tpu.vector_load %arg8[%swap3A_3528] {strides = array<i32>} : memref<4608xf32, #tpu.memory_space<vmem>>, vector<16xf32>,
          %swap3A_3530 = vector.shape_cast %swap3A_3529 : vector<16xf32> to vector<16xf32>
          %swap3A_3531 = vector.shape_cast %add3A_3527 : vector<16xf32> to vector<16xf32>
          tpu.vector_store %arg8[%swap3A_3528], %swap3A_3531 {strides = array<i32>} : memref<4608xf32, #tpu.memory_space<vmem>>, vector<16xf32>,
          %mul3A_3532 = arith.constant 512 : i32
          %mul3A_3533 = arith.muli %scan3A_1625, %mul3A_3532 : i32
          %add3A_3534 = arith.constant 160 : i32
          %add3A_3535 = arith.addi %mul3A_3533, %add3A_3534 : i32
          %get3A_3536 = arith.index_cast %add3A_3535 : i32 to index
          %get3A_3537 = tpu.vector_load %arg8[%get3A_3536] {strides = array<i32>} : memref<4608xf32, #tpu.memory_space<vmem>>, vector<16xf32>,
          %get3A_3538 = vector.shape_cast %get3A_3537 : vector<16xf32> to vector<16xf32>
          %mul3A_3539 = arith.constant 512 : i32
          %mul3A_3540 = arith.muli %add3A_1626, %mul3A_3539 : i32
          %add3A_3541 = arith.constant 160 : i32
          %add3A_3542 = arith.addi %mul3A_3540, %add3A_3541 : i32
          %get3A_3543 = arith.index_cast %add3A_3542 : i32 to index
          %get3A_3544 = tpu.vector_load %arg7[%get3A_3543] {strides = array<i32>} : memref<3584xf32, #tpu.memory_space<vmem>>, vector<16xf32>,
          %get3A_3545 = vector.shape_cast %get3A_3544 : vector<16xf32> to vector<16xf32>
          %add3A_3546 = arith.addf %get3A_3538, %get3A_3545 : vector<16xf32>
          %swap3A_3547 = arith.index_cast %add3A_3535 : i32 to index
          %swap3A_3548 = tpu.vector_load %arg8[%swap3A_3547] {strides = array<i32>} : memref<4608xf32, #tpu.memory_space<vmem>>, vector<16xf32>,
          %swap3A_3549 = vector.shape_cast %swap3A_3548 : vector<16xf32> to vector<16xf32>
          %swap3A_3550 = vector.shape_cast %add3A_3546 : vector<16xf32> to vector<16xf32>
          tpu.vector_store %arg8[%swap3A_3547], %swap3A_3550 {strides = array<i32>} : memref<4608xf32, #tpu.memory_space<vmem>>, vector<16xf32>,
          %mul3A_3551 = arith.constant 512 : i32
          %mul3A_3552 = arith.muli %scan3A_1625, %mul3A_3551 : i32
          %add3A_3553 = arith.constant 176 : i32
          %add3A_3554 = arith.addi %mul3A_3552, %add3A_3553 : i32
          %get3A_3555 = arith.index_cast %add3A_3554 : i32 to index
          %get3A_3556 = tpu.vector_load %arg8[%get3A_3555] {strides = array<i32>} : memref<4608xf32, #tpu.memory_space<vmem>>, vector<16xf32>,
          %get3A_3557 = vector.shape_cast %get3A_3556 : vector<16xf32> to vector<16xf32>
          %mul3A_3558 = arith.constant 512 : i32
          %mul3A_3559 = arith.muli %add3A_1626, %mul3A_3558 : i32
          %add3A_3560 = arith.constant 176 : i32
          %add3A_3561 = arith.addi %mul3A_3559, %add3A_3560 : i32
          %get3A_3562 = arith.index_cast %add3A_3561 : i32 to index
          %get3A_3563 = tpu.vector_load %arg7[%get3A_3562] {strides = array<i32>} : memref<3584xf32, #tpu.memory_space<vmem>>, vector<16xf32>,
          %get3A_3564 = vector.shape_cast %get3A_3563 : vector<16xf32> to vector<16xf32>
          %add3A_3565 = arith.addf %get3A_3557, %get3A_3564 : vector<16xf32>
          %swap3A_3566 = arith.index_cast %add3A_3554 : i32 to index
          %swap3A_3567 = tpu.vector_load %arg8[%swap3A_3566] {strides = array<i32>} : memref<4608xf32, #tpu.memory_space<vmem>>, vector<16xf32>,
          %swap3A_3568 = vector.shape_cast %swap3A_3567 : vector<16xf32> to vector<16xf32>
          %swap3A_3569 = vector.shape_cast %add3A_3565 : vector<16xf32> to vector<16xf32>
          tpu.vector_store %arg8[%swap3A_3566], %swap3A_3569 {strides = array<i32>} : memref<4608xf32, #tpu.memory_space<vmem>>, vector<16xf32>,
          %mul3A_3570 = arith.constant 512 : i32
          %mul3A_3571 = arith.muli %scan3A_1625, %mul3A_3570 : i32
          %add3A_3572 = arith.constant 192 : i32
          %add3A_3573 = arith.addi %mul3A_3571, %add3A_3572 : i32
          %get3A_3574 = arith.index_cast %add3A_3573 : i32 to index
          %get3A_3575 = tpu.vector_load %arg8[%get3A_3574] {strides = array<i32>} : memref<4608xf32, #tpu.memory_space<vmem>>, vector<16xf32>,
          %get3A_3576 = vector.shape_cast %get3A_3575 : vector<16xf32> to vector<16xf32>
          %mul3A_3577 = arith.constant 512 : i32
          %mul3A_3578 = arith.muli %add3A_1626, %mul3A_3577 : i32
          %add3A_3579 = arith.constant 192 : i32
          %add3A_3580 = arith.addi %mul3A_3578, %add3A_3579 : i32
          %get3A_3581 = arith.index_cast %add3A_3580 : i32 to index
          %get3A_3582 = tpu.vector_load %arg7[%get3A_3581] {strides = array<i32>} : memref<3584xf32, #tpu.memory_space<vmem>>, vector<16xf32>,
          %get3A_3583 = vector.shape_cast %get3A_3582 : vector<16xf32> to vector<16xf32>
          %add3A_3584 = arith.addf %get3A_3576, %get3A_3583 : vector<16xf32>
          %swap3A_3585 = arith.index_cast %add3A_3573 : i32 to index
          %swap3A_3586 = tpu.vector_load %arg8[%swap3A_3585] {strides = array<i32>} : memref<4608xf32, #tpu.memory_space<vmem>>, vector<16xf32>,
          %swap3A_3587 = vector.shape_cast %swap3A_3586 : vector<16xf32> to vector<16xf32>
          %swap3A_3588 = vector.shape_cast %add3A_3584 : vector<16xf32> to vector<16xf32>
          tpu.vector_store %arg8[%swap3A_3585], %swap3A_3588 {strides = array<i32>} : memref<4608xf32, #tpu.memory_space<vmem>>, vector<16xf32>,
          %mul3A_3589 = arith.constant 512 : i32
          %mul3A_3590 = arith.muli %scan3A_1625, %mul3A_3589 : i32
          %add3A_3591 = arith.constant 208 : i32
          %add3A_3592 = arith.addi %mul3A_3590, %add3A_3591 : i32
          %get3A_3593 = arith.index_cast %add3A_3592 : i32 to index
          %get3A_3594 = tpu.vector_load %arg8[%get3A_3593] {strides = array<i32>} : memref<4608xf32, #tpu.memory_space<vmem>>, vector<16xf32>,
          %get3A_3595 = vector.shape_cast %get3A_3594 : vector<16xf32> to vector<16xf32>
          %mul3A_3596 = arith.constant 512 : i32
          %mul3A_3597 = arith.muli %add3A_1626, %mul3A_3596 : i32
          %add3A_3598 = arith.constant 208 : i32
          %add3A_3599 = arith.addi %mul3A_3597, %add3A_3598 : i32
          %get3A_3600 = arith.index_cast %add3A_3599 : i32 to index
          %get3A_3601 = tpu.vector_load %arg7[%get3A_3600] {strides = array<i32>} : memref<3584xf32, #tpu.memory_space<vmem>>, vector<16xf32>,
          %get3A_3602 = vector.shape_cast %get3A_3601 : vector<16xf32> to vector<16xf32>
          %add3A_3603 = arith.addf %get3A_3595, %get3A_3602 : vector<16xf32>
          %swap3A_3604 = arith.index_cast %add3A_3592 : i32 to index
          %swap3A_3605 = tpu.vector_load %arg8[%swap3A_3604] {strides = array<i32>} : memref<4608xf32, #tpu.memory_space<vmem>>, vector<16xf32>,
          %swap3A_3606 = vector.shape_cast %swap3A_3605 : vector<16xf32> to vector<16xf32>
          %swap3A_3607 = vector.shape_cast %add3A_3603 : vector<16xf32> to vector<16xf32>
          tpu.vector_store %arg8[%swap3A_3604], %swap3A_3607 {strides = array<i32>} : memref<4608xf32, #tpu.memory_space<vmem>>, vector<16xf32>,
          %mul3A_3608 = arith.constant 512 : i32
          %mul3A_3609 = arith.muli %scan3A_1625, %mul3A_3608 : i32
          %add3A_3610 = arith.constant 224 : i32
          %add3A_3611 = arith.addi %mul3A_3609, %add3A_3610 : i32
          %get3A_3612 = arith.index_cast %add3A_3611 : i32 to index
          %get3A_3613 = tpu.vector_load %arg8[%get3A_3612] {strides = array<i32>} : memref<4608xf32, #tpu.memory_space<vmem>>, vector<16xf32>,
          %get3A_3614 = vector.shape_cast %get3A_3613 : vector<16xf32> to vector<16xf32>
          %mul3A_3615 = arith.constant 512 : i32
          %mul3A_3616 = arith.muli %add3A_1626, %mul3A_3615 : i32
          %add3A_3617 = arith.constant 224 : i32
          %add3A_3618 = arith.addi %mul3A_3616, %add3A_3617 : i32
          %get3A_3619 = arith.index_cast %add3A_3618 : i32 to index
          %get3A_3620 = tpu.vector_load %arg7[%get3A_3619] {strides = array<i32>} : memref<3584xf32, #tpu.memory_space<vmem>>, vector<16xf32>,
          %get3A_3621 = vector.shape_cast %get3A_3620 : vector<16xf32> to vector<16xf32>
          %add3A_3622 = arith.addf %get3A_3614, %get3A_3621 : vector<16xf32>
          %swap3A_3623 = arith.index_cast %add3A_3611 : i32 to index
          %swap3A_3624 = tpu.vector_load %arg8[%swap3A_3623] {strides = array<i32>} : memref<4608xf32, #tpu.memory_space<vmem>>, vector<16xf32>,
          %swap3A_3625 = vector.shape_cast %swap3A_3624 : vector<16xf32> to vector<16xf32>
          %swap3A_3626 = vector.shape_cast %add3A_3622 : vector<16xf32> to vector<16xf32>
          tpu.vector_store %arg8[%swap3A_3623], %swap3A_3626 {strides = array<i32>} : memref<4608xf32, #tpu.memory_space<vmem>>, vector<16xf32>,
          %mul3A_3627 = arith.constant 512 : i32
          %mul3A_3628 = arith.muli %scan3A_1625, %mul3A_3627 : i32
          %add3A_3629 = arith.constant 240 : i32
          %add3A_3630 = arith.addi %mul3A_3628, %add3A_3629 : i32
          %get3A_3631 = arith.index_cast %add3A_3630 : i32 to index
          %get3A_3632 = tpu.vector_load %arg8[%get3A_3631] {strides = array<i32>} : memref<4608xf32, #tpu.memory_space<vmem>>, vector<16xf32>,
          %get3A_3633 = vector.shape_cast %get3A_3632 : vector<16xf32> to vector<16xf32>
          %mul3A_3634 = arith.constant 512 : i32
          %mul3A_3635 = arith.muli %add3A_1626, %mul3A_3634 : i32
          %add3A_3636 = arith.constant 240 : i32
          %add3A_3637 = arith.addi %mul3A_3635, %add3A_3636 : i32
          %get3A_3638 = arith.index_cast %add3A_3637 : i32 to index
          %get3A_3639 = tpu.vector_load %arg7[%get3A_3638] {strides = array<i32>} : memref<3584xf32, #tpu.memory_space<vmem>>, vector<16xf32>,
          %get3A_3640 = vector.shape_cast %get3A_3639 : vector<16xf32> to vector<16xf32>
          %add3A_3641 = arith.addf %get3A_3633, %get3A_3640 : vector<16xf32>
          %swap3A_3642 = arith.index_cast %add3A_3630 : i32 to index
          %swap3A_3643 = tpu.vector_load %arg8[%swap3A_3642] {strides = array<i32>} : memref<4608xf32, #tpu.memory_space<vmem>>, vector<16xf32>,
          %swap3A_3644 = vector.shape_cast %swap3A_3643 : vector<16xf32> to vector<16xf32>
          %swap3A_3645 = vector.shape_cast %add3A_3641 : vector<16xf32> to vector<16xf32>
          tpu.vector_store %arg8[%swap3A_3642], %swap3A_3645 {strides = array<i32>} : memref<4608xf32, #tpu.memory_space<vmem>>, vector<16xf32>,
          %mul3A_3646 = arith.constant 512 : i32
          %mul3A_3647 = arith.muli %scan3A_1625, %mul3A_3646 : i32
          %add3A_3648 = arith.constant 256 : i32
          %add3A_3649 = arith.addi %mul3A_3647, %add3A_3648 : i32
          %get3A_3650 = arith.index_cast %add3A_3649 : i32 to index
          %get3A_3651 = tpu.vector_load %arg8[%get3A_3650] {strides = array<i32>} : memref<4608xf32, #tpu.memory_space<vmem>>, vector<16xf32>,
          %get3A_3652 = vector.shape_cast %get3A_3651 : vector<16xf32> to vector<16xf32>
          %mul3A_3653 = arith.constant 512 : i32
          %mul3A_3654 = arith.muli %add3A_1626, %mul3A_3653 : i32
          %add3A_3655 = arith.constant 256 : i32
          %add3A_3656 = arith.addi %mul3A_3654, %add3A_3655 : i32
          %get3A_3657 = arith.index_cast %add3A_3656 : i32 to index
          %get3A_3658 = tpu.vector_load %arg7[%get3A_3657] {strides = array<i32>} : memref<3584xf32, #tpu.memory_space<vmem>>, vector<16xf32>,
          %get3A_3659 = vector.shape_cast %get3A_3658 : vector<16xf32> to vector<16xf32>
          %add3A_3660 = arith.addf %get3A_3652, %get3A_3659 : vector<16xf32>
          %swap3A_3661 = arith.index_cast %add3A_3649 : i32 to index
          %swap3A_3662 = tpu.vector_load %arg8[%swap3A_3661] {strides = array<i32>} : memref<4608xf32, #tpu.memory_space<vmem>>, vector<16xf32>,
          %swap3A_3663 = vector.shape_cast %swap3A_3662 : vector<16xf32> to vector<16xf32>
          %swap3A_3664 = vector.shape_cast %add3A_3660 : vector<16xf32> to vector<16xf32>
          tpu.vector_store %arg8[%swap3A_3661], %swap3A_3664 {strides = array<i32>} : memref<4608xf32, #tpu.memory_space<vmem>>, vector<16xf32>,
          %mul3A_3665 = arith.constant 512 : i32
          %mul3A_3666 = arith.muli %scan3A_1625, %mul3A_3665 : i32
          %add3A_3667 = arith.constant 272 : i32
          %add3A_3668 = arith.addi %mul3A_3666, %add3A_3667 : i32
          %get3A_3669 = arith.index_cast %add3A_3668 : i32 to index
          %get3A_3670 = tpu.vector_load %arg8[%get3A_3669] {strides = array<i32>} : memref<4608xf32, #tpu.memory_space<vmem>>, vector<16xf32>,
          %get3A_3671 = vector.shape_cast %get3A_3670 : vector<16xf32> to vector<16xf32>
          %mul3A_3672 = arith.constant 512 : i32
          %mul3A_3673 = arith.muli %add3A_1626, %mul3A_3672 : i32
          %add3A_3674 = arith.constant 272 : i32
          %add3A_3675 = arith.addi %mul3A_3673, %add3A_3674 : i32
          %get3A_3676 = arith.index_cast %add3A_3675 : i32 to index
          %get3A_3677 = tpu.vector_load %arg7[%get3A_3676] {strides = array<i32>} : memref<3584xf32, #tpu.memory_space<vmem>>, vector<16xf32>,
          %get3A_3678 = vector.shape_cast %get3A_3677 : vector<16xf32> to vector<16xf32>
          %add3A_3679 = arith.addf %get3A_3671, %get3A_3678 : vector<16xf32>
          %swap3A_3680 = arith.index_cast %add3A_3668 : i32 to index
          %swap3A_3681 = tpu.vector_load %arg8[%swap3A_3680] {strides = array<i32>} : memref<4608xf32, #tpu.memory_space<vmem>>, vector<16xf32>,
          %swap3A_3682 = vector.shape_cast %swap3A_3681 : vector<16xf32> to vector<16xf32>
          %swap3A_3683 = vector.shape_cast %add3A_3679 : vector<16xf32> to vector<16xf32>
          tpu.vector_store %arg8[%swap3A_3680], %swap3A_3683 {strides = array<i32>} : memref<4608xf32, #tpu.memory_space<vmem>>, vector<16xf32>,
          %mul3A_3684 = arith.constant 512 : i32
          %mul3A_3685 = arith.muli %scan3A_1625, %mul3A_3684 : i32
          %add3A_3686 = arith.constant 288 : i32
          %add3A_3687 = arith.addi %mul3A_3685, %add3A_3686 : i32
          %get3A_3688 = arith.index_cast %add3A_3687 : i32 to index
          %get3A_3689 = tpu.vector_load %arg8[%get3A_3688] {strides = array<i32>} : memref<4608xf32, #tpu.memory_space<vmem>>, vector<16xf32>,
          %get3A_3690 = vector.shape_cast %get3A_3689 : vector<16xf32> to vector<16xf32>
          %mul3A_3691 = arith.constant 512 : i32
          %mul3A_3692 = arith.muli %add3A_1626, %mul3A_3691 : i32
          %add3A_3693 = arith.constant 288 : i32
          %add3A_3694 = arith.addi %mul3A_3692, %add3A_3693 : i32
          %get3A_3695 = arith.index_cast %add3A_3694 : i32 to index
          %get3A_3696 = tpu.vector_load %arg7[%get3A_3695] {strides = array<i32>} : memref<3584xf32, #tpu.memory_space<vmem>>, vector<16xf32>,
          %get3A_3697 = vector.shape_cast %get3A_3696 : vector<16xf32> to vector<16xf32>
          %add3A_3698 = arith.addf %get3A_3690, %get3A_3697 : vector<16xf32>
          %swap3A_3699 = arith.index_cast %add3A_3687 : i32 to index
          %swap3A_3700 = tpu.vector_load %arg8[%swap3A_3699] {strides = array<i32>} : memref<4608xf32, #tpu.memory_space<vmem>>, vector<16xf32>,
          %swap3A_3701 = vector.shape_cast %swap3A_3700 : vector<16xf32> to vector<16xf32>
          %swap3A_3702 = vector.shape_cast %add3A_3698 : vector<16xf32> to vector<16xf32>
          tpu.vector_store %arg8[%swap3A_3699], %swap3A_3702 {strides = array<i32>} : memref<4608xf32, #tpu.memory_space<vmem>>, vector<16xf32>,
          %mul3A_3703 = arith.constant 512 : i32
          %mul3A_3704 = arith.muli %scan3A_1625, %mul3A_3703 : i32
          %add3A_3705 = arith.constant 304 : i32
          %add3A_3706 = arith.addi %mul3A_3704, %add3A_3705 : i32
          %get3A_3707 = arith.index_cast %add3A_3706 : i32 to index
          %get3A_3708 = tpu.vector_load %arg8[%get3A_3707] {strides = array<i32>} : memref<4608xf32, #tpu.memory_space<vmem>>, vector<16xf32>,
          %get3A_3709 = vector.shape_cast %get3A_3708 : vector<16xf32> to vector<16xf32>
          %mul3A_3710 = arith.constant 512 : i32
          %mul3A_3711 = arith.muli %add3A_1626, %mul3A_3710 : i32
          %add3A_3712 = arith.constant 304 : i32
          %add3A_3713 = arith.addi %mul3A_3711, %add3A_3712 : i32
          %get3A_3714 = arith.index_cast %add3A_3713 : i32 to index
          %get3A_3715 = tpu.vector_load %arg7[%get3A_3714] {strides = array<i32>} : memref<3584xf32, #tpu.memory_space<vmem>>, vector<16xf32>,
          %get3A_3716 = vector.shape_cast %get3A_3715 : vector<16xf32> to vector<16xf32>
          %add3A_3717 = arith.addf %get3A_3709, %get3A_3716 : vector<16xf32>
          %swap3A_3718 = arith.index_cast %add3A_3706 : i32 to index
          %swap3A_3719 = tpu.vector_load %arg8[%swap3A_3718] {strides = array<i32>} : memref<4608xf32, #tpu.memory_space<vmem>>, vector<16xf32>,
          %swap3A_3720 = vector.shape_cast %swap3A_3719 : vector<16xf32> to vector<16xf32>
          %swap3A_3721 = vector.shape_cast %add3A_3717 : vector<16xf32> to vector<16xf32>
          tpu.vector_store %arg8[%swap3A_3718], %swap3A_3721 {strides = array<i32>} : memref<4608xf32, #tpu.memory_space<vmem>>, vector<16xf32>,
          %mul3A_3722 = arith.constant 512 : i32
          %mul3A_3723 = arith.muli %scan3A_1625, %mul3A_3722 : i32
          %add3A_3724 = arith.constant 320 : i32
          %add3A_3725 = arith.addi %mul3A_3723, %add3A_3724 : i32
          %get3A_3726 = arith.index_cast %add3A_3725 : i32 to index
          %get3A_3727 = tpu.vector_load %arg8[%get3A_3726] {strides = array<i32>} : memref<4608xf32, #tpu.memory_space<vmem>>, vector<16xf32>,
          %get3A_3728 = vector.shape_cast %get3A_3727 : vector<16xf32> to vector<16xf32>
          %mul3A_3729 = arith.constant 512 : i32
          %mul3A_3730 = arith.muli %add3A_1626, %mul3A_3729 : i32
          %add3A_3731 = arith.constant 320 : i32
          %add3A_3732 = arith.addi %mul3A_3730, %add3A_3731 : i32
          %get3A_3733 = arith.index_cast %add3A_3732 : i32 to index
          %get3A_3734 = tpu.vector_load %arg7[%get3A_3733] {strides = array<i32>} : memref<3584xf32, #tpu.memory_space<vmem>>, vector<16xf32>,
          %get3A_3735 = vector.shape_cast %get3A_3734 : vector<16xf32> to vector<16xf32>
          %add3A_3736 = arith.addf %get3A_3728, %get3A_3735 : vector<16xf32>
          %swap3A_3737 = arith.index_cast %add3A_3725 : i32 to index
          %swap3A_3738 = tpu.vector_load %arg8[%swap3A_3737] {strides = array<i32>} : memref<4608xf32, #tpu.memory_space<vmem>>, vector<16xf32>,
          %swap3A_3739 = vector.shape_cast %swap3A_3738 : vector<16xf32> to vector<16xf32>
          %swap3A_3740 = vector.shape_cast %add3A_3736 : vector<16xf32> to vector<16xf32>
          tpu.vector_store %arg8[%swap3A_3737], %swap3A_3740 {strides = array<i32>} : memref<4608xf32, #tpu.memory_space<vmem>>, vector<16xf32>,
          %mul3A_3741 = arith.constant 512 : i32
          %mul3A_3742 = arith.muli %scan3A_1625, %mul3A_3741 : i32
          %add3A_3743 = arith.constant 336 : i32
          %add3A_3744 = arith.addi %mul3A_3742, %add3A_3743 : i32
          %get3A_3745 = arith.index_cast %add3A_3744 : i32 to index
          %get3A_3746 = tpu.vector_load %arg8[%get3A_3745] {strides = array<i32>} : memref<4608xf32, #tpu.memory_space<vmem>>, vector<16xf32>,
          %get3A_3747 = vector.shape_cast %get3A_3746 : vector<16xf32> to vector<16xf32>
          %mul3A_3748 = arith.constant 512 : i32
          %mul3A_3749 = arith.muli %add3A_1626, %mul3A_3748 : i32
          %add3A_3750 = arith.constant 336 : i32
          %add3A_3751 = arith.addi %mul3A_3749, %add3A_3750 : i32
          %get3A_3752 = arith.index_cast %add3A_3751 : i32 to index
          %get3A_3753 = tpu.vector_load %arg7[%get3A_3752] {strides = array<i32>} : memref<3584xf32, #tpu.memory_space<vmem>>, vector<16xf32>,
          %get3A_3754 = vector.shape_cast %get3A_3753 : vector<16xf32> to vector<16xf32>
          %add3A_3755 = arith.addf %get3A_3747, %get3A_3754 : vector<16xf32>
          %swap3A_3756 = arith.index_cast %add3A_3744 : i32 to index
          %swap3A_3757 = tpu.vector_load %arg8[%swap3A_3756] {strides = array<i32>} : memref<4608xf32, #tpu.memory_space<vmem>>, vector<16xf32>,
          %swap3A_3758 = vector.shape_cast %swap3A_3757 : vector<16xf32> to vector<16xf32>
          %swap3A_3759 = vector.shape_cast %add3A_3755 : vector<16xf32> to vector<16xf32>
          tpu.vector_store %arg8[%swap3A_3756], %swap3A_3759 {strides = array<i32>} : memref<4608xf32, #tpu.memory_space<vmem>>, vector<16xf32>,
          %mul3A_3760 = arith.constant 512 : i32
          %mul3A_3761 = arith.muli %scan3A_1625, %mul3A_3760 : i32
          %add3A_3762 = arith.constant 352 : i32
          %add3A_3763 = arith.addi %mul3A_3761, %add3A_3762 : i32
          %get3A_3764 = arith.index_cast %add3A_3763 : i32 to index
          %get3A_3765 = tpu.vector_load %arg8[%get3A_3764] {strides = array<i32>} : memref<4608xf32, #tpu.memory_space<vmem>>, vector<16xf32>,
          %get3A_3766 = vector.shape_cast %get3A_3765 : vector<16xf32> to vector<16xf32>
          %mul3A_3767 = arith.constant 512 : i32
          %mul3A_3768 = arith.muli %add3A_1626, %mul3A_3767 : i32
          %add3A_3769 = arith.constant 352 : i32
          %add3A_3770 = arith.addi %mul3A_3768, %add3A_3769 : i32
          %get3A_3771 = arith.index_cast %add3A_3770 : i32 to index
          %get3A_3772 = tpu.vector_load %arg7[%get3A_3771] {strides = array<i32>} : memref<3584xf32, #tpu.memory_space<vmem>>, vector<16xf32>,
          %get3A_3773 = vector.shape_cast %get3A_3772 : vector<16xf32> to vector<16xf32>
          %add3A_3774 = arith.addf %get3A_3766, %get3A_3773 : vector<16xf32>
          %swap3A_3775 = arith.index_cast %add3A_3763 : i32 to index
          %swap3A_3776 = tpu.vector_load %arg8[%swap3A_3775] {strides = array<i32>} : memref<4608xf32, #tpu.memory_space<vmem>>, vector<16xf32>,
          %swap3A_3777 = vector.shape_cast %swap3A_3776 : vector<16xf32> to vector<16xf32>
          %swap3A_3778 = vector.shape_cast %add3A_3774 : vector<16xf32> to vector<16xf32>
          tpu.vector_store %arg8[%swap3A_3775], %swap3A_3778 {strides = array<i32>} : memref<4608xf32, #tpu.memory_space<vmem>>, vector<16xf32>,
          %mul3A_3779 = arith.constant 512 : i32
          %mul3A_3780 = arith.muli %scan3A_1625, %mul3A_3779 : i32
          %add3A_3781 = arith.constant 368 : i32
          %add3A_3782 = arith.addi %mul3A_3780, %add3A_3781 : i32
          %get3A_3783 = arith.index_cast %add3A_3782 : i32 to index
          %get3A_3784 = tpu.vector_load %arg8[%get3A_3783] {strides = array<i32>} : memref<4608xf32, #tpu.memory_space<vmem>>, vector<16xf32>,
          %get3A_3785 = vector.shape_cast %get3A_3784 : vector<16xf32> to vector<16xf32>
          %mul3A_3786 = arith.constant 512 : i32
          %mul3A_3787 = arith.muli %add3A_1626, %mul3A_3786 : i32
          %add3A_3788 = arith.constant 368 : i32
          %add3A_3789 = arith.addi %mul3A_3787, %add3A_3788 : i32
          %get3A_3790 = arith.index_cast %add3A_3789 : i32 to index
          %get3A_3791 = tpu.vector_load %arg7[%get3A_3790] {strides = array<i32>} : memref<3584xf32, #tpu.memory_space<vmem>>, vector<16xf32>,
          %get3A_3792 = vector.shape_cast %get3A_3791 : vector<16xf32> to vector<16xf32>
          %add3A_3793 = arith.addf %get3A_3785, %get3A_3792 : vector<16xf32>
          %swap3A_3794 = arith.index_cast %add3A_3782 : i32 to index
          %swap3A_3795 = tpu.vector_load %arg8[%swap3A_3794] {strides = array<i32>} : memref<4608xf32, #tpu.memory_space<vmem>>, vector<16xf32>,
          %swap3A_3796 = vector.shape_cast %swap3A_3795 : vector<16xf32> to vector<16xf32>
          %swap3A_3797 = vector.shape_cast %add3A_3793 : vector<16xf32> to vector<16xf32>
          tpu.vector_store %arg8[%swap3A_3794], %swap3A_3797 {strides = array<i32>} : memref<4608xf32, #tpu.memory_space<vmem>>, vector<16xf32>,
          %mul3A_3798 = arith.constant 512 : i32
          %mul3A_3799 = arith.muli %scan3A_1625, %mul3A_3798 : i32
          %add3A_3800 = arith.constant 384 : i32
          %add3A_3801 = arith.addi %mul3A_3799, %add3A_3800 : i32
          %get3A_3802 = arith.index_cast %add3A_3801 : i32 to index
          %get3A_3803 = tpu.vector_load %arg8[%get3A_3802] {strides = array<i32>} : memref<4608xf32, #tpu.memory_space<vmem>>, vector<16xf32>,
          %get3A_3804 = vector.shape_cast %get3A_3803 : vector<16xf32> to vector<16xf32>
          %mul3A_3805 = arith.constant 512 : i32
          %mul3A_3806 = arith.muli %add3A_1626, %mul3A_3805 : i32
          %add3A_3807 = arith.constant 384 : i32
          %add3A_3808 = arith.addi %mul3A_3806, %add3A_3807 : i32
          %get3A_3809 = arith.index_cast %add3A_3808 : i32 to index
          %get3A_3810 = tpu.vector_load %arg7[%get3A_3809] {strides = array<i32>} : memref<3584xf32, #tpu.memory_space<vmem>>, vector<16xf32>,
          %get3A_3811 = vector.shape_cast %get3A_3810 : vector<16xf32> to vector<16xf32>
          %add3A_3812 = arith.addf %get3A_3804, %get3A_3811 : vector<16xf32>
          %swap3A_3813 = arith.index_cast %add3A_3801 : i32 to index
          %swap3A_3814 = tpu.vector_load %arg8[%swap3A_3813] {strides = array<i32>} : memref<4608xf32, #tpu.memory_space<vmem>>, vector<16xf32>,
          %swap3A_3815 = vector.shape_cast %swap3A_3814 : vector<16xf32> to vector<16xf32>
          %swap3A_3816 = vector.shape_cast %add3A_3812 : vector<16xf32> to vector<16xf32>
          tpu.vector_store %arg8[%swap3A_3813], %swap3A_3816 {strides = array<i32>} : memref<4608xf32, #tpu.memory_space<vmem>>, vector<16xf32>,
          %mul3A_3817 = arith.constant 512 : i32
          %mul3A_3818 = arith.muli %scan3A_1625, %mul3A_3817 : i32
          %add3A_3819 = arith.constant 400 : i32
          %add3A_3820 = arith.addi %mul3A_3818, %add3A_3819 : i32
          %get3A_3821 = arith.index_cast %add3A_3820 : i32 to index
          %get3A_3822 = tpu.vector_load %arg8[%get3A_3821] {strides = array<i32>} : memref<4608xf32, #tpu.memory_space<vmem>>, vector<16xf32>,
          %get3A_3823 = vector.shape_cast %get3A_3822 : vector<16xf32> to vector<16xf32>
          %mul3A_3824 = arith.constant 512 : i32
          %mul3A_3825 = arith.muli %add3A_1626, %mul3A_3824 : i32
          %add3A_3826 = arith.constant 400 : i32
          %add3A_3827 = arith.addi %mul3A_3825, %add3A_3826 : i32
          %get3A_3828 = arith.index_cast %add3A_3827 : i32 to index
          %get3A_3829 = tpu.vector_load %arg7[%get3A_3828] {strides = array<i32>} : memref<3584xf32, #tpu.memory_space<vmem>>, vector<16xf32>,
          %get3A_3830 = vector.shape_cast %get3A_3829 : vector<16xf32> to vector<16xf32>
          %add3A_3831 = arith.addf %get3A_3823, %get3A_3830 : vector<16xf32>
          %swap3A_3832 = arith.index_cast %add3A_3820 : i32 to index
          %swap3A_3833 = tpu.vector_load %arg8[%swap3A_3832] {strides = array<i32>} : memref<4608xf32, #tpu.memory_space<vmem>>, vector<16xf32>,
          %swap3A_3834 = vector.shape_cast %swap3A_3833 : vector<16xf32> to vector<16xf32>
          %swap3A_3835 = vector.shape_cast %add3A_3831 : vector<16xf32> to vector<16xf32>
          tpu.vector_store %arg8[%swap3A_3832], %swap3A_3835 {strides = array<i32>} : memref<4608xf32, #tpu.memory_space<vmem>>, vector<16xf32>,
          %mul3A_3836 = arith.constant 512 : i32
          %mul3A_3837 = arith.muli %scan3A_1625, %mul3A_3836 : i32
          %add3A_3838 = arith.constant 416 : i32
          %add3A_3839 = arith.addi %mul3A_3837, %add3A_3838 : i32
          %get3A_3840 = arith.index_cast %add3A_3839 : i32 to index
          %get3A_3841 = tpu.vector_load %arg8[%get3A_3840] {strides = array<i32>} : memref<4608xf32, #tpu.memory_space<vmem>>, vector<16xf32>,
          %get3A_3842 = vector.shape_cast %get3A_3841 : vector<16xf32> to vector<16xf32>
          %mul3A_3843 = arith.constant 512 : i32
          %mul3A_3844 = arith.muli %add3A_1626, %mul3A_3843 : i32
          %add3A_3845 = arith.constant 416 : i32
          %add3A_3846 = arith.addi %mul3A_3844, %add3A_3845 : i32
          %get3A_3847 = arith.index_cast %add3A_3846 : i32 to index
          %get3A_3848 = tpu.vector_load %arg7[%get3A_3847] {strides = array<i32>} : memref<3584xf32, #tpu.memory_space<vmem>>, vector<16xf32>,
          %get3A_3849 = vector.shape_cast %get3A_3848 : vector<16xf32> to vector<16xf32>
          %add3A_3850 = arith.addf %get3A_3842, %get3A_3849 : vector<16xf32>
          %swap3A_3851 = arith.index_cast %add3A_3839 : i32 to index
          %swap3A_3852 = tpu.vector_load %arg8[%swap3A_3851] {strides = array<i32>} : memref<4608xf32, #tpu.memory_space<vmem>>, vector<16xf32>,
          %swap3A_3853 = vector.shape_cast %swap3A_3852 : vector<16xf32> to vector<16xf32>
          %swap3A_3854 = vector.shape_cast %add3A_3850 : vector<16xf32> to vector<16xf32>
          tpu.vector_store %arg8[%swap3A_3851], %swap3A_3854 {strides = array<i32>} : memref<4608xf32, #tpu.memory_space<vmem>>, vector<16xf32>,
          %mul3A_3855 = arith.constant 512 : i32
          %mul3A_3856 = arith.muli %scan3A_1625, %mul3A_3855 : i32
          %add3A_3857 = arith.constant 432 : i32
          %add3A_3858 = arith.addi %mul3A_3856, %add3A_3857 : i32
          %get3A_3859 = arith.index_cast %add3A_3858 : i32 to index
          %get3A_3860 = tpu.vector_load %arg8[%get3A_3859] {strides = array<i32>} : memref<4608xf32, #tpu.memory_space<vmem>>, vector<16xf32>,
          %get3A_3861 = vector.shape_cast %get3A_3860 : vector<16xf32> to vector<16xf32>
          %mul3A_3862 = arith.constant 512 : i32
          %mul3A_3863 = arith.muli %add3A_1626, %mul3A_3862 : i32
          %add3A_3864 = arith.constant 432 : i32
          %add3A_3865 = arith.addi %mul3A_3863, %add3A_3864 : i32
          %get3A_3866 = arith.index_cast %add3A_3865 : i32 to index
          %get3A_3867 = tpu.vector_load %arg7[%get3A_3866] {strides = array<i32>} : memref<3584xf32, #tpu.memory_space<vmem>>, vector<16xf32>,
          %get3A_3868 = vector.shape_cast %get3A_3867 : vector<16xf32> to vector<16xf32>
          %add3A_3869 = arith.addf %get3A_3861, %get3A_3868 : vector<16xf32>
          %swap3A_3870 = arith.index_cast %add3A_3858 : i32 to index
          %swap3A_3871 = tpu.vector_load %arg8[%swap3A_3870] {strides = array<i32>} : memref<4608xf32, #tpu.memory_space<vmem>>, vector<16xf32>,
          %swap3A_3872 = vector.shape_cast %swap3A_3871 : vector<16xf32> to vector<16xf32>
          %swap3A_3873 = vector.shape_cast %add3A_3869 : vector<16xf32> to vector<16xf32>
          tpu.vector_store %arg8[%swap3A_3870], %swap3A_3873 {strides = array<i32>} : memref<4608xf32, #tpu.memory_space<vmem>>, vector<16xf32>,
          %mul3A_3874 = arith.constant 512 : i32
          %mul3A_3875 = arith.muli %scan3A_1625, %mul3A_3874 : i32
          %add3A_3876 = arith.constant 448 : i32
          %add3A_3877 = arith.addi %mul3A_3875, %add3A_3876 : i32
          %get3A_3878 = arith.index_cast %add3A_3877 : i32 to index
          %get3A_3879 = tpu.vector_load %arg8[%get3A_3878] {strides = array<i32>} : memref<4608xf32, #tpu.memory_space<vmem>>, vector<16xf32>,
          %get3A_3880 = vector.shape_cast %get3A_3879 : vector<16xf32> to vector<16xf32>
          %mul3A_3881 = arith.constant 512 : i32
          %mul3A_3882 = arith.muli %add3A_1626, %mul3A_3881 : i32
          %add3A_3883 = arith.constant 448 : i32
          %add3A_3884 = arith.addi %mul3A_3882, %add3A_3883 : i32
          %get3A_3885 = arith.index_cast %add3A_3884 : i32 to index
          %get3A_3886 = tpu.vector_load %arg7[%get3A_3885] {strides = array<i32>} : memref<3584xf32, #tpu.memory_space<vmem>>, vector<16xf32>,
          %get3A_3887 = vector.shape_cast %get3A_3886 : vector<16xf32> to vector<16xf32>
          %add3A_3888 = arith.addf %get3A_3880, %get3A_3887 : vector<16xf32>
          %swap3A_3889 = arith.index_cast %add3A_3877 : i32 to index
          %swap3A_3890 = tpu.vector_load %arg8[%swap3A_3889] {strides = array<i32>} : memref<4608xf32, #tpu.memory_space<vmem>>, vector<16xf32>,
          %swap3A_3891 = vector.shape_cast %swap3A_3890 : vector<16xf32> to vector<16xf32>
          %swap3A_3892 = vector.shape_cast %add3A_3888 : vector<16xf32> to vector<16xf32>
          tpu.vector_store %arg8[%swap3A_3889], %swap3A_3892 {strides = array<i32>} : memref<4608xf32, #tpu.memory_space<vmem>>, vector<16xf32>,
          %mul3A_3893 = arith.constant 512 : i32
          %mul3A_3894 = arith.muli %scan3A_1625, %mul3A_3893 : i32
          %add3A_3895 = arith.constant 464 : i32
          %add3A_3896 = arith.addi %mul3A_3894, %add3A_3895 : i32
          %get3A_3897 = arith.index_cast %add3A_3896 : i32 to index
          %get3A_3898 = tpu.vector_load %arg8[%get3A_3897] {strides = array<i32>} : memref<4608xf32, #tpu.memory_space<vmem>>, vector<16xf32>,
          %get3A_3899 = vector.shape_cast %get3A_3898 : vector<16xf32> to vector<16xf32>
          %mul3A_3900 = arith.constant 512 : i32
          %mul3A_3901 = arith.muli %add3A_1626, %mul3A_3900 : i32
          %add3A_3902 = arith.constant 464 : i32
          %add3A_3903 = arith.addi %mul3A_3901, %add3A_3902 : i32
          %get3A_3904 = arith.index_cast %add3A_3903 : i32 to index
          %get3A_3905 = tpu.vector_load %arg7[%get3A_3904] {strides = array<i32>} : memref<3584xf32, #tpu.memory_space<vmem>>, vector<16xf32>,
          %get3A_3906 = vector.shape_cast %get3A_3905 : vector<16xf32> to vector<16xf32>
          %add3A_3907 = arith.addf %get3A_3899, %get3A_3906 : vector<16xf32>
          %swap3A_3908 = arith.index_cast %add3A_3896 : i32 to index
          %swap3A_3909 = tpu.vector_load %arg8[%swap3A_3908] {strides = array<i32>} : memref<4608xf32, #tpu.memory_space<vmem>>, vector<16xf32>,
          %swap3A_3910 = vector.shape_cast %swap3A_3909 : vector<16xf32> to vector<16xf32>
          %swap3A_3911 = vector.shape_cast %add3A_3907 : vector<16xf32> to vector<16xf32>
          tpu.vector_store %arg8[%swap3A_3908], %swap3A_3911 {strides = array<i32>} : memref<4608xf32, #tpu.memory_space<vmem>>, vector<16xf32>,
          %mul3A_3912 = arith.constant 512 : i32
          %mul3A_3913 = arith.muli %scan3A_1625, %mul3A_3912 : i32
          %add3A_3914 = arith.constant 480 : i32
          %add3A_3915 = arith.addi %mul3A_3913, %add3A_3914 : i32
          %get3A_3916 = arith.index_cast %add3A_3915 : i32 to index
          %get3A_3917 = tpu.vector_load %arg8[%get3A_3916] {strides = array<i32>} : memref<4608xf32, #tpu.memory_space<vmem>>, vector<16xf32>,
          %get3A_3918 = vector.shape_cast %get3A_3917 : vector<16xf32> to vector<16xf32>
          %mul3A_3919 = arith.constant 512 : i32
          %mul3A_3920 = arith.muli %add3A_1626, %mul3A_3919 : i32
          %add3A_3921 = arith.constant 480 : i32
          %add3A_3922 = arith.addi %mul3A_3920, %add3A_3921 : i32
          %get3A_3923 = arith.index_cast %add3A_3922 : i32 to index
          %get3A_3924 = tpu.vector_load %arg7[%get3A_3923] {strides = array<i32>} : memref<3584xf32, #tpu.memory_space<vmem>>, vector<16xf32>,
          %get3A_3925 = vector.shape_cast %get3A_3924 : vector<16xf32> to vector<16xf32>
          %add3A_3926 = arith.addf %get3A_3918, %get3A_3925 : vector<16xf32>
          %swap3A_3927 = arith.index_cast %add3A_3915 : i32 to index
          %swap3A_3928 = tpu.vector_load %arg8[%swap3A_3927] {strides = array<i32>} : memref<4608xf32, #tpu.memory_space<vmem>>, vector<16xf32>,
          %swap3A_3929 = vector.shape_cast %swap3A_3928 : vector<16xf32> to vector<16xf32>
          %swap3A_3930 = vector.shape_cast %add3A_3926 : vector<16xf32> to vector<16xf32>
          tpu.vector_store %arg8[%swap3A_3927], %swap3A_3930 {strides = array<i32>} : memref<4608xf32, #tpu.memory_space<vmem>>, vector<16xf32>,
          %mul3A_3931 = arith.constant 512 : i32
          %mul3A_3932 = arith.muli %scan3A_1625, %mul3A_3931 : i32
          %add3A_3933 = arith.constant 496 : i32
          %add3A_3934 = arith.addi %mul3A_3932, %add3A_3933 : i32
          %get3A_3935 = arith.index_cast %add3A_3934 : i32 to index
          %get3A_3936 = tpu.vector_load %arg8[%get3A_3935] {strides = array<i32>} : memref<4608xf32, #tpu.memory_space<vmem>>, vector<16xf32>,
          %get3A_3937 = vector.shape_cast %get3A_3936 : vector<16xf32> to vector<16xf32>
          %mul3A_3938 = arith.constant 512 : i32
          %mul3A_3939 = arith.muli %add3A_1626, %mul3A_3938 : i32
          %add3A_3940 = arith.constant 496 : i32
          %add3A_3941 = arith.addi %mul3A_3939, %add3A_3940 : i32
          %get3A_3942 = arith.index_cast %add3A_3941 : i32 to index
          %get3A_3943 = tpu.vector_load %arg7[%get3A_3942] {strides = array<i32>} : memref<3584xf32, #tpu.memory_space<vmem>>, vector<16xf32>,
          %get3A_3944 = vector.shape_cast %get3A_3943 : vector<16xf32> to vector<16xf32>
          %add3A_3945 = arith.addf %get3A_3937, %get3A_3944 : vector<16xf32>
          %swap3A_3946 = arith.index_cast %add3A_3934 : i32 to index
          %swap3A_3947 = tpu.vector_load %arg8[%swap3A_3946] {strides = array<i32>} : memref<4608xf32, #tpu.memory_space<vmem>>, vector<16xf32>,
          %swap3A_3948 = vector.shape_cast %swap3A_3947 : vector<16xf32> to vector<16xf32>
          %swap3A_3949 = vector.shape_cast %add3A_3945 : vector<16xf32> to vector<16xf32>
          tpu.vector_store %arg8[%swap3A_3946], %swap3A_3949 {strides = array<i32>} : memref<4608xf32, #tpu.memory_space<vmem>>, vector<16xf32>,
        } else {
        }
      }
      %scan3A_1612 = arith.constant 9 : i32
      %add3A_1613 = arith.constant 9 : i32
      %add3A_1614 = arith.addi %mul3A_35, %add3A_1613 : i32
      %le3A = arith.constant 128 : i32
      %le3A_1615 = arith.cmpi sle, %add3A_1614, %le3A : i32
      %convert_element_type3A_1616 = arith.extui %le3A_1615 : i1 to i32
      %cond3A_1617 = arith.constant 0 : i32
      %cond3A_1618 = arith.cmpi ne, %convert_element_type3A_1616, %cond3A_1617 : i32
      scf.if %cond3A_1618 {
        %mul3A_1625 = arith.constant 512 : i32
        %mul3A_1626 = arith.muli %mul3A_35, %mul3A_1625 : i32
        "tpu.region"() ({
          %run_scoped3A = tpu.sem_alloc : memref<!tpu.dma_semaphore, #tpu.memory_space<semaphore_mem>>
          %dma_start3A_1627 = tpu.memref_slice %arg4[%select_n3A, %mul3A_1626] : memref<2x65536xf32, #tpu.memory_space<hbm>> -> memref<1x4608xf32, #tpu.memory_space<hbm>>
          %dma_start3A_1628 = tpu.memref_squeeze %dma_start3A_1627 : memref<1x4608xf32, #tpu.memory_space<hbm>> -> memref<4608xf32, #tpu.memory_space<hbm>>
          %dma_start3A_1629 = tpu.memref_slice %arg4[%select_n3A, %mul3A_1626] : memref<2x65536xf32, #tpu.memory_space<hbm>> -> memref<1x4608xf32, #tpu.memory_space<hbm>>
          %dma_start3A_1630 = tpu.memref_squeeze %dma_start3A_1629 : memref<1x4608xf32, #tpu.memory_space<hbm>> -> memref<4608xf32, #tpu.memory_space<hbm>>
          tpu.enqueue_dma source(%arg8 : memref<4608xf32, #tpu.memory_space<vmem>>) target(%dma_start3A_1630 : memref<4608xf32, #tpu.memory_space<hbm>>) target_semaphore(%run_scoped3A : memref<!tpu.dma_semaphore, #tpu.memory_space<semaphore_mem>>)
          %dma_wait3A_1631 = tpu.memref_slice %arg4[%select_n3A, %mul3A_1626] : memref<2x65536xf32, #tpu.memory_space<hbm>> -> memref<1x4608xf32, #tpu.memory_space<hbm>>
          %dma_wait3A_1632 = tpu.memref_squeeze %dma_wait3A_1631 : memref<1x4608xf32, #tpu.memory_space<hbm>> -> memref<4608xf32, #tpu.memory_space<hbm>>
          %dma_wait3A_1633 = tpu.memref_slice %arg4[%select_n3A, %mul3A_1626] : memref<2x65536xf32, #tpu.memory_space<hbm>> -> memref<1x4608xf32, #tpu.memory_space<hbm>>
          %dma_wait3A_1634 = tpu.memref_squeeze %dma_wait3A_1633 : memref<1x4608xf32, #tpu.memory_space<hbm>> -> memref<4608xf32, #tpu.memory_space<hbm>>
          tpu.wait_dma2 semaphore(%run_scoped3A : memref<!tpu.dma_semaphore, #tpu.memory_space<semaphore_mem>>) src(%arg8 : memref<4608xf32, #tpu.memory_space<vmem>>) dst(%dma_wait3A_1634 : memref<4608xf32, #tpu.memory_space<hbm>>)
          tpu.yield
        }) : () -> ()
      } else {
      }
      %add3A_1619 = arith.constant 9 : i32
      %add3A_1620 = arith.addi %mul3A_35, %add3A_1619 : i32
      %gt3A = arith.constant 128 : i32
      %gt3A_1621 = arith.cmpi sgt, %add3A_1620, %gt3A : i32
      %convert_element_type3A_1622 = arith.extui %gt3A_1621 : i1 to i32
      %cond3A_1623 = arith.constant 0 : i32
      %cond3A_1624 = arith.cmpi ne, %convert_element_type3A_1622, %cond3A_1623 : i32
      scf.if %cond3A_1624 {
        "tpu.region"() ({
          %run_scoped3A = tpu.sem_alloc : memref<!tpu.dma_semaphore, #tpu.memory_space<semaphore_mem>>
          %dma_start3A_1625 = arith.constant 0 : i32
          %dma_start3A_1626 = tpu.memref_slice %arg8[%dma_start3A_1625] : memref<4608xf32, #tpu.memory_space<vmem>> -> memref<1024xf32, #tpu.memory_space<vmem>>
          %dma_start3A_1627 = arith.constant 64512 : i32
          %dma_start3A_1628 = tpu.memref_slice %arg4[%select_n3A, %dma_start3A_1627] : memref<2x65536xf32, #tpu.memory_space<hbm>> -> memref<1x1024xf32, #tpu.memory_space<hbm>>
          %dma_start3A_1629 = tpu.memref_squeeze %dma_start3A_1628 : memref<1x1024xf32, #tpu.memory_space<hbm>> -> memref<1024xf32, #tpu.memory_space<hbm>>
          %dma_start3A_1630 = arith.constant 64512 : i32
          %dma_start3A_1631 = tpu.memref_slice %arg4[%select_n3A, %dma_start3A_1630] : memref<2x65536xf32, #tpu.memory_space<hbm>> -> memref<1x1024xf32, #tpu.memory_space<hbm>>
          %dma_start3A_1632 = tpu.memref_squeeze %dma_start3A_1631 : memref<1x1024xf32, #tpu.memory_space<hbm>> -> memref<1024xf32, #tpu.memory_space<hbm>>
          %dma_start3A_1633 = arith.constant 0 : i32
          %dma_start3A_1634 = tpu.memref_slice %arg8[%dma_start3A_1633] : memref<4608xf32, #tpu.memory_space<vmem>> -> memref<1024xf32, #tpu.memory_space<vmem>>
          tpu.enqueue_dma source(%dma_start3A_1634 : memref<1024xf32, #tpu.memory_space<vmem>>) target(%dma_start3A_1632 : memref<1024xf32, #tpu.memory_space<hbm>>) target_semaphore(%run_scoped3A : memref<!tpu.dma_semaphore, #tpu.memory_space<semaphore_mem>>)
          %dma_wait3A_1635 = arith.constant 0 : i32
          %dma_wait3A_1636 = tpu.memref_slice %arg8[%dma_wait3A_1635] : memref<4608xf32, #tpu.memory_space<vmem>> -> memref<1024xf32, #tpu.memory_space<vmem>>
          %dma_wait3A_1637 = arith.constant 64512 : i32
          %dma_wait3A_1638 = tpu.memref_slice %arg4[%select_n3A, %dma_wait3A_1637] : memref<2x65536xf32, #tpu.memory_space<hbm>> -> memref<1x1024xf32, #tpu.memory_space<hbm>>
          %dma_wait3A_1639 = tpu.memref_squeeze %dma_wait3A_1638 : memref<1x1024xf32, #tpu.memory_space<hbm>> -> memref<1024xf32, #tpu.memory_space<hbm>>
          %dma_wait3A_1640 = arith.constant 64512 : i32
          %dma_wait3A_1641 = tpu.memref_slice %arg4[%select_n3A, %dma_wait3A_1640] : memref<2x65536xf32, #tpu.memory_space<hbm>> -> memref<1x1024xf32, #tpu.memory_space<hbm>>
          %dma_wait3A_1642 = tpu.memref_squeeze %dma_wait3A_1641 : memref<1x1024xf32, #tpu.memory_space<hbm>> -> memref<1024xf32, #tpu.memory_space<hbm>>
          %dma_wait3A_1643 = arith.constant 0 : i32
          %dma_wait3A_1644 = tpu.memref_slice %arg8[%dma_wait3A_1643] : memref<4608xf32, #tpu.memory_space<vmem>> -> memref<1024xf32, #tpu.memory_space<vmem>>
          tpu.wait_dma2 semaphore(%run_scoped3A : memref<!tpu.dma_semaphore, #tpu.memory_space<semaphore_mem>>) src(%dma_wait3A_1644 : memref<1024xf32, #tpu.memory_space<vmem>>) dst(%dma_wait3A_1642 : memref<1024xf32, #tpu.memory_space<hbm>>)
          tpu.yield
        }) : () -> ()
        "tpu.region"() ({
          %run_scoped3A = tpu.sem_alloc : memref<!tpu.dma_semaphore, #tpu.memory_space<semaphore_mem>>
          %dma_start3A_1625 = arith.constant 1024 : i32
          %dma_start3A_1626 = tpu.memref_slice %arg8[%dma_start3A_1625] : memref<4608xf32, #tpu.memory_space<vmem>> -> memref<3584xf32, #tpu.memory_space<vmem>>
          %dma_start3A_1627 = arith.constant 0 : i32
          %dma_start3A_1628 = tpu.memref_slice %arg5[%select_n3A, %dma_start3A_1627] : memref<2x3584xf32, #tpu.memory_space<hbm>> -> memref<1x3584xf32, #tpu.memory_space<hbm>>
          %dma_start3A_1629 = tpu.memref_squeeze %dma_start3A_1628 : memref<1x3584xf32, #tpu.memory_space<hbm>> -> memref<3584xf32, #tpu.memory_space<hbm>>
          %dma_start3A_1630 = arith.constant 0 : i32
          %dma_start3A_1631 = tpu.memref_slice %arg5[%select_n3A, %dma_start3A_1630] : memref<2x3584xf32, #tpu.memory_space<hbm>> -> memref<1x3584xf32, #tpu.memory_space<hbm>>
          %dma_start3A_1632 = tpu.memref_squeeze %dma_start3A_1631 : memref<1x3584xf32, #tpu.memory_space<hbm>> -> memref<3584xf32, #tpu.memory_space<hbm>>
          %dma_start3A_1633 = arith.constant 1024 : i32
          %dma_start3A_1634 = tpu.memref_slice %arg8[%dma_start3A_1633] : memref<4608xf32, #tpu.memory_space<vmem>> -> memref<3584xf32, #tpu.memory_space<vmem>>
          tpu.enqueue_dma source(%dma_start3A_1634 : memref<3584xf32, #tpu.memory_space<vmem>>) target(%dma_start3A_1632 : memref<3584xf32, #tpu.memory_space<hbm>>) target_semaphore(%run_scoped3A : memref<!tpu.dma_semaphore, #tpu.memory_space<semaphore_mem>>)
          %dma_wait3A_1635 = arith.constant 1024 : i32
          %dma_wait3A_1636 = tpu.memref_slice %arg8[%dma_wait3A_1635] : memref<4608xf32, #tpu.memory_space<vmem>> -> memref<3584xf32, #tpu.memory_space<vmem>>
          %dma_wait3A_1637 = arith.constant 0 : i32
          %dma_wait3A_1638 = tpu.memref_slice %arg5[%select_n3A, %dma_wait3A_1637] : memref<2x3584xf32, #tpu.memory_space<hbm>> -> memref<1x3584xf32, #tpu.memory_space<hbm>>
          %dma_wait3A_1639 = tpu.memref_squeeze %dma_wait3A_1638 : memref<1x3584xf32, #tpu.memory_space<hbm>> -> memref<3584xf32, #tpu.memory_space<hbm>>
          %dma_wait3A_1640 = arith.constant 0 : i32
          %dma_wait3A_1641 = tpu.memref_slice %arg5[%select_n3A, %dma_wait3A_1640] : memref<2x3584xf32, #tpu.memory_space<hbm>> -> memref<1x3584xf32, #tpu.memory_space<hbm>>
          %dma_wait3A_1642 = tpu.memref_squeeze %dma_wait3A_1641 : memref<1x3584xf32, #tpu.memory_space<hbm>> -> memref<3584xf32, #tpu.memory_space<hbm>>
          %dma_wait3A_1643 = arith.constant 1024 : i32
          %dma_wait3A_1644 = tpu.memref_slice %arg8[%dma_wait3A_1643] : memref<4608xf32, #tpu.memory_space<vmem>> -> memref<3584xf32, #tpu.memory_space<vmem>>
          tpu.wait_dma2 semaphore(%run_scoped3A : memref<!tpu.dma_semaphore, #tpu.memory_space<semaphore_mem>>) src(%dma_wait3A_1644 : memref<3584xf32, #tpu.memory_space<vmem>>) dst(%dma_wait3A_1642 : memref<3584xf32, #tpu.memory_space<hbm>>)
          tpu.yield
        }) : () -> ()
      } else {
      }
    } else {
    }
    return
  }
}

</mosaic_0001>

<sc_bundles>
// kernel: kernel.3.cloned.1.call-start
scs
__scs_entry_jumppad:
0x0: {  	(pc) =	sbr.rel $0x88, $3  }
0x1: {  	(tag) =	ssettag $0x0;
	lr =	simm.s32 $0x1  }
0x2: {  	[smem:$0x3F9F] =	sst lr;
	_ =	strace $0xD0000000  }
0x3: {  	_ = 	snop  }
0x4: {  	_ = 	snop  }
0x5: {  	_ = 	snop  }
0x6: {  	_ = 	snop  }
0x7: {  	_ = 	snop  }
__scs_overlays_trampoline_lowered:
0x8: {  	[smem:$0x3FAE] =	sst s0  }
0x9: {  	[smem:$0x3FAF] =	sst s1  }
0xa: {  	[smem:$0x3FB0] =	sst s2  }
0xb: {  	[smem:$0x3FB1] =	sst s3  }
0xc: {  	[smem:$0x3FB2] =	sst s4  }
0xd: {  	[smem:$0x3FB3] =	sst s5  }
0xe: {  	[smem:$0x3FB4] =	sst s6  }
0xf: {  	[smem:$0x3FB5] =	sst s7  }
0x10: {  	[smem:$0x3FB6] =	sst s8  }
0x11: {  	[smem:$0x3FB7] =	sst s9;
	s0 =	simm.s32 @!p0 $0x0  }
0x12: {  	s1 =	sld [smem:$0x3F9D];
	s0 =	simm.s32 @p0 $0x1  }
0x13: {  	[smem:$0x3FB8] =	sst s0;
	s0 =	simm.s32 @!p1 $0x0  }
0x14: {  	s2 =	sld [smem:$0x3F9C];
	s0 =	simm.s32 @p1 $0x1  }
0x15: {  	[smem:$0x3FB9] =	sst s0;
	s0 =	simm.s32 @!p2 $0x0  }
0x16: {  	s3 =	sld [smem:$0x3FDB];
	s0 =	simm.s32 @p2 $0x1  }
0x17: {  	s4 =	simm.s32 $0x1BF5;
	[smem:$0x3FBB] =	sst s0  }
0x18: {  	s0 =	sld [smem:$0x3F9E];
	_ =	swait.ge [sflag:s4], $0x0  }
0x19: {  	s7 =	sld [smem:$0x3F9F]  }
0x1a: {  	s8 =	sadd.s32 $0xFFFFE003, lr  }
0x1b: {  	s9 =	sadd.s32 $0xFFFFFEF7, lr;
	s5 =	simm.s32 $0xFFFFFFFF;
	p2 =	slt.u32 s8, $0xFFFFF086  }
0x1c: {  	p1 =	slt.u32 s9, $0xF7A;
	s5 =	simm.s32 @!p2 $0x0  }
0x1d: {  	s5 =	simm.s32 @p1 $0x1;
	p0 =	seq.s32 s7, s2  }
0x1e: {  	s7 =	smul.u32 @!p0 $0xF7A, s2;
	p2 =	seq.s32 @!p0 s5, $0x0  }
0x1f: {  	s9 =	smul.u32 $0xF7A, s1;
	s8 =	simm.s32 @!p0 $0x1BF5;
	p2 =	por !p2, p0  }
0x20: {  	[sflag:s8] =	ssyncset.s32 @!p0 $0xFFFFF086;
	s6 =	sadd.s32 @!p0 s3, s7;
	s7 =	simm.s32 @!p0 $0x108  }
0x21: {  	s3 =	sadd.s32 s3, s9;
	s6 =	sadd.s32 @!p0 $0x88, s6;
	s7 =	simm.s32 @p2 $0x1082  }
0x22: {  	[simem:s7], [sflag:s8] =	dma.local @!p0 [hbm:s6], $0xF7A  }
0x23: {  	s9 =	sor.u32 $0xD0000000, s2;
	s6 =	simm.s32 $0x108;
	_ =	swait.ge @!p0 [sflag:s8], $0x0  }
0x24: {  	s3 =	sadd.s32 $0x88, s3;
	s6 =	simm.s32 @!p1 $0x1082;
	[sflag:s4] =	ssyncset.s32 $0xFFFFF086  }
0x25: {  	[simem:s6], [sflag:s4] =	dma.local [hbm:s3], $0xF7A  }
0x26: {  	[smem:$0x3F9F] =	sst s1;
	(tag) =	ssettag s2;
	_ =	strace s9  }
0x27: {  	s1 =	sld [smem:$0x3FAF]  }
0x28: {  	s2 =	sld [smem:$0x3FB0]  }
0x29: {  	s4 =	sld [smem:$0x3FB2]  }
0x2a: {  	p0 =	seq.s32 s5, $0x0;
	s5 =	sld [smem:$0x3FB3]  }
0x2b: {  	s6 =	sld [smem:$0x3FB4]  }
0x2c: {  	s7 =	sld [smem:$0x3FB5]  }
0x2d: {  	s3 =	simm.s32 $0x108;
	s8 =	sld [smem:$0x3FB6]  }
0x2e: {  	s3 =	simm.s32 @!p0 $0x1082;
	s9 =	sld [smem:$0x3FB7]  }
0x2f: {  	lr =	sadd.s32 s0, s3;
	s0 =	sld [smem:$0x3FAE]  }
0x30: {  	s3 =	sld [smem:$0x3FB1]  }
0x31: {  	[smem:$0x3FBA] =	sst s10  }
0x32: {  	s10 =	sld [smem:$0x3FB8];
	_ =	sdelay $0x3  }
0x33: {  	p0 =	seq.s32 s10, $0x1;
	s10 =	sld [smem:$0x3FBA];
	_ =	sdelay $0x3  }
0x34: {  	[smem:$0x3FBA] =	sst s10  }
0x35: {  	s10 =	sld [smem:$0x3FB9];
	_ =	sdelay $0x3  }
0x36: {  	p1 =	seq.s32 s10, $0x1;
	s10 =	sld [smem:$0x3FBA];
	_ =	sdelay $0x3  }
0x37: {  	[smem:$0x3FBA] =	sst s10  }
0x38: {  	s10 =	sld [smem:$0x3FBB]  }
0x39: {  	_ = 	snop;
	(pc) =	sbr.ind lr, $3  }
0x3a: {  	_ = 	snop  }
0x3b: {  	_ = 	snop  }
0x3c: {  	p2 =	seq.s32 s10, $0x1;
	s10 =	sld [smem:$0x3FBA]  }
0x3d: {  	_ =	shalt  }
0x3e: {  	_ =	shalt  }
0x3f: {  	_ =	shalt  }
0x40: {  	_ =	shalt  }
0x41: {  	_ =	shalt  }
0x42: {  	_ =	shalt  }
0x43: {  	_ =	shalt  }
0x44: {  	_ =	shalt  }
0x45: {  	_ =	shalt  }
0x46: {  	_ =	shalt  }
0x47: {  	_ =	shalt  }
0x48: {  	_ =	shalt  }
0x49: {  	_ =	shalt  }
0x4a: {  	_ =	shalt  }
0x4b: {  	_ =	shalt  }
0x4c: {  	_ =	shalt  }
0x4d: {  	_ =	shalt  }
0x4e: {  	_ =	shalt  }
0x4f: {  	_ =	shalt  }
0x50: {  	_ =	shalt  }
0x51: {  	_ =	shalt  }
0x52: {  	_ =	shalt  }
0x53: {  	_ =	shalt  }
0x54: {  	_ =	shalt  }
0x55: {  	_ =	shalt  }
0x56: {  	_ =	shalt  }
0x57: {  	_ =	shalt  }
0x58: {  	_ =	shalt  }
0x59: {  	_ =	shalt  }
0x5a: {  	_ =	shalt  }
0x5b: {  	_ =	shalt  }
0x5c: {  	_ =	shalt  }
0x5d: {  	_ =	shalt  }
0x5e: {  	_ =	shalt  }
0x5f: {  	_ =	shalt  }
0x60: {  	_ =	shalt  }
0x61: {  	_ =	shalt  }
0x62: {  	_ =	shalt  }
0x63: {  	_ =	shalt  }
0x64: {  	_ =	shalt  }
0x65: {  	_ =	shalt  }
0x66: {  	_ =	shalt  }
0x67: {  	_ =	shalt  }
0x68: {  	_ =	shalt  }
0x69: {  	_ =	shalt  }
0x6a: {  	_ =	shalt  }
0x6b: {  	_ =	shalt  }
0x6c: {  	_ =	shalt  }
0x6d: {  	_ =	shalt  }
0x6e: {  	_ =	shalt  }
0x6f: {  	_ =	shalt  }
0x70: {  	_ =	shalt  }
0x71: {  	_ =	shalt  }
0x72: {  	_ =	shalt  }
0x73: {  	_ =	shalt  }
0x74: {  	_ =	shalt  }
0x75: {  	_ =	shalt  }
0x76: {  	_ =	shalt  }
0x77: {  	_ =	shalt  }
0x78: {  	_ =	shalt  }
0x79: {  	_ =	shalt  }
0x7a: {  	_ =	shalt  }
0x7b: {  	_ =	shalt  }
0x7c: {  	_ =	shalt  }
0x7d: {  	_ =	shalt  }
0x7e: {  	_ =	shalt  }
0x7f: {  	_ =	shalt  }
0x80: {  	_ =	shalt  }
0x81: {  	_ =	shalt  }
0x82: {  	_ =	shalt  }
0x83: {  	_ =	shalt  }
0x84: {  	_ =	shalt  }
0x85: {  	_ =	shalt  }
0x86: {  	_ =	shalt  }
0x87: {  	_ =	shalt  }
.Lfunc_end0:
.L_simem_size_0:
called_computation_lowered:
.L_overlay_start_0:
0x88: {  	s2 =	sld [smem:$0x3FD9]  }
0x89: {  	s3 =	sld [smem:$0x3FFE];
	_ =	sdelay $0x1  }
0x8a: {  	s1 =	srdreg.scid  }
0x8b: {  	s0 =	sand.u32 $0x1, s1  }
0x8c: {  	s15 =	sshll.u32 s0, $0xA;
	s2 =	sadd.s32 s3, s2  }
0x8d: {  	s2 =	sadd.s32 s2, s15  }
0x8e: {  	[smem:$0x3FC6] =	sst s2  }
0x8f: {  	_ = 	snop  }
0x90: {  	s2 =	sld [smem:$0x3FD0];
	_ =	sdelay $0x1  }
0x91: {  	s16 =	sld [smem:$0x3FC9]  }
0x92: {  	s5 =	simm.s32 $0xA;
	s6 =	simm.s32 $0x10;
	s4 =	sld [smem:$0x3FC8]  }
0x93: {  	[smem:s6], [sflag:s5] =	dma.local [hbm:s2], $0x1  }
0x94: {  	_ =	swait.eq [sflag:s5], $0x1  }
0x95: {  	[sflag:s5] =	ssyncset.done $0x0  }
0x96: {  	s17 =	sld [smem:$0x10];
	[sflag:s5] =	ssyncadd.s32 $0xFFFFFFFF  }
0x97: {  	s18 =	sld [smem:$0x11];
	(tm) =	ssettm $0x1  }
0x98: {  	s19 =	sld [smem:$0x3FFB];
	_ =	sdelay $0x3  }
0x99: {  	_ =	strace s19  }
0x9a: {  	s6 =	sld [smem:$0x3FFC];
	_ =	sdelay $0x3  }
0x9b: {  	_ =	strace s6  }
0x9c: {  	s6 =	sld [smem:$0x3FFD];
	_ =	sdelay $0x3  }
0x9d: {  	_ =	strace s6  }
0x9e: {  	_ =	strace $0x8FFFFFFF  }
0x9f: {  	s20 =	sld [smem:$0x3FDB];
	_ =	sdelay $0x1  }
0xa0: {  	s7 =	simm.s32 $_scs_section_size  }
0xa1: {  	s8 =	simm.s32 $_size__tile_overlayer_lowered;
	s9 =	simm.s32 $_tile_overlayer_lowered  }
0xa2: {  	s23 =	simm.s32 $0x1BFF;
	s22 =	sshll.u32 s9, $0x1;
	s6 =	sadd.s32 s7, s20  }
0xa3: {  	s10 =	simm.s32 $0x0;
	s21 =	sshll.u32 s8, $0x1;
	s8 =	sadd.s32 s22, s6  }
0xa4: {  	[timem:s10], [sflag:s23] =	dma.local [hbm:s8], s21  }
0xa5: {  	_ =	swait.ge [sflag:s23], s21  }
0xa6: {  	s7 =	ssub.s32 $0x0, s21;
	[sflag:s23] =	ssyncset.done $0x0  }
0xa7: {  	[sflag:s23] =	ssyncadd.s32 s7;
	_ =	sdelay $0x1  }
0xa8: {  	s24 =	simm.s32 $0x1B8B  }
0xa9: {  	_ =	swait.ge [sflag:s24], $0x1  }
0xaa: {  	[sflag:s24] =	ssyncset.done $0x0  }
0xab: {  	s25 =	simm.s32 $0x1B8E;
	[sflag:s24] =	ssyncadd.s32 $0xFFFFFFFF  }
0xac: {  	s26 =	simm.s32 $execute0_lowered;
	[smem:$0x3FD2] =	sst s25  }
0xad: {  	s7 =	sshll.u32 s26, $0x1;
	_ =	strace $0x80000046;
	[dreg:$0x1] =	wrdreg $0xFFFFFFFF  }
0xae: {  	s28 =	simm.s32 $_size_execute0_lowered;
	s6 =	sadd.s32 s6, s7;
	[dreg:$0x0] =	wrdreg $0x0  }
0xaf: {  	s7 =	sshll.u32 s28, $0x1;
	[dreg:$0x2] =	wrdreg s6  }
0xb0: {  	[dreg:$0x3] =	wrdreg s7  }
0xb1: {  	[dreg:$0x4] =	wrdreg $0xC0  }
0xb2: {  	_ =	task [dreg:s10], $0x5FFFF  }
0xb3: {  	[dreg:$0x1] =	wrdreg $0xFFFFFFFF  }
0xb4: {  	[dreg:$0x0] =	wrdreg $0x60  }
0xb5: {  	[dreg:$0x2] =	wrdreg s16  }
0xb6: {  	[dreg:$0x3] =	wrdreg s4  }
0xb7: {  	[dreg:$0x4] =	wrdreg s17  }
0xb8: {  	[dreg:$0x5] =	wrdreg s18  }
0xb9: {  	[dreg:$0x6] =	wrdreg $0x9  }
0xba: {  	_ =	task.clear_ibuf [dreg:s10], $0x7FFFF;
	_ =	strace $0x90000046  }
0xbb: {  	s29 =	simm.s32 $0x9;
	_ =	strace $0x80000048  }
0xbc: {  	_ =	swait.ge [sflag:s29], $0x1  }
0xbd: {  	[sflag:s29] =	ssyncadd.s32 $0xFFFFFFFF  }
0xbe: {  	_ =	strace $0x90000048  }
0xbf: {  	_ =	sfence  }
0xc0: {  	s30 =	sld [smem:$0x0];
	_ =	sdelay $0x2  }
0xc1: {  	s31 =	sshll.u32 s1, $0xD;
	s1 =	sshrl.u32 s1, $0x2  }
0xc2: {  	s3 =	sand.u32 $0x4000, s31;
	s1 =	sadd.s32 s1, s30  }
0xc3: {  	s0 =	sor.u32 s3, s0;
	s1 =	sshll.u32 s1, $0x11  }
0xc4: {  	s0 =	sor.u32 s1, s0  }
0xc5: {  	s0 =	sadd.s32 $0x8F2B, s0  }
0xc6: {  	[sflag:s0] =	ssyncadd.remote.s32 $0x1  }
0xc7: {  	_ =	sfence.sel $0xFFFF  }
0xc8: {  	[dreg:$0x0] =	wrdreg $0xFFFFFFFF;
	(pc) =	sbr.abs _section_cstart, $3  }
0xc9: {  	[dreg:$0x1] =	wrdreg $0xFFFFFFFF  }
0xca: {  	_ =	task.clear_ibuf [dreg:s10], $0x2FFFF;
	_ =	strace $0x9FFFFFFF  }
0xcb: {  	(tm) =	ssettm $0x7FFFFFFF  }
tec
execute0_lowered:
.L_overlay_start_1:
0x0: {  	(tag) =	ssettag $0x1  }
0x1: {  	s1 =	stileid.u32  }
0x2: {  	s9 =	rddreg [dreg:$0x0];
	p0 =	seq.s32 s1, $0xF  }
.Ltmp0:
0x3: {  	s5 =	rddreg [dreg:$0x1];
	(pc) =	sbr.rel @!p0 .LBB2_1-.Ltmp0, $4  }
0x4: {  	s8 =	rddreg [dreg:$0x2]  }
0x5: {  	s7 =	rddreg [dreg:$0x3];
	s2 =	simm.s32 $0x0  }
0x6: {  	[smem:$0x7FF] =	sst s2  }
0x7: {  	s0 =	rddreg [dreg:$0x4];
	_ =	strace $0x80000047  }
.LBB2_11:
0x8: {  	_ =	sfence.sel $0x180000  }
0x9: {  	[bflag:$0x0] =	sbarrier.arrive $0xFFFF  }
0xa: {  	p0 =	sne.s32 s1, $0x0;
	_ =	strace $0x90000047  }
0xb: {  	s0 =	sadd.s32 @!p0 $0x100000, s0;
	[bflag:$0x2] =	sbarrier.arrive $0xFFFF  }
0xc: {  	[sflag:s0] =	ssyncadd.tile.s32 @!p0 $0x1;
	_ =	shalt  }
.LBB2_1:
0xd: {  	s3 =	srdreg.scid  }
0xe: {  	s24 =	sshll.u32 s1, $0x1;
	s10 =	sand.u32 $0x1, s3  }
0xf: {  	s3 =	sor.u32 s10, s24  }
0x10: {  	s6 =	smul.u32 $0x23, s3;
	_ =	sdelay $0x1  }
0x11: {  	s10 =	ssub.s32 $0x2, s10;
	s4 =	sshrl.u32 s6, $0x9  }
0x12: {  	s29 =	sshrl.u32 s10, $0x1;
	s4 =	smul.u32 $0xF, s4  }
0x13: {  	s10 =	ssub.s32 s10, s29;
	s11 =	sshrl.u32 s6, $0xA  }
0x14: {  	s6 =	sshrl.u32 s6, $0x2;
	s13 =	smul.u32 $0x1C00, s11;
	s3 =	ssub.s32 s3, s4  }
0x15: {  	s14 =	sand.u32 $0x80, s6;
	s25 =	sshll.u32 s11, $0x11;
	s3 =	sand.u32 $0xFF, s3  }
0x16: {  	s16 =	sor.u32 s14, s25;
	s13 =	sor.u32 s14, s13;
	s4 =	smul.u32 $0x9, s3  }
0x17: {  	s10 =	smax.u32 s10, $0x1;
	s16 =	sshrl.u32 s16, $0x3;
	s13 =	sshrl.u32 s13, $0x3  }
0x18: {  	s26 =	sadd.s32 s16, s8;
	s16 =	simm.s32 $0x1;
	s12 =	smax.u32 s4, $0x7  }
0x19: {  	s15 =	smul.u32 $0x2400, s3;
	s5 =	sadd.s32 s5, s13;
	s12 =	smin.u32 s12, $0x77  }
0x1a: {  	s6 =	sadd.s32 $0x3F00, s26;
	s30 =	smul.u32 $0x4800, s3;
	s17 =	sadd.s32 $0xFFFFFFF9, s12  }
0x1b: {  	s7 =	sadd.s32 s7, s13;
	s15 =	sadd.s32 s15, s25;
	s11 =	sadd.s32 s11, s17  }
.Ltmp1:
0x1c: {  	s31 =	sshrl.u32 s30, $0x2;
	s11 =	sshll.u32 s11, $0xE;
	(pc) =	sbr.rel .LBB2_2-.Ltmp1, $4  }
0x1d: {  	s28 =	sor.u32 s14, s15;
	s15 =	simm.s32 $0x4000;
	s11 =	sor.u32 s14, s11  }
0x1e: {  	s13 =	sshrl.u32 s28, $0x3;
	s12 =	ssub.s32 s4, s12;
	s11 =	sshrl.u32 s11, $0x3  }
0x1f: {  	s8 =	sadd.s32 s8, s13;
	s13 =	sadd.s32 $0x18100, s31;
	s11 =	sadd.s32 s11, s9  }
0x20: {  	v0 =	vimm.f32 $0.0e+00;
	s14 =	simm.s32 $0x80;
	s9 =	sadd.s32 $0x400, s11;
	s11 =	sadd.s32 $0x4400, s11  }
.LBB2_10:
0x21: {  	p0 =	sgt.u32 s3, $0xD  }
0x22: {  	s17 =	simm.s32 @p0 $0x80;
	s18 =	simm.s32 @p0 $0x100;
	s19 =	simm.s32 @p0 $0x18E00  }
0x23: {  	[hbm4b:s6+s17] =	stream.strided.scatter @p0 [tilespmem:s19], [sflag:$0x2], $0x400, s18, s17, $0x38;
	[tilespmem:$0x1A000] =	vst v63  }
0x24: {  	s19 =	simm.s32 @p0 $0x2  }
0x25: {  	_ =	swait.ge @p0 [sflag:s19], $0x400  }
0x26: {  	[sflag:s19] =	ssyncset.done @p0 $0x0  }
0x27: {  	s20 =	simm.s32 @p0 $0x19200;
	[sflag:s19] =	ssyncadd.s32 @p0 $0xFFFFFC00  }
0x28: {  	[hbm4b:s7+s17] =	stream.strided.scatter @p0 [tilespmem:s20], [sflag:$0x2], $0xE00, s18, s17, $0x38;
	[tilespmem:$0x1A000] =	vst v63  }
0x29: {  	s2 =	sadd.s32 $0x1, s2;
	_ =	swait.ge @p0 [sflag:s19], $0xE00  }
0x2a: {  	p1 =	sne.s32 s2, s10;
	s17 =	simm.s32 @!p0 $0x80;
	[sflag:s19] =	ssyncset.done @p0 $0x0  }
0x2b: {  	s18 =	simm.s32 @!p0 $0x100;
	[sflag:s19] =	ssyncadd.s32 @p0 $0xFFFFF200;
	s19 =	simm.s32 @!p0 $0x18E00  }
0x2c: {  	[hbm4b:s8+s17] =	stream.strided.scatter @!p0 [tilespmem:s19], [sflag:$0x2], $0x1200, s18, s17, $0x38;
	[tilespmem:$0x1A000] =	vst v63  }
.Ltmp2:
0x2d: {  	_ = 	snop;
	(pc) =	sbr.rel @!p1 .LBB2_11-.Ltmp2, $4  }
0x2e: {  	s17 =	simm.s32 @!p0 $0x2  }
0x2f: {  	_ =	swait.ge @!p0 [sflag:s17], $0x1200  }
0x30: {  	[sflag:s17] =	ssyncset.done @!p0 $0x0  }
0x31: {  	[sflag:s17] =	ssyncadd.s32 @!p0 $0xFFFFEE00  }
.LBB2_2:
0x32: {  	s17 =	simm.s32 $0x0  }
0x33: {  	s18 =	simm.s32 $0x20;
	s20 =	sadd.s32 $0x0, s9;
	s19 =	simm.s32 $0x400  }
.LBB2_3:
0x34: {  	[tilespmem:s17], [sflag:$0x1] =	stream.strided.gather [hbm4b:s20+s14], $0x400, s15, s14, $0x38;
	[tilespmem:$0x1A000] =	vst v63  }
0x35: {  	s20 =	smov.u32 s18;
	s17 =	smov.u32 s19;
	p0 =	sne.s32 s18, $0x3E0  }
.Ltmp3:
0x36: {  	s18 =	sadd.s32 $0x20, s18;
	(pc) =	sbr.rel @p0 .LBB2_3-.Ltmp3, $2  }
0x37: {  	_ =	sdelay $0x2  }
0x38: {  	s19 =	sadd.s32 $0x400, s19;
	s20 =	sadd.s32 s20, s9  }
0x39: {  	[tilespmem:s17], [sflag:$0x1] =	stream.strided.gather [hbm4b:s20+s14], $0x400, s15, s14, $0x38;
	[tilespmem:$0x1A000] =	vst v63  }
0x3a: {  	s17 =	simm.s32 $0x8000  }
0x3b: {  	s18 =	simm.s32 $0x20;
	s20 =	sadd.s32 $0x0, s11;
	s19 =	simm.s32 $0x8400  }
.LBB2_5:
0x3c: {  	[tilespmem:s17], [sflag:$0x1] =	stream.strided.gather [hbm4b:s20+s14], $0x400, s15, s14, $0x38;
	[tilespmem:$0x1A000] =	vst v63  }
0x3d: {  	s20 =	smov.u32 s18;
	s17 =	smov.u32 s19;
	p0 =	sne.s32 s18, $0x3E0  }
.Ltmp4:
0x3e: {  	s18 =	sadd.s32 $0x20, s18;
	(pc) =	sbr.rel @p0 .LBB2_5-.Ltmp4, $2  }
0x3f: {  	_ =	sdelay $0x2  }
0x40: {  	s19 =	sadd.s32 $0x400, s19;
	s20 =	sadd.s32 s20, s11  }
0x41: {  	[tilespmem:s17], [sflag:$0x1] =	stream.strided.gather [hbm4b:s20+s14], $0x400, s15, s14, $0x38;
	[tilespmem:$0x1A000] =	vst v63  }
0x42: {  	p0 =	sne.s32 s3, $0x0  }
0x43: {  	s17 =	simm.s32 @!p0 $0x80;
	s18 =	simm.s32 @!p0 $0x100;
	s19 =	simm.s32 @!p0 $0x18000  }
0x44: {  	[tilespmem:s19], [sflag:$0x1] =	stream.strided.gather @!p0 [hbm4b:s5+s17], $0xE00, s18, s17, $0x38;
	[tilespmem:$0x1A000] =	vst v63  }
0x45: {  	[tilespmem:$0x10000] =	vst v0  }
0x46: {  	[tilespmem:$0x10010] =	vst v0  }
0x47: {  	[tilespmem:$0x10020] =	vst v0  }
0x48: {  	[tilespmem:$0x10030] =	vst v0  }
0x49: {  	[tilespmem:$0x10040] =	vst v0  }
0x4a: {  	[tilespmem:$0x10050] =	vst v0  }
0x4b: {  	[tilespmem:$0x10060] =	vst v0  }
0x4c: {  	[tilespmem:$0x10070] =	vst v0  }
0x4d: {  	[tilespmem:$0x10400] =	vst v0  }
0x4e: {  	[tilespmem:$0x10410] =	vst v0  }
0x4f: {  	[tilespmem:$0x10420] =	vst v0  }
0x50: {  	[tilespmem:$0x10430] =	vst v0  }
0x51: {  	[tilespmem:$0x10440] =	vst v0  }
0x52: {  	[tilespmem:$0x10450] =	vst v0  }
0x53: {  	[tilespmem:$0x10460] =	vst v0  }
0x54: {  	[tilespmem:$0x10470] =	vst v0  }
0x55: {  	[tilespmem:$0x10800] =	vst v0  }
0x56: {  	[tilespmem:$0x10810] =	vst v0  }
0x57: {  	[tilespmem:$0x10820] =	vst v0  }
0x58: {  	[tilespmem:$0x10830] =	vst v0  }
0x59: {  	[tilespmem:$0x10840] =	vst v0  }
0x5a: {  	[tilespmem:$0x10850] =	vst v0  }
0x5b: {  	[tilespmem:$0x10860] =	vst v0  }
0x5c: {  	[tilespmem:$0x10870] =	vst v0  }
0x5d: {  	[tilespmem:$0x10C00] =	vst v0  }
0x5e: {  	[tilespmem:$0x10C10] =	vst v0  }
0x5f: {  	[tilespmem:$0x10C20] =	vst v0  }
0x60: {  	[tilespmem:$0x10C30] =	vst v0  }
0x61: {  	[tilespmem:$0x10C40] =	vst v0  }
0x62: {  	[tilespmem:$0x10C50] =	vst v0  }
0x63: {  	[tilespmem:$0x10C60] =	vst v0  }
0x64: {  	[tilespmem:$0x10C70] =	vst v0  }
0x65: {  	[tilespmem:$0x11000] =	vst v0  }
0x66: {  	[tilespmem:$0x11010] =	vst v0  }
0x67: {  	[tilespmem:$0x11020] =	vst v0  }
0x68: {  	[tilespmem:$0x11030] =	vst v0  }
0x69: {  	[tilespmem:$0x11040] =	vst v0  }
0x6a: {  	[tilespmem:$0x11050] =	vst v0  }
0x6b: {  	[tilespmem:$0x11060] =	vst v0  }
0x6c: {  	[tilespmem:$0x11070] =	vst v0  }
0x6d: {  	[tilespmem:$0x11400] =	vst v0  }
0x6e: {  	[tilespmem:$0x11410] =	vst v0  }
0x6f: {  	[tilespmem:$0x11420] =	vst v0  }
0x70: {  	[tilespmem:$0x11430] =	vst v0  }
0x71: {  	[tilespmem:$0x11440] =	vst v0  }
0x72: {  	[tilespmem:$0x11450] =	vst v0  }
0x73: {  	[tilespmem:$0x11460] =	vst v0  }
0x74: {  	[tilespmem:$0x11470] =	vst v0  }
0x75: {  	[tilespmem:$0x11800] =	vst v0  }
0x76: {  	[tilespmem:$0x11810] =	vst v0  }
0x77: {  	[tilespmem:$0x11820] =	vst v0  }
0x78: {  	[tilespmem:$0x11830] =	vst v0  }
0x79: {  	[tilespmem:$0x11840] =	vst v0  }
0x7a: {  	[tilespmem:$0x11850] =	vst v0  }
0x7b: {  	[tilespmem:$0x11860] =	vst v0  }
0x7c: {  	[tilespmem:$0x11870] =	vst v0  }
0x7d: {  	[tilespmem:$0x11C00] =	vst v0  }
0x7e: {  	[tilespmem:$0x11C10] =	vst v0  }
0x7f: {  	[tilespmem:$0x11C20] =	vst v0  }
0x80: {  	[tilespmem:$0x11C30] =	vst v0  }
0x81: {  	[tilespmem:$0x11C40] =	vst v0  }
0x82: {  	[tilespmem:$0x11C50] =	vst v0  }
0x83: {  	[tilespmem:$0x11C60] =	vst v0  }
0x84: {  	[tilespmem:$0x11C70] =	vst v0  }
0x85: {  	[tilespmem:$0x12000] =	vst v0  }
0x86: {  	[tilespmem:$0x12010] =	vst v0  }
0x87: {  	[tilespmem:$0x12020] =	vst v0  }
0x88: {  	[tilespmem:$0x12030] =	vst v0  }
0x89: {  	[tilespmem:$0x12040] =	vst v0  }
0x8a: {  	[tilespmem:$0x12050] =	vst v0  }
0x8b: {  	[tilespmem:$0x12060] =	vst v0  }
0x8c: {  	[tilespmem:$0x12070] =	vst v0  }
0x8d: {  	[tilespmem:$0x12400] =	vst v0  }
0x8e: {  	[tilespmem:$0x12410] =	vst v0  }
0x8f: {  	[tilespmem:$0x12420] =	vst v0  }
0x90: {  	[tilespmem:$0x12430] =	vst v0  }
0x91: {  	[tilespmem:$0x12440] =	vst v0  }
0x92: {  	[tilespmem:$0x12450] =	vst v0  }
0x93: {  	[tilespmem:$0x12460] =	vst v0  }
0x94: {  	[tilespmem:$0x12470] =	vst v0  }
0x95: {  	[tilespmem:$0x12800] =	vst v0  }
0x96: {  	[tilespmem:$0x12810] =	vst v0  }
0x97: {  	[tilespmem:$0x12820] =	vst v0  }
0x98: {  	[tilespmem:$0x12830] =	vst v0  }
0x99: {  	[tilespmem:$0x12840] =	vst v0  }
0x9a: {  	[tilespmem:$0x12850] =	vst v0  }
0x9b: {  	[tilespmem:$0x12860] =	vst v0  }
0x9c: {  	[tilespmem:$0x12870] =	vst v0  }
0x9d: {  	[tilespmem:$0x12C00] =	vst v0  }
0x9e: {  	[tilespmem:$0x12C10] =	vst v0  }
0x9f: {  	[tilespmem:$0x12C20] =	vst v0  }
0xa0: {  	[tilespmem:$0x12C30] =	vst v0  }
0xa1: {  	[tilespmem:$0x12C40] =	vst v0  }
0xa2: {  	[tilespmem:$0x12C50] =	vst v0  }
0xa3: {  	[tilespmem:$0x12C60] =	vst v0  }
0xa4: {  	[tilespmem:$0x12C70] =	vst v0  }
0xa5: {  	[tilespmem:$0x13000] =	vst v0  }
0xa6: {  	[tilespmem:$0x13010] =	vst v0  }
0xa7: {  	[tilespmem:$0x13020] =	vst v0  }
0xa8: {  	[tilespmem:$0x13030] =	vst v0  }
0xa9: {  	[tilespmem:$0x13040] =	vst v0  }
0xaa: {  	[tilespmem:$0x13050] =	vst v0  }
0xab: {  	[tilespmem:$0x13060] =	vst v0  }
0xac: {  	[tilespmem:$0x13070] =	vst v0  }
0xad: {  	[tilespmem:$0x13400] =	vst v0  }
0xae: {  	[tilespmem:$0x13410] =	vst v0  }
0xaf: {  	[tilespmem:$0x13420] =	vst v0  }
0xb0: {  	[tilespmem:$0x13430] =	vst v0  }
0xb1: {  	[tilespmem:$0x13440] =	vst v0  }
0xb2: {  	[tilespmem:$0x13450] =	vst v0  }
0xb3: {  	[tilespmem:$0x13460] =	vst v0  }
0xb4: {  	[tilespmem:$0x13470] =	vst v0  }
0xb5: {  	[tilespmem:$0x13800] =	vst v0  }
0xb6: {  	[tilespmem:$0x13810] =	vst v0  }
0xb7: {  	[tilespmem:$0x13820] =	vst v0  }
0xb8: {  	[tilespmem:$0x13830] =	vst v0  }
0xb9: {  	[tilespmem:$0x13840] =	vst v0  }
0xba: {  	[tilespmem:$0x13850] =	vst v0  }
0xbb: {  	[tilespmem:$0x13860] =	vst v0  }
0xbc: {  	[tilespmem:$0x13870] =	vst v0  }
0xbd: {  	[tilespmem:$0x13C00] =	vst v0  }
0xbe: {  	[tilespmem:$0x13C10] =	vst v0  }
0xbf: {  	[tilespmem:$0x13C20] =	vst v0  }
0xc0: {  	[tilespmem:$0x13C30] =	vst v0  }
0xc1: {  	[tilespmem:$0x13C40] =	vst v0  }
0xc2: {  	[tilespmem:$0x13C50] =	vst v0  }
0xc3: {  	[tilespmem:$0x13C60] =	vst v0  }
0xc4: {  	[tilespmem:$0x13C70] =	vst v0  }
0xc5: {  	[tilespmem:$0x14000] =	vst v0  }
0xc6: {  	[tilespmem:$0x14010] =	vst v0  }
0xc7: {  	[tilespmem:$0x14020] =	vst v0  }
0xc8: {  	[tilespmem:$0x14030] =	vst v0  }
0xc9: {  	[tilespmem:$0x14040] =	vst v0  }
0xca: {  	[tilespmem:$0x14050] =	vst v0  }
0xcb: {  	[tilespmem:$0x14060] =	vst v0  }
0xcc: {  	[tilespmem:$0x14070] =	vst v0  }
0xcd: {  	[tilespmem:$0x14400] =	vst v0  }
0xce: {  	[tilespmem:$0x14410] =	vst v0  }
0xcf: {  	[tilespmem:$0x14420] =	vst v0  }
0xd0: {  	[tilespmem:$0x14430] =	vst v0  }
0xd1: {  	[tilespmem:$0x14440] =	vst v0  }
0xd2: {  	[tilespmem:$0x14450] =	vst v0  }
0xd3: {  	[tilespmem:$0x14460] =	vst v0  }
0xd4: {  	[tilespmem:$0x14470] =	vst v0  }
0xd5: {  	[tilespmem:$0x14800] =	vst v0  }
0xd6: {  	[tilespmem:$0x14810] =	vst v0  }
0xd7: {  	[tilespmem:$0x14820] =	vst v0  }
0xd8: {  	[tilespmem:$0x14830] =	vst v0  }
0xd9: {  	[tilespmem:$0x14840] =	vst v0  }
0xda: {  	[tilespmem:$0x14850] =	vst v0  }
0xdb: {  	[tilespmem:$0x14860] =	vst v0  }
0xdc: {  	[tilespmem:$0x14870] =	vst v0  }
0xdd: {  	[tilespmem:$0x14C00] =	vst v0  }
0xde: {  	[tilespmem:$0x14C10] =	vst v0  }
0xdf: {  	[tilespmem:$0x14C20] =	vst v0  }
0xe0: {  	[tilespmem:$0x14C30] =	vst v0  }
0xe1: {  	[tilespmem:$0x14C40] =	vst v0  }
0xe2: {  	[tilespmem:$0x14C50] =	vst v0  }
0xe3: {  	[tilespmem:$0x14C60] =	vst v0  }
0xe4: {  	[tilespmem:$0x14C70] =	vst v0  }
0xe5: {  	[tilespmem:$0x15000] =	vst v0  }
0xe6: {  	[tilespmem:$0x15010] =	vst v0  }
0xe7: {  	[tilespmem:$0x15020] =	vst v0  }
0xe8: {  	[tilespmem:$0x15030] =	vst v0  }
0xe9: {  	[tilespmem:$0x15040] =	vst v0  }
0xea: {  	[tilespmem:$0x15050] =	vst v0  }
0xeb: {  	[tilespmem:$0x15060] =	vst v0  }
0xec: {  	[tilespmem:$0x15070] =	vst v0  }
0xed: {  	[tilespmem:$0x15400] =	vst v0  }
0xee: {  	[tilespmem:$0x15410] =	vst v0  }
0xef: {  	[tilespmem:$0x15420] =	vst v0  }
0xf0: {  	[tilespmem:$0x15430] =	vst v0  }
0xf1: {  	[tilespmem:$0x15440] =	vst v0  }
0xf2: {  	[tilespmem:$0x15450] =	vst v0  }
0xf3: {  	[tilespmem:$0x15460] =	vst v0  }
0xf4: {  	[tilespmem:$0x15470] =	vst v0  }
0xf5: {  	[tilespmem:$0x15800] =	vst v0  }
0xf6: {  	[tilespmem:$0x15810] =	vst v0  }
0xf7: {  	[tilespmem:$0x15820] =	vst v0  }
0xf8: {  	[tilespmem:$0x15830] =	vst v0  }
0xf9: {  	[tilespmem:$0x15840] =	vst v0  }
0xfa: {  	[tilespmem:$0x15850] =	vst v0  }
0xfb: {  	[tilespmem:$0x15860] =	vst v0  }
0xfc: {  	[tilespmem:$0x15870] =	vst v0  }
0xfd: {  	[tilespmem:$0x15C00] =	vst v0  }
0xfe: {  	[tilespmem:$0x15C10] =	vst v0  }
0xff: {  	[tilespmem:$0x15C20] =	vst v0  }
0x100: {  	[tilespmem:$0x15C30] =	vst v0  }
0x101: {  	[tilespmem:$0x15C40] =	vst v0  }
0x102: {  	[tilespmem:$0x15C50] =	vst v0  }
0x103: {  	[tilespmem:$0x15C60] =	vst v0  }
0x104: {  	[tilespmem:$0x15C70] =	vst v0  }
0x105: {  	[tilespmem:$0x16000] =	vst v0  }
0x106: {  	[tilespmem:$0x16010] =	vst v0  }
0x107: {  	[tilespmem:$0x16020] =	vst v0  }
0x108: {  	[tilespmem:$0x16030] =	vst v0  }
0x109: {  	[tilespmem:$0x16040] =	vst v0  }
0x10a: {  	[tilespmem:$0x16050] =	vst v0  }
0x10b: {  	[tilespmem:$0x16060] =	vst v0  }
0x10c: {  	[tilespmem:$0x16070] =	vst v0  }
0x10d: {  	[tilespmem:$0x16400] =	vst v0  }
0x10e: {  	[tilespmem:$0x16410] =	vst v0  }
0x10f: {  	[tilespmem:$0x16420] =	vst v0  }
0x110: {  	[tilespmem:$0x16430] =	vst v0  }
0x111: {  	[tilespmem:$0x16440] =	vst v0  }
0x112: {  	[tilespmem:$0x16450] =	vst v0  }
0x113: {  	[tilespmem:$0x16460] =	vst v0  }
0x114: {  	[tilespmem:$0x16470] =	vst v0  }
0x115: {  	[tilespmem:$0x16800] =	vst v0  }
0x116: {  	[tilespmem:$0x16810] =	vst v0  }
0x117: {  	[tilespmem:$0x16820] =	vst v0  }
0x118: {  	[tilespmem:$0x16830] =	vst v0  }
0x119: {  	[tilespmem:$0x16840] =	vst v0  }
0x11a: {  	[tilespmem:$0x16850] =	vst v0  }
0x11b: {  	[tilespmem:$0x16860] =	vst v0  }
0x11c: {  	[tilespmem:$0x16870] =	vst v0  }
0x11d: {  	[tilespmem:$0x16C00] =	vst v0  }
0x11e: {  	[tilespmem:$0x16C10] =	vst v0  }
0x11f: {  	[tilespmem:$0x16C20] =	vst v0  }
0x120: {  	[tilespmem:$0x16C30] =	vst v0  }
0x121: {  	[tilespmem:$0x16C40] =	vst v0  }
0x122: {  	[tilespmem:$0x16C50] =	vst v0  }
0x123: {  	[tilespmem:$0x16C60] =	vst v0  }
0x124: {  	[tilespmem:$0x16C70] =	vst v0  }
0x125: {  	[tilespmem:$0x17000] =	vst v0  }
0x126: {  	[tilespmem:$0x17010] =	vst v0  }
0x127: {  	[tilespmem:$0x17020] =	vst v0  }
0x128: {  	[tilespmem:$0x17030] =	vst v0  }
0x129: {  	[tilespmem:$0x17040] =	vst v0  }
0x12a: {  	[tilespmem:$0x17050] =	vst v0  }
0x12b: {  	[tilespmem:$0x17060] =	vst v0  }
0x12c: {  	[tilespmem:$0x17070] =	vst v0  }
0x12d: {  	[tilespmem:$0x17400] =	vst v0  }
0x12e: {  	[tilespmem:$0x17410] =	vst v0  }
0x12f: {  	[tilespmem:$0x17420] =	vst v0  }
0x130: {  	[tilespmem:$0x17430] =	vst v0  }
0x131: {  	[tilespmem:$0x17440] =	vst v0  }
0x132: {  	[tilespmem:$0x17450] =	vst v0  }
0x133: {  	[tilespmem:$0x17460] =	vst v0  }
0x134: {  	[tilespmem:$0x17470] =	vst v0  }
0x135: {  	[tilespmem:$0x17800] =	vst v0  }
0x136: {  	[tilespmem:$0x17810] =	vst v0  }
0x137: {  	[tilespmem:$0x17820] =	vst v0  }
0x138: {  	[tilespmem:$0x17830] =	vst v0  }
0x139: {  	[tilespmem:$0x17840] =	vst v0  }
0x13a: {  	[tilespmem:$0x17850] =	vst v0  }
0x13b: {  	[tilespmem:$0x17860] =	vst v0  }
0x13c: {  	[tilespmem:$0x17870] =	vst v0  }
0x13d: {  	[tilespmem:$0x17C00] =	vst v0  }
0x13e: {  	[tilespmem:$0x17C10] =	vst v0  }
0x13f: {  	[tilespmem:$0x17C20] =	vst v0  }
0x140: {  	[tilespmem:$0x17C30] =	vst v0  }
0x141: {  	[tilespmem:$0x17C40] =	vst v0  }
0x142: {  	[tilespmem:$0x17C50] =	vst v0  }
0x143: {  	[tilespmem:$0x17C60] =	vst v0  }
0x144: {  	[tilespmem:$0x17C70] =	vst v0  }
0x145: {  	_ =	swait.ge [sflag:s16], $0x10000  }
.Ltmp5:
0x146: {  	[sflag:s16] =	ssyncset.done $0x0;
	(pc) =	sbr.rel .LBB2_7-.Ltmp5, $4  }
0x147: {  	s17 =	simm.s32 @!p0 $0x1;
	[sflag:s16] =	ssyncadd.s32 $0xFFFF0000  }
0x148: {  	_ =	swait.ge @!p0 [sflag:s17], $0xE00  }
0x149: {  	s18 =	simm.s32 $0x18F00;
	[sflag:s17] =	ssyncset.done @!p0 $0x0  }
0x14a: {  	s19 =	smov.u32 s13;
	[sflag:s17] =	ssyncadd.s32 @!p0 $0xFFFFF200;
	s17 =	simm.s32 $0x0  }
.LBB2_9:
0x14b: {  	s17 =	sadd.s32 $0x1, s17  }
0x14c: {  	p0 =	sne.s32 s17, $0x9  }
.Ltmp6:
0x14d: {  	_ = 	snop;
	(pc) =	sbr.rel @!p0 .LBB2_10-.Ltmp6, $2  }
0x14e: {  	_ =	sdelay $0x2  }
0x14f: {  	s18 =	sadd.s32 $0x200, s18;
	s19 =	sadd.s32 $0x200, s19  }
.LBB2_7:
0x150: {  	s20 =	sadd.s32 s17, s4;
	s26 =	sadd.s32 s17, s12  }
0x151: {  	p0 =	slt.u32 s20, $0x80;
	s21 =	sadd.s32 $0x7, s26;
	s22 =	sadd.s32 $0xFFFFFFFF, s20  }
0x152: {  	s23 =	sadd.s32 $0xFFFFFFFE, s20;
	s30 =	sadd.s32 $0xFFFFFFFD, s20;
	s24 =	sadd.s32 $0x5, s26  }
0x153: {  	s25 =	sadd.s32 $0xFFFFFFFC, s20;
	s28 =	sadd.s32 $0xFFFFFFFB, s20;
	s31 =	sadd.s32 $0xFFFFFFFA, s20  }
0x154: {  	s21 =	simm.s32 @!p0 $0x10;
	p0 =	slt.u32 s22, $0x80;
	s22 =	sadd.s32 $0x6, s26  }
0x155: {  	s29 =	sadd.s32 $0x2, s26;
	p1 =	slt.u32 s30, $0x80;
	s22 =	simm.s32 @!p0 $0x10  }
0x156: {  	p0 =	slt.u32 s23, $0x80;
	s23 =	sadd.s32 $0x4, s26;
	s30 =	sshll.u32 s21, $0xC  }
0x157: {  	s21 =	sshll.u32 s21, $0x7;
	s24 =	simm.s32 @!p0 $0x10;
	s23 =	simm.s32 @!p1 $0x10  }
0x158: {  	p0 =	slt.u32 s25, $0x80;
	s25 =	sadd.s32 $0x3, s26;
	p1 =	slt.u32 s31, $0x80  }
0x159: {  	s21 =	sand.u32 $0x380, s21;
	s25 =	simm.s32 @!p0 $0x10;
	p0 =	slt.u32 s28, $0x80  }
0x15a: {  	s28 =	sadd.s32 $0x1, s26;
	s31 =	sshll.u32 s24, $0xC;
	s24 =	sshll.u32 s24, $0x7  }
0x15b: {  	s29 =	simm.s32 @!p0 $0x10;
	s28 =	simm.s32 @!p1 $0x10;
	p0 =	sgt.u32 s20, $0x6  }
0x15c: {  	s20 =	sand.u32 $0xFFFF8000, s30;
	s30 =	sshll.u32 s22, $0xC;
	s22 =	sshll.u32 s22, $0x7  }
0x15d: {  	s31 =	sand.u32 $0xFFFF8000, s31;
	s24 =	sand.u32 $0x380, s24;
	s20 =	sor.u32 s21, s20  }
0x15e: {  	s21 =	sand.u32 $0xFFFF8000, s30;
	s22 =	sand.u32 $0x380, s22;
	s30 =	sshll.u32 s23, $0xC  }
0x15f: {  	s23 =	sshll.u32 s23, $0x7;
	s26 =	simm.s32 @!p0 $0x10;
	s21 =	sor.u32 s22, s21  }
0x160: {  	s22 =	sor.u32 s24, s31;
	s24 =	sand.u32 $0xFFFF8000, s30;
	s23 =	sand.u32 $0x380, s23  }
0x161: {  	s31 =	sshll.u32 s25, $0xC;
	s25 =	sshll.u32 s25, $0x7;
	s23 =	sor.u32 s23, s24  }
0x162: {  	v1 =	vld [tilespmem:s20+$0x0];
	s24 =	sand.u32 $0xFFFF8000, s31;
	s31 =	sshll.u32 s29, $0xC;
	s29 =	sshll.u32 s29, $0x7  }
0x163: {  	v2 =	vld [tilespmem:s21+$0x1000];
	s25 =	sand.u32 $0x380, s25;
	s30 =	sand.u32 $0xFFFF8000, s31;
	s29 =	sand.u32 $0x380, s29  }
0x164: {  	v3 =	vld [tilespmem:s22+$0x2000];
	s24 =	sor.u32 s25, s24;
	s31 =	sshll.u32 s28, $0xC;
	s28 =	sshll.u32 s28, $0x7  }
0x165: {  	v4 =	vld [tilespmem:s23+$0x3000];
	s25 =	sor.u32 s29, s30;
	s29 =	sand.u32 $0xFFFF8000, s31;
	s30 =	sshll.u32 s26, $0x7  }
0x166: {  	v5 =	vld [tilespmem:s24+$0x4000];
	s28 =	sand.u32 $0x380, s28;
	s31 =	sshll.u32 s26, $0xC;
	s30 =	sand.u32 $0x380, s30  }
0x167: {  	s26 =	sor.u32 s28, s29;
	v6 =	vld [tilespmem:s25+$0x5000];
	s28 =	sor.u32 s31, s30  }
0x168: {  	v7 =	vld [tilespmem:s26+$0x6000];
	s30 =	sor.u32 $0x7000, s28  }
0x169: {  	v8 =	vld [tilespmem:s30+$0x0];
	_ =	sdelay $0x3  }
0x16a: {  	v1 =	vadd.f32 v2, v1;
	v2 =	vadd.f32 v4, v3  }
0x16b: {  	v3 =	vadd.f32 v6, v5;
	v4 =	vadd.f32 v8, v7;
	_ =	sdelay $0x1  }
0x16c: {  	v1 =	vadd.f32 v2, v1;
	v2 =	vadd.f32 v4, v3;
	_ =	sdelay $0x1  }
0x16d: {  	v1 =	vadd.f32 v2, v1;
	_ =	sdelay $0x1  }
0x16e: {  	v1 =	vmul.f32 $1.250000000e-01, v1;
	_ =	sdelay $0x1  }
0x16f: {  	[tilespmem:s18+$0xFFFFFF00] =	vst v1  }
0x170: {  	v2 =	vld [tilespmem:s20+$0x10]  }
0x171: {  	v3 =	vld [tilespmem:s21+$0x1010]  }
0x172: {  	v4 =	vld [tilespmem:s22+$0x2010]  }
0x173: {  	v5 =	vld [tilespmem:s23+$0x3010]  }
0x174: {  	v6 =	vld [tilespmem:s24+$0x4010]  }
0x175: {  	v7 =	vld [tilespmem:s25+$0x5010]  }
0x176: {  	s31 =	sor.u32 $0x7010, s28;
	v8 =	vld [tilespmem:s26+$0x6010]  }
0x177: {  	v9 =	vld [tilespmem:s31+$0x0];
	_ =	sdelay $0x3  }
0x178: {  	v2 =	vadd.f32 v3, v2;
	v3 =	vadd.f32 v5, v4  }
0x179: {  	v4 =	vadd.f32 v7, v6;
	v5 =	vadd.f32 v9, v8;
	_ =	sdelay $0x1  }
0x17a: {  	v2 =	vadd.f32 v3, v2;
	v3 =	vadd.f32 v5, v4;
	_ =	sdelay $0x1  }
0x17b: {  	v2 =	vadd.f32 v3, v2;
	_ =	sdelay $0x1  }
0x17c: {  	v2 =	vmul.f32 $1.250000000e-01, v2;
	_ =	sdelay $0x1  }
0x17d: {  	[tilespmem:s18+$0xFFFFFF10] =	vst v2  }
0x17e: {  	v3 =	vld [tilespmem:s20+$0x20]  }
0x17f: {  	v4 =	vld [tilespmem:s21+$0x1020]  }
0x180: {  	v5 =	vld [tilespmem:s22+$0x2020]  }
0x181: {  	v6 =	vld [tilespmem:s23+$0x3020]  }
0x182: {  	v7 =	vld [tilespmem:s24+$0x4020]  }
0x183: {  	v8 =	vld [tilespmem:s25+$0x5020]  }
0x184: {  	s30 =	sor.u32 $0x7020, s28;
	v9 =	vld [tilespmem:s26+$0x6020]  }
0x185: {  	v10 =	vld [tilespmem:s30+$0x0];
	_ =	sdelay $0x3  }
0x186: {  	v3 =	vadd.f32 v4, v3;
	v4 =	vadd.f32 v6, v5  }
0x187: {  	v5 =	vadd.f32 v8, v7;
	v6 =	vadd.f32 v10, v9;
	_ =	sdelay $0x1  }
0x188: {  	v3 =	vadd.f32 v4, v3;
	v4 =	vadd.f32 v6, v5;
	_ =	sdelay $0x1  }
0x189: {  	v3 =	vadd.f32 v4, v3;
	_ =	sdelay $0x1  }
0x18a: {  	v3 =	vmul.f32 $1.250000000e-01, v3;
	_ =	sdelay $0x1  }
0x18b: {  	[tilespmem:s18+$0xFFFFFF20] =	vst v3  }
0x18c: {  	v4 =	vld [tilespmem:s20+$0x30]  }
0x18d: {  	v5 =	vld [tilespmem:s21+$0x1030]  }
0x18e: {  	v6 =	vld [tilespmem:s22+$0x2030]  }
0x18f: {  	v7 =	vld [tilespmem:s23+$0x3030]  }
0x190: {  	v8 =	vld [tilespmem:s24+$0x4030]  }
0x191: {  	v9 =	vld [tilespmem:s25+$0x5030]  }
0x192: {  	s31 =	sor.u32 $0x7030, s28;
	v10 =	vld [tilespmem:s26+$0x6030]  }
0x193: {  	v11 =	vld [tilespmem:s31+$0x0];
	_ =	sdelay $0x3  }
0x194: {  	v4 =	vadd.f32 v5, v4;
	v5 =	vadd.f32 v7, v6  }
0x195: {  	v6 =	vadd.f32 v9, v8;
	v7 =	vadd.f32 v11, v10;
	_ =	sdelay $0x1  }
0x196: {  	v4 =	vadd.f32 v5, v4;
	v5 =	vadd.f32 v7, v6;
	_ =	sdelay $0x1  }
0x197: {  	v4 =	vadd.f32 v5, v4;
	_ =	sdelay $0x1  }
0x198: {  	v4 =	vmul.f32 $1.250000000e-01, v4;
	_ =	sdelay $0x1  }
0x199: {  	[tilespmem:s18+$0xFFFFFF30] =	vst v4  }
0x19a: {  	v5 =	vld [tilespmem:s20+$0x40]  }
0x19b: {  	v6 =	vld [tilespmem:s21+$0x1040]  }
0x19c: {  	v7 =	vld [tilespmem:s22+$0x2040]  }
0x19d: {  	v8 =	vld [tilespmem:s23+$0x3040]  }
0x19e: {  	v9 =	vld [tilespmem:s24+$0x4040]  }
0x19f: {  	v10 =	vld [tilespmem:s25+$0x5040]  }
0x1a0: {  	s30 =	sor.u32 $0x7040, s28;
	v11 =	vld [tilespmem:s26+$0x6040]  }
0x1a1: {  	v12 =	vld [tilespmem:s30+$0x0];
	_ =	sdelay $0x3  }
0x1a2: {  	v5 =	vadd.f32 v6, v5;
	v6 =	vadd.f32 v8, v7  }
0x1a3: {  	v7 =	vadd.f32 v10, v9;
	v8 =	vadd.f32 v12, v11;
	_ =	sdelay $0x1  }
0x1a4: {  	v5 =	vadd.f32 v6, v5;
	v6 =	vadd.f32 v8, v7;
	_ =	sdelay $0x1  }
0x1a5: {  	v5 =	vadd.f32 v6, v5;
	_ =	sdelay $0x1  }
0x1a6: {  	v5 =	vmul.f32 $1.250000000e-01, v5;
	_ =	sdelay $0x1  }
0x1a7: {  	[tilespmem:s18+$0xFFFFFF40] =	vst v5  }
0x1a8: {  	v6 =	vld [tilespmem:s20+$0x50]  }
0x1a9: {  	v7 =	vld [tilespmem:s21+$0x1050]  }
0x1aa: {  	v8 =	vld [tilespmem:s22+$0x2050]  }
0x1ab: {  	v9 =	vld [tilespmem:s23+$0x3050]  }
0x1ac: {  	v10 =	vld [tilespmem:s24+$0x4050]  }
0x1ad: {  	v11 =	vld [tilespmem:s25+$0x5050]  }
0x1ae: {  	s31 =	sor.u32 $0x7050, s28;
	v12 =	vld [tilespmem:s26+$0x6050]  }
0x1af: {  	v13 =	vld [tilespmem:s31+$0x0];
	_ =	sdelay $0x3  }
0x1b0: {  	v6 =	vadd.f32 v7, v6;
	v7 =	vadd.f32 v9, v8  }
0x1b1: {  	v8 =	vadd.f32 v11, v10;
	v9 =	vadd.f32 v13, v12;
	_ =	sdelay $0x1  }
0x1b2: {  	v6 =	vadd.f32 v7, v6;
	v7 =	vadd.f32 v9, v8;
	_ =	sdelay $0x1  }
0x1b3: {  	v6 =	vadd.f32 v7, v6;
	_ =	sdelay $0x1  }
0x1b4: {  	v6 =	vmul.f32 $1.250000000e-01, v6;
	_ =	sdelay $0x1  }
0x1b5: {  	[tilespmem:s18+$0xFFFFFF50] =	vst v6  }
0x1b6: {  	v7 =	vld [tilespmem:s20+$0x60]  }
0x1b7: {  	v8 =	vld [tilespmem:s21+$0x1060]  }
0x1b8: {  	v9 =	vld [tilespmem:s22+$0x2060]  }
0x1b9: {  	v10 =	vld [tilespmem:s23+$0x3060]  }
0x1ba: {  	v11 =	vld [tilespmem:s24+$0x4060]  }
0x1bb: {  	v12 =	vld [tilespmem:s25+$0x5060]  }
0x1bc: {  	s30 =	sor.u32 $0x7060, s28;
	v13 =	vld [tilespmem:s26+$0x6060]  }
0x1bd: {  	v14 =	vld [tilespmem:s30+$0x0];
	_ =	sdelay $0x3  }
0x1be: {  	v7 =	vadd.f32 v8, v7;
	v8 =	vadd.f32 v10, v9  }
0x1bf: {  	v9 =	vadd.f32 v12, v11;
	v10 =	vadd.f32 v14, v13;
	_ =	sdelay $0x1  }
0x1c0: {  	v7 =	vadd.f32 v8, v7;
	v8 =	vadd.f32 v10, v9;
	_ =	sdelay $0x1  }
0x1c1: {  	v7 =	vadd.f32 v8, v7;
	_ =	sdelay $0x1  }
0x1c2: {  	v7 =	vmul.f32 $1.250000000e-01, v7;
	_ =	sdelay $0x1  }
0x1c3: {  	[tilespmem:s18+$0xFFFFFF60] =	vst v7  }
0x1c4: {  	v8 =	vld [tilespmem:s20+$0x70]  }
0x1c5: {  	v9 =	vld [tilespmem:s21+$0x1070]  }
0x1c6: {  	v10 =	vld [tilespmem:s22+$0x2070]  }
0x1c7: {  	v11 =	vld [tilespmem:s23+$0x3070]  }
0x1c8: {  	v12 =	vld [tilespmem:s24+$0x4070]  }
0x1c9: {  	v13 =	vld [tilespmem:s25+$0x5070]  }
0x1ca: {  	s31 =	sor.u32 $0x7070, s28;
	v14 =	vld [tilespmem:s26+$0x6070]  }
0x1cb: {  	v15 =	vld [tilespmem:s31+$0x0];
	_ =	sdelay $0x3  }
0x1cc: {  	v8 =	vadd.f32 v9, v8;
	v9 =	vadd.f32 v11, v10  }
0x1cd: {  	v10 =	vadd.f32 v13, v12;
	v11 =	vadd.f32 v15, v14;
	_ =	sdelay $0x1  }
0x1ce: {  	v8 =	vadd.f32 v9, v8;
	v9 =	vadd.f32 v11, v10;
	_ =	sdelay $0x1  }
0x1cf: {  	v8 =	vadd.f32 v9, v8;
	_ =	sdelay $0x1  }
0x1d0: {  	v8 =	vmul.f32 $1.250000000e-01, v8;
	_ =	sdelay $0x1  }
0x1d1: {  	[tilespmem:s18+$0xFFFFFF70] =	vst v8  }
0x1d2: {  	v9 =	vld [tilespmem:s20+$0x400]  }
0x1d3: {  	v10 =	vld [tilespmem:s21+$0x1400]  }
0x1d4: {  	v11 =	vld [tilespmem:s22+$0x2400]  }
0x1d5: {  	v12 =	vld [tilespmem:s23+$0x3400]  }
0x1d6: {  	v13 =	vld [tilespmem:s24+$0x4400]  }
0x1d7: {  	v14 =	vld [tilespmem:s25+$0x5400]  }
0x1d8: {  	s30 =	sor.u32 $0x7400, s28;
	v15 =	vld [tilespmem:s26+$0x6400]  }
0x1d9: {  	v16 =	vld [tilespmem:s30+$0x0];
	_ =	sdelay $0x3  }
0x1da: {  	v9 =	vadd.f32 v10, v9;
	v10 =	vadd.f32 v12, v11  }
0x1db: {  	v11 =	vadd.f32 v14, v13;
	v12 =	vadd.f32 v16, v15;
	_ =	sdelay $0x1  }
0x1dc: {  	v9 =	vadd.f32 v10, v9;
	v10 =	vadd.f32 v12, v11;
	_ =	sdelay $0x1  }
0x1dd: {  	v9 =	vadd.f32 v10, v9;
	_ =	sdelay $0x1  }
0x1de: {  	v9 =	vmul.f32 $1.250000000e-01, v9;
	_ =	sdelay $0x1  }
0x1df: {  	[tilespmem:s18+$0xFFFFFF80] =	vst v9  }
0x1e0: {  	v10 =	vld [tilespmem:s20+$0x410]  }
0x1e1: {  	v11 =	vld [tilespmem:s21+$0x1410]  }
0x1e2: {  	v12 =	vld [tilespmem:s22+$0x2410]  }
0x1e3: {  	v13 =	vld [tilespmem:s23+$0x3410]  }
0x1e4: {  	v14 =	vld [tilespmem:s24+$0x4410]  }
0x1e5: {  	v15 =	vld [tilespmem:s25+$0x5410]  }
0x1e6: {  	s31 =	sor.u32 $0x7410, s28;
	v16 =	vld [tilespmem:s26+$0x6410]  }
0x1e7: {  	v17 =	vld [tilespmem:s31+$0x0];
	_ =	sdelay $0x3  }
0x1e8: {  	v10 =	vadd.f32 v11, v10;
	v11 =	vadd.f32 v13, v12  }
0x1e9: {  	v12 =	vadd.f32 v15, v14;
	v13 =	vadd.f32 v17, v16;
	_ =	sdelay $0x1  }
0x1ea: {  	v10 =	vadd.f32 v11, v10;
	v11 =	vadd.f32 v13, v12;
	_ =	sdelay $0x1  }
0x1eb: {  	v10 =	vadd.f32 v11, v10;
	_ =	sdelay $0x1  }
0x1ec: {  	v10 =	vmul.f32 $1.250000000e-01, v10;
	_ =	sdelay $0x1  }
0x1ed: {  	[tilespmem:s18+$0xFFFFFF90] =	vst v10  }
0x1ee: {  	v11 =	vld [tilespmem:s20+$0x420]  }
0x1ef: {  	v12 =	vld [tilespmem:s21+$0x1420]  }
0x1f0: {  	v13 =	vld [tilespmem:s22+$0x2420]  }
0x1f1: {  	v14 =	vld [tilespmem:s23+$0x3420]  }
0x1f2: {  	v15 =	vld [tilespmem:s24+$0x4420]  }
0x1f3: {  	v16 =	vld [tilespmem:s25+$0x5420]  }
0x1f4: {  	s30 =	sor.u32 $0x7420, s28;
	v17 =	vld [tilespmem:s26+$0x6420]  }
0x1f5: {  	v18 =	vld [tilespmem:s30+$0x0];
	_ =	sdelay $0x3  }
0x1f6: {  	v11 =	vadd.f32 v12, v11;
	v12 =	vadd.f32 v14, v13  }
0x1f7: {  	v13 =	vadd.f32 v16, v15;
	v14 =	vadd.f32 v18, v17;
	_ =	sdelay $0x1  }
0x1f8: {  	v11 =	vadd.f32 v12, v11;
	v12 =	vadd.f32 v14, v13;
	_ =	sdelay $0x1  }
0x1f9: {  	v11 =	vadd.f32 v12, v11;
	_ =	sdelay $0x1  }
0x1fa: {  	v11 =	vmul.f32 $1.250000000e-01, v11;
	_ =	sdelay $0x1  }
0x1fb: {  	[tilespmem:s18+$0xFFFFFFA0] =	vst v11  }
0x1fc: {  	v12 =	vld [tilespmem:s20+$0x430]  }
0x1fd: {  	v13 =	vld [tilespmem:s21+$0x1430]  }
0x1fe: {  	v14 =	vld [tilespmem:s22+$0x2430]  }
0x1ff: {  	v15 =	vld [tilespmem:s23+$0x3430]  }
0x200: {  	v16 =	vld [tilespmem:s24+$0x4430]  }
0x201: {  	v17 =	vld [tilespmem:s25+$0x5430]  }
0x202: {  	s31 =	sor.u32 $0x7430, s28;
	v18 =	vld [tilespmem:s26+$0x6430]  }
0x203: {  	v19 =	vld [tilespmem:s31+$0x0];
	_ =	sdelay $0x3  }
0x204: {  	v12 =	vadd.f32 v13, v12;
	v13 =	vadd.f32 v15, v14  }
0x205: {  	v14 =	vadd.f32 v17, v16;
	v15 =	vadd.f32 v19, v18;
	_ =	sdelay $0x1  }
0x206: {  	v12 =	vadd.f32 v13, v12;
	v13 =	vadd.f32 v15, v14;
	_ =	sdelay $0x1  }
0x207: {  	v12 =	vadd.f32 v13, v12;
	_ =	sdelay $0x1  }
0x208: {  	v12 =	vmul.f32 $1.250000000e-01, v12;
	_ =	sdelay $0x1  }
0x209: {  	[tilespmem:s18+$0xFFFFFFB0] =	vst v12  }
0x20a: {  	v13 =	vld [tilespmem:s20+$0x440]  }
0x20b: {  	v14 =	vld [tilespmem:s21+$0x1440]  }
0x20c: {  	v15 =	vld [tilespmem:s22+$0x2440]  }
0x20d: {  	v16 =	vld [tilespmem:s23+$0x3440]  }
0x20e: {  	v17 =	vld [tilespmem:s24+$0x4440]  }
0x20f: {  	v18 =	vld [tilespmem:s25+$0x5440]  }
0x210: {  	s30 =	sor.u32 $0x7440, s28;
	v19 =	vld [tilespmem:s26+$0x6440]  }
0x211: {  	v20 =	vld [tilespmem:s30+$0x0];
	_ =	sdelay $0x3  }
0x212: {  	v13 =	vadd.f32 v14, v13;
	v14 =	vadd.f32 v16, v15  }
0x213: {  	v15 =	vadd.f32 v18, v17;
	v16 =	vadd.f32 v20, v19;
	_ =	sdelay $0x1  }
0x214: {  	v13 =	vadd.f32 v14, v13;
	v14 =	vadd.f32 v16, v15;
	_ =	sdelay $0x1  }
0x215: {  	v13 =	vadd.f32 v14, v13;
	_ =	sdelay $0x1  }
0x216: {  	v13 =	vmul.f32 $1.250000000e-01, v13;
	_ =	sdelay $0x1  }
0x217: {  	[tilespmem:s18+$0xFFFFFFC0] =	vst v13  }
0x218: {  	v14 =	vld [tilespmem:s20+$0x450]  }
0x219: {  	v15 =	vld [tilespmem:s21+$0x1450]  }
0x21a: {  	v16 =	vld [tilespmem:s22+$0x2450]  }
0x21b: {  	v17 =	vld [tilespmem:s23+$0x3450]  }
0x21c: {  	v18 =	vld [tilespmem:s24+$0x4450]  }
0x21d: {  	v19 =	vld [tilespmem:s25+$0x5450]  }
0x21e: {  	s31 =	sor.u32 $0x7450, s28;
	v20 =	vld [tilespmem:s26+$0x6450]  }
0x21f: {  	v21 =	vld [tilespmem:s31+$0x0];
	_ =	sdelay $0x3  }
0x220: {  	v14 =	vadd.f32 v15, v14;
	v15 =	vadd.f32 v17, v16  }
0x221: {  	v16 =	vadd.f32 v19, v18;
	v17 =	vadd.f32 v21, v20;
	_ =	sdelay $0x1  }
0x222: {  	v14 =	vadd.f32 v15, v14;
	v15 =	vadd.f32 v17, v16;
	_ =	sdelay $0x1  }
0x223: {  	v14 =	vadd.f32 v15, v14;
	_ =	sdelay $0x1  }
0x224: {  	v14 =	vmul.f32 $1.250000000e-01, v14;
	_ =	sdelay $0x1  }
0x225: {  	[tilespmem:s18+$0xFFFFFFD0] =	vst v14  }
0x226: {  	v15 =	vld [tilespmem:s20+$0x460]  }
0x227: {  	v16 =	vld [tilespmem:s21+$0x1460]  }
0x228: {  	v17 =	vld [tilespmem:s22+$0x2460]  }
0x229: {  	v18 =	vld [tilespmem:s23+$0x3460]  }
0x22a: {  	v19 =	vld [tilespmem:s24+$0x4460]  }
0x22b: {  	v20 =	vld [tilespmem:s25+$0x5460]  }
0x22c: {  	s30 =	sor.u32 $0x7460, s28;
	v21 =	vld [tilespmem:s26+$0x6460]  }
0x22d: {  	v22 =	vld [tilespmem:s30+$0x0];
	_ =	sdelay $0x3  }
0x22e: {  	v15 =	vadd.f32 v16, v15;
	v16 =	vadd.f32 v18, v17  }
0x22f: {  	v17 =	vadd.f32 v20, v19;
	v18 =	vadd.f32 v22, v21;
	_ =	sdelay $0x1  }
0x230: {  	v15 =	vadd.f32 v16, v15;
	v16 =	vadd.f32 v18, v17;
	_ =	sdelay $0x1  }
0x231: {  	v15 =	vadd.f32 v16, v15;
	_ =	sdelay $0x1  }
0x232: {  	v15 =	vmul.f32 $1.250000000e-01, v15;
	_ =	sdelay $0x1  }
0x233: {  	[tilespmem:s18+$0xFFFFFFE0] =	vst v15  }
0x234: {  	v16 =	vld [tilespmem:s20+$0x470]  }
0x235: {  	v17 =	vld [tilespmem:s21+$0x1470]  }
0x236: {  	v18 =	vld [tilespmem:s22+$0x2470]  }
0x237: {  	v19 =	vld [tilespmem:s23+$0x3470]  }
0x238: {  	v20 =	vld [tilespmem:s24+$0x4470]  }
0x239: {  	v21 =	vld [tilespmem:s25+$0x5470]  }
0x23a: {  	s31 =	sor.u32 $0x7470, s28;
	v22 =	vld [tilespmem:s26+$0x6470]  }
0x23b: {  	v23 =	vld [tilespmem:s31+$0x0];
	_ =	sdelay $0x3  }
0x23c: {  	v16 =	vadd.f32 v17, v16;
	v17 =	vadd.f32 v19, v18  }
0x23d: {  	v18 =	vadd.f32 v21, v20;
	v19 =	vadd.f32 v23, v22;
	_ =	sdelay $0x1  }
0x23e: {  	v16 =	vadd.f32 v17, v16;
	v17 =	vadd.f32 v19, v18;
	_ =	sdelay $0x1  }
0x23f: {  	v16 =	vadd.f32 v17, v16;
	_ =	sdelay $0x1  }
0x240: {  	v16 =	vmul.f32 $1.250000000e-01, v16;
	_ =	sdelay $0x1  }
0x241: {  	[tilespmem:s18+$0xFFFFFFF0] =	vst v16  }
0x242: {  	v17 =	vld [tilespmem:s20+$0x800]  }
0x243: {  	v18 =	vld [tilespmem:s21+$0x1800]  }
0x244: {  	v19 =	vld [tilespmem:s22+$0x2800]  }
0x245: {  	v20 =	vld [tilespmem:s23+$0x3800]  }
0x246: {  	v21 =	vld [tilespmem:s24+$0x4800]  }
0x247: {  	v22 =	vld [tilespmem:s25+$0x5800]  }
0x248: {  	s30 =	sor.u32 $0x7800, s28;
	v23 =	vld [tilespmem:s26+$0x6800]  }
0x249: {  	v24 =	vld [tilespmem:s30+$0x0];
	_ =	sdelay $0x3  }
0x24a: {  	v17 =	vadd.f32 v18, v17;
	v18 =	vadd.f32 v20, v19  }
0x24b: {  	v19 =	vadd.f32 v22, v21;
	v20 =	vadd.f32 v24, v23;
	_ =	sdelay $0x1  }
0x24c: {  	v17 =	vadd.f32 v18, v17;
	v18 =	vadd.f32 v20, v19;
	_ =	sdelay $0x1  }
0x24d: {  	v17 =	vadd.f32 v18, v17;
	_ =	sdelay $0x1  }
0x24e: {  	v17 =	vmul.f32 $1.250000000e-01, v17;
	_ =	sdelay $0x1  }
0x24f: {  	[tilespmem:s18+$0x0] =	vst v17  }
0x250: {  	v18 =	vld [tilespmem:s20+$0x810]  }
0x251: {  	v19 =	vld [tilespmem:s21+$0x1810]  }
0x252: {  	v20 =	vld [tilespmem:s22+$0x2810]  }
0x253: {  	v21 =	vld [tilespmem:s23+$0x3810]  }
0x254: {  	v22 =	vld [tilespmem:s24+$0x4810]  }
0x255: {  	v23 =	vld [tilespmem:s25+$0x5810]  }
0x256: {  	s31 =	sor.u32 $0x7810, s28;
	v24 =	vld [tilespmem:s26+$0x6810]  }
0x257: {  	v25 =	vld [tilespmem:s31+$0x0];
	_ =	sdelay $0x3  }
0x258: {  	v18 =	vadd.f32 v19, v18;
	v19 =	vadd.f32 v21, v20  }
0x259: {  	v20 =	vadd.f32 v23, v22;
	v21 =	vadd.f32 v25, v24;
	_ =	sdelay $0x1  }
0x25a: {  	v18 =	vadd.f32 v19, v18;
	v19 =	vadd.f32 v21, v20;
	_ =	sdelay $0x1  }
0x25b: {  	v18 =	vadd.f32 v19, v18;
	_ =	sdelay $0x1  }
0x25c: {  	v18 =	vmul.f32 $1.250000000e-01, v18;
	_ =	sdelay $0x1  }
0x25d: {  	[tilespmem:s18+$0x10] =	vst v18  }
0x25e: {  	v19 =	vld [tilespmem:s20+$0x820]  }
0x25f: {  	v20 =	vld [tilespmem:s21+$0x1820]  }
0x260: {  	v21 =	vld [tilespmem:s22+$0x2820]  }
0x261: {  	v22 =	vld [tilespmem:s23+$0x3820]  }
0x262: {  	v23 =	vld [tilespmem:s24+$0x4820]  }
0x263: {  	v24 =	vld [tilespmem:s25+$0x5820]  }
0x264: {  	s30 =	sor.u32 $0x7820, s28;
	v25 =	vld [tilespmem:s26+$0x6820]  }
0x265: {  	v26 =	vld [tilespmem:s30+$0x0];
	_ =	sdelay $0x3  }
0x266: {  	v19 =	vadd.f32 v20, v19;
	v20 =	vadd.f32 v22, v21  }
0x267: {  	v21 =	vadd.f32 v24, v23;
	v22 =	vadd.f32 v26, v25;
	_ =	sdelay $0x1  }
0x268: {  	v19 =	vadd.f32 v20, v19;
	v20 =	vadd.f32 v22, v21;
	_ =	sdelay $0x1  }
0x269: {  	v19 =	vadd.f32 v20, v19;
	_ =	sdelay $0x1  }
0x26a: {  	v19 =	vmul.f32 $1.250000000e-01, v19;
	_ =	sdelay $0x1  }
0x26b: {  	[tilespmem:s18+$0x20] =	vst v19  }
0x26c: {  	v20 =	vld [tilespmem:s20+$0x830]  }
0x26d: {  	v21 =	vld [tilespmem:s21+$0x1830]  }
0x26e: {  	v22 =	vld [tilespmem:s22+$0x2830]  }
0x26f: {  	v23 =	vld [tilespmem:s23+$0x3830]  }
0x270: {  	v24 =	vld [tilespmem:s24+$0x4830]  }
0x271: {  	v25 =	vld [tilespmem:s25+$0x5830]  }
0x272: {  	s31 =	sor.u32 $0x7830, s28;
	v26 =	vld [tilespmem:s26+$0x6830]  }
0x273: {  	v27 =	vld [tilespmem:s31+$0x0];
	_ =	sdelay $0x3  }
0x274: {  	v20 =	vadd.f32 v21, v20;
	v21 =	vadd.f32 v23, v22  }
0x275: {  	v22 =	vadd.f32 v25, v24;
	v23 =	vadd.f32 v27, v26;
	_ =	sdelay $0x1  }
0x276: {  	v20 =	vadd.f32 v21, v20;
	v21 =	vadd.f32 v23, v22;
	_ =	sdelay $0x1  }
0x277: {  	v20 =	vadd.f32 v21, v20;
	_ =	sdelay $0x1  }
0x278: {  	v20 =	vmul.f32 $1.250000000e-01, v20;
	_ =	sdelay $0x1  }
0x279: {  	[tilespmem:s18+$0x30] =	vst v20  }
0x27a: {  	v21 =	vld [tilespmem:s20+$0x840]  }
0x27b: {  	v22 =	vld [tilespmem:s21+$0x1840]  }
0x27c: {  	v23 =	vld [tilespmem:s22+$0x2840]  }
0x27d: {  	v24 =	vld [tilespmem:s23+$0x3840]  }
0x27e: {  	v25 =	vld [tilespmem:s24+$0x4840]  }
0x27f: {  	v26 =	vld [tilespmem:s25+$0x5840]  }
0x280: {  	s30 =	sor.u32 $0x7840, s28;
	v27 =	vld [tilespmem:s26+$0x6840]  }
0x281: {  	v28 =	vld [tilespmem:s30+$0x0];
	_ =	sdelay $0x3  }
0x282: {  	v21 =	vadd.f32 v22, v21;
	v22 =	vadd.f32 v24, v23  }
0x283: {  	v23 =	vadd.f32 v26, v25;
	v24 =	vadd.f32 v28, v27;
	_ =	sdelay $0x1  }
0x284: {  	v21 =	vadd.f32 v22, v21;
	v22 =	vadd.f32 v24, v23;
	_ =	sdelay $0x1  }
0x285: {  	v21 =	vadd.f32 v22, v21;
	_ =	sdelay $0x1  }
0x286: {  	v21 =	vmul.f32 $1.250000000e-01, v21;
	_ =	sdelay $0x1  }
0x287: {  	[tilespmem:s18+$0x40] =	vst v21  }
0x288: {  	v22 =	vld [tilespmem:s20+$0x850]  }
0x289: {  	v23 =	vld [tilespmem:s21+$0x1850]  }
0x28a: {  	v24 =	vld [tilespmem:s22+$0x2850]  }
0x28b: {  	v25 =	vld [tilespmem:s23+$0x3850]  }
0x28c: {  	v26 =	vld [tilespmem:s24+$0x4850]  }
0x28d: {  	v27 =	vld [tilespmem:s25+$0x5850]  }
0x28e: {  	s31 =	sor.u32 $0x7850, s28;
	v28 =	vld [tilespmem:s26+$0x6850]  }
0x28f: {  	v29 =	vld [tilespmem:s31+$0x0];
	_ =	sdelay $0x3  }
0x290: {  	v22 =	vadd.f32 v23, v22;
	v23 =	vadd.f32 v25, v24  }
0x291: {  	v24 =	vadd.f32 v27, v26;
	v25 =	vadd.f32 v29, v28;
	_ =	sdelay $0x1  }
0x292: {  	v22 =	vadd.f32 v23, v22;
	v23 =	vadd.f32 v25, v24;
	_ =	sdelay $0x1  }
0x293: {  	v22 =	vadd.f32 v23, v22;
	_ =	sdelay $0x1  }
0x294: {  	v22 =	vmul.f32 $1.250000000e-01, v22;
	_ =	sdelay $0x1  }
0x295: {  	[tilespmem:s18+$0x50] =	vst v22  }
0x296: {  	v23 =	vld [tilespmem:s20+$0x860]  }
0x297: {  	v24 =	vld [tilespmem:s21+$0x1860]  }
0x298: {  	v25 =	vld [tilespmem:s22+$0x2860]  }
0x299: {  	v26 =	vld [tilespmem:s23+$0x3860]  }
0x29a: {  	v27 =	vld [tilespmem:s24+$0x4860]  }
0x29b: {  	v28 =	vld [tilespmem:s25+$0x5860]  }
0x29c: {  	s30 =	sor.u32 $0x7860, s28;
	v29 =	vld [tilespmem:s26+$0x6860]  }
0x29d: {  	v30 =	vld [tilespmem:s30+$0x0];
	_ =	sdelay $0x3  }
0x29e: {  	v23 =	vadd.f32 v24, v23;
	v24 =	vadd.f32 v26, v25  }
0x29f: {  	v25 =	vadd.f32 v28, v27;
	v26 =	vadd.f32 v30, v29;
	_ =	sdelay $0x1  }
0x2a0: {  	v23 =	vadd.f32 v24, v23;
	v24 =	vadd.f32 v26, v25;
	_ =	sdelay $0x1  }
0x2a1: {  	v23 =	vadd.f32 v24, v23;
	_ =	sdelay $0x1  }
0x2a2: {  	v23 =	vmul.f32 $1.250000000e-01, v23;
	_ =	sdelay $0x1  }
0x2a3: {  	[tilespmem:s18+$0x60] =	vst v23  }
0x2a4: {  	v24 =	vld [tilespmem:s20+$0x870]  }
0x2a5: {  	v25 =	vld [tilespmem:s21+$0x1870]  }
0x2a6: {  	v26 =	vld [tilespmem:s22+$0x2870]  }
0x2a7: {  	v27 =	vld [tilespmem:s23+$0x3870]  }
0x2a8: {  	v28 =	vld [tilespmem:s24+$0x4870]  }
0x2a9: {  	v29 =	vld [tilespmem:s25+$0x5870]  }
0x2aa: {  	s31 =	sor.u32 $0x7870, s28;
	v30 =	vld [tilespmem:s26+$0x6870]  }
0x2ab: {  	v31 =	vld [tilespmem:s31+$0x0];
	_ =	sdelay $0x3  }
0x2ac: {  	v24 =	vadd.f32 v25, v24;
	v25 =	vadd.f32 v27, v26  }
0x2ad: {  	v26 =	vadd.f32 v29, v28;
	v27 =	vadd.f32 v31, v30;
	_ =	sdelay $0x1  }
0x2ae: {  	v24 =	vadd.f32 v25, v24;
	v25 =	vadd.f32 v27, v26;
	_ =	sdelay $0x1  }
0x2af: {  	v24 =	vadd.f32 v25, v24;
	_ =	sdelay $0x1  }
0x2b0: {  	v24 =	vmul.f32 $1.250000000e-01, v24;
	_ =	sdelay $0x1  }
0x2b1: {  	[tilespmem:s18+$0x70] =	vst v24  }
0x2b2: {  	v25 =	vld [tilespmem:s20+$0xC00]  }
0x2b3: {  	v26 =	vld [tilespmem:s21+$0x1C00]  }
0x2b4: {  	v27 =	vld [tilespmem:s22+$0x2C00]  }
0x2b5: {  	v28 =	vld [tilespmem:s23+$0x3C00]  }
0x2b6: {  	v29 =	vld [tilespmem:s24+$0x4C00]  }
0x2b7: {  	v30 =	vld [tilespmem:s25+$0x5C00]  }
0x2b8: {  	s30 =	sor.u32 $0x7C00, s28;
	v31 =	vld [tilespmem:s26+$0x6C00]  }
0x2b9: {  	v32 =	vld [tilespmem:s30+$0x0];
	_ =	sdelay $0x3  }
0x2ba: {  	v25 =	vadd.f32 v26, v25;
	v26 =	vadd.f32 v28, v27  }
0x2bb: {  	v27 =	vadd.f32 v30, v29;
	v28 =	vadd.f32 v32, v31;
	_ =	sdelay $0x1  }
0x2bc: {  	v25 =	vadd.f32 v26, v25;
	v26 =	vadd.f32 v28, v27;
	_ =	sdelay $0x1  }
0x2bd: {  	v25 =	vadd.f32 v26, v25;
	_ =	sdelay $0x1  }
0x2be: {  	v25 =	vmul.f32 $1.250000000e-01, v25;
	_ =	sdelay $0x1  }
0x2bf: {  	[tilespmem:s18+$0x80] =	vst v25  }
0x2c0: {  	v26 =	vld [tilespmem:s20+$0xC10]  }
0x2c1: {  	v27 =	vld [tilespmem:s21+$0x1C10]  }
0x2c2: {  	v28 =	vld [tilespmem:s22+$0x2C10]  }
0x2c3: {  	v29 =	vld [tilespmem:s23+$0x3C10]  }
0x2c4: {  	v30 =	vld [tilespmem:s24+$0x4C10]  }
0x2c5: {  	v31 =	vld [tilespmem:s25+$0x5C10]  }
0x2c6: {  	s31 =	sor.u32 $0x7C10, s28;
	v49 =	vld [tilespmem:s26+$0x6C10]  }
0x2c7: {  	v33 =	vld [tilespmem:s31+$0x0];
	_ =	sdelay $0x3  }
0x2c8: {  	v26 =	vadd.f32 v27, v26;
	v27 =	vadd.f32 v29, v28  }
0x2c9: {  	v28 =	vadd.f32 v31, v30;
	v29 =	vadd.f32 v33, v49;
	_ =	sdelay $0x1  }
0x2ca: {  	v26 =	vadd.f32 v27, v26;
	v27 =	vadd.f32 v29, v28;
	_ =	sdelay $0x1  }
0x2cb: {  	v26 =	vadd.f32 v27, v26;
	_ =	sdelay $0x1  }
0x2cc: {  	v26 =	vmul.f32 $1.250000000e-01, v26;
	_ =	sdelay $0x1  }
0x2cd: {  	[tilespmem:s18+$0x90] =	vst v26  }
0x2ce: {  	v27 =	vld [tilespmem:s20+$0xC20]  }
0x2cf: {  	v28 =	vld [tilespmem:s21+$0x1C20]  }
0x2d0: {  	v29 =	vld [tilespmem:s22+$0x2C20]  }
0x2d1: {  	v30 =	vld [tilespmem:s23+$0x3C20]  }
0x2d2: {  	v31 =	vld [tilespmem:s24+$0x4C20]  }
0x2d3: {  	v50 =	vld [tilespmem:s25+$0x5C20]  }
0x2d4: {  	s30 =	sor.u32 $0x7C20, s28;
	v51 =	vld [tilespmem:s26+$0x6C20]  }
0x2d5: {  	v34 =	vld [tilespmem:s30+$0x0];
	_ =	sdelay $0x3  }
0x2d6: {  	v27 =	vadd.f32 v28, v27;
	v28 =	vadd.f32 v30, v29  }
0x2d7: {  	v29 =	vadd.f32 v50, v31;
	v30 =	vadd.f32 v34, v51;
	_ =	sdelay $0x1  }
0x2d8: {  	v27 =	vadd.f32 v28, v27;
	v28 =	vadd.f32 v30, v29;
	_ =	sdelay $0x1  }
0x2d9: {  	v27 =	vadd.f32 v28, v27;
	_ =	sdelay $0x1  }
0x2da: {  	v27 =	vmul.f32 $1.250000000e-01, v27;
	_ =	sdelay $0x1  }
0x2db: {  	[tilespmem:s18+$0xA0] =	vst v27  }
0x2dc: {  	v28 =	vld [tilespmem:s20+$0xC30]  }
0x2dd: {  	v29 =	vld [tilespmem:s21+$0x1C30]  }
0x2de: {  	v30 =	vld [tilespmem:s22+$0x2C30]  }
0x2df: {  	v31 =	vld [tilespmem:s23+$0x3C30]  }
0x2e0: {  	v52 =	vld [tilespmem:s24+$0x4C30]  }
0x2e1: {  	v53 =	vld [tilespmem:s25+$0x5C30]  }
0x2e2: {  	s31 =	sor.u32 $0x7C30, s28;
	v54 =	vld [tilespmem:s26+$0x6C30]  }
0x2e3: {  	v35 =	vld [tilespmem:s31+$0x0];
	_ =	sdelay $0x3  }
0x2e4: {  	v28 =	vadd.f32 v29, v28;
	v29 =	vadd.f32 v31, v30  }
0x2e5: {  	v30 =	vadd.f32 v53, v52;
	v31 =	vadd.f32 v35, v54;
	_ =	sdelay $0x1  }
0x2e6: {  	v28 =	vadd.f32 v29, v28;
	v29 =	vadd.f32 v31, v30;
	_ =	sdelay $0x1  }
0x2e7: {  	v28 =	vadd.f32 v29, v28;
	_ =	sdelay $0x1  }
0x2e8: {  	v28 =	vmul.f32 $1.250000000e-01, v28;
	_ =	sdelay $0x1  }
0x2e9: {  	[tilespmem:s18+$0xB0] =	vst v28  }
0x2ea: {  	v29 =	vld [tilespmem:s20+$0xC40]  }
0x2eb: {  	v30 =	vld [tilespmem:s21+$0x1C40]  }
0x2ec: {  	v31 =	vld [tilespmem:s22+$0x2C40]  }
0x2ed: {  	v55 =	vld [tilespmem:s23+$0x3C40]  }
0x2ee: {  	v56 =	vld [tilespmem:s24+$0x4C40]  }
0x2ef: {  	v57 =	vld [tilespmem:s25+$0x5C40]  }
0x2f0: {  	s30 =	sor.u32 $0x7C40, s28;
	v58 =	vld [tilespmem:s26+$0x6C40]  }
0x2f1: {  	v36 =	vld [tilespmem:s30+$0x0];
	_ =	sdelay $0x3  }
0x2f2: {  	v29 =	vadd.f32 v30, v29;
	v30 =	vadd.f32 v55, v31  }
0x2f3: {  	v31 =	vadd.f32 v57, v56;
	v59 =	vadd.f32 v36, v58;
	_ =	sdelay $0x1  }
0x2f4: {  	v29 =	vadd.f32 v30, v29;
	v30 =	vadd.f32 v59, v31;
	_ =	sdelay $0x1  }
0x2f5: {  	v29 =	vadd.f32 v30, v29;
	_ =	sdelay $0x1  }
0x2f6: {  	v29 =	vmul.f32 $1.250000000e-01, v29;
	_ =	sdelay $0x1  }
0x2f7: {  	[tilespmem:s18+$0xC0] =	vst v29  }
0x2f8: {  	v30 =	vld [tilespmem:s20+$0xC50]  }
0x2f9: {  	v31 =	vld [tilespmem:s21+$0x1C50]  }
0x2fa: {  	v60 =	vld [tilespmem:s22+$0x2C50]  }
0x2fb: {  	v61 =	vld [tilespmem:s23+$0x3C50]  }
0x2fc: {  	v62 =	vld [tilespmem:s24+$0x4C50]  }
0x2fd: {  	v63 =	vld [tilespmem:s25+$0x5C50]  }
0x2fe: {  	s31 =	sor.u32 $0x7C50, s28;
	v40 =	vld [tilespmem:s26+$0x6C50]  }
0x2ff: {  	v37 =	vld [tilespmem:s31+$0x0];
	_ =	sdelay $0x3  }
0x300: {  	v30 =	vadd.f32 v31, v30;
	v31 =	vadd.f32 v61, v60  }
0x301: {  	v41 =	vadd.f32 v63, v62;
	v42 =	vadd.f32 v37, v40;
	_ =	sdelay $0x1  }
0x302: {  	v30 =	vadd.f32 v31, v30;
	v31 =	vadd.f32 v42, v41;
	_ =	sdelay $0x1  }
0x303: {  	v30 =	vadd.f32 v31, v30;
	_ =	sdelay $0x1  }
0x304: {  	v30 =	vmul.f32 $1.250000000e-01, v30;
	_ =	sdelay $0x1  }
0x305: {  	[tilespmem:s18+$0xD0] =	vst v30  }
0x306: {  	v31 =	vld [tilespmem:s20+$0xC60]  }
0x307: {  	v43 =	vld [tilespmem:s21+$0x1C60]  }
0x308: {  	v44 =	vld [tilespmem:s22+$0x2C60]  }
0x309: {  	v45 =	vld [tilespmem:s23+$0x3C60]  }
0x30a: {  	v46 =	vld [tilespmem:s24+$0x4C60]  }
0x30b: {  	v47 =	vld [tilespmem:s25+$0x5C60]  }
0x30c: {  	s30 =	sor.u32 $0x7C60, s28;
	v48 =	vld [tilespmem:s26+$0x6C60]  }
0x30d: {  	v38 =	vld [tilespmem:s30+$0x0];
	_ =	sdelay $0x3  }
0x30e: {  	v31 =	vadd.f32 v43, v31;
	v49 =	vadd.f32 v45, v44  }
0x30f: {  	v50 =	vadd.f32 v47, v46;
	v51 =	vadd.f32 v38, v48;
	_ =	sdelay $0x1  }
0x310: {  	v31 =	vadd.f32 v49, v31;
	v52 =	vadd.f32 v51, v50;
	_ =	sdelay $0x1  }
0x311: {  	v31 =	vadd.f32 v52, v31;
	_ =	sdelay $0x1  }
0x312: {  	v31 =	vmul.f32 $1.250000000e-01, v31;
	_ =	sdelay $0x1  }
0x313: {  	[tilespmem:s18+$0xE0] =	vst v31  }
0x314: {  	v53 =	vld [tilespmem:s20+$0xC70]  }
0x315: {  	v54 =	vld [tilespmem:s21+$0x1C70]  }
0x316: {  	v55 =	vld [tilespmem:s22+$0x2C70]  }
0x317: {  	v56 =	vld [tilespmem:s23+$0x3C70]  }
0x318: {  	v57 =	vld [tilespmem:s24+$0x4C70]  }
0x319: {  	v58 =	vld [tilespmem:s25+$0x5C70]  }
0x31a: {  	s31 =	sor.u32 $0x7C70, s28;
	v59 =	vld [tilespmem:s26+$0x6C70]  }
0x31b: {  	v39 =	vld [tilespmem:s31+$0x0];
	_ =	sdelay $0x3  }
0x31c: {  	v32 =	vadd.f32 v54, v53;
	v60 =	vadd.f32 v56, v55  }
0x31d: {  	v61 =	vadd.f32 v58, v57;
	v62 =	vadd.f32 v39, v59;
	_ =	sdelay $0x1  }
0x31e: {  	v32 =	vadd.f32 v60, v32;
	v63 =	vadd.f32 v62, v61;
	_ =	sdelay $0x1  }
.Ltmp7:
0x31f: {  	v32 =	vadd.f32 v63, v32;
	(pc) =	sbr.rel @p0 .LBB2_9-.Ltmp7, $3  }
0x320: {  	_ = 	snop  }
0x321: {  	v32 =	vmul.f32 $1.250000000e-01, v32;
	_ =	sdelay $0x1  }
0x322: {  	[tilespmem:s18+$0xF0] =	vst v32  }
0x323: {  	v33 =	vld [tilespmem:s19+$0xFFFFFF00];
	_ =	sdelay $0x4  }
0x324: {  	v1 =	vadd.f32 v33, v1;
	_ =	sdelay $0x1  }
0x325: {  	[tilespmem:s18+$0xFFFFFF00] =	vst v1  }
0x326: {  	v1 =	vld [tilespmem:s19+$0xFFFFFF10];
	_ =	sdelay $0x4  }
0x327: {  	v1 =	vadd.f32 v1, v2;
	_ =	sdelay $0x1  }
0x328: {  	[tilespmem:s18+$0xFFFFFF10] =	vst v1  }
0x329: {  	v1 =	vld [tilespmem:s19+$0xFFFFFF20];
	_ =	sdelay $0x4  }
0x32a: {  	v1 =	vadd.f32 v1, v3;
	_ =	sdelay $0x1  }
0x32b: {  	[tilespmem:s18+$0xFFFFFF20] =	vst v1  }
0x32c: {  	v1 =	vld [tilespmem:s19+$0xFFFFFF30];
	_ =	sdelay $0x4  }
0x32d: {  	v1 =	vadd.f32 v1, v4;
	_ =	sdelay $0x1  }
0x32e: {  	[tilespmem:s18+$0xFFFFFF30] =	vst v1  }
0x32f: {  	v1 =	vld [tilespmem:s19+$0xFFFFFF40];
	_ =	sdelay $0x4  }
0x330: {  	v1 =	vadd.f32 v1, v5;
	_ =	sdelay $0x1  }
0x331: {  	[tilespmem:s18+$0xFFFFFF40] =	vst v1  }
0x332: {  	v1 =	vld [tilespmem:s19+$0xFFFFFF50];
	_ =	sdelay $0x4  }
0x333: {  	v1 =	vadd.f32 v1, v6;
	_ =	sdelay $0x1  }
0x334: {  	[tilespmem:s18+$0xFFFFFF50] =	vst v1  }
0x335: {  	v1 =	vld [tilespmem:s19+$0xFFFFFF60];
	_ =	sdelay $0x4  }
0x336: {  	v1 =	vadd.f32 v1, v7;
	_ =	sdelay $0x1  }
0x337: {  	[tilespmem:s18+$0xFFFFFF60] =	vst v1  }
0x338: {  	v1 =	vld [tilespmem:s19+$0xFFFFFF70];
	_ =	sdelay $0x4  }
0x339: {  	v1 =	vadd.f32 v1, v8;
	_ =	sdelay $0x1  }
0x33a: {  	[tilespmem:s18+$0xFFFFFF70] =	vst v1  }
0x33b: {  	v1 =	vld [tilespmem:s19+$0xFFFFFF80];
	_ =	sdelay $0x4  }
0x33c: {  	v1 =	vadd.f32 v1, v9;
	_ =	sdelay $0x1  }
0x33d: {  	[tilespmem:s18+$0xFFFFFF80] =	vst v1  }
0x33e: {  	v1 =	vld [tilespmem:s19+$0xFFFFFF90];
	_ =	sdelay $0x4  }
0x33f: {  	v1 =	vadd.f32 v1, v10;
	_ =	sdelay $0x1  }
0x340: {  	[tilespmem:s18+$0xFFFFFF90] =	vst v1  }
0x341: {  	v1 =	vld [tilespmem:s19+$0xFFFFFFA0];
	_ =	sdelay $0x4  }
0x342: {  	v1 =	vadd.f32 v1, v11;
	_ =	sdelay $0x1  }
0x343: {  	[tilespmem:s18+$0xFFFFFFA0] =	vst v1  }
0x344: {  	v1 =	vld [tilespmem:s19+$0xFFFFFFB0];
	_ =	sdelay $0x4  }
0x345: {  	v1 =	vadd.f32 v1, v12;
	_ =	sdelay $0x1  }
0x346: {  	[tilespmem:s18+$0xFFFFFFB0] =	vst v1  }
0x347: {  	v1 =	vld [tilespmem:s19+$0xFFFFFFC0];
	_ =	sdelay $0x4  }
0x348: {  	v1 =	vadd.f32 v1, v13;
	_ =	sdelay $0x1  }
0x349: {  	[tilespmem:s18+$0xFFFFFFC0] =	vst v1  }
0x34a: {  	v1 =	vld [tilespmem:s19+$0xFFFFFFD0];
	_ =	sdelay $0x4  }
0x34b: {  	v1 =	vadd.f32 v1, v14;
	_ =	sdelay $0x1  }
0x34c: {  	[tilespmem:s18+$0xFFFFFFD0] =	vst v1  }
0x34d: {  	v1 =	vld [tilespmem:s19+$0xFFFFFFE0];
	_ =	sdelay $0x4  }
0x34e: {  	v1 =	vadd.f32 v1, v15;
	_ =	sdelay $0x1  }
0x34f: {  	[tilespmem:s18+$0xFFFFFFE0] =	vst v1  }
0x350: {  	v1 =	vld [tilespmem:s19+$0xFFFFFFF0];
	_ =	sdelay $0x4  }
0x351: {  	v1 =	vadd.f32 v1, v16;
	_ =	sdelay $0x1  }
0x352: {  	[tilespmem:s18+$0xFFFFFFF0] =	vst v1  }
0x353: {  	v1 =	vld [tilespmem:s19+$0x0];
	_ =	sdelay $0x4  }
0x354: {  	v1 =	vadd.f32 v1, v17;
	_ =	sdelay $0x1  }
0x355: {  	[tilespmem:s18+$0x0] =	vst v1  }
0x356: {  	v1 =	vld [tilespmem:s19+$0x10];
	_ =	sdelay $0x4  }
0x357: {  	v1 =	vadd.f32 v1, v18;
	_ =	sdelay $0x1  }
0x358: {  	[tilespmem:s18+$0x10] =	vst v1  }
0x359: {  	v1 =	vld [tilespmem:s19+$0x20];
	_ =	sdelay $0x4  }
0x35a: {  	v1 =	vadd.f32 v1, v19;
	_ =	sdelay $0x1  }
0x35b: {  	[tilespmem:s18+$0x20] =	vst v1  }
0x35c: {  	v1 =	vld [tilespmem:s19+$0x30];
	_ =	sdelay $0x4  }
0x35d: {  	v1 =	vadd.f32 v1, v20;
	_ =	sdelay $0x1  }
0x35e: {  	[tilespmem:s18+$0x30] =	vst v1  }
0x35f: {  	v1 =	vld [tilespmem:s19+$0x40];
	_ =	sdelay $0x4  }
0x360: {  	v1 =	vadd.f32 v1, v21;
	_ =	sdelay $0x1  }
0x361: {  	[tilespmem:s18+$0x40] =	vst v1  }
0x362: {  	v1 =	vld [tilespmem:s19+$0x50];
	_ =	sdelay $0x4  }
0x363: {  	v1 =	vadd.f32 v1, v22;
	_ =	sdelay $0x1  }
0x364: {  	[tilespmem:s18+$0x50] =	vst v1  }
0x365: {  	v1 =	vld [tilespmem:s19+$0x60];
	_ =	sdelay $0x4  }
0x366: {  	v1 =	vadd.f32 v1, v23;
	_ =	sdelay $0x1  }
0x367: {  	[tilespmem:s18+$0x60] =	vst v1  }
0x368: {  	v1 =	vld [tilespmem:s19+$0x70];
	_ =	sdelay $0x4  }
0x369: {  	v1 =	vadd.f32 v1, v24;
	_ =	sdelay $0x1  }
0x36a: {  	[tilespmem:s18+$0x70] =	vst v1  }
0x36b: {  	v1 =	vld [tilespmem:s19+$0x80];
	_ =	sdelay $0x4  }
0x36c: {  	v1 =	vadd.f32 v1, v25;
	_ =	sdelay $0x1  }
0x36d: {  	[tilespmem:s18+$0x80] =	vst v1  }
0x36e: {  	v1 =	vld [tilespmem:s19+$0x90];
	_ =	sdelay $0x4  }
0x36f: {  	v1 =	vadd.f32 v1, v26;
	_ =	sdelay $0x1  }
0x370: {  	[tilespmem:s18+$0x90] =	vst v1  }
0x371: {  	v1 =	vld [tilespmem:s19+$0xA0];
	_ =	sdelay $0x4  }
0x372: {  	v1 =	vadd.f32 v1, v27;
	_ =	sdelay $0x1  }
0x373: {  	[tilespmem:s18+$0xA0] =	vst v1  }
0x374: {  	v1 =	vld [tilespmem:s19+$0xB0];
	_ =	sdelay $0x4  }
0x375: {  	v1 =	vadd.f32 v1, v28;
	_ =	sdelay $0x1  }
0x376: {  	[tilespmem:s18+$0xB0] =	vst v1  }
0x377: {  	v1 =	vld [tilespmem:s19+$0xC0];
	_ =	sdelay $0x4  }
0x378: {  	v1 =	vadd.f32 v1, v29;
	_ =	sdelay $0x1  }
0x379: {  	[tilespmem:s18+$0xC0] =	vst v1  }
0x37a: {  	v1 =	vld [tilespmem:s19+$0xD0];
	_ =	sdelay $0x4  }
0x37b: {  	v1 =	vadd.f32 v1, v30;
	_ =	sdelay $0x1  }
0x37c: {  	[tilespmem:s18+$0xD0] =	vst v1  }
0x37d: {  	v1 =	vld [tilespmem:s19+$0xE0];
	_ =	sdelay $0x4  }
0x37e: {  	v1 =	vadd.f32 v1, v31;
	_ =	sdelay $0x1  }
0x37f: {  	[tilespmem:s18+$0xE0] =	vst v1  }
0x380: {  	v1 =	vld [tilespmem:s19+$0xF0];
	_ =	sdelay $0x2  }
.Ltmp8:
0x381: {  	_ = 	snop;
	(pc) =	sbr.rel .LBB2_9-.Ltmp8, $3  }
0x382: {  	_ = 	snop  }
0x383: {  	v1 =	vadd.f32 v1, v32;
	_ =	sdelay $0x1  }
0x384: {  	[tilespmem:s18+$0xF0] =	vst v1  }
.Lfunc_end2:
_tile_overlayer_lowered:
.L_overlay_start_2:
0x385: {  	(tag) =	ssettag $0x2  }
0x386: {  	s0 =	rddreg [dreg:$0x0];
	s2 =	stileid.u32  }
0x387: {  	s1 =	rddreg [dreg:$0x1];
	p0 =	sne.s32 s2, $0x0  }
0x388: {  	s3 =	rddreg [dreg:$0x2];
	[bflag:$0x3] =	sbarrier.arrive $0xFFFF;
	s2 =	simm.s32 @!p0 $0x1C02  }
0x389: {  	[timem:s3], [sflag:s2] =	dma.local @!p0 [hbm:s0], s1  }
0x38a: {  	s0 =	simm.s32 @!p0 $0x2  }
0x38b: {  	_ =	swait.ge @!p0 [sflag:s0], s1  }
0x38c: {  	s1 =	ssub.s32 @!p0 $0x0, s1;
	[sflag:s0] =	ssyncset.done @!p0 $0x0  }
0x38d: {  	[sflag:s0] =	ssyncadd.s32 @!p0 s1  }
0x38e: {  	[bflag:$0x3] =	sbarrier.arrive $0xFFFF  }
0x38f: {  	_ =	shalt  }

</sc_bundles>
